<compile_context>
chip_gen: v7x
topology: tpu7x:2x2x1
jax: 0.10.2.dev20260603
libtpu: 0.0.44.dev20260713+nightly
codegen_flags: <defaults>
</compile_context>

<pallas_src>
import functools

import jax
import jax.numpy as jnp
from jax import lax
from jax.experimental import pallas as pl
from jax.experimental.pallas import tpu as pltpu
from jax.experimental.pallas import tpu_sc as plsc

N, D, H, C = 10000, 128, 128, 40
E = 160000

BLK = 1000
GRID = N // BLK

NTILES = 32
CHUNK = 128
EP = 163840
SROWS = 24
R0 = 72
R1 = 8
NP = 10112
OPT = NP // 16


def _mm(a, b):
    return jnp.dot(a, b, preferred_element_type=jnp.float32)


_row_spec = pl.BlockSpec((BLK, H), lambda i: (i, 0))
_p_spec = pl.BlockSpec((2, BLK, H), lambda i: (0, i, 0))
_w_spec = pl.BlockSpec((H, H), lambda i: (0, 0))
_b_spec = pl.BlockSpec((1, H), lambda i: (0, 0))
_wc_spec = pl.BlockSpec((H, C), lambda i: (0, 0))
_bc_spec = pl.BlockSpec((1, C), lambda i: (0, 0))
_out_c_spec = pl.BlockSpec((BLK, C), lambda i: (i, 0))

_f32 = jnp.float32


def _tc1_body(x, win, bin_, wa0, ba0, wb0, bb0, wa1, ba1, wb1, bb1,
              h_o, a0_o, a1_o):
    h = jnp.maximum(_mm(x[...], win[...]) + bin_[...], 0.0)
    h_o[...] = h
    a0_o[...] = _mm(jnp.maximum(_mm(h, wa0[...]) + ba0[...], 0.0), wb0[...]) + bb0[...]
    a1_o[...] = _mm(jnp.maximum(_mm(h, wa1[...]) + ba1[...], 0.0), wb1[...]) + bb1[...]


_tc1 = pl.pallas_call(
    _tc1_body,
    grid=(GRID,),
    in_specs=[_row_spec] + [_w_spec, _b_spec] * 5,
    out_specs=[_row_spec] * 3,
    out_shape=[jax.ShapeDtypeStruct((N, H), _f32)] * 3,
)


def _tc2_body(h, p, uwah, uwag, uba, uwb, ubb,
              wa0, ba0, wb0, bb0, wa1, ba1, wb1, bb1,
              h1_o, a0_o, a1_o):
    agg = p[0] + p[1]
    t = jnp.maximum(_mm(h[...], uwah[...]) + _mm(agg, uwag[...]) + uba[...], 0.0)
    h1 = _mm(t, uwb[...]) + ubb[...]
    h1_o[...] = h1
    a0_o[...] = _mm(jnp.maximum(_mm(h1, wa0[...]) + ba0[...], 0.0), wb0[...]) + bb0[...]
    a1_o[...] = _mm(jnp.maximum(_mm(h1, wa1[...]) + ba1[...], 0.0), wb1[...]) + bb1[...]


_tc2 = pl.pallas_call(
    _tc2_body,
    grid=(GRID,),
    in_specs=[_row_spec, _p_spec, _w_spec, _w_spec, _b_spec, _w_spec, _b_spec]
             + [_w_spec, _b_spec] * 4,
    out_specs=[_row_spec] * 3,
    out_shape=[jax.ShapeDtypeStruct((N, H), _f32)] * 3,
)


def _tc3_body(h, p, uwah, uwag, uba, uwb, ubb, cwa, cba, cwb, cbb, out_o):
    agg = p[0] + p[1]
    t = jnp.maximum(_mm(h[...], uwah[...]) + _mm(agg, uwag[...]) + uba[...], 0.0)
    h2 = _mm(t, uwb[...]) + ubb[...]
    out_o[...] = _mm(jnp.maximum(_mm(h2, cwa[...]) + cba[...], 0.0), cwb[...]) + cbb[...]


_tc3 = pl.pallas_call(
    _tc3_body,
    grid=(GRID,),
    in_specs=[_row_spec, _p_spec, _w_spec, _w_spec, _b_spec, _w_spec, _b_spec,
              _w_spec, _b_spec, _wc_spec, _bc_spec],
    out_specs=_out_c_spec,
    out_shape=jax.ShapeDtypeStruct((N, C), _f32),
)


_sc_mesh = plsc.VectorSubcoreMesh(core_axis_name="c", subcore_axis_name="s")


@functools.partial(
    pl.kernel,
    out_type=jax.ShapeDtypeStruct((2, NP, H), _f32),
    mesh=_sc_mesh,
    scratch_types=[
        pltpu.VMEM((SROWS, CHUNK), jnp.int32),
        pltpu.VMEM((SROWS, CHUNK), jnp.int32),
        pltpu.VMEM((CHUNK, H), _f32),
        pltpu.VMEM((CHUNK, H), _f32),
        pltpu.VMEM_SHARED((NP, H), _f32),
        pltpu.SemaphoreType.DMA,
        pltpu.SemaphoreType.DMA,
        pltpu.SemaphoreType.DMA,
        pltpu.SemaphoreType.DMA,
    ],
)
def _sc_agg(a0_hbm, a1_hbm, src0_hbm, dst0_hbm, src1_hbm, dst1_hbm,
            out_hbm, sidx_v, didx_v,
            rows0, rows1, acc, gsem0, gsem1, ssem0, ssem1):
    rows = (rows0, rows1)
    gsem = (gsem0, gsem1)
    ssem = (ssem0, ssem1)
    c = lax.axis_index("c")
    s = lax.axis_index("s")

    def _zero_row(i, carry):
        for j in range(H // 16):
            rows[0][i, pl.ds(j * 16, 16)] = jnp.zeros((16,), _f32)
        return carry

    lax.fori_loop(0, CHUNK, _zero_row, 0)
    for k in range(OPT // CHUNK):
        pltpu.sync_copy(rows[0], acc.at[pl.ds(s * OPT + k * CHUNK, CHUNK)])
    rem = OPT % CHUNK
    if rem:
        pltpu.sync_copy(rows[0].at[pl.ds(0, rem)],
                        acc.at[pl.ds(s * OPT + OPT - rem, rem)])
    plsc.subcore_barrier()

    def _stage(a_hbm, src_hbm, dst_hbm, stage_base, srows):
        pltpu.sync_copy(src_hbm.at[pl.ds(stage_base, srows)],
                        sidx_v.at[pl.ds(0, srows)])
        pltpu.sync_copy(dst_hbm.at[pl.ds(stage_base, srows)],
                        didx_v.at[pl.ds(0, srows)])
        pltpu.async_copy(a_hbm.at[sidx_v.at[0]], rows[0], gsem[0])

        def pair(ci, carry):
            for b in range(2):
                chunk = ci * 2 + b
                pltpu.make_async_copy(a_hbm.at[sidx_v.at[chunk]],
                                      rows[b], gsem[b]).wait()
                pltpu.async_copy(rows[b], acc.at[didx_v.at[chunk]], ssem[b],
                                 add=True)
                nxt = chunk + 1

                @pl.when(nxt < srows)
                def _():
                    @pl.when(chunk >= 1)
                    def _():
                        pltpu.make_async_copy(
                            rows[1 - b], acc.at[didx_v.at[chunk - 1]],
                            ssem[1 - b]).wait()

                    pltpu.async_copy(a_hbm.at[sidx_v.at[nxt]],
                                     rows[1 - b], gsem[1 - b])
            return carry

        lax.fori_loop(0, srows // 2, pair, 0)
        pltpu.make_async_copy(rows[0], acc.at[didx_v.at[srows - 2]],
                              ssem[0]).wait()
        pltpu.make_async_copy(rows[1], acc.at[didx_v.at[srows - 1]],
                              ssem[1]).wait()

    def _edge_pass(a_hbm, src_hbm, dst_hbm):
        @pl.when(c == 0)
        def _():
            for k in range(R0 // SROWS):
                _stage(a_hbm, src_hbm, dst_hbm, s * R0 + k * SROWS, SROWS)

        @pl.when(c == 1)
        def _():
            _stage(a_hbm, src_hbm, dst_hbm, 16 * R0 + s * R1, R1)

    _edge_pass(a0_hbm, src0_hbm, dst0_hbm)
    _edge_pass(a1_hbm, src1_hbm, dst1_hbm)
    plsc.subcore_barrier()

    pltpu.sync_copy(acc.at[pl.ds(s * OPT, OPT)],
                    out_hbm.at[c, pl.ds(s * OPT, OPT)])


def _pad_edges(ei):
    pad = EP - E
    src = jnp.concatenate([ei[0], jnp.zeros((pad,), jnp.int32)])
    dst = jnp.concatenate([ei[1], jnp.full((pad,), NP - 1, jnp.int32)])
    return src.reshape(EP // CHUNK, CHUNK), dst.reshape(EP // CHUNK, CHUNK)


def kernel(x, ei_r0, ei_r1, params):
    p = params
    zf = (p["la_feat"] >= 0.0).astype(_f32)
    win = p["Win"] * zf[:, None]
    bin_ = p["bin"].reshape(1, H)
    g0 = (p["la_r0"] >= 0.0).astype(_f32)[0]
    g1 = (p["la_r1"] >= 0.0).astype(_f32)[0]
    wa0, ba0 = p["r0_Wa"], p["r0_ba"].reshape(1, H)
    wb0, bb0 = p["r0_Wb"] * g0, (p["r0_bb"] * g0).reshape(1, H)
    wa1, ba1 = p["r1_Wa"], p["r1_ba"].reshape(1, H)
    wb1, bb1 = p["r1_Wb"] * g1, (p["r1_bb"] * g1).reshape(1, H)

    u = []
    for l in range(2):
        uw = p["U%d_Wa" % l]
        u.append((uw[:H], uw[H:], p["U%d_ba" % l].reshape(1, H),
                  p["U%d_Wb" % l], p["U%d_bb" % l].reshape(1, H)))
    cwa, cba = p["C_Wa"], p["C_ba"].reshape(1, H)
    cwb, cbb = p["C_Wb"], p["C_bb"].reshape(1, C)

    src0, dst0 = _pad_edges(ei_r0)
    src1, dst1 = _pad_edges(ei_r1)

    et_w = (wa0, ba0, wb0, bb0, wa1, ba1, wb1, bb1)
    h, a0, a1 = _tc1(x, win, bin_, *et_w)
    p1 = _sc_agg(a0, a1, src0, dst0, src1, dst1)
    h1, b0, b1 = _tc2(h, p1, *u[0], *et_w)
    p2 = _sc_agg(b0, b1, src0, dst0, src1, dst1)
    logits = _tc3(h1, p2, *u[1], cwa, cba, cwb, cbb)
    return logits

# --- scband reference (transcript-rebuilt; emitter-appended) ---
"""Pipeline reference for scband-dg2-n-71906342469742 (READ-ONLY COPY).

The authoritative reference and input builder live on the scoring server;
editing this copy changes nothing except your own understanding.
"""

import jax, jax.numpy as jnp
import numpy as np

N, D, H, C = 10000, 128, 128, 40
E = 160000
ETS = ("r0", "r1")


def _lin(key, fan_in, fan_out):
    kw, kb = jax.random.split(key)
    w = jax.random.normal(kw, (fan_in, fan_out), jnp.float32) * (1.0 / np.sqrt(fan_in))
    b = jnp.zeros((fan_out,), jnp.float32)
    return w, b


def setup_inputs(seed: int = 0) -> dict:
    key = jax.random.key(seed)
    keys = jax.random.split(key, 20)
    x = jax.random.normal(keys[0], (N, D), jnp.float32)
    ei_r0 = jax.random.randint(keys[1], (2, E), 0, N, jnp.int32)
    ei_r1 = jax.random.randint(keys[2], (2, E), 0, N, jnp.int32)
    params = {}
    # L0Mask gates: log_alpha init 0.0 -> in eval mode gate = (log_alpha >= 0) = 1
    params["la_feat"] = jnp.zeros((D,), jnp.float32)
    params["la_r0"] = jnp.zeros((1,), jnp.float32)
    params["la_r1"] = jnp.zeros((1,), jnp.float32)
    params["Win"], params["bin"] = _lin(keys[3], D, H)
    ki = 4
    for et in ETS:
        params[et + "_Wa"], params[et + "_ba"] = _lin(keys[ki], H, H); ki += 1
        params[et + "_Wb"], params[et + "_bb"] = _lin(keys[ki], H, H); ki += 1
    for l in range(2):
        params["U%d_Wa" % l], params["U%d_ba" % l] = _lin(keys[ki], 2 * H, H); ki += 1
        params["U%d_Wb" % l], params["U%d_bb" % l] = _lin(keys[ki], H, H); ki += 1
    params["C_Wa"], params["C_ba"] = _lin(keys[ki], H, H); ki += 1
    params["C_Wb"], params["C_bb"] = _lin(keys[ki + 1], H, C)
    return {"x": x, "ei_r0": ei_r0, "ei_r1": ei_r1, "params": params}


def _mlp2(h, Wa, ba, Wb, bb):
    return jax.nn.relu(h @ Wa + ba) @ Wb + bb


def reference(x, ei_r0, ei_r1, params):
    p = params
    # eval-mode hard-concrete gates: z = (log_alpha >= 0)
    z_feat = (p["la_feat"] >= 0.0).astype(jnp.float32)
    h = jax.nn.relu((x * z_feat) @ p["Win"] + p["bin"])
    eis = {"r0": ei_r0, "r1": ei_r1}
    for l in range(2):
        agg = jnp.zeros_like(h)
        for et in ETS:
            gate = (p["la_" + et] >= 0.0).astype(jnp.float32)[0]
            src = eis[et][0]
            dst = eis[et][1]
            m = _mlp2(h[src], p[et + "_Wa"], p[et + "_ba"], p[et + "_Wb"], p[et + "_bb"])
            agg = agg.at[dst].add(m * gate)
        h = _mlp2(jnp.concatenate([h, agg], axis=-1), p["U%d_Wa" % l], p["U%d_ba" % l], p["U%d_Wb" % l], p["U%d_bb" % l])
    logits = _mlp2(h, p["C_Wa"], p["C_ba"], p["C_Wb"], p["C_bb"])
    return logits

if __name__ == "__main__":
    import jax
    _d = setup_inputs()
    print(jax.jit(kernel)(*tuple(_d.values())))

</pallas_src>

<mosaic_0001>
#map = affine_map<(d0, d1) -> (0, 0)>
#map1 = affine_map<(d0, d1) -> (0, 0, 0)>
module attributes {stable_mosaic.version = 14 : i64} {
  func.func @_sc_agg(%arg0: i32, %arg1: i32, %arg2: memref<10000x128xf32, #tpu.memory_space<hbm>>, %arg3: memref<10000x128xf32, #tpu.memory_space<hbm>>, %arg4: memref<1280x128xi32, #tpu.memory_space<hbm>>, %arg5: memref<1280x128xi32, #tpu.memory_space<hbm>>, %arg6: memref<1280x128xi32, #tpu.memory_space<hbm>>, %arg7: memref<1280x128xi32, #tpu.memory_space<hbm>>, %arg8: memref<2x10112x128xf32, #tpu.memory_space<hbm>>, %arg9: memref<24x128xi32, #tpu.memory_space<vmem>>, %arg10: memref<24x128xi32, #tpu.memory_space<vmem>>, %arg11: memref<128x128xf32, #tpu.memory_space<vmem>>, %arg12: memref<128x128xf32, #tpu.memory_space<vmem>>, %arg13: memref<10112x128xf32, #tpu.memory_space<vmem_shared>>, %arg14: memref<!tpu.dma_semaphore, #tpu.memory_space<semaphore_mem>>, %arg15: memref<!tpu.dma_semaphore, #tpu.memory_space<semaphore_mem>>, %arg16: memref<!tpu.dma_semaphore, #tpu.memory_space<semaphore_mem>>, %arg17: memref<!tpu.dma_semaphore, #tpu.memory_space<semaphore_mem>>) attributes {dimension_semantics = [#tpu.dimension_semantics<core_parallel>, #tpu.dimension_semantics<subcore_parallel>], iteration_bounds = array<i64: 2, 16>, scalar_prefetch = 0 : i64, scratch_operands = 9 : i64, tpu.core_type = #tpu.core_type<sc_vector_subcore>, window_params = [{transform_indices = #map}, {transform_indices = #map}, {transform_indices = #map}, {transform_indices = #map}, {transform_indices = #map}, {transform_indices = #map}, {transform_indices = #map1}]} {
    %scan3A = arith.constant 0 : i32
    %scan3A_0 = arith.constant 0 : i32
    %scan3A_1 = arith.constant 128 : i32
    %scan3A_2 = arith.addi %scan3A_0, %scan3A_1 : i32
    %scan3A_3 = arith.constant 1 : i32
    scf.for %scan3A_46 = %scan3A_0 to %scan3A_2 step %scan3A_3  : i32 {
      %broadcast_in_dim3A = arith.constant 0.000000e+00 : f32
      %broadcast_in_dim3A_47 = vector.broadcast %broadcast_in_dim3A : f32 to vector<16xf32>
      %swap3A = arith.index_cast %scan3A_46 : i32 to index
      %swap3A_48 = arith.constant 0 : index
      %swap3A_49 = tpu.vector_load %arg11[%swap3A, %swap3A_48] {strides = array<i32>} : memref<128x128xf32, #tpu.memory_space<vmem>>, vector<1x16xf32>,
      %swap3A_50 = vector.shape_cast %swap3A_49 : vector<1x16xf32> to vector<16xf32>
      %swap3A_51 = vector.shape_cast %broadcast_in_dim3A_47 : vector<16xf32> to vector<1x16xf32>
      tpu.vector_store %arg11[%swap3A, %swap3A_48], %swap3A_51 {strides = array<i32>} : memref<128x128xf32, #tpu.memory_space<vmem>>, vector<1x16xf32>,
      %broadcast_in_dim3A_52 = arith.constant 0.000000e+00 : f32
      %broadcast_in_dim3A_53 = vector.broadcast %broadcast_in_dim3A_52 : f32 to vector<16xf32>
      %swap3A_54 = arith.index_cast %scan3A_46 : i32 to index
      %swap3A_55 = arith.constant 16 : index
      %swap3A_56 = tpu.vector_load %arg11[%swap3A_54, %swap3A_55] {strides = array<i32>} : memref<128x128xf32, #tpu.memory_space<vmem>>, vector<1x16xf32>,
      %swap3A_57 = vector.shape_cast %swap3A_56 : vector<1x16xf32> to vector<16xf32>
      %swap3A_58 = vector.shape_cast %broadcast_in_dim3A_53 : vector<16xf32> to vector<1x16xf32>
      tpu.vector_store %arg11[%swap3A_54, %swap3A_55], %swap3A_58 {strides = array<i32>} : memref<128x128xf32, #tpu.memory_space<vmem>>, vector<1x16xf32>,
      %broadcast_in_dim3A_59 = arith.constant 0.000000e+00 : f32
      %broadcast_in_dim3A_60 = vector.broadcast %broadcast_in_dim3A_59 : f32 to vector<16xf32>
      %swap3A_61 = arith.index_cast %scan3A_46 : i32 to index
      %swap3A_62 = arith.constant 32 : index
      %swap3A_63 = tpu.vector_load %arg11[%swap3A_61, %swap3A_62] {strides = array<i32>} : memref<128x128xf32, #tpu.memory_space<vmem>>, vector<1x16xf32>,
      %swap3A_64 = vector.shape_cast %swap3A_63 : vector<1x16xf32> to vector<16xf32>
      %swap3A_65 = vector.shape_cast %broadcast_in_dim3A_60 : vector<16xf32> to vector<1x16xf32>
      tpu.vector_store %arg11[%swap3A_61, %swap3A_62], %swap3A_65 {strides = array<i32>} : memref<128x128xf32, #tpu.memory_space<vmem>>, vector<1x16xf32>,
      %broadcast_in_dim3A_66 = arith.constant 0.000000e+00 : f32
      %broadcast_in_dim3A_67 = vector.broadcast %broadcast_in_dim3A_66 : f32 to vector<16xf32>
      %swap3A_68 = arith.index_cast %scan3A_46 : i32 to index
      %swap3A_69 = arith.constant 48 : index
      %swap3A_70 = tpu.vector_load %arg11[%swap3A_68, %swap3A_69] {strides = array<i32>} : memref<128x128xf32, #tpu.memory_space<vmem>>, vector<1x16xf32>,
      %swap3A_71 = vector.shape_cast %swap3A_70 : vector<1x16xf32> to vector<16xf32>
      %swap3A_72 = vector.shape_cast %broadcast_in_dim3A_67 : vector<16xf32> to vector<1x16xf32>
      tpu.vector_store %arg11[%swap3A_68, %swap3A_69], %swap3A_72 {strides = array<i32>} : memref<128x128xf32, #tpu.memory_space<vmem>>, vector<1x16xf32>,
      %broadcast_in_dim3A_73 = arith.constant 0.000000e+00 : f32
      %broadcast_in_dim3A_74 = vector.broadcast %broadcast_in_dim3A_73 : f32 to vector<16xf32>
      %swap3A_75 = arith.index_cast %scan3A_46 : i32 to index
      %swap3A_76 = arith.constant 64 : index
      %swap3A_77 = tpu.vector_load %arg11[%swap3A_75, %swap3A_76] {strides = array<i32>} : memref<128x128xf32, #tpu.memory_space<vmem>>, vector<1x16xf32>,
      %swap3A_78 = vector.shape_cast %swap3A_77 : vector<1x16xf32> to vector<16xf32>
      %swap3A_79 = vector.shape_cast %broadcast_in_dim3A_74 : vector<16xf32> to vector<1x16xf32>
      tpu.vector_store %arg11[%swap3A_75, %swap3A_76], %swap3A_79 {strides = array<i32>} : memref<128x128xf32, #tpu.memory_space<vmem>>, vector<1x16xf32>,
      %broadcast_in_dim3A_80 = arith.constant 0.000000e+00 : f32
      %broadcast_in_dim3A_81 = vector.broadcast %broadcast_in_dim3A_80 : f32 to vector<16xf32>
      %swap3A_82 = arith.index_cast %scan3A_46 : i32 to index
      %swap3A_83 = arith.constant 80 : index
      %swap3A_84 = tpu.vector_load %arg11[%swap3A_82, %swap3A_83] {strides = array<i32>} : memref<128x128xf32, #tpu.memory_space<vmem>>, vector<1x16xf32>,
      %swap3A_85 = vector.shape_cast %swap3A_84 : vector<1x16xf32> to vector<16xf32>
      %swap3A_86 = vector.shape_cast %broadcast_in_dim3A_81 : vector<16xf32> to vector<1x16xf32>
      tpu.vector_store %arg11[%swap3A_82, %swap3A_83], %swap3A_86 {strides = array<i32>} : memref<128x128xf32, #tpu.memory_space<vmem>>, vector<1x16xf32>,
      %broadcast_in_dim3A_87 = arith.constant 0.000000e+00 : f32
      %broadcast_in_dim3A_88 = vector.broadcast %broadcast_in_dim3A_87 : f32 to vector<16xf32>
      %swap3A_89 = arith.index_cast %scan3A_46 : i32 to index
      %swap3A_90 = arith.constant 96 : index
      %swap3A_91 = tpu.vector_load %arg11[%swap3A_89, %swap3A_90] {strides = array<i32>} : memref<128x128xf32, #tpu.memory_space<vmem>>, vector<1x16xf32>,
      %swap3A_92 = vector.shape_cast %swap3A_91 : vector<1x16xf32> to vector<16xf32>
      %swap3A_93 = vector.shape_cast %broadcast_in_dim3A_88 : vector<16xf32> to vector<1x16xf32>
      tpu.vector_store %arg11[%swap3A_89, %swap3A_90], %swap3A_93 {strides = array<i32>} : memref<128x128xf32, #tpu.memory_space<vmem>>, vector<1x16xf32>,
      %broadcast_in_dim3A_94 = arith.constant 0.000000e+00 : f32
      %broadcast_in_dim3A_95 = vector.broadcast %broadcast_in_dim3A_94 : f32 to vector<16xf32>
      %swap3A_96 = arith.index_cast %scan3A_46 : i32 to index
      %swap3A_97 = arith.constant 112 : index
      %swap3A_98 = tpu.vector_load %arg11[%swap3A_96, %swap3A_97] {strides = array<i32>} : memref<128x128xf32, #tpu.memory_space<vmem>>, vector<1x16xf32>,
      %swap3A_99 = vector.shape_cast %swap3A_98 : vector<1x16xf32> to vector<16xf32>
      %swap3A_100 = vector.shape_cast %broadcast_in_dim3A_95 : vector<16xf32> to vector<1x16xf32>
      tpu.vector_store %arg11[%swap3A_96, %swap3A_97], %swap3A_100 {strides = array<i32>} : memref<128x128xf32, #tpu.memory_space<vmem>>, vector<1x16xf32>,
    }
    %scan3A_4 = arith.constant 128 : i32
    %mul3A = arith.constant 632 : i32
    %mul3A_5 = arith.muli %arg1, %mul3A : i32
    %add3A = arith.constant 0 : i32
    %add3A_6 = arith.addi %mul3A_5, %add3A : i32
    "tpu.region"() ({
      %run_scoped3A = tpu.sem_alloc : memref<!tpu.dma_semaphore, #tpu.memory_space<semaphore_mem>>
      %dma_start3A = arith.constant 0 : i32
      %dma_start3A_46 = tpu.memref_slice %arg13[%add3A_6, %dma_start3A] : memref<10112x128xf32, #tpu.memory_space<vmem_shared>> -> memref<128x128xf32, #tpu.memory_space<vmem_shared>>
      %dma_start3A_47 = arith.constant 0 : i32
      %dma_start3A_48 = tpu.memref_slice %arg13[%add3A_6, %dma_start3A_47] : memref<10112x128xf32, #tpu.memory_space<vmem_shared>> -> memref<128x128xf32, #tpu.memory_space<vmem_shared>>
      tpu.enqueue_dma source(%arg11 : memref<128x128xf32, #tpu.memory_space<vmem>>) target(%dma_start3A_48 : memref<128x128xf32, #tpu.memory_space<vmem_shared>>) target_semaphore(%run_scoped3A : memref<!tpu.dma_semaphore, #tpu.memory_space<semaphore_mem>>)
      %dma_wait3A = arith.constant 0 : i32
      %dma_wait3A_49 = tpu.memref_slice %arg13[%add3A_6, %dma_wait3A] : memref<10112x128xf32, #tpu.memory_space<vmem_shared>> -> memref<128x128xf32, #tpu.memory_space<vmem_shared>>
      %dma_wait3A_50 = arith.constant 0 : i32
      %dma_wait3A_51 = tpu.memref_slice %arg13[%add3A_6, %dma_wait3A_50] : memref<10112x128xf32, #tpu.memory_space<vmem_shared>> -> memref<128x128xf32, #tpu.memory_space<vmem_shared>>
      tpu.wait_dma2 semaphore(%run_scoped3A : memref<!tpu.dma_semaphore, #tpu.memory_space<semaphore_mem>>) src(%arg11 : memref<128x128xf32, #tpu.memory_space<vmem>>) dst(%dma_wait3A_51 : memref<128x128xf32, #tpu.memory_space<vmem_shared>>)
      tpu.yield
    }) : () -> ()
    %mul3A_7 = arith.constant 632 : i32
    %mul3A_8 = arith.muli %arg1, %mul3A_7 : i32
    %add3A_9 = arith.constant 128 : i32
    %add3A_10 = arith.addi %mul3A_8, %add3A_9 : i32
    "tpu.region"() ({
      %run_scoped3A = tpu.sem_alloc : memref<!tpu.dma_semaphore, #tpu.memory_space<semaphore_mem>>
      %dma_start3A = arith.constant 0 : i32
      %dma_start3A_46 = tpu.memref_slice %arg13[%add3A_10, %dma_start3A] : memref<10112x128xf32, #tpu.memory_space<vmem_shared>> -> memref<128x128xf32, #tpu.memory_space<vmem_shared>>
      %dma_start3A_47 = arith.constant 0 : i32
      %dma_start3A_48 = tpu.memref_slice %arg13[%add3A_10, %dma_start3A_47] : memref<10112x128xf32, #tpu.memory_space<vmem_shared>> -> memref<128x128xf32, #tpu.memory_space<vmem_shared>>
      tpu.enqueue_dma source(%arg11 : memref<128x128xf32, #tpu.memory_space<vmem>>) target(%dma_start3A_48 : memref<128x128xf32, #tpu.memory_space<vmem_shared>>) target_semaphore(%run_scoped3A : memref<!tpu.dma_semaphore, #tpu.memory_space<semaphore_mem>>)
      %dma_wait3A = arith.constant 0 : i32
      %dma_wait3A_49 = tpu.memref_slice %arg13[%add3A_10, %dma_wait3A] : memref<10112x128xf32, #tpu.memory_space<vmem_shared>> -> memref<128x128xf32, #tpu.memory_space<vmem_shared>>
      %dma_wait3A_50 = arith.constant 0 : i32
      %dma_wait3A_51 = tpu.memref_slice %arg13[%add3A_10, %dma_wait3A_50] : memref<10112x128xf32, #tpu.memory_space<vmem_shared>> -> memref<128x128xf32, #tpu.memory_space<vmem_shared>>
      tpu.wait_dma2 semaphore(%run_scoped3A : memref<!tpu.dma_semaphore, #tpu.memory_space<semaphore_mem>>) src(%arg11 : memref<128x128xf32, #tpu.memory_space<vmem>>) dst(%dma_wait3A_51 : memref<128x128xf32, #tpu.memory_space<vmem_shared>>)
      tpu.yield
    }) : () -> ()
    %mul3A_11 = arith.constant 632 : i32
    %mul3A_12 = arith.muli %arg1, %mul3A_11 : i32
    %add3A_13 = arith.constant 256 : i32
    %add3A_14 = arith.addi %mul3A_12, %add3A_13 : i32
    "tpu.region"() ({
      %run_scoped3A = tpu.sem_alloc : memref<!tpu.dma_semaphore, #tpu.memory_space<semaphore_mem>>
      %dma_start3A = arith.constant 0 : i32
      %dma_start3A_46 = tpu.memref_slice %arg13[%add3A_14, %dma_start3A] : memref<10112x128xf32, #tpu.memory_space<vmem_shared>> -> memref<128x128xf32, #tpu.memory_space<vmem_shared>>
      %dma_start3A_47 = arith.constant 0 : i32
      %dma_start3A_48 = tpu.memref_slice %arg13[%add3A_14, %dma_start3A_47] : memref<10112x128xf32, #tpu.memory_space<vmem_shared>> -> memref<128x128xf32, #tpu.memory_space<vmem_shared>>
      tpu.enqueue_dma source(%arg11 : memref<128x128xf32, #tpu.memory_space<vmem>>) target(%dma_start3A_48 : memref<128x128xf32, #tpu.memory_space<vmem_shared>>) target_semaphore(%run_scoped3A : memref<!tpu.dma_semaphore, #tpu.memory_space<semaphore_mem>>)
      %dma_wait3A = arith.constant 0 : i32
      %dma_wait3A_49 = tpu.memref_slice %arg13[%add3A_14, %dma_wait3A] : memref<10112x128xf32, #tpu.memory_space<vmem_shared>> -> memref<128x128xf32, #tpu.memory_space<vmem_shared>>
      %dma_wait3A_50 = arith.constant 0 : i32
      %dma_wait3A_51 = tpu.memref_slice %arg13[%add3A_14, %dma_wait3A_50] : memref<10112x128xf32, #tpu.memory_space<vmem_shared>> -> memref<128x128xf32, #tpu.memory_space<vmem_shared>>
      tpu.wait_dma2 semaphore(%run_scoped3A : memref<!tpu.dma_semaphore, #tpu.memory_space<semaphore_mem>>) src(%arg11 : memref<128x128xf32, #tpu.memory_space<vmem>>) dst(%dma_wait3A_51 : memref<128x128xf32, #tpu.memory_space<vmem_shared>>)
      tpu.yield
    }) : () -> ()
    %mul3A_15 = arith.constant 632 : i32
    %mul3A_16 = arith.muli %arg1, %mul3A_15 : i32
    %add3A_17 = arith.constant 384 : i32
    %add3A_18 = arith.addi %mul3A_16, %add3A_17 : i32
    "tpu.region"() ({
      %run_scoped3A = tpu.sem_alloc : memref<!tpu.dma_semaphore, #tpu.memory_space<semaphore_mem>>
      %dma_start3A = arith.constant 0 : i32
      %dma_start3A_46 = tpu.memref_slice %arg13[%add3A_18, %dma_start3A] : memref<10112x128xf32, #tpu.memory_space<vmem_shared>> -> memref<128x128xf32, #tpu.memory_space<vmem_shared>>
      %dma_start3A_47 = arith.constant 0 : i32
      %dma_start3A_48 = tpu.memref_slice %arg13[%add3A_18, %dma_start3A_47] : memref<10112x128xf32, #tpu.memory_space<vmem_shared>> -> memref<128x128xf32, #tpu.memory_space<vmem_shared>>
      tpu.enqueue_dma source(%arg11 : memref<128x128xf32, #tpu.memory_space<vmem>>) target(%dma_start3A_48 : memref<128x128xf32, #tpu.memory_space<vmem_shared>>) target_semaphore(%run_scoped3A : memref<!tpu.dma_semaphore, #tpu.memory_space<semaphore_mem>>)
      %dma_wait3A = arith.constant 0 : i32
      %dma_wait3A_49 = tpu.memref_slice %arg13[%add3A_18, %dma_wait3A] : memref<10112x128xf32, #tpu.memory_space<vmem_shared>> -> memref<128x128xf32, #tpu.memory_space<vmem_shared>>
      %dma_wait3A_50 = arith.constant 0 : i32
      %dma_wait3A_51 = tpu.memref_slice %arg13[%add3A_18, %dma_wait3A_50] : memref<10112x128xf32, #tpu.memory_space<vmem_shared>> -> memref<128x128xf32, #tpu.memory_space<vmem_shared>>
      tpu.wait_dma2 semaphore(%run_scoped3A : memref<!tpu.dma_semaphore, #tpu.memory_space<semaphore_mem>>) src(%arg11 : memref<128x128xf32, #tpu.memory_space<vmem>>) dst(%dma_wait3A_51 : memref<128x128xf32, #tpu.memory_space<vmem_shared>>)
      tpu.yield
    }) : () -> ()
    %mul3A_19 = arith.constant 632 : i32
    %mul3A_20 = arith.muli %arg1, %mul3A_19 : i32
    %add3A_21 = arith.constant 632 : i32
    %add3A_22 = arith.addi %mul3A_20, %add3A_21 : i32
    %sub3A = arith.constant 120 : i32
    %sub3A_23 = arith.subi %add3A_22, %sub3A : i32
    "tpu.region"() ({
      %run_scoped3A = tpu.sem_alloc : memref<!tpu.dma_semaphore, #tpu.memory_space<semaphore_mem>>
      %dma_start3A = arith.constant 0 : i32
      %dma_start3A_46 = arith.constant 0 : i32
      %dma_start3A_47 = tpu.memref_slice %arg11[%dma_start3A, %dma_start3A_46] : memref<128x128xf32, #tpu.memory_space<vmem>> -> memref<120x128xf32, #tpu.memory_space<vmem>>
      %dma_start3A_48 = arith.constant 0 : i32
      %dma_start3A_49 = tpu.memref_slice %arg13[%sub3A_23, %dma_start3A_48] : memref<10112x128xf32, #tpu.memory_space<vmem_shared>> -> memref<120x128xf32, #tpu.memory_space<vmem_shared>>
      %dma_start3A_50 = arith.constant 0 : i32
      %dma_start3A_51 = tpu.memref_slice %arg13[%sub3A_23, %dma_start3A_50] : memref<10112x128xf32, #tpu.memory_space<vmem_shared>> -> memref<120x128xf32, #tpu.memory_space<vmem_shared>>
      %dma_start3A_52 = arith.constant 0 : i32
      %dma_start3A_53 = arith.constant 0 : i32
      %dma_start3A_54 = tpu.memref_slice %arg11[%dma_start3A_52, %dma_start3A_53] : memref<128x128xf32, #tpu.memory_space<vmem>> -> memref<120x128xf32, #tpu.memory_space<vmem>>
      tpu.enqueue_dma source(%dma_start3A_54 : memref<120x128xf32, #tpu.memory_space<vmem>>) target(%dma_start3A_51 : memref<120x128xf32, #tpu.memory_space<vmem_shared>>) target_semaphore(%run_scoped3A : memref<!tpu.dma_semaphore, #tpu.memory_space<semaphore_mem>>)
      %dma_wait3A = arith.constant 0 : i32
      %dma_wait3A_55 = arith.constant 0 : i32
      %dma_wait3A_56 = tpu.memref_slice %arg11[%dma_wait3A, %dma_wait3A_55] : memref<128x128xf32, #tpu.memory_space<vmem>> -> memref<120x128xf32, #tpu.memory_space<vmem>>
      %dma_wait3A_57 = arith.constant 0 : i32
      %dma_wait3A_58 = tpu.memref_slice %arg13[%sub3A_23, %dma_wait3A_57] : memref<10112x128xf32, #tpu.memory_space<vmem_shared>> -> memref<120x128xf32, #tpu.memory_space<vmem_shared>>
      %dma_wait3A_59 = arith.constant 0 : i32
      %dma_wait3A_60 = tpu.memref_slice %arg13[%sub3A_23, %dma_wait3A_59] : memref<10112x128xf32, #tpu.memory_space<vmem_shared>> -> memref<120x128xf32, #tpu.memory_space<vmem_shared>>
      %dma_wait3A_61 = arith.constant 0 : i32
      %dma_wait3A_62 = arith.constant 0 : i32
      %dma_wait3A_63 = tpu.memref_slice %arg11[%dma_wait3A_61, %dma_wait3A_62] : memref<128x128xf32, #tpu.memory_space<vmem>> -> memref<120x128xf32, #tpu.memory_space<vmem>>
      tpu.wait_dma2 semaphore(%run_scoped3A : memref<!tpu.dma_semaphore, #tpu.memory_space<semaphore_mem>>) src(%dma_wait3A_63 : memref<120x128xf32, #tpu.memory_space<vmem>>) dst(%dma_wait3A_60 : memref<120x128xf32, #tpu.memory_space<vmem_shared>>)
      tpu.yield
    }) : () -> ()
    %barrier3A = arith.constant 0 : index
    tpu.barrier barrier_id(%barrier3A)
    %eq3A = arith.constant 0 : i32
    %eq3A_24 = arith.cmpi eq, %arg0, %eq3A : i32
    %convert_element_type3A = arith.extui %eq3A_24 : i1 to i32
    %cond3A = arith.constant 0 : i32
    %cond3A_25 = arith.cmpi ne, %convert_element_type3A, %cond3A : i32
    scf.if %cond3A_25 {
      %mul3A_46 = arith.constant 72 : i32
      %mul3A_47 = arith.muli %arg1, %mul3A_46 : i32
      %add3A_48 = arith.constant 0 : i32
      %add3A_49 = arith.addi %mul3A_47, %add3A_48 : i32
      "tpu.region"() ({
        %run_scoped3A = tpu.sem_alloc : memref<!tpu.dma_semaphore, #tpu.memory_space<semaphore_mem>>
        %dma_start3A_137 = arith.constant 0 : i32
        %dma_start3A_138 = arith.constant 0 : i32
        %dma_start3A_139 = tpu.memref_slice %arg9[%dma_start3A_137, %dma_start3A_138] : memref<24x128xi32, #tpu.memory_space<vmem>> -> memref<24x128xi32, #tpu.memory_space<vmem>>
        %dma_start3A_140 = arith.constant 0 : i32
        %dma_start3A_141 = tpu.memref_slice %arg4[%add3A_49, %dma_start3A_140] : memref<1280x128xi32, #tpu.memory_space<hbm>> -> memref<24x128xi32, #tpu.memory_space<hbm>>
        %dma_start3A_142 = arith.constant 0 : i32
        %dma_start3A_143 = arith.constant 0 : i32
        %dma_start3A_144 = tpu.memref_slice %arg9[%dma_start3A_142, %dma_start3A_143] : memref<24x128xi32, #tpu.memory_space<vmem>> -> memref<24x128xi32, #tpu.memory_space<vmem>>
        %dma_start3A_145 = arith.constant 0 : i32
        %dma_start3A_146 = tpu.memref_slice %arg4[%add3A_49, %dma_start3A_145] : memref<1280x128xi32, #tpu.memory_space<hbm>> -> memref<24x128xi32, #tpu.memory_space<hbm>>
        tpu.enqueue_dma source(%dma_start3A_146 : memref<24x128xi32, #tpu.memory_space<hbm>>) target(%dma_start3A_144 : memref<24x128xi32, #tpu.memory_space<vmem>>) target_semaphore(%run_scoped3A : memref<!tpu.dma_semaphore, #tpu.memory_space<semaphore_mem>>)
        %dma_wait3A_147 = arith.constant 0 : i32
        %dma_wait3A_148 = arith.constant 0 : i32
        %dma_wait3A_149 = tpu.memref_slice %arg9[%dma_wait3A_147, %dma_wait3A_148] : memref<24x128xi32, #tpu.memory_space<vmem>> -> memref<24x128xi32, #tpu.memory_space<vmem>>
        %dma_wait3A_150 = arith.constant 0 : i32
        %dma_wait3A_151 = tpu.memref_slice %arg4[%add3A_49, %dma_wait3A_150] : memref<1280x128xi32, #tpu.memory_space<hbm>> -> memref<24x128xi32, #tpu.memory_space<hbm>>
        %dma_wait3A_152 = arith.constant 0 : i32
        %dma_wait3A_153 = arith.constant 0 : i32
        %dma_wait3A_154 = tpu.memref_slice %arg9[%dma_wait3A_152, %dma_wait3A_153] : memref<24x128xi32, #tpu.memory_space<vmem>> -> memref<24x128xi32, #tpu.memory_space<vmem>>
        %dma_wait3A_155 = arith.constant 0 : i32
        %dma_wait3A_156 = tpu.memref_slice %arg4[%add3A_49, %dma_wait3A_155] : memref<1280x128xi32, #tpu.memory_space<hbm>> -> memref<24x128xi32, #tpu.memory_space<hbm>>
        tpu.wait_dma2 semaphore(%run_scoped3A : memref<!tpu.dma_semaphore, #tpu.memory_space<semaphore_mem>>) src(%dma_wait3A_156 : memref<24x128xi32, #tpu.memory_space<hbm>>) dst(%dma_wait3A_154 : memref<24x128xi32, #tpu.memory_space<vmem>>)
        tpu.yield
      }) : () -> ()
      "tpu.region"() ({
        %run_scoped3A = tpu.sem_alloc : memref<!tpu.dma_semaphore, #tpu.memory_space<semaphore_mem>>
        %dma_start3A_137 = arith.constant 0 : i32
        %dma_start3A_138 = arith.constant 0 : i32
        %dma_start3A_139 = tpu.memref_slice %arg10[%dma_start3A_137, %dma_start3A_138] : memref<24x128xi32, #tpu.memory_space<vmem>> -> memref<24x128xi32, #tpu.memory_space<vmem>>
        %dma_start3A_140 = arith.constant 0 : i32
        %dma_start3A_141 = tpu.memref_slice %arg5[%add3A_49, %dma_start3A_140] : memref<1280x128xi32, #tpu.memory_space<hbm>> -> memref<24x128xi32, #tpu.memory_space<hbm>>
        %dma_start3A_142 = arith.constant 0 : i32
        %dma_start3A_143 = arith.constant 0 : i32
        %dma_start3A_144 = tpu.memref_slice %arg10[%dma_start3A_142, %dma_start3A_143] : memref<24x128xi32, #tpu.memory_space<vmem>> -> memref<24x128xi32, #tpu.memory_space<vmem>>
        %dma_start3A_145 = arith.constant 0 : i32
        %dma_start3A_146 = tpu.memref_slice %arg5[%add3A_49, %dma_start3A_145] : memref<1280x128xi32, #tpu.memory_space<hbm>> -> memref<24x128xi32, #tpu.memory_space<hbm>>
        tpu.enqueue_dma source(%dma_start3A_146 : memref<24x128xi32, #tpu.memory_space<hbm>>) target(%dma_start3A_144 : memref<24x128xi32, #tpu.memory_space<vmem>>) target_semaphore(%run_scoped3A : memref<!tpu.dma_semaphore, #tpu.memory_space<semaphore_mem>>)
        %dma_wait3A_147 = arith.constant 0 : i32
        %dma_wait3A_148 = arith.constant 0 : i32
        %dma_wait3A_149 = tpu.memref_slice %arg10[%dma_wait3A_147, %dma_wait3A_148] : memref<24x128xi32, #tpu.memory_space<vmem>> -> memref<24x128xi32, #tpu.memory_space<vmem>>
        %dma_wait3A_150 = arith.constant 0 : i32
        %dma_wait3A_151 = tpu.memref_slice %arg5[%add3A_49, %dma_wait3A_150] : memref<1280x128xi32, #tpu.memory_space<hbm>> -> memref<24x128xi32, #tpu.memory_space<hbm>>
        %dma_wait3A_152 = arith.constant 0 : i32
        %dma_wait3A_153 = arith.constant 0 : i32
        %dma_wait3A_154 = tpu.memref_slice %arg10[%dma_wait3A_152, %dma_wait3A_153] : memref<24x128xi32, #tpu.memory_space<vmem>> -> memref<24x128xi32, #tpu.memory_space<vmem>>
        %dma_wait3A_155 = arith.constant 0 : i32
        %dma_wait3A_156 = tpu.memref_slice %arg5[%add3A_49, %dma_wait3A_155] : memref<1280x128xi32, #tpu.memory_space<hbm>> -> memref<24x128xi32, #tpu.memory_space<hbm>>
        tpu.wait_dma2 semaphore(%run_scoped3A : memref<!tpu.dma_semaphore, #tpu.memory_space<semaphore_mem>>) src(%dma_wait3A_156 : memref<24x128xi32, #tpu.memory_space<hbm>>) dst(%dma_wait3A_154 : memref<24x128xi32, #tpu.memory_space<vmem>>)
        tpu.yield
      }) : () -> ()
      %dma_start3A = arith.constant 0 : i32
      %dma_start3A_50 = arith.constant 0 : i32
      %dma_start3A_51 = tpu.memref_slice %arg9[%dma_start3A, %dma_start3A_50] : memref<24x128xi32, #tpu.memory_space<vmem>> -> memref<1x128xi32, #tpu.memory_space<vmem>>
      %dma_start3A_52 = tpu.memref_squeeze %dma_start3A_51 : memref<1x128xi32, #tpu.memory_space<vmem>> -> memref<128xi32, #tpu.memory_space<vmem>>
      %dma_start3A_53 = arith.constant 0 : i32
      %dma_start3A_54 = arith.constant 0 : i32
      %dma_start3A_55 = tpu.memref_slice %arg2[%dma_start3A_53, %dma_start3A_54] : memref<10000x128xf32, #tpu.memory_space<hbm>> -> memref<10000x128xf32, #tpu.memory_space<hbm>>
      tpu.enqueue_indirect_dma source(%dma_start3A_55 : memref<10000x128xf32, #tpu.memory_space<hbm>>) target(%arg11 : memref<128x128xf32, #tpu.memory_space<vmem>>) offsets(%dma_start3A_52 : memref<128xi32, #tpu.memory_space<vmem>>) semaphore(%arg14 : memref<!tpu.dma_semaphore, #tpu.memory_space<semaphore_mem>>)
      %scan3A_56 = arith.constant 0 : i32
      %scan3A_57 = arith.constant 0 : i32
      %scan3A_58 = arith.constant 12 : i32
      %scan3A_59 = arith.addi %scan3A_57, %scan3A_58 : i32
      %scan3A_60 = arith.constant 1 : i32
      scf.for %scan3A_137 = %scan3A_57 to %scan3A_59 step %scan3A_60  : i32 {
        %mul3A_138 = arith.constant 2 : i32
        %mul3A_139 = arith.muli %scan3A_137, %mul3A_138 : i32
        %add3A_140 = arith.constant 0 : i32
        %add3A_141 = arith.addi %mul3A_139, %add3A_140 : i32
        %dma_wait3A_142 = arith.constant 0 : i32
        %dma_wait3A_143 = tpu.memref_slice %arg9[%add3A_141, %dma_wait3A_142] : memref<24x128xi32, #tpu.memory_space<vmem>> -> memref<1x128xi32, #tpu.memory_space<vmem>>
        %dma_wait3A_144 = tpu.memref_squeeze %dma_wait3A_143 : memref<1x128xi32, #tpu.memory_space<vmem>> -> memref<128xi32, #tpu.memory_space<vmem>>
        %dma_wait3A_145 = arith.constant 0 : i32
        %dma_wait3A_146 = arith.constant 0 : i32
        %dma_wait3A_147 = tpu.memref_slice %arg2[%dma_wait3A_145, %dma_wait3A_146] : memref<10000x128xf32, #tpu.memory_space<hbm>> -> memref<10000x128xf32, #tpu.memory_space<hbm>>
        tpu.wait_indirect_dma semaphore(%arg14 : memref<!tpu.dma_semaphore, #tpu.memory_space<semaphore_mem>>) src(%dma_wait3A_147 : memref<10000x128xf32, #tpu.memory_space<hbm>>) dst(%arg11 : memref<128x128xf32, #tpu.memory_space<vmem>>)
        %dma_start3A_148 = arith.constant 0 : i32
        %dma_start3A_149 = tpu.memref_slice %arg10[%add3A_141, %dma_start3A_148] : memref<24x128xi32, #tpu.memory_space<vmem>> -> memref<1x128xi32, #tpu.memory_space<vmem>>
        %dma_start3A_150 = tpu.memref_squeeze %dma_start3A_149 : memref<1x128xi32, #tpu.memory_space<vmem>> -> memref<128xi32, #tpu.memory_space<vmem>>
        %dma_start3A_151 = arith.constant 0 : i32
        %dma_start3A_152 = arith.constant 0 : i32
        %dma_start3A_153 = tpu.memref_slice %arg13[%dma_start3A_151, %dma_start3A_152] : memref<10112x128xf32, #tpu.memory_space<vmem_shared>> -> memref<10112x128xf32, #tpu.memory_space<vmem_shared>>
        tpu.enqueue_indirect_dma source(%arg11 : memref<128x128xf32, #tpu.memory_space<vmem>>) target(%dma_start3A_153 : memref<10112x128xf32, #tpu.memory_space<vmem_shared>>) offsets(%dma_start3A_150 : memref<128xi32, #tpu.memory_space<vmem>>) semaphore(%arg16 : memref<!tpu.dma_semaphore, #tpu.memory_space<semaphore_mem>>) {add = true}
        %add3A_154 = arith.constant 1 : i32
        %add3A_155 = arith.addi %add3A_141, %add3A_154 : i32
        %lt3A = arith.constant 24 : i32
        %lt3A_156 = arith.cmpi slt, %add3A_155, %lt3A : i32
        %convert_element_type3A_157 = arith.extui %lt3A_156 : i1 to i32
        %cond3A_158 = arith.constant 0 : i32
        %cond3A_159 = arith.cmpi ne, %convert_element_type3A_157, %cond3A_158 : i32
        scf.if %cond3A_159 {
          %ge3A = arith.constant 1 : i32
          %ge3A_183 = arith.cmpi sge, %add3A_141, %ge3A : i32
          %convert_element_type3A_184 = arith.extui %ge3A_183 : i1 to i32
          %cond3A_185 = arith.constant 0 : i32
          %cond3A_186 = arith.cmpi ne, %convert_element_type3A_184, %cond3A_185 : i32
          scf.if %cond3A_186 {
            %sub3A_193 = arith.constant 1 : i32
            %sub3A_194 = arith.subi %add3A_141, %sub3A_193 : i32
            %dma_wait3A_195 = arith.constant 0 : i32
            %dma_wait3A_196 = tpu.memref_slice %arg10[%sub3A_194, %dma_wait3A_195] : memref<24x128xi32, #tpu.memory_space<vmem>> -> memref<1x128xi32, #tpu.memory_space<vmem>>
            %dma_wait3A_197 = tpu.memref_squeeze %dma_wait3A_196 : memref<1x128xi32, #tpu.memory_space<vmem>> -> memref<128xi32, #tpu.memory_space<vmem>>
            %dma_wait3A_198 = arith.constant 0 : i32
            %dma_wait3A_199 = arith.constant 0 : i32
            %dma_wait3A_200 = tpu.memref_slice %arg13[%dma_wait3A_198, %dma_wait3A_199] : memref<10112x128xf32, #tpu.memory_space<vmem_shared>> -> memref<10112x128xf32, #tpu.memory_space<vmem_shared>>
            tpu.wait_indirect_dma semaphore(%arg17 : memref<!tpu.dma_semaphore, #tpu.memory_space<semaphore_mem>>) src(%arg12 : memref<128x128xf32, #tpu.memory_space<vmem>>) dst(%dma_wait3A_200 : memref<10112x128xf32, #tpu.memory_space<vmem_shared>>)
          } else {
          }
          %dma_start3A_187 = arith.constant 0 : i32
          %dma_start3A_188 = tpu.memref_slice %arg9[%add3A_155, %dma_start3A_187] : memref<24x128xi32, #tpu.memory_space<vmem>> -> memref<1x128xi32, #tpu.memory_space<vmem>>
          %dma_start3A_189 = tpu.memref_squeeze %dma_start3A_188 : memref<1x128xi32, #tpu.memory_space<vmem>> -> memref<128xi32, #tpu.memory_space<vmem>>
          %dma_start3A_190 = arith.constant 0 : i32
          %dma_start3A_191 = arith.constant 0 : i32
          %dma_start3A_192 = tpu.memref_slice %arg2[%dma_start3A_190, %dma_start3A_191] : memref<10000x128xf32, #tpu.memory_space<hbm>> -> memref<10000x128xf32, #tpu.memory_space<hbm>>
          tpu.enqueue_indirect_dma source(%dma_start3A_192 : memref<10000x128xf32, #tpu.memory_space<hbm>>) target(%arg12 : memref<128x128xf32, #tpu.memory_space<vmem>>) offsets(%dma_start3A_189 : memref<128xi32, #tpu.memory_space<vmem>>) semaphore(%arg15 : memref<!tpu.dma_semaphore, #tpu.memory_space<semaphore_mem>>)
        } else {
        }
        %mul3A_160 = arith.constant 2 : i32
        %mul3A_161 = arith.muli %scan3A_137, %mul3A_160 : i32
        %add3A_162 = arith.constant 1 : i32
        %add3A_163 = arith.addi %mul3A_161, %add3A_162 : i32
        %dma_wait3A_164 = arith.constant 0 : i32
        %dma_wait3A_165 = tpu.memref_slice %arg9[%add3A_163, %dma_wait3A_164] : memref<24x128xi32, #tpu.memory_space<vmem>> -> memref<1x128xi32, #tpu.memory_space<vmem>>
        %dma_wait3A_166 = tpu.memref_squeeze %dma_wait3A_165 : memref<1x128xi32, #tpu.memory_space<vmem>> -> memref<128xi32, #tpu.memory_space<vmem>>
        %dma_wait3A_167 = arith.constant 0 : i32
        %dma_wait3A_168 = arith.constant 0 : i32
        %dma_wait3A_169 = tpu.memref_slice %arg2[%dma_wait3A_167, %dma_wait3A_168] : memref<10000x128xf32, #tpu.memory_space<hbm>> -> memref<10000x128xf32, #tpu.memory_space<hbm>>
        tpu.wait_indirect_dma semaphore(%arg15 : memref<!tpu.dma_semaphore, #tpu.memory_space<semaphore_mem>>) src(%dma_wait3A_169 : memref<10000x128xf32, #tpu.memory_space<hbm>>) dst(%arg12 : memref<128x128xf32, #tpu.memory_space<vmem>>)
        %dma_start3A_170 = arith.constant 0 : i32
        %dma_start3A_171 = tpu.memref_slice %arg10[%add3A_163, %dma_start3A_170] : memref<24x128xi32, #tpu.memory_space<vmem>> -> memref<1x128xi32, #tpu.memory_space<vmem>>
        %dma_start3A_172 = tpu.memref_squeeze %dma_start3A_171 : memref<1x128xi32, #tpu.memory_space<vmem>> -> memref<128xi32, #tpu.memory_space<vmem>>
        %dma_start3A_173 = arith.constant 0 : i32
        %dma_start3A_174 = arith.constant 0 : i32
        %dma_start3A_175 = tpu.memref_slice %arg13[%dma_start3A_173, %dma_start3A_174] : memref<10112x128xf32, #tpu.memory_space<vmem_shared>> -> memref<10112x128xf32, #tpu.memory_space<vmem_shared>>
        tpu.enqueue_indirect_dma source(%arg12 : memref<128x128xf32, #tpu.memory_space<vmem>>) target(%dma_start3A_175 : memref<10112x128xf32, #tpu.memory_space<vmem_shared>>) offsets(%dma_start3A_172 : memref<128xi32, #tpu.memory_space<vmem>>) semaphore(%arg17 : memref<!tpu.dma_semaphore, #tpu.memory_space<semaphore_mem>>) {add = true}
        %add3A_176 = arith.constant 1 : i32
        %add3A_177 = arith.addi %add3A_163, %add3A_176 : i32
        %lt3A_178 = arith.constant 24 : i32
        %lt3A_179 = arith.cmpi slt, %add3A_177, %lt3A_178 : i32
        %convert_element_type3A_180 = arith.extui %lt3A_179 : i1 to i32
        %cond3A_181 = arith.constant 0 : i32
        %cond3A_182 = arith.cmpi ne, %convert_element_type3A_180, %cond3A_181 : i32
        scf.if %cond3A_182 {
          %ge3A = arith.constant 1 : i32
          %ge3A_183 = arith.cmpi sge, %add3A_163, %ge3A : i32
          %convert_element_type3A_184 = arith.extui %ge3A_183 : i1 to i32
          %cond3A_185 = arith.constant 0 : i32
          %cond3A_186 = arith.cmpi ne, %convert_element_type3A_184, %cond3A_185 : i32
          scf.if %cond3A_186 {
            %sub3A_193 = arith.constant 1 : i32
            %sub3A_194 = arith.subi %add3A_163, %sub3A_193 : i32
            %dma_wait3A_195 = arith.constant 0 : i32
            %dma_wait3A_196 = tpu.memref_slice %arg10[%sub3A_194, %dma_wait3A_195] : memref<24x128xi32, #tpu.memory_space<vmem>> -> memref<1x128xi32, #tpu.memory_space<vmem>>
            %dma_wait3A_197 = tpu.memref_squeeze %dma_wait3A_196 : memref<1x128xi32, #tpu.memory_space<vmem>> -> memref<128xi32, #tpu.memory_space<vmem>>
            %dma_wait3A_198 = arith.constant 0 : i32
            %dma_wait3A_199 = arith.constant 0 : i32
            %dma_wait3A_200 = tpu.memref_slice %arg13[%dma_wait3A_198, %dma_wait3A_199] : memref<10112x128xf32, #tpu.memory_space<vmem_shared>> -> memref<10112x128xf32, #tpu.memory_space<vmem_shared>>
            tpu.wait_indirect_dma semaphore(%arg16 : memref<!tpu.dma_semaphore, #tpu.memory_space<semaphore_mem>>) src(%arg11 : memref<128x128xf32, #tpu.memory_space<vmem>>) dst(%dma_wait3A_200 : memref<10112x128xf32, #tpu.memory_space<vmem_shared>>)
          } else {
          }
          %dma_start3A_187 = arith.constant 0 : i32
          %dma_start3A_188 = tpu.memref_slice %arg9[%add3A_177, %dma_start3A_187] : memref<24x128xi32, #tpu.memory_space<vmem>> -> memref<1x128xi32, #tpu.memory_space<vmem>>
          %dma_start3A_189 = tpu.memref_squeeze %dma_start3A_188 : memref<1x128xi32, #tpu.memory_space<vmem>> -> memref<128xi32, #tpu.memory_space<vmem>>
          %dma_start3A_190 = arith.constant 0 : i32
          %dma_start3A_191 = arith.constant 0 : i32
          %dma_start3A_192 = tpu.memref_slice %arg2[%dma_start3A_190, %dma_start3A_191] : memref<10000x128xf32, #tpu.memory_space<hbm>> -> memref<10000x128xf32, #tpu.memory_space<hbm>>
          tpu.enqueue_indirect_dma source(%dma_start3A_192 : memref<10000x128xf32, #tpu.memory_space<hbm>>) target(%arg11 : memref<128x128xf32, #tpu.memory_space<vmem>>) offsets(%dma_start3A_189 : memref<128xi32, #tpu.memory_space<vmem>>) semaphore(%arg14 : memref<!tpu.dma_semaphore, #tpu.memory_space<semaphore_mem>>)
        } else {
        }
      }
      %scan3A_61 = arith.constant 12 : i32
      %dma_wait3A = arith.constant 22 : i32
      %dma_wait3A_62 = arith.constant 0 : i32
      %dma_wait3A_63 = tpu.memref_slice %arg10[%dma_wait3A, %dma_wait3A_62] : memref<24x128xi32, #tpu.memory_space<vmem>> -> memref<1x128xi32, #tpu.memory_space<vmem>>
      %dma_wait3A_64 = tpu.memref_squeeze %dma_wait3A_63 : memref<1x128xi32, #tpu.memory_space<vmem>> -> memref<128xi32, #tpu.memory_space<vmem>>
      %dma_wait3A_65 = arith.constant 0 : i32
      %dma_wait3A_66 = arith.constant 0 : i32
      %dma_wait3A_67 = tpu.memref_slice %arg13[%dma_wait3A_65, %dma_wait3A_66] : memref<10112x128xf32, #tpu.memory_space<vmem_shared>> -> memref<10112x128xf32, #tpu.memory_space<vmem_shared>>
      tpu.wait_indirect_dma semaphore(%arg16 : memref<!tpu.dma_semaphore, #tpu.memory_space<semaphore_mem>>) src(%arg11 : memref<128x128xf32, #tpu.memory_space<vmem>>) dst(%dma_wait3A_67 : memref<10112x128xf32, #tpu.memory_space<vmem_shared>>)
      %dma_wait3A_68 = arith.constant 23 : i32
      %dma_wait3A_69 = arith.constant 0 : i32
      %dma_wait3A_70 = tpu.memref_slice %arg10[%dma_wait3A_68, %dma_wait3A_69] : memref<24x128xi32, #tpu.memory_space<vmem>> -> memref<1x128xi32, #tpu.memory_space<vmem>>
      %dma_wait3A_71 = tpu.memref_squeeze %dma_wait3A_70 : memref<1x128xi32, #tpu.memory_space<vmem>> -> memref<128xi32, #tpu.memory_space<vmem>>
      %dma_wait3A_72 = arith.constant 0 : i32
      %dma_wait3A_73 = arith.constant 0 : i32
      %dma_wait3A_74 = tpu.memref_slice %arg13[%dma_wait3A_72, %dma_wait3A_73] : memref<10112x128xf32, #tpu.memory_space<vmem_shared>> -> memref<10112x128xf32, #tpu.memory_space<vmem_shared>>
      tpu.wait_indirect_dma semaphore(%arg17 : memref<!tpu.dma_semaphore, #tpu.memory_space<semaphore_mem>>) src(%arg12 : memref<128x128xf32, #tpu.memory_space<vmem>>) dst(%dma_wait3A_74 : memref<10112x128xf32, #tpu.memory_space<vmem_shared>>)
      %mul3A_75 = arith.constant 72 : i32
      %mul3A_76 = arith.muli %arg1, %mul3A_75 : i32
      %add3A_77 = arith.constant 24 : i32
      %add3A_78 = arith.addi %mul3A_76, %add3A_77 : i32
      "tpu.region"() ({
        %run_scoped3A = tpu.sem_alloc : memref<!tpu.dma_semaphore, #tpu.memory_space<semaphore_mem>>
        %dma_start3A_137 = arith.constant 0 : i32
        %dma_start3A_138 = arith.constant 0 : i32
        %dma_start3A_139 = tpu.memref_slice %arg9[%dma_start3A_137, %dma_start3A_138] : memref<24x128xi32, #tpu.memory_space<vmem>> -> memref<24x128xi32, #tpu.memory_space<vmem>>
        %dma_start3A_140 = arith.constant 0 : i32
        %dma_start3A_141 = tpu.memref_slice %arg4[%add3A_78, %dma_start3A_140] : memref<1280x128xi32, #tpu.memory_space<hbm>> -> memref<24x128xi32, #tpu.memory_space<hbm>>
        %dma_start3A_142 = arith.constant 0 : i32
        %dma_start3A_143 = arith.constant 0 : i32
        %dma_start3A_144 = tpu.memref_slice %arg9[%dma_start3A_142, %dma_start3A_143] : memref<24x128xi32, #tpu.memory_space<vmem>> -> memref<24x128xi32, #tpu.memory_space<vmem>>
        %dma_start3A_145 = arith.constant 0 : i32
        %dma_start3A_146 = tpu.memref_slice %arg4[%add3A_78, %dma_start3A_145] : memref<1280x128xi32, #tpu.memory_space<hbm>> -> memref<24x128xi32, #tpu.memory_space<hbm>>
        tpu.enqueue_dma source(%dma_start3A_146 : memref<24x128xi32, #tpu.memory_space<hbm>>) target(%dma_start3A_144 : memref<24x128xi32, #tpu.memory_space<vmem>>) target_semaphore(%run_scoped3A : memref<!tpu.dma_semaphore, #tpu.memory_space<semaphore_mem>>)
        %dma_wait3A_147 = arith.constant 0 : i32
        %dma_wait3A_148 = arith.constant 0 : i32
        %dma_wait3A_149 = tpu.memref_slice %arg9[%dma_wait3A_147, %dma_wait3A_148] : memref<24x128xi32, #tpu.memory_space<vmem>> -> memref<24x128xi32, #tpu.memory_space<vmem>>
        %dma_wait3A_150 = arith.constant 0 : i32
        %dma_wait3A_151 = tpu.memref_slice %arg4[%add3A_78, %dma_wait3A_150] : memref<1280x128xi32, #tpu.memory_space<hbm>> -> memref<24x128xi32, #tpu.memory_space<hbm>>
        %dma_wait3A_152 = arith.constant 0 : i32
        %dma_wait3A_153 = arith.constant 0 : i32
        %dma_wait3A_154 = tpu.memref_slice %arg9[%dma_wait3A_152, %dma_wait3A_153] : memref<24x128xi32, #tpu.memory_space<vmem>> -> memref<24x128xi32, #tpu.memory_space<vmem>>
        %dma_wait3A_155 = arith.constant 0 : i32
        %dma_wait3A_156 = tpu.memref_slice %arg4[%add3A_78, %dma_wait3A_155] : memref<1280x128xi32, #tpu.memory_space<hbm>> -> memref<24x128xi32, #tpu.memory_space<hbm>>
        tpu.wait_dma2 semaphore(%run_scoped3A : memref<!tpu.dma_semaphore, #tpu.memory_space<semaphore_mem>>) src(%dma_wait3A_156 : memref<24x128xi32, #tpu.memory_space<hbm>>) dst(%dma_wait3A_154 : memref<24x128xi32, #tpu.memory_space<vmem>>)
        tpu.yield
      }) : () -> ()
      "tpu.region"() ({
        %run_scoped3A = tpu.sem_alloc : memref<!tpu.dma_semaphore, #tpu.memory_space<semaphore_mem>>
        %dma_start3A_137 = arith.constant 0 : i32
        %dma_start3A_138 = arith.constant 0 : i32
        %dma_start3A_139 = tpu.memref_slice %arg10[%dma_start3A_137, %dma_start3A_138] : memref<24x128xi32, #tpu.memory_space<vmem>> -> memref<24x128xi32, #tpu.memory_space<vmem>>
        %dma_start3A_140 = arith.constant 0 : i32
        %dma_start3A_141 = tpu.memref_slice %arg5[%add3A_78, %dma_start3A_140] : memref<1280x128xi32, #tpu.memory_space<hbm>> -> memref<24x128xi32, #tpu.memory_space<hbm>>
        %dma_start3A_142 = arith.constant 0 : i32
        %dma_start3A_143 = arith.constant 0 : i32
        %dma_start3A_144 = tpu.memref_slice %arg10[%dma_start3A_142, %dma_start3A_143] : memref<24x128xi32, #tpu.memory_space<vmem>> -> memref<24x128xi32, #tpu.memory_space<vmem>>
        %dma_start3A_145 = arith.constant 0 : i32
        %dma_start3A_146 = tpu.memref_slice %arg5[%add3A_78, %dma_start3A_145] : memref<1280x128xi32, #tpu.memory_space<hbm>> -> memref<24x128xi32, #tpu.memory_space<hbm>>
        tpu.enqueue_dma source(%dma_start3A_146 : memref<24x128xi32, #tpu.memory_space<hbm>>) target(%dma_start3A_144 : memref<24x128xi32, #tpu.memory_space<vmem>>) target_semaphore(%run_scoped3A : memref<!tpu.dma_semaphore, #tpu.memory_space<semaphore_mem>>)
        %dma_wait3A_147 = arith.constant 0 : i32
        %dma_wait3A_148 = arith.constant 0 : i32
        %dma_wait3A_149 = tpu.memref_slice %arg10[%dma_wait3A_147, %dma_wait3A_148] : memref<24x128xi32, #tpu.memory_space<vmem>> -> memref<24x128xi32, #tpu.memory_space<vmem>>
        %dma_wait3A_150 = arith.constant 0 : i32
        %dma_wait3A_151 = tpu.memref_slice %arg5[%add3A_78, %dma_wait3A_150] : memref<1280x128xi32, #tpu.memory_space<hbm>> -> memref<24x128xi32, #tpu.memory_space<hbm>>
        %dma_wait3A_152 = arith.constant 0 : i32
        %dma_wait3A_153 = arith.constant 0 : i32
        %dma_wait3A_154 = tpu.memref_slice %arg10[%dma_wait3A_152, %dma_wait3A_153] : memref<24x128xi32, #tpu.memory_space<vmem>> -> memref<24x128xi32, #tpu.memory_space<vmem>>
        %dma_wait3A_155 = arith.constant 0 : i32
        %dma_wait3A_156 = tpu.memref_slice %arg5[%add3A_78, %dma_wait3A_155] : memref<1280x128xi32, #tpu.memory_space<hbm>> -> memref<24x128xi32, #tpu.memory_space<hbm>>
        tpu.wait_dma2 semaphore(%run_scoped3A : memref<!tpu.dma_semaphore, #tpu.memory_space<semaphore_mem>>) src(%dma_wait3A_156 : memref<24x128xi32, #tpu.memory_space<hbm>>) dst(%dma_wait3A_154 : memref<24x128xi32, #tpu.memory_space<vmem>>)
        tpu.yield
      }) : () -> ()
      %dma_start3A_79 = arith.constant 0 : i32
      %dma_start3A_80 = arith.constant 0 : i32
      %dma_start3A_81 = tpu.memref_slice %arg9[%dma_start3A_79, %dma_start3A_80] : memref<24x128xi32, #tpu.memory_space<vmem>> -> memref<1x128xi32, #tpu.memory_space<vmem>>
      %dma_start3A_82 = tpu.memref_squeeze %dma_start3A_81 : memref<1x128xi32, #tpu.memory_space<vmem>> -> memref<128xi32, #tpu.memory_space<vmem>>
      %dma_start3A_83 = arith.constant 0 : i32
      %dma_start3A_84 = arith.constant 0 : i32
      %dma_start3A_85 = tpu.memref_slice %arg2[%dma_start3A_83, %dma_start3A_84] : memref<10000x128xf32, #tpu.memory_space<hbm>> -> memref<10000x128xf32, #tpu.memory_space<hbm>>
      tpu.enqueue_indirect_dma source(%dma_start3A_85 : memref<10000x128xf32, #tpu.memory_space<hbm>>) target(%arg11 : memref<128x128xf32, #tpu.memory_space<vmem>>) offsets(%dma_start3A_82 : memref<128xi32, #tpu.memory_space<vmem>>) semaphore(%arg14 : memref<!tpu.dma_semaphore, #tpu.memory_space<semaphore_mem>>)
      %scan3A_86 = arith.constant 0 : i32
      %scan3A_87 = arith.constant 0 : i32
      %scan3A_88 = arith.constant 12 : i32
      %scan3A_89 = arith.addi %scan3A_87, %scan3A_88 : i32
      %scan3A_90 = arith.constant 1 : i32
      scf.for %scan3A_137 = %scan3A_87 to %scan3A_89 step %scan3A_90  : i32 {
        %mul3A_138 = arith.constant 2 : i32
        %mul3A_139 = arith.muli %scan3A_137, %mul3A_138 : i32
        %add3A_140 = arith.constant 0 : i32
        %add3A_141 = arith.addi %mul3A_139, %add3A_140 : i32
        %dma_wait3A_142 = arith.constant 0 : i32
        %dma_wait3A_143 = tpu.memref_slice %arg9[%add3A_141, %dma_wait3A_142] : memref<24x128xi32, #tpu.memory_space<vmem>> -> memref<1x128xi32, #tpu.memory_space<vmem>>
        %dma_wait3A_144 = tpu.memref_squeeze %dma_wait3A_143 : memref<1x128xi32, #tpu.memory_space<vmem>> -> memref<128xi32, #tpu.memory_space<vmem>>
        %dma_wait3A_145 = arith.constant 0 : i32
        %dma_wait3A_146 = arith.constant 0 : i32
        %dma_wait3A_147 = tpu.memref_slice %arg2[%dma_wait3A_145, %dma_wait3A_146] : memref<10000x128xf32, #tpu.memory_space<hbm>> -> memref<10000x128xf32, #tpu.memory_space<hbm>>
        tpu.wait_indirect_dma semaphore(%arg14 : memref<!tpu.dma_semaphore, #tpu.memory_space<semaphore_mem>>) src(%dma_wait3A_147 : memref<10000x128xf32, #tpu.memory_space<hbm>>) dst(%arg11 : memref<128x128xf32, #tpu.memory_space<vmem>>)
        %dma_start3A_148 = arith.constant 0 : i32
        %dma_start3A_149 = tpu.memref_slice %arg10[%add3A_141, %dma_start3A_148] : memref<24x128xi32, #tpu.memory_space<vmem>> -> memref<1x128xi32, #tpu.memory_space<vmem>>
        %dma_start3A_150 = tpu.memref_squeeze %dma_start3A_149 : memref<1x128xi32, #tpu.memory_space<vmem>> -> memref<128xi32, #tpu.memory_space<vmem>>
        %dma_start3A_151 = arith.constant 0 : i32
        %dma_start3A_152 = arith.constant 0 : i32
        %dma_start3A_153 = tpu.memref_slice %arg13[%dma_start3A_151, %dma_start3A_152] : memref<10112x128xf32, #tpu.memory_space<vmem_shared>> -> memref<10112x128xf32, #tpu.memory_space<vmem_shared>>
        tpu.enqueue_indirect_dma source(%arg11 : memref<128x128xf32, #tpu.memory_space<vmem>>) target(%dma_start3A_153 : memref<10112x128xf32, #tpu.memory_space<vmem_shared>>) offsets(%dma_start3A_150 : memref<128xi32, #tpu.memory_space<vmem>>) semaphore(%arg16 : memref<!tpu.dma_semaphore, #tpu.memory_space<semaphore_mem>>) {add = true}
        %add3A_154 = arith.constant 1 : i32
        %add3A_155 = arith.addi %add3A_141, %add3A_154 : i32
        %lt3A = arith.constant 24 : i32
        %lt3A_156 = arith.cmpi slt, %add3A_155, %lt3A : i32
        %convert_element_type3A_157 = arith.extui %lt3A_156 : i1 to i32
        %cond3A_158 = arith.constant 0 : i32
        %cond3A_159 = arith.cmpi ne, %convert_element_type3A_157, %cond3A_158 : i32
        scf.if %cond3A_159 {
          %ge3A = arith.constant 1 : i32
          %ge3A_183 = arith.cmpi sge, %add3A_141, %ge3A : i32
          %convert_element_type3A_184 = arith.extui %ge3A_183 : i1 to i32
          %cond3A_185 = arith.constant 0 : i32
          %cond3A_186 = arith.cmpi ne, %convert_element_type3A_184, %cond3A_185 : i32
          scf.if %cond3A_186 {
            %sub3A_193 = arith.constant 1 : i32
            %sub3A_194 = arith.subi %add3A_141, %sub3A_193 : i32
            %dma_wait3A_195 = arith.constant 0 : i32
            %dma_wait3A_196 = tpu.memref_slice %arg10[%sub3A_194, %dma_wait3A_195] : memref<24x128xi32, #tpu.memory_space<vmem>> -> memref<1x128xi32, #tpu.memory_space<vmem>>
            %dma_wait3A_197 = tpu.memref_squeeze %dma_wait3A_196 : memref<1x128xi32, #tpu.memory_space<vmem>> -> memref<128xi32, #tpu.memory_space<vmem>>
            %dma_wait3A_198 = arith.constant 0 : i32
            %dma_wait3A_199 = arith.constant 0 : i32
            %dma_wait3A_200 = tpu.memref_slice %arg13[%dma_wait3A_198, %dma_wait3A_199] : memref<10112x128xf32, #tpu.memory_space<vmem_shared>> -> memref<10112x128xf32, #tpu.memory_space<vmem_shared>>
            tpu.wait_indirect_dma semaphore(%arg17 : memref<!tpu.dma_semaphore, #tpu.memory_space<semaphore_mem>>) src(%arg12 : memref<128x128xf32, #tpu.memory_space<vmem>>) dst(%dma_wait3A_200 : memref<10112x128xf32, #tpu.memory_space<vmem_shared>>)
          } else {
          }
          %dma_start3A_187 = arith.constant 0 : i32
          %dma_start3A_188 = tpu.memref_slice %arg9[%add3A_155, %dma_start3A_187] : memref<24x128xi32, #tpu.memory_space<vmem>> -> memref<1x128xi32, #tpu.memory_space<vmem>>
          %dma_start3A_189 = tpu.memref_squeeze %dma_start3A_188 : memref<1x128xi32, #tpu.memory_space<vmem>> -> memref<128xi32, #tpu.memory_space<vmem>>
          %dma_start3A_190 = arith.constant 0 : i32
          %dma_start3A_191 = arith.constant 0 : i32
          %dma_start3A_192 = tpu.memref_slice %arg2[%dma_start3A_190, %dma_start3A_191] : memref<10000x128xf32, #tpu.memory_space<hbm>> -> memref<10000x128xf32, #tpu.memory_space<hbm>>
          tpu.enqueue_indirect_dma source(%dma_start3A_192 : memref<10000x128xf32, #tpu.memory_space<hbm>>) target(%arg12 : memref<128x128xf32, #tpu.memory_space<vmem>>) offsets(%dma_start3A_189 : memref<128xi32, #tpu.memory_space<vmem>>) semaphore(%arg15 : memref<!tpu.dma_semaphore, #tpu.memory_space<semaphore_mem>>)
        } else {
        }
        %mul3A_160 = arith.constant 2 : i32
        %mul3A_161 = arith.muli %scan3A_137, %mul3A_160 : i32
        %add3A_162 = arith.constant 1 : i32
        %add3A_163 = arith.addi %mul3A_161, %add3A_162 : i32
        %dma_wait3A_164 = arith.constant 0 : i32
        %dma_wait3A_165 = tpu.memref_slice %arg9[%add3A_163, %dma_wait3A_164] : memref<24x128xi32, #tpu.memory_space<vmem>> -> memref<1x128xi32, #tpu.memory_space<vmem>>
        %dma_wait3A_166 = tpu.memref_squeeze %dma_wait3A_165 : memref<1x128xi32, #tpu.memory_space<vmem>> -> memref<128xi32, #tpu.memory_space<vmem>>
        %dma_wait3A_167 = arith.constant 0 : i32
        %dma_wait3A_168 = arith.constant 0 : i32
        %dma_wait3A_169 = tpu.memref_slice %arg2[%dma_wait3A_167, %dma_wait3A_168] : memref<10000x128xf32, #tpu.memory_space<hbm>> -> memref<10000x128xf32, #tpu.memory_space<hbm>>
        tpu.wait_indirect_dma semaphore(%arg15 : memref<!tpu.dma_semaphore, #tpu.memory_space<semaphore_mem>>) src(%dma_wait3A_169 : memref<10000x128xf32, #tpu.memory_space<hbm>>) dst(%arg12 : memref<128x128xf32, #tpu.memory_space<vmem>>)
        %dma_start3A_170 = arith.constant 0 : i32
        %dma_start3A_171 = tpu.memref_slice %arg10[%add3A_163, %dma_start3A_170] : memref<24x128xi32, #tpu.memory_space<vmem>> -> memref<1x128xi32, #tpu.memory_space<vmem>>
        %dma_start3A_172 = tpu.memref_squeeze %dma_start3A_171 : memref<1x128xi32, #tpu.memory_space<vmem>> -> memref<128xi32, #tpu.memory_space<vmem>>
        %dma_start3A_173 = arith.constant 0 : i32
        %dma_start3A_174 = arith.constant 0 : i32
        %dma_start3A_175 = tpu.memref_slice %arg13[%dma_start3A_173, %dma_start3A_174] : memref<10112x128xf32, #tpu.memory_space<vmem_shared>> -> memref<10112x128xf32, #tpu.memory_space<vmem_shared>>
        tpu.enqueue_indirect_dma source(%arg12 : memref<128x128xf32, #tpu.memory_space<vmem>>) target(%dma_start3A_175 : memref<10112x128xf32, #tpu.memory_space<vmem_shared>>) offsets(%dma_start3A_172 : memref<128xi32, #tpu.memory_space<vmem>>) semaphore(%arg17 : memref<!tpu.dma_semaphore, #tpu.memory_space<semaphore_mem>>) {add = true}
        %add3A_176 = arith.constant 1 : i32
        %add3A_177 = arith.addi %add3A_163, %add3A_176 : i32
        %lt3A_178 = arith.constant 24 : i32
        %lt3A_179 = arith.cmpi slt, %add3A_177, %lt3A_178 : i32
        %convert_element_type3A_180 = arith.extui %lt3A_179 : i1 to i32
        %cond3A_181 = arith.constant 0 : i32
        %cond3A_182 = arith.cmpi ne, %convert_element_type3A_180, %cond3A_181 : i32
        scf.if %cond3A_182 {
          %ge3A = arith.constant 1 : i32
          %ge3A_183 = arith.cmpi sge, %add3A_163, %ge3A : i32
          %convert_element_type3A_184 = arith.extui %ge3A_183 : i1 to i32
          %cond3A_185 = arith.constant 0 : i32
          %cond3A_186 = arith.cmpi ne, %convert_element_type3A_184, %cond3A_185 : i32
          scf.if %cond3A_186 {
            %sub3A_193 = arith.constant 1 : i32
            %sub3A_194 = arith.subi %add3A_163, %sub3A_193 : i32
            %dma_wait3A_195 = arith.constant 0 : i32
            %dma_wait3A_196 = tpu.memref_slice %arg10[%sub3A_194, %dma_wait3A_195] : memref<24x128xi32, #tpu.memory_space<vmem>> -> memref<1x128xi32, #tpu.memory_space<vmem>>
            %dma_wait3A_197 = tpu.memref_squeeze %dma_wait3A_196 : memref<1x128xi32, #tpu.memory_space<vmem>> -> memref<128xi32, #tpu.memory_space<vmem>>
            %dma_wait3A_198 = arith.constant 0 : i32
            %dma_wait3A_199 = arith.constant 0 : i32
            %dma_wait3A_200 = tpu.memref_slice %arg13[%dma_wait3A_198, %dma_wait3A_199] : memref<10112x128xf32, #tpu.memory_space<vmem_shared>> -> memref<10112x128xf32, #tpu.memory_space<vmem_shared>>
            tpu.wait_indirect_dma semaphore(%arg16 : memref<!tpu.dma_semaphore, #tpu.memory_space<semaphore_mem>>) src(%arg11 : memref<128x128xf32, #tpu.memory_space<vmem>>) dst(%dma_wait3A_200 : memref<10112x128xf32, #tpu.memory_space<vmem_shared>>)
          } else {
          }
          %dma_start3A_187 = arith.constant 0 : i32
          %dma_start3A_188 = tpu.memref_slice %arg9[%add3A_177, %dma_start3A_187] : memref<24x128xi32, #tpu.memory_space<vmem>> -> memref<1x128xi32, #tpu.memory_space<vmem>>
          %dma_start3A_189 = tpu.memref_squeeze %dma_start3A_188 : memref<1x128xi32, #tpu.memory_space<vmem>> -> memref<128xi32, #tpu.memory_space<vmem>>
          %dma_start3A_190 = arith.constant 0 : i32
          %dma_start3A_191 = arith.constant 0 : i32
          %dma_start3A_192 = tpu.memref_slice %arg2[%dma_start3A_190, %dma_start3A_191] : memref<10000x128xf32, #tpu.memory_space<hbm>> -> memref<10000x128xf32, #tpu.memory_space<hbm>>
          tpu.enqueue_indirect_dma source(%dma_start3A_192 : memref<10000x128xf32, #tpu.memory_space<hbm>>) target(%arg11 : memref<128x128xf32, #tpu.memory_space<vmem>>) offsets(%dma_start3A_189 : memref<128xi32, #tpu.memory_space<vmem>>) semaphore(%arg14 : memref<!tpu.dma_semaphore, #tpu.memory_space<semaphore_mem>>)
        } else {
        }
      }
      %scan3A_91 = arith.constant 12 : i32
      %dma_wait3A_92 = arith.constant 22 : i32
      %dma_wait3A_93 = arith.constant 0 : i32
      %dma_wait3A_94 = tpu.memref_slice %arg10[%dma_wait3A_92, %dma_wait3A_93] : memref<24x128xi32, #tpu.memory_space<vmem>> -> memref<1x128xi32, #tpu.memory_space<vmem>>
      %dma_wait3A_95 = tpu.memref_squeeze %dma_wait3A_94 : memref<1x128xi32, #tpu.memory_space<vmem>> -> memref<128xi32, #tpu.memory_space<vmem>>
      %dma_wait3A_96 = arith.constant 0 : i32
      %dma_wait3A_97 = arith.constant 0 : i32
      %dma_wait3A_98 = tpu.memref_slice %arg13[%dma_wait3A_96, %dma_wait3A_97] : memref<10112x128xf32, #tpu.memory_space<vmem_shared>> -> memref<10112x128xf32, #tpu.memory_space<vmem_shared>>
      tpu.wait_indirect_dma semaphore(%arg16 : memref<!tpu.dma_semaphore, #tpu.memory_space<semaphore_mem>>) src(%arg11 : memref<128x128xf32, #tpu.memory_space<vmem>>) dst(%dma_wait3A_98 : memref<10112x128xf32, #tpu.memory_space<vmem_shared>>)
      %dma_wait3A_99 = arith.constant 23 : i32
      %dma_wait3A_100 = arith.constant 0 : i32
      %dma_wait3A_101 = tpu.memref_slice %arg10[%dma_wait3A_99, %dma_wait3A_100] : memref<24x128xi32, #tpu.memory_space<vmem>> -> memref<1x128xi32, #tpu.memory_space<vmem>>
      %dma_wait3A_102 = tpu.memref_squeeze %dma_wait3A_101 : memref<1x128xi32, #tpu.memory_space<vmem>> -> memref<128xi32, #tpu.memory_space<vmem>>
      %dma_wait3A_103 = arith.constant 0 : i32
      %dma_wait3A_104 = arith.constant 0 : i32
      %dma_wait3A_105 = tpu.memref_slice %arg13[%dma_wait3A_103, %dma_wait3A_104] : memref<10112x128xf32, #tpu.memory_space<vmem_shared>> -> memref<10112x128xf32, #tpu.memory_space<vmem_shared>>
      tpu.wait_indirect_dma semaphore(%arg17 : memref<!tpu.dma_semaphore, #tpu.memory_space<semaphore_mem>>) src(%arg12 : memref<128x128xf32, #tpu.memory_space<vmem>>) dst(%dma_wait3A_105 : memref<10112x128xf32, #tpu.memory_space<vmem_shared>>)
      %mul3A_106 = arith.constant 72 : i32
      %mul3A_107 = arith.muli %arg1, %mul3A_106 : i32
      %add3A_108 = arith.constant 48 : i32
      %add3A_109 = arith.addi %mul3A_107, %add3A_108 : i32
      "tpu.region"() ({
        %run_scoped3A = tpu.sem_alloc : memref<!tpu.dma_semaphore, #tpu.memory_space<semaphore_mem>>
        %dma_start3A_137 = arith.constant 0 : i32
        %dma_start3A_138 = arith.constant 0 : i32
        %dma_start3A_139 = tpu.memref_slice %arg9[%dma_start3A_137, %dma_start3A_138] : memref<24x128xi32, #tpu.memory_space<vmem>> -> memref<24x128xi32, #tpu.memory_space<vmem>>
        %dma_start3A_140 = arith.constant 0 : i32
        %dma_start3A_141 = tpu.memref_slice %arg4[%add3A_109, %dma_start3A_140] : memref<1280x128xi32, #tpu.memory_space<hbm>> -> memref<24x128xi32, #tpu.memory_space<hbm>>
        %dma_start3A_142 = arith.constant 0 : i32
        %dma_start3A_143 = arith.constant 0 : i32
        %dma_start3A_144 = tpu.memref_slice %arg9[%dma_start3A_142, %dma_start3A_143] : memref<24x128xi32, #tpu.memory_space<vmem>> -> memref<24x128xi32, #tpu.memory_space<vmem>>
        %dma_start3A_145 = arith.constant 0 : i32
        %dma_start3A_146 = tpu.memref_slice %arg4[%add3A_109, %dma_start3A_145] : memref<1280x128xi32, #tpu.memory_space<hbm>> -> memref<24x128xi32, #tpu.memory_space<hbm>>
        tpu.enqueue_dma source(%dma_start3A_146 : memref<24x128xi32, #tpu.memory_space<hbm>>) target(%dma_start3A_144 : memref<24x128xi32, #tpu.memory_space<vmem>>) target_semaphore(%run_scoped3A : memref<!tpu.dma_semaphore, #tpu.memory_space<semaphore_mem>>)
        %dma_wait3A_147 = arith.constant 0 : i32
        %dma_wait3A_148 = arith.constant 0 : i32
        %dma_wait3A_149 = tpu.memref_slice %arg9[%dma_wait3A_147, %dma_wait3A_148] : memref<24x128xi32, #tpu.memory_space<vmem>> -> memref<24x128xi32, #tpu.memory_space<vmem>>
        %dma_wait3A_150 = arith.constant 0 : i32
        %dma_wait3A_151 = tpu.memref_slice %arg4[%add3A_109, %dma_wait3A_150] : memref<1280x128xi32, #tpu.memory_space<hbm>> -> memref<24x128xi32, #tpu.memory_space<hbm>>
        %dma_wait3A_152 = arith.constant 0 : i32
        %dma_wait3A_153 = arith.constant 0 : i32
        %dma_wait3A_154 = tpu.memref_slice %arg9[%dma_wait3A_152, %dma_wait3A_153] : memref<24x128xi32, #tpu.memory_space<vmem>> -> memref<24x128xi32, #tpu.memory_space<vmem>>
        %dma_wait3A_155 = arith.constant 0 : i32
        %dma_wait3A_156 = tpu.memref_slice %arg4[%add3A_109, %dma_wait3A_155] : memref<1280x128xi32, #tpu.memory_space<hbm>> -> memref<24x128xi32, #tpu.memory_space<hbm>>
        tpu.wait_dma2 semaphore(%run_scoped3A : memref<!tpu.dma_semaphore, #tpu.memory_space<semaphore_mem>>) src(%dma_wait3A_156 : memref<24x128xi32, #tpu.memory_space<hbm>>) dst(%dma_wait3A_154 : memref<24x128xi32, #tpu.memory_space<vmem>>)
        tpu.yield
      }) : () -> ()
      "tpu.region"() ({
        %run_scoped3A = tpu.sem_alloc : memref<!tpu.dma_semaphore, #tpu.memory_space<semaphore_mem>>
        %dma_start3A_137 = arith.constant 0 : i32
        %dma_start3A_138 = arith.constant 0 : i32
        %dma_start3A_139 = tpu.memref_slice %arg10[%dma_start3A_137, %dma_start3A_138] : memref<24x128xi32, #tpu.memory_space<vmem>> -> memref<24x128xi32, #tpu.memory_space<vmem>>
        %dma_start3A_140 = arith.constant 0 : i32
        %dma_start3A_141 = tpu.memref_slice %arg5[%add3A_109, %dma_start3A_140] : memref<1280x128xi32, #tpu.memory_space<hbm>> -> memref<24x128xi32, #tpu.memory_space<hbm>>
        %dma_start3A_142 = arith.constant 0 : i32
        %dma_start3A_143 = arith.constant 0 : i32
        %dma_start3A_144 = tpu.memref_slice %arg10[%dma_start3A_142, %dma_start3A_143] : memref<24x128xi32, #tpu.memory_space<vmem>> -> memref<24x128xi32, #tpu.memory_space<vmem>>
        %dma_start3A_145 = arith.constant 0 : i32
        %dma_start3A_146 = tpu.memref_slice %arg5[%add3A_109, %dma_start3A_145] : memref<1280x128xi32, #tpu.memory_space<hbm>> -> memref<24x128xi32, #tpu.memory_space<hbm>>
        tpu.enqueue_dma source(%dma_start3A_146 : memref<24x128xi32, #tpu.memory_space<hbm>>) target(%dma_start3A_144 : memref<24x128xi32, #tpu.memory_space<vmem>>) target_semaphore(%run_scoped3A : memref<!tpu.dma_semaphore, #tpu.memory_space<semaphore_mem>>)
        %dma_wait3A_147 = arith.constant 0 : i32
        %dma_wait3A_148 = arith.constant 0 : i32
        %dma_wait3A_149 = tpu.memref_slice %arg10[%dma_wait3A_147, %dma_wait3A_148] : memref<24x128xi32, #tpu.memory_space<vmem>> -> memref<24x128xi32, #tpu.memory_space<vmem>>
        %dma_wait3A_150 = arith.constant 0 : i32
        %dma_wait3A_151 = tpu.memref_slice %arg5[%add3A_109, %dma_wait3A_150] : memref<1280x128xi32, #tpu.memory_space<hbm>> -> memref<24x128xi32, #tpu.memory_space<hbm>>
        %dma_wait3A_152 = arith.constant 0 : i32
        %dma_wait3A_153 = arith.constant 0 : i32
        %dma_wait3A_154 = tpu.memref_slice %arg10[%dma_wait3A_152, %dma_wait3A_153] : memref<24x128xi32, #tpu.memory_space<vmem>> -> memref<24x128xi32, #tpu.memory_space<vmem>>
        %dma_wait3A_155 = arith.constant 0 : i32
        %dma_wait3A_156 = tpu.memref_slice %arg5[%add3A_109, %dma_wait3A_155] : memref<1280x128xi32, #tpu.memory_space<hbm>> -> memref<24x128xi32, #tpu.memory_space<hbm>>
        tpu.wait_dma2 semaphore(%run_scoped3A : memref<!tpu.dma_semaphore, #tpu.memory_space<semaphore_mem>>) src(%dma_wait3A_156 : memref<24x128xi32, #tpu.memory_space<hbm>>) dst(%dma_wait3A_154 : memref<24x128xi32, #tpu.memory_space<vmem>>)
        tpu.yield
      }) : () -> ()
      %dma_start3A_110 = arith.constant 0 : i32
      %dma_start3A_111 = arith.constant 0 : i32
      %dma_start3A_112 = tpu.memref_slice %arg9[%dma_start3A_110, %dma_start3A_111] : memref<24x128xi32, #tpu.memory_space<vmem>> -> memref<1x128xi32, #tpu.memory_space<vmem>>
      %dma_start3A_113 = tpu.memref_squeeze %dma_start3A_112 : memref<1x128xi32, #tpu.memory_space<vmem>> -> memref<128xi32, #tpu.memory_space<vmem>>
      %dma_start3A_114 = arith.constant 0 : i32
      %dma_start3A_115 = arith.constant 0 : i32
      %dma_start3A_116 = tpu.memref_slice %arg2[%dma_start3A_114, %dma_start3A_115] : memref<10000x128xf32, #tpu.memory_space<hbm>> -> memref<10000x128xf32, #tpu.memory_space<hbm>>
      tpu.enqueue_indirect_dma source(%dma_start3A_116 : memref<10000x128xf32, #tpu.memory_space<hbm>>) target(%arg11 : memref<128x128xf32, #tpu.memory_space<vmem>>) offsets(%dma_start3A_113 : memref<128xi32, #tpu.memory_space<vmem>>) semaphore(%arg14 : memref<!tpu.dma_semaphore, #tpu.memory_space<semaphore_mem>>)
      %scan3A_117 = arith.constant 0 : i32
      %scan3A_118 = arith.constant 0 : i32
      %scan3A_119 = arith.constant 12 : i32
      %scan3A_120 = arith.addi %scan3A_118, %scan3A_119 : i32
      %scan3A_121 = arith.constant 1 : i32
      scf.for %scan3A_137 = %scan3A_118 to %scan3A_120 step %scan3A_121  : i32 {
        %mul3A_138 = arith.constant 2 : i32
        %mul3A_139 = arith.muli %scan3A_137, %mul3A_138 : i32
        %add3A_140 = arith.constant 0 : i32
        %add3A_141 = arith.addi %mul3A_139, %add3A_140 : i32
        %dma_wait3A_142 = arith.constant 0 : i32
        %dma_wait3A_143 = tpu.memref_slice %arg9[%add3A_141, %dma_wait3A_142] : memref<24x128xi32, #tpu.memory_space<vmem>> -> memref<1x128xi32, #tpu.memory_space<vmem>>
        %dma_wait3A_144 = tpu.memref_squeeze %dma_wait3A_143 : memref<1x128xi32, #tpu.memory_space<vmem>> -> memref<128xi32, #tpu.memory_space<vmem>>
        %dma_wait3A_145 = arith.constant 0 : i32
        %dma_wait3A_146 = arith.constant 0 : i32
        %dma_wait3A_147 = tpu.memref_slice %arg2[%dma_wait3A_145, %dma_wait3A_146] : memref<10000x128xf32, #tpu.memory_space<hbm>> -> memref<10000x128xf32, #tpu.memory_space<hbm>>
        tpu.wait_indirect_dma semaphore(%arg14 : memref<!tpu.dma_semaphore, #tpu.memory_space<semaphore_mem>>) src(%dma_wait3A_147 : memref<10000x128xf32, #tpu.memory_space<hbm>>) dst(%arg11 : memref<128x128xf32, #tpu.memory_space<vmem>>)
        %dma_start3A_148 = arith.constant 0 : i32
        %dma_start3A_149 = tpu.memref_slice %arg10[%add3A_141, %dma_start3A_148] : memref<24x128xi32, #tpu.memory_space<vmem>> -> memref<1x128xi32, #tpu.memory_space<vmem>>
        %dma_start3A_150 = tpu.memref_squeeze %dma_start3A_149 : memref<1x128xi32, #tpu.memory_space<vmem>> -> memref<128xi32, #tpu.memory_space<vmem>>
        %dma_start3A_151 = arith.constant 0 : i32
        %dma_start3A_152 = arith.constant 0 : i32
        %dma_start3A_153 = tpu.memref_slice %arg13[%dma_start3A_151, %dma_start3A_152] : memref<10112x128xf32, #tpu.memory_space<vmem_shared>> -> memref<10112x128xf32, #tpu.memory_space<vmem_shared>>
        tpu.enqueue_indirect_dma source(%arg11 : memref<128x128xf32, #tpu.memory_space<vmem>>) target(%dma_start3A_153 : memref<10112x128xf32, #tpu.memory_space<vmem_shared>>) offsets(%dma_start3A_150 : memref<128xi32, #tpu.memory_space<vmem>>) semaphore(%arg16 : memref<!tpu.dma_semaphore, #tpu.memory_space<semaphore_mem>>) {add = true}
        %add3A_154 = arith.constant 1 : i32
        %add3A_155 = arith.addi %add3A_141, %add3A_154 : i32
        %lt3A = arith.constant 24 : i32
        %lt3A_156 = arith.cmpi slt, %add3A_155, %lt3A : i32
        %convert_element_type3A_157 = arith.extui %lt3A_156 : i1 to i32
        %cond3A_158 = arith.constant 0 : i32
        %cond3A_159 = arith.cmpi ne, %convert_element_type3A_157, %cond3A_158 : i32
        scf.if %cond3A_159 {
          %ge3A = arith.constant 1 : i32
          %ge3A_183 = arith.cmpi sge, %add3A_141, %ge3A : i32
          %convert_element_type3A_184 = arith.extui %ge3A_183 : i1 to i32
          %cond3A_185 = arith.constant 0 : i32
          %cond3A_186 = arith.cmpi ne, %convert_element_type3A_184, %cond3A_185 : i32
          scf.if %cond3A_186 {
            %sub3A_193 = arith.constant 1 : i32
            %sub3A_194 = arith.subi %add3A_141, %sub3A_193 : i32
            %dma_wait3A_195 = arith.constant 0 : i32
            %dma_wait3A_196 = tpu.memref_slice %arg10[%sub3A_194, %dma_wait3A_195] : memref<24x128xi32, #tpu.memory_space<vmem>> -> memref<1x128xi32, #tpu.memory_space<vmem>>
            %dma_wait3A_197 = tpu.memref_squeeze %dma_wait3A_196 : memref<1x128xi32, #tpu.memory_space<vmem>> -> memref<128xi32, #tpu.memory_space<vmem>>
            %dma_wait3A_198 = arith.constant 0 : i32
            %dma_wait3A_199 = arith.constant 0 : i32
            %dma_wait3A_200 = tpu.memref_slice %arg13[%dma_wait3A_198, %dma_wait3A_199] : memref<10112x128xf32, #tpu.memory_space<vmem_shared>> -> memref<10112x128xf32, #tpu.memory_space<vmem_shared>>
            tpu.wait_indirect_dma semaphore(%arg17 : memref<!tpu.dma_semaphore, #tpu.memory_space<semaphore_mem>>) src(%arg12 : memref<128x128xf32, #tpu.memory_space<vmem>>) dst(%dma_wait3A_200 : memref<10112x128xf32, #tpu.memory_space<vmem_shared>>)
          } else {
          }
          %dma_start3A_187 = arith.constant 0 : i32
          %dma_start3A_188 = tpu.memref_slice %arg9[%add3A_155, %dma_start3A_187] : memref<24x128xi32, #tpu.memory_space<vmem>> -> memref<1x128xi32, #tpu.memory_space<vmem>>
          %dma_start3A_189 = tpu.memref_squeeze %dma_start3A_188 : memref<1x128xi32, #tpu.memory_space<vmem>> -> memref<128xi32, #tpu.memory_space<vmem>>
          %dma_start3A_190 = arith.constant 0 : i32
          %dma_start3A_191 = arith.constant 0 : i32
          %dma_start3A_192 = tpu.memref_slice %arg2[%dma_start3A_190, %dma_start3A_191] : memref<10000x128xf32, #tpu.memory_space<hbm>> -> memref<10000x128xf32, #tpu.memory_space<hbm>>
          tpu.enqueue_indirect_dma source(%dma_start3A_192 : memref<10000x128xf32, #tpu.memory_space<hbm>>) target(%arg12 : memref<128x128xf32, #tpu.memory_space<vmem>>) offsets(%dma_start3A_189 : memref<128xi32, #tpu.memory_space<vmem>>) semaphore(%arg15 : memref<!tpu.dma_semaphore, #tpu.memory_space<semaphore_mem>>)
        } else {
        }
        %mul3A_160 = arith.constant 2 : i32
        %mul3A_161 = arith.muli %scan3A_137, %mul3A_160 : i32
        %add3A_162 = arith.constant 1 : i32
        %add3A_163 = arith.addi %mul3A_161, %add3A_162 : i32
        %dma_wait3A_164 = arith.constant 0 : i32
        %dma_wait3A_165 = tpu.memref_slice %arg9[%add3A_163, %dma_wait3A_164] : memref<24x128xi32, #tpu.memory_space<vmem>> -> memref<1x128xi32, #tpu.memory_space<vmem>>
        %dma_wait3A_166 = tpu.memref_squeeze %dma_wait3A_165 : memref<1x128xi32, #tpu.memory_space<vmem>> -> memref<128xi32, #tpu.memory_space<vmem>>
        %dma_wait3A_167 = arith.constant 0 : i32
        %dma_wait3A_168 = arith.constant 0 : i32
        %dma_wait3A_169 = tpu.memref_slice %arg2[%dma_wait3A_167, %dma_wait3A_168] : memref<10000x128xf32, #tpu.memory_space<hbm>> -> memref<10000x128xf32, #tpu.memory_space<hbm>>
        tpu.wait_indirect_dma semaphore(%arg15 : memref<!tpu.dma_semaphore, #tpu.memory_space<semaphore_mem>>) src(%dma_wait3A_169 : memref<10000x128xf32, #tpu.memory_space<hbm>>) dst(%arg12 : memref<128x128xf32, #tpu.memory_space<vmem>>)
        %dma_start3A_170 = arith.constant 0 : i32
        %dma_start3A_171 = tpu.memref_slice %arg10[%add3A_163, %dma_start3A_170] : memref<24x128xi32, #tpu.memory_space<vmem>> -> memref<1x128xi32, #tpu.memory_space<vmem>>
        %dma_start3A_172 = tpu.memref_squeeze %dma_start3A_171 : memref<1x128xi32, #tpu.memory_space<vmem>> -> memref<128xi32, #tpu.memory_space<vmem>>
        %dma_start3A_173 = arith.constant 0 : i32
        %dma_start3A_174 = arith.constant 0 : i32
        %dma_start3A_175 = tpu.memref_slice %arg13[%dma_start3A_173, %dma_start3A_174] : memref<10112x128xf32, #tpu.memory_space<vmem_shared>> -> memref<10112x128xf32, #tpu.memory_space<vmem_shared>>
        tpu.enqueue_indirect_dma source(%arg12 : memref<128x128xf32, #tpu.memory_space<vmem>>) target(%dma_start3A_175 : memref<10112x128xf32, #tpu.memory_space<vmem_shared>>) offsets(%dma_start3A_172 : memref<128xi32, #tpu.memory_space<vmem>>) semaphore(%arg17 : memref<!tpu.dma_semaphore, #tpu.memory_space<semaphore_mem>>) {add = true}
        %add3A_176 = arith.constant 1 : i32
        %add3A_177 = arith.addi %add3A_163, %add3A_176 : i32
        %lt3A_178 = arith.constant 24 : i32
        %lt3A_179 = arith.cmpi slt, %add3A_177, %lt3A_178 : i32
        %convert_element_type3A_180 = arith.extui %lt3A_179 : i1 to i32
        %cond3A_181 = arith.constant 0 : i32
        %cond3A_182 = arith.cmpi ne, %convert_element_type3A_180, %cond3A_181 : i32
        scf.if %cond3A_182 {
          %ge3A = arith.constant 1 : i32
          %ge3A_183 = arith.cmpi sge, %add3A_163, %ge3A : i32
          %convert_element_type3A_184 = arith.extui %ge3A_183 : i1 to i32
          %cond3A_185 = arith.constant 0 : i32
          %cond3A_186 = arith.cmpi ne, %convert_element_type3A_184, %cond3A_185 : i32
          scf.if %cond3A_186 {
            %sub3A_193 = arith.constant 1 : i32
            %sub3A_194 = arith.subi %add3A_163, %sub3A_193 : i32
            %dma_wait3A_195 = arith.constant 0 : i32
            %dma_wait3A_196 = tpu.memref_slice %arg10[%sub3A_194, %dma_wait3A_195] : memref<24x128xi32, #tpu.memory_space<vmem>> -> memref<1x128xi32, #tpu.memory_space<vmem>>
            %dma_wait3A_197 = tpu.memref_squeeze %dma_wait3A_196 : memref<1x128xi32, #tpu.memory_space<vmem>> -> memref<128xi32, #tpu.memory_space<vmem>>
            %dma_wait3A_198 = arith.constant 0 : i32
            %dma_wait3A_199 = arith.constant 0 : i32
            %dma_wait3A_200 = tpu.memref_slice %arg13[%dma_wait3A_198, %dma_wait3A_199] : memref<10112x128xf32, #tpu.memory_space<vmem_shared>> -> memref<10112x128xf32, #tpu.memory_space<vmem_shared>>
            tpu.wait_indirect_dma semaphore(%arg16 : memref<!tpu.dma_semaphore, #tpu.memory_space<semaphore_mem>>) src(%arg11 : memref<128x128xf32, #tpu.memory_space<vmem>>) dst(%dma_wait3A_200 : memref<10112x128xf32, #tpu.memory_space<vmem_shared>>)
          } else {
          }
          %dma_start3A_187 = arith.constant 0 : i32
          %dma_start3A_188 = tpu.memref_slice %arg9[%add3A_177, %dma_start3A_187] : memref<24x128xi32, #tpu.memory_space<vmem>> -> memref<1x128xi32, #tpu.memory_space<vmem>>
          %dma_start3A_189 = tpu.memref_squeeze %dma_start3A_188 : memref<1x128xi32, #tpu.memory_space<vmem>> -> memref<128xi32, #tpu.memory_space<vmem>>
          %dma_start3A_190 = arith.constant 0 : i32
          %dma_start3A_191 = arith.constant 0 : i32
          %dma_start3A_192 = tpu.memref_slice %arg2[%dma_start3A_190, %dma_start3A_191] : memref<10000x128xf32, #tpu.memory_space<hbm>> -> memref<10000x128xf32, #tpu.memory_space<hbm>>
          tpu.enqueue_indirect_dma source(%dma_start3A_192 : memref<10000x128xf32, #tpu.memory_space<hbm>>) target(%arg11 : memref<128x128xf32, #tpu.memory_space<vmem>>) offsets(%dma_start3A_189 : memref<128xi32, #tpu.memory_space<vmem>>) semaphore(%arg14 : memref<!tpu.dma_semaphore, #tpu.memory_space<semaphore_mem>>)
        } else {
        }
      }
      %scan3A_122 = arith.constant 12 : i32
      %dma_wait3A_123 = arith.constant 22 : i32
      %dma_wait3A_124 = arith.constant 0 : i32
      %dma_wait3A_125 = tpu.memref_slice %arg10[%dma_wait3A_123, %dma_wait3A_124] : memref<24x128xi32, #tpu.memory_space<vmem>> -> memref<1x128xi32, #tpu.memory_space<vmem>>
      %dma_wait3A_126 = tpu.memref_squeeze %dma_wait3A_125 : memref<1x128xi32, #tpu.memory_space<vmem>> -> memref<128xi32, #tpu.memory_space<vmem>>
      %dma_wait3A_127 = arith.constant 0 : i32
      %dma_wait3A_128 = arith.constant 0 : i32
      %dma_wait3A_129 = tpu.memref_slice %arg13[%dma_wait3A_127, %dma_wait3A_128] : memref<10112x128xf32, #tpu.memory_space<vmem_shared>> -> memref<10112x128xf32, #tpu.memory_space<vmem_shared>>
      tpu.wait_indirect_dma semaphore(%arg16 : memref<!tpu.dma_semaphore, #tpu.memory_space<semaphore_mem>>) src(%arg11 : memref<128x128xf32, #tpu.memory_space<vmem>>) dst(%dma_wait3A_129 : memref<10112x128xf32, #tpu.memory_space<vmem_shared>>)
      %dma_wait3A_130 = arith.constant 23 : i32
      %dma_wait3A_131 = arith.constant 0 : i32
      %dma_wait3A_132 = tpu.memref_slice %arg10[%dma_wait3A_130, %dma_wait3A_131] : memref<24x128xi32, #tpu.memory_space<vmem>> -> memref<1x128xi32, #tpu.memory_space<vmem>>
      %dma_wait3A_133 = tpu.memref_squeeze %dma_wait3A_132 : memref<1x128xi32, #tpu.memory_space<vmem>> -> memref<128xi32, #tpu.memory_space<vmem>>
      %dma_wait3A_134 = arith.constant 0 : i32
      %dma_wait3A_135 = arith.constant 0 : i32
      %dma_wait3A_136 = tpu.memref_slice %arg13[%dma_wait3A_134, %dma_wait3A_135] : memref<10112x128xf32, #tpu.memory_space<vmem_shared>> -> memref<10112x128xf32, #tpu.memory_space<vmem_shared>>
      tpu.wait_indirect_dma semaphore(%arg17 : memref<!tpu.dma_semaphore, #tpu.memory_space<semaphore_mem>>) src(%arg12 : memref<128x128xf32, #tpu.memory_space<vmem>>) dst(%dma_wait3A_136 : memref<10112x128xf32, #tpu.memory_space<vmem_shared>>)
    } else {
    }
    %eq3A_26 = arith.constant 1 : i32
    %eq3A_27 = arith.cmpi eq, %arg0, %eq3A_26 : i32
    %convert_element_type3A_28 = arith.extui %eq3A_27 : i1 to i32
    %cond3A_29 = arith.constant 0 : i32
    %cond3A_30 = arith.cmpi ne, %convert_element_type3A_28, %cond3A_29 : i32
    scf.if %cond3A_30 {
      %mul3A_46 = arith.constant 8 : i32
      %mul3A_47 = arith.muli %arg1, %mul3A_46 : i32
      %add3A_48 = arith.constant 1152 : i32
      %add3A_49 = arith.addi %add3A_48, %mul3A_47 : i32
      "tpu.region"() ({
        %run_scoped3A = tpu.sem_alloc : memref<!tpu.dma_semaphore, #tpu.memory_space<semaphore_mem>>
        %dma_start3A_75 = arith.constant 0 : i32
        %dma_start3A_76 = arith.constant 0 : i32
        %dma_start3A_77 = tpu.memref_slice %arg9[%dma_start3A_75, %dma_start3A_76] : memref<24x128xi32, #tpu.memory_space<vmem>> -> memref<8x128xi32, #tpu.memory_space<vmem>>
        %dma_start3A_78 = arith.constant 0 : i32
        %dma_start3A_79 = tpu.memref_slice %arg4[%add3A_49, %dma_start3A_78] : memref<1280x128xi32, #tpu.memory_space<hbm>> -> memref<8x128xi32, #tpu.memory_space<hbm>>
        %dma_start3A_80 = arith.constant 0 : i32
        %dma_start3A_81 = arith.constant 0 : i32
        %dma_start3A_82 = tpu.memref_slice %arg9[%dma_start3A_80, %dma_start3A_81] : memref<24x128xi32, #tpu.memory_space<vmem>> -> memref<8x128xi32, #tpu.memory_space<vmem>>
        %dma_start3A_83 = arith.constant 0 : i32
        %dma_start3A_84 = tpu.memref_slice %arg4[%add3A_49, %dma_start3A_83] : memref<1280x128xi32, #tpu.memory_space<hbm>> -> memref<8x128xi32, #tpu.memory_space<hbm>>
        tpu.enqueue_dma source(%dma_start3A_84 : memref<8x128xi32, #tpu.memory_space<hbm>>) target(%dma_start3A_82 : memref<8x128xi32, #tpu.memory_space<vmem>>) target_semaphore(%run_scoped3A : memref<!tpu.dma_semaphore, #tpu.memory_space<semaphore_mem>>)
        %dma_wait3A_85 = arith.constant 0 : i32
        %dma_wait3A_86 = arith.constant 0 : i32
        %dma_wait3A_87 = tpu.memref_slice %arg9[%dma_wait3A_85, %dma_wait3A_86] : memref<24x128xi32, #tpu.memory_space<vmem>> -> memref<8x128xi32, #tpu.memory_space<vmem>>
        %dma_wait3A_88 = arith.constant 0 : i32
        %dma_wait3A_89 = tpu.memref_slice %arg4[%add3A_49, %dma_wait3A_88] : memref<1280x128xi32, #tpu.memory_space<hbm>> -> memref<8x128xi32, #tpu.memory_space<hbm>>
        %dma_wait3A_90 = arith.constant 0 : i32
        %dma_wait3A_91 = arith.constant 0 : i32
        %dma_wait3A_92 = tpu.memref_slice %arg9[%dma_wait3A_90, %dma_wait3A_91] : memref<24x128xi32, #tpu.memory_space<vmem>> -> memref<8x128xi32, #tpu.memory_space<vmem>>
        %dma_wait3A_93 = arith.constant 0 : i32
        %dma_wait3A_94 = tpu.memref_slice %arg4[%add3A_49, %dma_wait3A_93] : memref<1280x128xi32, #tpu.memory_space<hbm>> -> memref<8x128xi32, #tpu.memory_space<hbm>>
        tpu.wait_dma2 semaphore(%run_scoped3A : memref<!tpu.dma_semaphore, #tpu.memory_space<semaphore_mem>>) src(%dma_wait3A_94 : memref<8x128xi32, #tpu.memory_space<hbm>>) dst(%dma_wait3A_92 : memref<8x128xi32, #tpu.memory_space<vmem>>)
        tpu.yield
      }) : () -> ()
      "tpu.region"() ({
        %run_scoped3A = tpu.sem_alloc : memref<!tpu.dma_semaphore, #tpu.memory_space<semaphore_mem>>
        %dma_start3A_75 = arith.constant 0 : i32
        %dma_start3A_76 = arith.constant 0 : i32
        %dma_start3A_77 = tpu.memref_slice %arg10[%dma_start3A_75, %dma_start3A_76] : memref<24x128xi32, #tpu.memory_space<vmem>> -> memref<8x128xi32, #tpu.memory_space<vmem>>
        %dma_start3A_78 = arith.constant 0 : i32
        %dma_start3A_79 = tpu.memref_slice %arg5[%add3A_49, %dma_start3A_78] : memref<1280x128xi32, #tpu.memory_space<hbm>> -> memref<8x128xi32, #tpu.memory_space<hbm>>
        %dma_start3A_80 = arith.constant 0 : i32
        %dma_start3A_81 = arith.constant 0 : i32
        %dma_start3A_82 = tpu.memref_slice %arg10[%dma_start3A_80, %dma_start3A_81] : memref<24x128xi32, #tpu.memory_space<vmem>> -> memref<8x128xi32, #tpu.memory_space<vmem>>
        %dma_start3A_83 = arith.constant 0 : i32
        %dma_start3A_84 = tpu.memref_slice %arg5[%add3A_49, %dma_start3A_83] : memref<1280x128xi32, #tpu.memory_space<hbm>> -> memref<8x128xi32, #tpu.memory_space<hbm>>
        tpu.enqueue_dma source(%dma_start3A_84 : memref<8x128xi32, #tpu.memory_space<hbm>>) target(%dma_start3A_82 : memref<8x128xi32, #tpu.memory_space<vmem>>) target_semaphore(%run_scoped3A : memref<!tpu.dma_semaphore, #tpu.memory_space<semaphore_mem>>)
        %dma_wait3A_85 = arith.constant 0 : i32
        %dma_wait3A_86 = arith.constant 0 : i32
        %dma_wait3A_87 = tpu.memref_slice %arg10[%dma_wait3A_85, %dma_wait3A_86] : memref<24x128xi32, #tpu.memory_space<vmem>> -> memref<8x128xi32, #tpu.memory_space<vmem>>
        %dma_wait3A_88 = arith.constant 0 : i32
        %dma_wait3A_89 = tpu.memref_slice %arg5[%add3A_49, %dma_wait3A_88] : memref<1280x128xi32, #tpu.memory_space<hbm>> -> memref<8x128xi32, #tpu.memory_space<hbm>>
        %dma_wait3A_90 = arith.constant 0 : i32
        %dma_wait3A_91 = arith.constant 0 : i32
        %dma_wait3A_92 = tpu.memref_slice %arg10[%dma_wait3A_90, %dma_wait3A_91] : memref<24x128xi32, #tpu.memory_space<vmem>> -> memref<8x128xi32, #tpu.memory_space<vmem>>
        %dma_wait3A_93 = arith.constant 0 : i32
        %dma_wait3A_94 = tpu.memref_slice %arg5[%add3A_49, %dma_wait3A_93] : memref<1280x128xi32, #tpu.memory_space<hbm>> -> memref<8x128xi32, #tpu.memory_space<hbm>>
        tpu.wait_dma2 semaphore(%run_scoped3A : memref<!tpu.dma_semaphore, #tpu.memory_space<semaphore_mem>>) src(%dma_wait3A_94 : memref<8x128xi32, #tpu.memory_space<hbm>>) dst(%dma_wait3A_92 : memref<8x128xi32, #tpu.memory_space<vmem>>)
        tpu.yield
      }) : () -> ()
      %dma_start3A = arith.constant 0 : i32
      %dma_start3A_50 = arith.constant 0 : i32
      %dma_start3A_51 = tpu.memref_slice %arg9[%dma_start3A, %dma_start3A_50] : memref<24x128xi32, #tpu.memory_space<vmem>> -> memref<1x128xi32, #tpu.memory_space<vmem>>
      %dma_start3A_52 = tpu.memref_squeeze %dma_start3A_51 : memref<1x128xi32, #tpu.memory_space<vmem>> -> memref<128xi32, #tpu.memory_space<vmem>>
      %dma_start3A_53 = arith.constant 0 : i32
      %dma_start3A_54 = arith.constant 0 : i32
      %dma_start3A_55 = tpu.memref_slice %arg2[%dma_start3A_53, %dma_start3A_54] : memref<10000x128xf32, #tpu.memory_space<hbm>> -> memref<10000x128xf32, #tpu.memory_space<hbm>>
      tpu.enqueue_indirect_dma source(%dma_start3A_55 : memref<10000x128xf32, #tpu.memory_space<hbm>>) target(%arg11 : memref<128x128xf32, #tpu.memory_space<vmem>>) offsets(%dma_start3A_52 : memref<128xi32, #tpu.memory_space<vmem>>) semaphore(%arg14 : memref<!tpu.dma_semaphore, #tpu.memory_space<semaphore_mem>>)
      %scan3A_56 = arith.constant 0 : i32
      %scan3A_57 = arith.constant 0 : i32
      %scan3A_58 = arith.constant 4 : i32
      %scan3A_59 = arith.addi %scan3A_57, %scan3A_58 : i32
      %scan3A_60 = arith.constant 1 : i32
      scf.for %scan3A_75 = %scan3A_57 to %scan3A_59 step %scan3A_60  : i32 {
        %mul3A_76 = arith.constant 2 : i32
        %mul3A_77 = arith.muli %scan3A_75, %mul3A_76 : i32
        %add3A_78 = arith.constant 0 : i32
        %add3A_79 = arith.addi %mul3A_77, %add3A_78 : i32
        %dma_wait3A_80 = arith.constant 0 : i32
        %dma_wait3A_81 = tpu.memref_slice %arg9[%add3A_79, %dma_wait3A_80] : memref<24x128xi32, #tpu.memory_space<vmem>> -> memref<1x128xi32, #tpu.memory_space<vmem>>
        %dma_wait3A_82 = tpu.memref_squeeze %dma_wait3A_81 : memref<1x128xi32, #tpu.memory_space<vmem>> -> memref<128xi32, #tpu.memory_space<vmem>>
        %dma_wait3A_83 = arith.constant 0 : i32
        %dma_wait3A_84 = arith.constant 0 : i32
        %dma_wait3A_85 = tpu.memref_slice %arg2[%dma_wait3A_83, %dma_wait3A_84] : memref<10000x128xf32, #tpu.memory_space<hbm>> -> memref<10000x128xf32, #tpu.memory_space<hbm>>
        tpu.wait_indirect_dma semaphore(%arg14 : memref<!tpu.dma_semaphore, #tpu.memory_space<semaphore_mem>>) src(%dma_wait3A_85 : memref<10000x128xf32, #tpu.memory_space<hbm>>) dst(%arg11 : memref<128x128xf32, #tpu.memory_space<vmem>>)
        %dma_start3A_86 = arith.constant 0 : i32
        %dma_start3A_87 = tpu.memref_slice %arg10[%add3A_79, %dma_start3A_86] : memref<24x128xi32, #tpu.memory_space<vmem>> -> memref<1x128xi32, #tpu.memory_space<vmem>>
        %dma_start3A_88 = tpu.memref_squeeze %dma_start3A_87 : memref<1x128xi32, #tpu.memory_space<vmem>> -> memref<128xi32, #tpu.memory_space<vmem>>
        %dma_start3A_89 = arith.constant 0 : i32
        %dma_start3A_90 = arith.constant 0 : i32
        %dma_start3A_91 = tpu.memref_slice %arg13[%dma_start3A_89, %dma_start3A_90] : memref<10112x128xf32, #tpu.memory_space<vmem_shared>> -> memref<10112x128xf32, #tpu.memory_space<vmem_shared>>
        tpu.enqueue_indirect_dma source(%arg11 : memref<128x128xf32, #tpu.memory_space<vmem>>) target(%dma_start3A_91 : memref<10112x128xf32, #tpu.memory_space<vmem_shared>>) offsets(%dma_start3A_88 : memref<128xi32, #tpu.memory_space<vmem>>) semaphore(%arg16 : memref<!tpu.dma_semaphore, #tpu.memory_space<semaphore_mem>>) {add = true}
        %add3A_92 = arith.constant 1 : i32
        %add3A_93 = arith.addi %add3A_79, %add3A_92 : i32
        %lt3A = arith.constant 8 : i32
        %lt3A_94 = arith.cmpi slt, %add3A_93, %lt3A : i32
        %convert_element_type3A_95 = arith.extui %lt3A_94 : i1 to i32
        %cond3A_96 = arith.constant 0 : i32
        %cond3A_97 = arith.cmpi ne, %convert_element_type3A_95, %cond3A_96 : i32
        scf.if %cond3A_97 {
          %ge3A = arith.constant 1 : i32
          %ge3A_121 = arith.cmpi sge, %add3A_79, %ge3A : i32
          %convert_element_type3A_122 = arith.extui %ge3A_121 : i1 to i32
          %cond3A_123 = arith.constant 0 : i32
          %cond3A_124 = arith.cmpi ne, %convert_element_type3A_122, %cond3A_123 : i32
          scf.if %cond3A_124 {
            %sub3A_131 = arith.constant 1 : i32
            %sub3A_132 = arith.subi %add3A_79, %sub3A_131 : i32
            %dma_wait3A_133 = arith.constant 0 : i32
            %dma_wait3A_134 = tpu.memref_slice %arg10[%sub3A_132, %dma_wait3A_133] : memref<24x128xi32, #tpu.memory_space<vmem>> -> memref<1x128xi32, #tpu.memory_space<vmem>>
            %dma_wait3A_135 = tpu.memref_squeeze %dma_wait3A_134 : memref<1x128xi32, #tpu.memory_space<vmem>> -> memref<128xi32, #tpu.memory_space<vmem>>
            %dma_wait3A_136 = arith.constant 0 : i32
            %dma_wait3A_137 = arith.constant 0 : i32
            %dma_wait3A_138 = tpu.memref_slice %arg13[%dma_wait3A_136, %dma_wait3A_137] : memref<10112x128xf32, #tpu.memory_space<vmem_shared>> -> memref<10112x128xf32, #tpu.memory_space<vmem_shared>>
            tpu.wait_indirect_dma semaphore(%arg17 : memref<!tpu.dma_semaphore, #tpu.memory_space<semaphore_mem>>) src(%arg12 : memref<128x128xf32, #tpu.memory_space<vmem>>) dst(%dma_wait3A_138 : memref<10112x128xf32, #tpu.memory_space<vmem_shared>>)
          } else {
          }
          %dma_start3A_125 = arith.constant 0 : i32
          %dma_start3A_126 = tpu.memref_slice %arg9[%add3A_93, %dma_start3A_125] : memref<24x128xi32, #tpu.memory_space<vmem>> -> memref<1x128xi32, #tpu.memory_space<vmem>>
          %dma_start3A_127 = tpu.memref_squeeze %dma_start3A_126 : memref<1x128xi32, #tpu.memory_space<vmem>> -> memref<128xi32, #tpu.memory_space<vmem>>
          %dma_start3A_128 = arith.constant 0 : i32
          %dma_start3A_129 = arith.constant 0 : i32
          %dma_start3A_130 = tpu.memref_slice %arg2[%dma_start3A_128, %dma_start3A_129] : memref<10000x128xf32, #tpu.memory_space<hbm>> -> memref<10000x128xf32, #tpu.memory_space<hbm>>
          tpu.enqueue_indirect_dma source(%dma_start3A_130 : memref<10000x128xf32, #tpu.memory_space<hbm>>) target(%arg12 : memref<128x128xf32, #tpu.memory_space<vmem>>) offsets(%dma_start3A_127 : memref<128xi32, #tpu.memory_space<vmem>>) semaphore(%arg15 : memref<!tpu.dma_semaphore, #tpu.memory_space<semaphore_mem>>)
        } else {
        }
        %mul3A_98 = arith.constant 2 : i32
        %mul3A_99 = arith.muli %scan3A_75, %mul3A_98 : i32
        %add3A_100 = arith.constant 1 : i32
        %add3A_101 = arith.addi %mul3A_99, %add3A_100 : i32
        %dma_wait3A_102 = arith.constant 0 : i32
        %dma_wait3A_103 = tpu.memref_slice %arg9[%add3A_101, %dma_wait3A_102] : memref<24x128xi32, #tpu.memory_space<vmem>> -> memref<1x128xi32, #tpu.memory_space<vmem>>
        %dma_wait3A_104 = tpu.memref_squeeze %dma_wait3A_103 : memref<1x128xi32, #tpu.memory_space<vmem>> -> memref<128xi32, #tpu.memory_space<vmem>>
        %dma_wait3A_105 = arith.constant 0 : i32
        %dma_wait3A_106 = arith.constant 0 : i32
        %dma_wait3A_107 = tpu.memref_slice %arg2[%dma_wait3A_105, %dma_wait3A_106] : memref<10000x128xf32, #tpu.memory_space<hbm>> -> memref<10000x128xf32, #tpu.memory_space<hbm>>
        tpu.wait_indirect_dma semaphore(%arg15 : memref<!tpu.dma_semaphore, #tpu.memory_space<semaphore_mem>>) src(%dma_wait3A_107 : memref<10000x128xf32, #tpu.memory_space<hbm>>) dst(%arg12 : memref<128x128xf32, #tpu.memory_space<vmem>>)
        %dma_start3A_108 = arith.constant 0 : i32
        %dma_start3A_109 = tpu.memref_slice %arg10[%add3A_101, %dma_start3A_108] : memref<24x128xi32, #tpu.memory_space<vmem>> -> memref<1x128xi32, #tpu.memory_space<vmem>>
        %dma_start3A_110 = tpu.memref_squeeze %dma_start3A_109 : memref<1x128xi32, #tpu.memory_space<vmem>> -> memref<128xi32, #tpu.memory_space<vmem>>
        %dma_start3A_111 = arith.constant 0 : i32
        %dma_start3A_112 = arith.constant 0 : i32
        %dma_start3A_113 = tpu.memref_slice %arg13[%dma_start3A_111, %dma_start3A_112] : memref<10112x128xf32, #tpu.memory_space<vmem_shared>> -> memref<10112x128xf32, #tpu.memory_space<vmem_shared>>
        tpu.enqueue_indirect_dma source(%arg12 : memref<128x128xf32, #tpu.memory_space<vmem>>) target(%dma_start3A_113 : memref<10112x128xf32, #tpu.memory_space<vmem_shared>>) offsets(%dma_start3A_110 : memref<128xi32, #tpu.memory_space<vmem>>) semaphore(%arg17 : memref<!tpu.dma_semaphore, #tpu.memory_space<semaphore_mem>>) {add = true}
        %add3A_114 = arith.constant 1 : i32
        %add3A_115 = arith.addi %add3A_101, %add3A_114 : i32
        %lt3A_116 = arith.constant 8 : i32
        %lt3A_117 = arith.cmpi slt, %add3A_115, %lt3A_116 : i32
        %convert_element_type3A_118 = arith.extui %lt3A_117 : i1 to i32
        %cond3A_119 = arith.constant 0 : i32
        %cond3A_120 = arith.cmpi ne, %convert_element_type3A_118, %cond3A_119 : i32
        scf.if %cond3A_120 {
          %ge3A = arith.constant 1 : i32
          %ge3A_121 = arith.cmpi sge, %add3A_101, %ge3A : i32
          %convert_element_type3A_122 = arith.extui %ge3A_121 : i1 to i32
          %cond3A_123 = arith.constant 0 : i32
          %cond3A_124 = arith.cmpi ne, %convert_element_type3A_122, %cond3A_123 : i32
          scf.if %cond3A_124 {
            %sub3A_131 = arith.constant 1 : i32
            %sub3A_132 = arith.subi %add3A_101, %sub3A_131 : i32
            %dma_wait3A_133 = arith.constant 0 : i32
            %dma_wait3A_134 = tpu.memref_slice %arg10[%sub3A_132, %dma_wait3A_133] : memref<24x128xi32, #tpu.memory_space<vmem>> -> memref<1x128xi32, #tpu.memory_space<vmem>>
            %dma_wait3A_135 = tpu.memref_squeeze %dma_wait3A_134 : memref<1x128xi32, #tpu.memory_space<vmem>> -> memref<128xi32, #tpu.memory_space<vmem>>
            %dma_wait3A_136 = arith.constant 0 : i32
            %dma_wait3A_137 = arith.constant 0 : i32
            %dma_wait3A_138 = tpu.memref_slice %arg13[%dma_wait3A_136, %dma_wait3A_137] : memref<10112x128xf32, #tpu.memory_space<vmem_shared>> -> memref<10112x128xf32, #tpu.memory_space<vmem_shared>>
            tpu.wait_indirect_dma semaphore(%arg16 : memref<!tpu.dma_semaphore, #tpu.memory_space<semaphore_mem>>) src(%arg11 : memref<128x128xf32, #tpu.memory_space<vmem>>) dst(%dma_wait3A_138 : memref<10112x128xf32, #tpu.memory_space<vmem_shared>>)
          } else {
          }
          %dma_start3A_125 = arith.constant 0 : i32
          %dma_start3A_126 = tpu.memref_slice %arg9[%add3A_115, %dma_start3A_125] : memref<24x128xi32, #tpu.memory_space<vmem>> -> memref<1x128xi32, #tpu.memory_space<vmem>>
          %dma_start3A_127 = tpu.memref_squeeze %dma_start3A_126 : memref<1x128xi32, #tpu.memory_space<vmem>> -> memref<128xi32, #tpu.memory_space<vmem>>
          %dma_start3A_128 = arith.constant 0 : i32
          %dma_start3A_129 = arith.constant 0 : i32
          %dma_start3A_130 = tpu.memref_slice %arg2[%dma_start3A_128, %dma_start3A_129] : memref<10000x128xf32, #tpu.memory_space<hbm>> -> memref<10000x128xf32, #tpu.memory_space<hbm>>
          tpu.enqueue_indirect_dma source(%dma_start3A_130 : memref<10000x128xf32, #tpu.memory_space<hbm>>) target(%arg11 : memref<128x128xf32, #tpu.memory_space<vmem>>) offsets(%dma_start3A_127 : memref<128xi32, #tpu.memory_space<vmem>>) semaphore(%arg14 : memref<!tpu.dma_semaphore, #tpu.memory_space<semaphore_mem>>)
        } else {
        }
      }
      %scan3A_61 = arith.constant 4 : i32
      %dma_wait3A = arith.constant 6 : i32
      %dma_wait3A_62 = arith.constant 0 : i32
      %dma_wait3A_63 = tpu.memref_slice %arg10[%dma_wait3A, %dma_wait3A_62] : memref<24x128xi32, #tpu.memory_space<vmem>> -> memref<1x128xi32, #tpu.memory_space<vmem>>
      %dma_wait3A_64 = tpu.memref_squeeze %dma_wait3A_63 : memref<1x128xi32, #tpu.memory_space<vmem>> -> memref<128xi32, #tpu.memory_space<vmem>>
      %dma_wait3A_65 = arith.constant 0 : i32
      %dma_wait3A_66 = arith.constant 0 : i32
      %dma_wait3A_67 = tpu.memref_slice %arg13[%dma_wait3A_65, %dma_wait3A_66] : memref<10112x128xf32, #tpu.memory_space<vmem_shared>> -> memref<10112x128xf32, #tpu.memory_space<vmem_shared>>
      tpu.wait_indirect_dma semaphore(%arg16 : memref<!tpu.dma_semaphore, #tpu.memory_space<semaphore_mem>>) src(%arg11 : memref<128x128xf32, #tpu.memory_space<vmem>>) dst(%dma_wait3A_67 : memref<10112x128xf32, #tpu.memory_space<vmem_shared>>)
      %dma_wait3A_68 = arith.constant 7 : i32
      %dma_wait3A_69 = arith.constant 0 : i32
      %dma_wait3A_70 = tpu.memref_slice %arg10[%dma_wait3A_68, %dma_wait3A_69] : memref<24x128xi32, #tpu.memory_space<vmem>> -> memref<1x128xi32, #tpu.memory_space<vmem>>
      %dma_wait3A_71 = tpu.memref_squeeze %dma_wait3A_70 : memref<1x128xi32, #tpu.memory_space<vmem>> -> memref<128xi32, #tpu.memory_space<vmem>>
      %dma_wait3A_72 = arith.constant 0 : i32
      %dma_wait3A_73 = arith.constant 0 : i32
      %dma_wait3A_74 = tpu.memref_slice %arg13[%dma_wait3A_72, %dma_wait3A_73] : memref<10112x128xf32, #tpu.memory_space<vmem_shared>> -> memref<10112x128xf32, #tpu.memory_space<vmem_shared>>
      tpu.wait_indirect_dma semaphore(%arg17 : memref<!tpu.dma_semaphore, #tpu.memory_space<semaphore_mem>>) src(%arg12 : memref<128x128xf32, #tpu.memory_space<vmem>>) dst(%dma_wait3A_74 : memref<10112x128xf32, #tpu.memory_space<vmem_shared>>)
    } else {
    }
    %eq3A_31 = arith.constant 0 : i32
    %eq3A_32 = arith.cmpi eq, %arg0, %eq3A_31 : i32
    %convert_element_type3A_33 = arith.extui %eq3A_32 : i1 to i32
    %cond3A_34 = arith.constant 0 : i32
    %cond3A_35 = arith.cmpi ne, %convert_element_type3A_33, %cond3A_34 : i32
    scf.if %cond3A_35 {
      %mul3A_46 = arith.constant 72 : i32
      %mul3A_47 = arith.muli %arg1, %mul3A_46 : i32
      %add3A_48 = arith.constant 0 : i32
      %add3A_49 = arith.addi %mul3A_47, %add3A_48 : i32
      "tpu.region"() ({
        %run_scoped3A = tpu.sem_alloc : memref<!tpu.dma_semaphore, #tpu.memory_space<semaphore_mem>>
        %dma_start3A_137 = arith.constant 0 : i32
        %dma_start3A_138 = arith.constant 0 : i32
        %dma_start3A_139 = tpu.memref_slice %arg9[%dma_start3A_137, %dma_start3A_138] : memref<24x128xi32, #tpu.memory_space<vmem>> -> memref<24x128xi32, #tpu.memory_space<vmem>>
        %dma_start3A_140 = arith.constant 0 : i32
        %dma_start3A_141 = tpu.memref_slice %arg6[%add3A_49, %dma_start3A_140] : memref<1280x128xi32, #tpu.memory_space<hbm>> -> memref<24x128xi32, #tpu.memory_space<hbm>>
        %dma_start3A_142 = arith.constant 0 : i32
        %dma_start3A_143 = arith.constant 0 : i32
        %dma_start3A_144 = tpu.memref_slice %arg9[%dma_start3A_142, %dma_start3A_143] : memref<24x128xi32, #tpu.memory_space<vmem>> -> memref<24x128xi32, #tpu.memory_space<vmem>>
        %dma_start3A_145 = arith.constant 0 : i32
        %dma_start3A_146 = tpu.memref_slice %arg6[%add3A_49, %dma_start3A_145] : memref<1280x128xi32, #tpu.memory_space<hbm>> -> memref<24x128xi32, #tpu.memory_space<hbm>>
        tpu.enqueue_dma source(%dma_start3A_146 : memref<24x128xi32, #tpu.memory_space<hbm>>) target(%dma_start3A_144 : memref<24x128xi32, #tpu.memory_space<vmem>>) target_semaphore(%run_scoped3A : memref<!tpu.dma_semaphore, #tpu.memory_space<semaphore_mem>>)
        %dma_wait3A_147 = arith.constant 0 : i32
        %dma_wait3A_148 = arith.constant 0 : i32
        %dma_wait3A_149 = tpu.memref_slice %arg9[%dma_wait3A_147, %dma_wait3A_148] : memref<24x128xi32, #tpu.memory_space<vmem>> -> memref<24x128xi32, #tpu.memory_space<vmem>>
        %dma_wait3A_150 = arith.constant 0 : i32
        %dma_wait3A_151 = tpu.memref_slice %arg6[%add3A_49, %dma_wait3A_150] : memref<1280x128xi32, #tpu.memory_space<hbm>> -> memref<24x128xi32, #tpu.memory_space<hbm>>
        %dma_wait3A_152 = arith.constant 0 : i32
        %dma_wait3A_153 = arith.constant 0 : i32
        %dma_wait3A_154 = tpu.memref_slice %arg9[%dma_wait3A_152, %dma_wait3A_153] : memref<24x128xi32, #tpu.memory_space<vmem>> -> memref<24x128xi32, #tpu.memory_space<vmem>>
        %dma_wait3A_155 = arith.constant 0 : i32
        %dma_wait3A_156 = tpu.memref_slice %arg6[%add3A_49, %dma_wait3A_155] : memref<1280x128xi32, #tpu.memory_space<hbm>> -> memref<24x128xi32, #tpu.memory_space<hbm>>
        tpu.wait_dma2 semaphore(%run_scoped3A : memref<!tpu.dma_semaphore, #tpu.memory_space<semaphore_mem>>) src(%dma_wait3A_156 : memref<24x128xi32, #tpu.memory_space<hbm>>) dst(%dma_wait3A_154 : memref<24x128xi32, #tpu.memory_space<vmem>>)
        tpu.yield
      }) : () -> ()
      "tpu.region"() ({
        %run_scoped3A = tpu.sem_alloc : memref<!tpu.dma_semaphore, #tpu.memory_space<semaphore_mem>>
        %dma_start3A_137 = arith.constant 0 : i32
        %dma_start3A_138 = arith.constant 0 : i32
        %dma_start3A_139 = tpu.memref_slice %arg10[%dma_start3A_137, %dma_start3A_138] : memref<24x128xi32, #tpu.memory_space<vmem>> -> memref<24x128xi32, #tpu.memory_space<vmem>>
        %dma_start3A_140 = arith.constant 0 : i32
        %dma_start3A_141 = tpu.memref_slice %arg7[%add3A_49, %dma_start3A_140] : memref<1280x128xi32, #tpu.memory_space<hbm>> -> memref<24x128xi32, #tpu.memory_space<hbm>>
        %dma_start3A_142 = arith.constant 0 : i32
        %dma_start3A_143 = arith.constant 0 : i32
        %dma_start3A_144 = tpu.memref_slice %arg10[%dma_start3A_142, %dma_start3A_143] : memref<24x128xi32, #tpu.memory_space<vmem>> -> memref<24x128xi32, #tpu.memory_space<vmem>>
        %dma_start3A_145 = arith.constant 0 : i32
        %dma_start3A_146 = tpu.memref_slice %arg7[%add3A_49, %dma_start3A_145] : memref<1280x128xi32, #tpu.memory_space<hbm>> -> memref<24x128xi32, #tpu.memory_space<hbm>>
        tpu.enqueue_dma source(%dma_start3A_146 : memref<24x128xi32, #tpu.memory_space<hbm>>) target(%dma_start3A_144 : memref<24x128xi32, #tpu.memory_space<vmem>>) target_semaphore(%run_scoped3A : memref<!tpu.dma_semaphore, #tpu.memory_space<semaphore_mem>>)
        %dma_wait3A_147 = arith.constant 0 : i32
        %dma_wait3A_148 = arith.constant 0 : i32
        %dma_wait3A_149 = tpu.memref_slice %arg10[%dma_wait3A_147, %dma_wait3A_148] : memref<24x128xi32, #tpu.memory_space<vmem>> -> memref<24x128xi32, #tpu.memory_space<vmem>>
        %dma_wait3A_150 = arith.constant 0 : i32
        %dma_wait3A_151 = tpu.memref_slice %arg7[%add3A_49, %dma_wait3A_150] : memref<1280x128xi32, #tpu.memory_space<hbm>> -> memref<24x128xi32, #tpu.memory_space<hbm>>
        %dma_wait3A_152 = arith.constant 0 : i32
        %dma_wait3A_153 = arith.constant 0 : i32
        %dma_wait3A_154 = tpu.memref_slice %arg10[%dma_wait3A_152, %dma_wait3A_153] : memref<24x128xi32, #tpu.memory_space<vmem>> -> memref<24x128xi32, #tpu.memory_space<vmem>>
        %dma_wait3A_155 = arith.constant 0 : i32
        %dma_wait3A_156 = tpu.memref_slice %arg7[%add3A_49, %dma_wait3A_155] : memref<1280x128xi32, #tpu.memory_space<hbm>> -> memref<24x128xi32, #tpu.memory_space<hbm>>
        tpu.wait_dma2 semaphore(%run_scoped3A : memref<!tpu.dma_semaphore, #tpu.memory_space<semaphore_mem>>) src(%dma_wait3A_156 : memref<24x128xi32, #tpu.memory_space<hbm>>) dst(%dma_wait3A_154 : memref<24x128xi32, #tpu.memory_space<vmem>>)
        tpu.yield
      }) : () -> ()
      %dma_start3A = arith.constant 0 : i32
      %dma_start3A_50 = arith.constant 0 : i32
      %dma_start3A_51 = tpu.memref_slice %arg9[%dma_start3A, %dma_start3A_50] : memref<24x128xi32, #tpu.memory_space<vmem>> -> memref<1x128xi32, #tpu.memory_space<vmem>>
      %dma_start3A_52 = tpu.memref_squeeze %dma_start3A_51 : memref<1x128xi32, #tpu.memory_space<vmem>> -> memref<128xi32, #tpu.memory_space<vmem>>
      %dma_start3A_53 = arith.constant 0 : i32
      %dma_start3A_54 = arith.constant 0 : i32
      %dma_start3A_55 = tpu.memref_slice %arg3[%dma_start3A_53, %dma_start3A_54] : memref<10000x128xf32, #tpu.memory_space<hbm>> -> memref<10000x128xf32, #tpu.memory_space<hbm>>
      tpu.enqueue_indirect_dma source(%dma_start3A_55 : memref<10000x128xf32, #tpu.memory_space<hbm>>) target(%arg11 : memref<128x128xf32, #tpu.memory_space<vmem>>) offsets(%dma_start3A_52 : memref<128xi32, #tpu.memory_space<vmem>>) semaphore(%arg14 : memref<!tpu.dma_semaphore, #tpu.memory_space<semaphore_mem>>)
      %scan3A_56 = arith.constant 0 : i32
      %scan3A_57 = arith.constant 0 : i32
      %scan3A_58 = arith.constant 12 : i32
      %scan3A_59 = arith.addi %scan3A_57, %scan3A_58 : i32
      %scan3A_60 = arith.constant 1 : i32
      scf.for %scan3A_137 = %scan3A_57 to %scan3A_59 step %scan3A_60  : i32 {
        %mul3A_138 = arith.constant 2 : i32
        %mul3A_139 = arith.muli %scan3A_137, %mul3A_138 : i32
        %add3A_140 = arith.constant 0 : i32
        %add3A_141 = arith.addi %mul3A_139, %add3A_140 : i32
        %dma_wait3A_142 = arith.constant 0 : i32
        %dma_wait3A_143 = tpu.memref_slice %arg9[%add3A_141, %dma_wait3A_142] : memref<24x128xi32, #tpu.memory_space<vmem>> -> memref<1x128xi32, #tpu.memory_space<vmem>>
        %dma_wait3A_144 = tpu.memref_squeeze %dma_wait3A_143 : memref<1x128xi32, #tpu.memory_space<vmem>> -> memref<128xi32, #tpu.memory_space<vmem>>
        %dma_wait3A_145 = arith.constant 0 : i32
        %dma_wait3A_146 = arith.constant 0 : i32
        %dma_wait3A_147 = tpu.memref_slice %arg3[%dma_wait3A_145, %dma_wait3A_146] : memref<10000x128xf32, #tpu.memory_space<hbm>> -> memref<10000x128xf32, #tpu.memory_space<hbm>>
        tpu.wait_indirect_dma semaphore(%arg14 : memref<!tpu.dma_semaphore, #tpu.memory_space<semaphore_mem>>) src(%dma_wait3A_147 : memref<10000x128xf32, #tpu.memory_space<hbm>>) dst(%arg11 : memref<128x128xf32, #tpu.memory_space<vmem>>)
        %dma_start3A_148 = arith.constant 0 : i32
        %dma_start3A_149 = tpu.memref_slice %arg10[%add3A_141, %dma_start3A_148] : memref<24x128xi32, #tpu.memory_space<vmem>> -> memref<1x128xi32, #tpu.memory_space<vmem>>
        %dma_start3A_150 = tpu.memref_squeeze %dma_start3A_149 : memref<1x128xi32, #tpu.memory_space<vmem>> -> memref<128xi32, #tpu.memory_space<vmem>>
        %dma_start3A_151 = arith.constant 0 : i32
        %dma_start3A_152 = arith.constant 0 : i32
        %dma_start3A_153 = tpu.memref_slice %arg13[%dma_start3A_151, %dma_start3A_152] : memref<10112x128xf32, #tpu.memory_space<vmem_shared>> -> memref<10112x128xf32, #tpu.memory_space<vmem_shared>>
        tpu.enqueue_indirect_dma source(%arg11 : memref<128x128xf32, #tpu.memory_space<vmem>>) target(%dma_start3A_153 : memref<10112x128xf32, #tpu.memory_space<vmem_shared>>) offsets(%dma_start3A_150 : memref<128xi32, #tpu.memory_space<vmem>>) semaphore(%arg16 : memref<!tpu.dma_semaphore, #tpu.memory_space<semaphore_mem>>) {add = true}
        %add3A_154 = arith.constant 1 : i32
        %add3A_155 = arith.addi %add3A_141, %add3A_154 : i32
        %lt3A = arith.constant 24 : i32
        %lt3A_156 = arith.cmpi slt, %add3A_155, %lt3A : i32
        %convert_element_type3A_157 = arith.extui %lt3A_156 : i1 to i32
        %cond3A_158 = arith.constant 0 : i32
        %cond3A_159 = arith.cmpi ne, %convert_element_type3A_157, %cond3A_158 : i32
        scf.if %cond3A_159 {
          %ge3A = arith.constant 1 : i32
          %ge3A_183 = arith.cmpi sge, %add3A_141, %ge3A : i32
          %convert_element_type3A_184 = arith.extui %ge3A_183 : i1 to i32
          %cond3A_185 = arith.constant 0 : i32
          %cond3A_186 = arith.cmpi ne, %convert_element_type3A_184, %cond3A_185 : i32
          scf.if %cond3A_186 {
            %sub3A_193 = arith.constant 1 : i32
            %sub3A_194 = arith.subi %add3A_141, %sub3A_193 : i32
            %dma_wait3A_195 = arith.constant 0 : i32
            %dma_wait3A_196 = tpu.memref_slice %arg10[%sub3A_194, %dma_wait3A_195] : memref<24x128xi32, #tpu.memory_space<vmem>> -> memref<1x128xi32, #tpu.memory_space<vmem>>
            %dma_wait3A_197 = tpu.memref_squeeze %dma_wait3A_196 : memref<1x128xi32, #tpu.memory_space<vmem>> -> memref<128xi32, #tpu.memory_space<vmem>>
            %dma_wait3A_198 = arith.constant 0 : i32
            %dma_wait3A_199 = arith.constant 0 : i32
            %dma_wait3A_200 = tpu.memref_slice %arg13[%dma_wait3A_198, %dma_wait3A_199] : memref<10112x128xf32, #tpu.memory_space<vmem_shared>> -> memref<10112x128xf32, #tpu.memory_space<vmem_shared>>
            tpu.wait_indirect_dma semaphore(%arg17 : memref<!tpu.dma_semaphore, #tpu.memory_space<semaphore_mem>>) src(%arg12 : memref<128x128xf32, #tpu.memory_space<vmem>>) dst(%dma_wait3A_200 : memref<10112x128xf32, #tpu.memory_space<vmem_shared>>)
          } else {
          }
          %dma_start3A_187 = arith.constant 0 : i32
          %dma_start3A_188 = tpu.memref_slice %arg9[%add3A_155, %dma_start3A_187] : memref<24x128xi32, #tpu.memory_space<vmem>> -> memref<1x128xi32, #tpu.memory_space<vmem>>
          %dma_start3A_189 = tpu.memref_squeeze %dma_start3A_188 : memref<1x128xi32, #tpu.memory_space<vmem>> -> memref<128xi32, #tpu.memory_space<vmem>>
          %dma_start3A_190 = arith.constant 0 : i32
          %dma_start3A_191 = arith.constant 0 : i32
          %dma_start3A_192 = tpu.memref_slice %arg3[%dma_start3A_190, %dma_start3A_191] : memref<10000x128xf32, #tpu.memory_space<hbm>> -> memref<10000x128xf32, #tpu.memory_space<hbm>>
          tpu.enqueue_indirect_dma source(%dma_start3A_192 : memref<10000x128xf32, #tpu.memory_space<hbm>>) target(%arg12 : memref<128x128xf32, #tpu.memory_space<vmem>>) offsets(%dma_start3A_189 : memref<128xi32, #tpu.memory_space<vmem>>) semaphore(%arg15 : memref<!tpu.dma_semaphore, #tpu.memory_space<semaphore_mem>>)
        } else {
        }
        %mul3A_160 = arith.constant 2 : i32
        %mul3A_161 = arith.muli %scan3A_137, %mul3A_160 : i32
        %add3A_162 = arith.constant 1 : i32
        %add3A_163 = arith.addi %mul3A_161, %add3A_162 : i32
        %dma_wait3A_164 = arith.constant 0 : i32
        %dma_wait3A_165 = tpu.memref_slice %arg9[%add3A_163, %dma_wait3A_164] : memref<24x128xi32, #tpu.memory_space<vmem>> -> memref<1x128xi32, #tpu.memory_space<vmem>>
        %dma_wait3A_166 = tpu.memref_squeeze %dma_wait3A_165 : memref<1x128xi32, #tpu.memory_space<vmem>> -> memref<128xi32, #tpu.memory_space<vmem>>
        %dma_wait3A_167 = arith.constant 0 : i32
        %dma_wait3A_168 = arith.constant 0 : i32
        %dma_wait3A_169 = tpu.memref_slice %arg3[%dma_wait3A_167, %dma_wait3A_168] : memref<10000x128xf32, #tpu.memory_space<hbm>> -> memref<10000x128xf32, #tpu.memory_space<hbm>>
        tpu.wait_indirect_dma semaphore(%arg15 : memref<!tpu.dma_semaphore, #tpu.memory_space<semaphore_mem>>) src(%dma_wait3A_169 : memref<10000x128xf32, #tpu.memory_space<hbm>>) dst(%arg12 : memref<128x128xf32, #tpu.memory_space<vmem>>)
        %dma_start3A_170 = arith.constant 0 : i32
        %dma_start3A_171 = tpu.memref_slice %arg10[%add3A_163, %dma_start3A_170] : memref<24x128xi32, #tpu.memory_space<vmem>> -> memref<1x128xi32, #tpu.memory_space<vmem>>
        %dma_start3A_172 = tpu.memref_squeeze %dma_start3A_171 : memref<1x128xi32, #tpu.memory_space<vmem>> -> memref<128xi32, #tpu.memory_space<vmem>>
        %dma_start3A_173 = arith.constant 0 : i32
        %dma_start3A_174 = arith.constant 0 : i32
        %dma_start3A_175 = tpu.memref_slice %arg13[%dma_start3A_173, %dma_start3A_174] : memref<10112x128xf32, #tpu.memory_space<vmem_shared>> -> memref<10112x128xf32, #tpu.memory_space<vmem_shared>>
        tpu.enqueue_indirect_dma source(%arg12 : memref<128x128xf32, #tpu.memory_space<vmem>>) target(%dma_start3A_175 : memref<10112x128xf32, #tpu.memory_space<vmem_shared>>) offsets(%dma_start3A_172 : memref<128xi32, #tpu.memory_space<vmem>>) semaphore(%arg17 : memref<!tpu.dma_semaphore, #tpu.memory_space<semaphore_mem>>) {add = true}
        %add3A_176 = arith.constant 1 : i32
        %add3A_177 = arith.addi %add3A_163, %add3A_176 : i32
        %lt3A_178 = arith.constant 24 : i32
        %lt3A_179 = arith.cmpi slt, %add3A_177, %lt3A_178 : i32
        %convert_element_type3A_180 = arith.extui %lt3A_179 : i1 to i32
        %cond3A_181 = arith.constant 0 : i32
        %cond3A_182 = arith.cmpi ne, %convert_element_type3A_180, %cond3A_181 : i32
        scf.if %cond3A_182 {
          %ge3A = arith.constant 1 : i32
          %ge3A_183 = arith.cmpi sge, %add3A_163, %ge3A : i32
          %convert_element_type3A_184 = arith.extui %ge3A_183 : i1 to i32
          %cond3A_185 = arith.constant 0 : i32
          %cond3A_186 = arith.cmpi ne, %convert_element_type3A_184, %cond3A_185 : i32
          scf.if %cond3A_186 {
            %sub3A_193 = arith.constant 1 : i32
            %sub3A_194 = arith.subi %add3A_163, %sub3A_193 : i32
            %dma_wait3A_195 = arith.constant 0 : i32
            %dma_wait3A_196 = tpu.memref_slice %arg10[%sub3A_194, %dma_wait3A_195] : memref<24x128xi32, #tpu.memory_space<vmem>> -> memref<1x128xi32, #tpu.memory_space<vmem>>
            %dma_wait3A_197 = tpu.memref_squeeze %dma_wait3A_196 : memref<1x128xi32, #tpu.memory_space<vmem>> -> memref<128xi32, #tpu.memory_space<vmem>>
            %dma_wait3A_198 = arith.constant 0 : i32
            %dma_wait3A_199 = arith.constant 0 : i32
            %dma_wait3A_200 = tpu.memref_slice %arg13[%dma_wait3A_198, %dma_wait3A_199] : memref<10112x128xf32, #tpu.memory_space<vmem_shared>> -> memref<10112x128xf32, #tpu.memory_space<vmem_shared>>
            tpu.wait_indirect_dma semaphore(%arg16 : memref<!tpu.dma_semaphore, #tpu.memory_space<semaphore_mem>>) src(%arg11 : memref<128x128xf32, #tpu.memory_space<vmem>>) dst(%dma_wait3A_200 : memref<10112x128xf32, #tpu.memory_space<vmem_shared>>)
          } else {
          }
          %dma_start3A_187 = arith.constant 0 : i32
          %dma_start3A_188 = tpu.memref_slice %arg9[%add3A_177, %dma_start3A_187] : memref<24x128xi32, #tpu.memory_space<vmem>> -> memref<1x128xi32, #tpu.memory_space<vmem>>
          %dma_start3A_189 = tpu.memref_squeeze %dma_start3A_188 : memref<1x128xi32, #tpu.memory_space<vmem>> -> memref<128xi32, #tpu.memory_space<vmem>>
          %dma_start3A_190 = arith.constant 0 : i32
          %dma_start3A_191 = arith.constant 0 : i32
          %dma_start3A_192 = tpu.memref_slice %arg3[%dma_start3A_190, %dma_start3A_191] : memref<10000x128xf32, #tpu.memory_space<hbm>> -> memref<10000x128xf32, #tpu.memory_space<hbm>>
          tpu.enqueue_indirect_dma source(%dma_start3A_192 : memref<10000x128xf32, #tpu.memory_space<hbm>>) target(%arg11 : memref<128x128xf32, #tpu.memory_space<vmem>>) offsets(%dma_start3A_189 : memref<128xi32, #tpu.memory_space<vmem>>) semaphore(%arg14 : memref<!tpu.dma_semaphore, #tpu.memory_space<semaphore_mem>>)
        } else {
        }
      }
      %scan3A_61 = arith.constant 12 : i32
      %dma_wait3A = arith.constant 22 : i32
      %dma_wait3A_62 = arith.constant 0 : i32
      %dma_wait3A_63 = tpu.memref_slice %arg10[%dma_wait3A, %dma_wait3A_62] : memref<24x128xi32, #tpu.memory_space<vmem>> -> memref<1x128xi32, #tpu.memory_space<vmem>>
      %dma_wait3A_64 = tpu.memref_squeeze %dma_wait3A_63 : memref<1x128xi32, #tpu.memory_space<vmem>> -> memref<128xi32, #tpu.memory_space<vmem>>
      %dma_wait3A_65 = arith.constant 0 : i32
      %dma_wait3A_66 = arith.constant 0 : i32
      %dma_wait3A_67 = tpu.memref_slice %arg13[%dma_wait3A_65, %dma_wait3A_66] : memref<10112x128xf32, #tpu.memory_space<vmem_shared>> -> memref<10112x128xf32, #tpu.memory_space<vmem_shared>>
      tpu.wait_indirect_dma semaphore(%arg16 : memref<!tpu.dma_semaphore, #tpu.memory_space<semaphore_mem>>) src(%arg11 : memref<128x128xf32, #tpu.memory_space<vmem>>) dst(%dma_wait3A_67 : memref<10112x128xf32, #tpu.memory_space<vmem_shared>>)
      %dma_wait3A_68 = arith.constant 23 : i32
      %dma_wait3A_69 = arith.constant 0 : i32
      %dma_wait3A_70 = tpu.memref_slice %arg10[%dma_wait3A_68, %dma_wait3A_69] : memref<24x128xi32, #tpu.memory_space<vmem>> -> memref<1x128xi32, #tpu.memory_space<vmem>>
      %dma_wait3A_71 = tpu.memref_squeeze %dma_wait3A_70 : memref<1x128xi32, #tpu.memory_space<vmem>> -> memref<128xi32, #tpu.memory_space<vmem>>
      %dma_wait3A_72 = arith.constant 0 : i32
      %dma_wait3A_73 = arith.constant 0 : i32
      %dma_wait3A_74 = tpu.memref_slice %arg13[%dma_wait3A_72, %dma_wait3A_73] : memref<10112x128xf32, #tpu.memory_space<vmem_shared>> -> memref<10112x128xf32, #tpu.memory_space<vmem_shared>>
      tpu.wait_indirect_dma semaphore(%arg17 : memref<!tpu.dma_semaphore, #tpu.memory_space<semaphore_mem>>) src(%arg12 : memref<128x128xf32, #tpu.memory_space<vmem>>) dst(%dma_wait3A_74 : memref<10112x128xf32, #tpu.memory_space<vmem_shared>>)
      %mul3A_75 = arith.constant 72 : i32
      %mul3A_76 = arith.muli %arg1, %mul3A_75 : i32
      %add3A_77 = arith.constant 24 : i32
      %add3A_78 = arith.addi %mul3A_76, %add3A_77 : i32
      "tpu.region"() ({
        %run_scoped3A = tpu.sem_alloc : memref<!tpu.dma_semaphore, #tpu.memory_space<semaphore_mem>>
        %dma_start3A_137 = arith.constant 0 : i32
        %dma_start3A_138 = arith.constant 0 : i32
        %dma_start3A_139 = tpu.memref_slice %arg9[%dma_start3A_137, %dma_start3A_138] : memref<24x128xi32, #tpu.memory_space<vmem>> -> memref<24x128xi32, #tpu.memory_space<vmem>>
        %dma_start3A_140 = arith.constant 0 : i32
        %dma_start3A_141 = tpu.memref_slice %arg6[%add3A_78, %dma_start3A_140] : memref<1280x128xi32, #tpu.memory_space<hbm>> -> memref<24x128xi32, #tpu.memory_space<hbm>>
        %dma_start3A_142 = arith.constant 0 : i32
        %dma_start3A_143 = arith.constant 0 : i32
        %dma_start3A_144 = tpu.memref_slice %arg9[%dma_start3A_142, %dma_start3A_143] : memref<24x128xi32, #tpu.memory_space<vmem>> -> memref<24x128xi32, #tpu.memory_space<vmem>>
        %dma_start3A_145 = arith.constant 0 : i32
        %dma_start3A_146 = tpu.memref_slice %arg6[%add3A_78, %dma_start3A_145] : memref<1280x128xi32, #tpu.memory_space<hbm>> -> memref<24x128xi32, #tpu.memory_space<hbm>>
        tpu.enqueue_dma source(%dma_start3A_146 : memref<24x128xi32, #tpu.memory_space<hbm>>) target(%dma_start3A_144 : memref<24x128xi32, #tpu.memory_space<vmem>>) target_semaphore(%run_scoped3A : memref<!tpu.dma_semaphore, #tpu.memory_space<semaphore_mem>>)
        %dma_wait3A_147 = arith.constant 0 : i32
        %dma_wait3A_148 = arith.constant 0 : i32
        %dma_wait3A_149 = tpu.memref_slice %arg9[%dma_wait3A_147, %dma_wait3A_148] : memref<24x128xi32, #tpu.memory_space<vmem>> -> memref<24x128xi32, #tpu.memory_space<vmem>>
        %dma_wait3A_150 = arith.constant 0 : i32
        %dma_wait3A_151 = tpu.memref_slice %arg6[%add3A_78, %dma_wait3A_150] : memref<1280x128xi32, #tpu.memory_space<hbm>> -> memref<24x128xi32, #tpu.memory_space<hbm>>
        %dma_wait3A_152 = arith.constant 0 : i32
        %dma_wait3A_153 = arith.constant 0 : i32
        %dma_wait3A_154 = tpu.memref_slice %arg9[%dma_wait3A_152, %dma_wait3A_153] : memref<24x128xi32, #tpu.memory_space<vmem>> -> memref<24x128xi32, #tpu.memory_space<vmem>>
        %dma_wait3A_155 = arith.constant 0 : i32
        %dma_wait3A_156 = tpu.memref_slice %arg6[%add3A_78, %dma_wait3A_155] : memref<1280x128xi32, #tpu.memory_space<hbm>> -> memref<24x128xi32, #tpu.memory_space<hbm>>
        tpu.wait_dma2 semaphore(%run_scoped3A : memref<!tpu.dma_semaphore, #tpu.memory_space<semaphore_mem>>) src(%dma_wait3A_156 : memref<24x128xi32, #tpu.memory_space<hbm>>) dst(%dma_wait3A_154 : memref<24x128xi32, #tpu.memory_space<vmem>>)
        tpu.yield
      }) : () -> ()
      "tpu.region"() ({
        %run_scoped3A = tpu.sem_alloc : memref<!tpu.dma_semaphore, #tpu.memory_space<semaphore_mem>>
        %dma_start3A_137 = arith.constant 0 : i32
        %dma_start3A_138 = arith.constant 0 : i32
        %dma_start3A_139 = tpu.memref_slice %arg10[%dma_start3A_137, %dma_start3A_138] : memref<24x128xi32, #tpu.memory_space<vmem>> -> memref<24x128xi32, #tpu.memory_space<vmem>>
        %dma_start3A_140 = arith.constant 0 : i32
        %dma_start3A_141 = tpu.memref_slice %arg7[%add3A_78, %dma_start3A_140] : memref<1280x128xi32, #tpu.memory_space<hbm>> -> memref<24x128xi32, #tpu.memory_space<hbm>>
        %dma_start3A_142 = arith.constant 0 : i32
        %dma_start3A_143 = arith.constant 0 : i32
        %dma_start3A_144 = tpu.memref_slice %arg10[%dma_start3A_142, %dma_start3A_143] : memref<24x128xi32, #tpu.memory_space<vmem>> -> memref<24x128xi32, #tpu.memory_space<vmem>>
        %dma_start3A_145 = arith.constant 0 : i32
        %dma_start3A_146 = tpu.memref_slice %arg7[%add3A_78, %dma_start3A_145] : memref<1280x128xi32, #tpu.memory_space<hbm>> -> memref<24x128xi32, #tpu.memory_space<hbm>>
        tpu.enqueue_dma source(%dma_start3A_146 : memref<24x128xi32, #tpu.memory_space<hbm>>) target(%dma_start3A_144 : memref<24x128xi32, #tpu.memory_space<vmem>>) target_semaphore(%run_scoped3A : memref<!tpu.dma_semaphore, #tpu.memory_space<semaphore_mem>>)
        %dma_wait3A_147 = arith.constant 0 : i32
        %dma_wait3A_148 = arith.constant 0 : i32
        %dma_wait3A_149 = tpu.memref_slice %arg10[%dma_wait3A_147, %dma_wait3A_148] : memref<24x128xi32, #tpu.memory_space<vmem>> -> memref<24x128xi32, #tpu.memory_space<vmem>>
        %dma_wait3A_150 = arith.constant 0 : i32
        %dma_wait3A_151 = tpu.memref_slice %arg7[%add3A_78, %dma_wait3A_150] : memref<1280x128xi32, #tpu.memory_space<hbm>> -> memref<24x128xi32, #tpu.memory_space<hbm>>
        %dma_wait3A_152 = arith.constant 0 : i32
        %dma_wait3A_153 = arith.constant 0 : i32
        %dma_wait3A_154 = tpu.memref_slice %arg10[%dma_wait3A_152, %dma_wait3A_153] : memref<24x128xi32, #tpu.memory_space<vmem>> -> memref<24x128xi32, #tpu.memory_space<vmem>>
        %dma_wait3A_155 = arith.constant 0 : i32
        %dma_wait3A_156 = tpu.memref_slice %arg7[%add3A_78, %dma_wait3A_155] : memref<1280x128xi32, #tpu.memory_space<hbm>> -> memref<24x128xi32, #tpu.memory_space<hbm>>
        tpu.wait_dma2 semaphore(%run_scoped3A : memref<!tpu.dma_semaphore, #tpu.memory_space<semaphore_mem>>) src(%dma_wait3A_156 : memref<24x128xi32, #tpu.memory_space<hbm>>) dst(%dma_wait3A_154 : memref<24x128xi32, #tpu.memory_space<vmem>>)
        tpu.yield
      }) : () -> ()
      %dma_start3A_79 = arith.constant 0 : i32
      %dma_start3A_80 = arith.constant 0 : i32
      %dma_start3A_81 = tpu.memref_slice %arg9[%dma_start3A_79, %dma_start3A_80] : memref<24x128xi32, #tpu.memory_space<vmem>> -> memref<1x128xi32, #tpu.memory_space<vmem>>
      %dma_start3A_82 = tpu.memref_squeeze %dma_start3A_81 : memref<1x128xi32, #tpu.memory_space<vmem>> -> memref<128xi32, #tpu.memory_space<vmem>>
      %dma_start3A_83 = arith.constant 0 : i32
      %dma_start3A_84 = arith.constant 0 : i32
      %dma_start3A_85 = tpu.memref_slice %arg3[%dma_start3A_83, %dma_start3A_84] : memref<10000x128xf32, #tpu.memory_space<hbm>> -> memref<10000x128xf32, #tpu.memory_space<hbm>>
      tpu.enqueue_indirect_dma source(%dma_start3A_85 : memref<10000x128xf32, #tpu.memory_space<hbm>>) target(%arg11 : memref<128x128xf32, #tpu.memory_space<vmem>>) offsets(%dma_start3A_82 : memref<128xi32, #tpu.memory_space<vmem>>) semaphore(%arg14 : memref<!tpu.dma_semaphore, #tpu.memory_space<semaphore_mem>>)
      %scan3A_86 = arith.constant 0 : i32
      %scan3A_87 = arith.constant 0 : i32
      %scan3A_88 = arith.constant 12 : i32
      %scan3A_89 = arith.addi %scan3A_87, %scan3A_88 : i32
      %scan3A_90 = arith.constant 1 : i32
      scf.for %scan3A_137 = %scan3A_87 to %scan3A_89 step %scan3A_90  : i32 {
        %mul3A_138 = arith.constant 2 : i32
        %mul3A_139 = arith.muli %scan3A_137, %mul3A_138 : i32
        %add3A_140 = arith.constant 0 : i32
        %add3A_141 = arith.addi %mul3A_139, %add3A_140 : i32
        %dma_wait3A_142 = arith.constant 0 : i32
        %dma_wait3A_143 = tpu.memref_slice %arg9[%add3A_141, %dma_wait3A_142] : memref<24x128xi32, #tpu.memory_space<vmem>> -> memref<1x128xi32, #tpu.memory_space<vmem>>
        %dma_wait3A_144 = tpu.memref_squeeze %dma_wait3A_143 : memref<1x128xi32, #tpu.memory_space<vmem>> -> memref<128xi32, #tpu.memory_space<vmem>>
        %dma_wait3A_145 = arith.constant 0 : i32
        %dma_wait3A_146 = arith.constant 0 : i32
        %dma_wait3A_147 = tpu.memref_slice %arg3[%dma_wait3A_145, %dma_wait3A_146] : memref<10000x128xf32, #tpu.memory_space<hbm>> -> memref<10000x128xf32, #tpu.memory_space<hbm>>
        tpu.wait_indirect_dma semaphore(%arg14 : memref<!tpu.dma_semaphore, #tpu.memory_space<semaphore_mem>>) src(%dma_wait3A_147 : memref<10000x128xf32, #tpu.memory_space<hbm>>) dst(%arg11 : memref<128x128xf32, #tpu.memory_space<vmem>>)
        %dma_start3A_148 = arith.constant 0 : i32
        %dma_start3A_149 = tpu.memref_slice %arg10[%add3A_141, %dma_start3A_148] : memref<24x128xi32, #tpu.memory_space<vmem>> -> memref<1x128xi32, #tpu.memory_space<vmem>>
        %dma_start3A_150 = tpu.memref_squeeze %dma_start3A_149 : memref<1x128xi32, #tpu.memory_space<vmem>> -> memref<128xi32, #tpu.memory_space<vmem>>
        %dma_start3A_151 = arith.constant 0 : i32
        %dma_start3A_152 = arith.constant 0 : i32
        %dma_start3A_153 = tpu.memref_slice %arg13[%dma_start3A_151, %dma_start3A_152] : memref<10112x128xf32, #tpu.memory_space<vmem_shared>> -> memref<10112x128xf32, #tpu.memory_space<vmem_shared>>
        tpu.enqueue_indirect_dma source(%arg11 : memref<128x128xf32, #tpu.memory_space<vmem>>) target(%dma_start3A_153 : memref<10112x128xf32, #tpu.memory_space<vmem_shared>>) offsets(%dma_start3A_150 : memref<128xi32, #tpu.memory_space<vmem>>) semaphore(%arg16 : memref<!tpu.dma_semaphore, #tpu.memory_space<semaphore_mem>>) {add = true}
        %add3A_154 = arith.constant 1 : i32
        %add3A_155 = arith.addi %add3A_141, %add3A_154 : i32
        %lt3A = arith.constant 24 : i32
        %lt3A_156 = arith.cmpi slt, %add3A_155, %lt3A : i32
        %convert_element_type3A_157 = arith.extui %lt3A_156 : i1 to i32
        %cond3A_158 = arith.constant 0 : i32
        %cond3A_159 = arith.cmpi ne, %convert_element_type3A_157, %cond3A_158 : i32
        scf.if %cond3A_159 {
          %ge3A = arith.constant 1 : i32
          %ge3A_183 = arith.cmpi sge, %add3A_141, %ge3A : i32
          %convert_element_type3A_184 = arith.extui %ge3A_183 : i1 to i32
          %cond3A_185 = arith.constant 0 : i32
          %cond3A_186 = arith.cmpi ne, %convert_element_type3A_184, %cond3A_185 : i32
          scf.if %cond3A_186 {
            %sub3A_193 = arith.constant 1 : i32
            %sub3A_194 = arith.subi %add3A_141, %sub3A_193 : i32
            %dma_wait3A_195 = arith.constant 0 : i32
            %dma_wait3A_196 = tpu.memref_slice %arg10[%sub3A_194, %dma_wait3A_195] : memref<24x128xi32, #tpu.memory_space<vmem>> -> memref<1x128xi32, #tpu.memory_space<vmem>>
            %dma_wait3A_197 = tpu.memref_squeeze %dma_wait3A_196 : memref<1x128xi32, #tpu.memory_space<vmem>> -> memref<128xi32, #tpu.memory_space<vmem>>
            %dma_wait3A_198 = arith.constant 0 : i32
            %dma_wait3A_199 = arith.constant 0 : i32
            %dma_wait3A_200 = tpu.memref_slice %arg13[%dma_wait3A_198, %dma_wait3A_199] : memref<10112x128xf32, #tpu.memory_space<vmem_shared>> -> memref<10112x128xf32, #tpu.memory_space<vmem_shared>>
            tpu.wait_indirect_dma semaphore(%arg17 : memref<!tpu.dma_semaphore, #tpu.memory_space<semaphore_mem>>) src(%arg12 : memref<128x128xf32, #tpu.memory_space<vmem>>) dst(%dma_wait3A_200 : memref<10112x128xf32, #tpu.memory_space<vmem_shared>>)
          } else {
          }
          %dma_start3A_187 = arith.constant 0 : i32
          %dma_start3A_188 = tpu.memref_slice %arg9[%add3A_155, %dma_start3A_187] : memref<24x128xi32, #tpu.memory_space<vmem>> -> memref<1x128xi32, #tpu.memory_space<vmem>>
          %dma_start3A_189 = tpu.memref_squeeze %dma_start3A_188 : memref<1x128xi32, #tpu.memory_space<vmem>> -> memref<128xi32, #tpu.memory_space<vmem>>
          %dma_start3A_190 = arith.constant 0 : i32
          %dma_start3A_191 = arith.constant 0 : i32
          %dma_start3A_192 = tpu.memref_slice %arg3[%dma_start3A_190, %dma_start3A_191] : memref<10000x128xf32, #tpu.memory_space<hbm>> -> memref<10000x128xf32, #tpu.memory_space<hbm>>
          tpu.enqueue_indirect_dma source(%dma_start3A_192 : memref<10000x128xf32, #tpu.memory_space<hbm>>) target(%arg12 : memref<128x128xf32, #tpu.memory_space<vmem>>) offsets(%dma_start3A_189 : memref<128xi32, #tpu.memory_space<vmem>>) semaphore(%arg15 : memref<!tpu.dma_semaphore, #tpu.memory_space<semaphore_mem>>)
        } else {
        }
        %mul3A_160 = arith.constant 2 : i32
        %mul3A_161 = arith.muli %scan3A_137, %mul3A_160 : i32
        %add3A_162 = arith.constant 1 : i32
        %add3A_163 = arith.addi %mul3A_161, %add3A_162 : i32
        %dma_wait3A_164 = arith.constant 0 : i32
        %dma_wait3A_165 = tpu.memref_slice %arg9[%add3A_163, %dma_wait3A_164] : memref<24x128xi32, #tpu.memory_space<vmem>> -> memref<1x128xi32, #tpu.memory_space<vmem>>
        %dma_wait3A_166 = tpu.memref_squeeze %dma_wait3A_165 : memref<1x128xi32, #tpu.memory_space<vmem>> -> memref<128xi32, #tpu.memory_space<vmem>>
        %dma_wait3A_167 = arith.constant 0 : i32
        %dma_wait3A_168 = arith.constant 0 : i32
        %dma_wait3A_169 = tpu.memref_slice %arg3[%dma_wait3A_167, %dma_wait3A_168] : memref<10000x128xf32, #tpu.memory_space<hbm>> -> memref<10000x128xf32, #tpu.memory_space<hbm>>
        tpu.wait_indirect_dma semaphore(%arg15 : memref<!tpu.dma_semaphore, #tpu.memory_space<semaphore_mem>>) src(%dma_wait3A_169 : memref<10000x128xf32, #tpu.memory_space<hbm>>) dst(%arg12 : memref<128x128xf32, #tpu.memory_space<vmem>>)
        %dma_start3A_170 = arith.constant 0 : i32
        %dma_start3A_171 = tpu.memref_slice %arg10[%add3A_163, %dma_start3A_170] : memref<24x128xi32, #tpu.memory_space<vmem>> -> memref<1x128xi32, #tpu.memory_space<vmem>>
        %dma_start3A_172 = tpu.memref_squeeze %dma_start3A_171 : memref<1x128xi32, #tpu.memory_space<vmem>> -> memref<128xi32, #tpu.memory_space<vmem>>
        %dma_start3A_173 = arith.constant 0 : i32
        %dma_start3A_174 = arith.constant 0 : i32
        %dma_start3A_175 = tpu.memref_slice %arg13[%dma_start3A_173, %dma_start3A_174] : memref<10112x128xf32, #tpu.memory_space<vmem_shared>> -> memref<10112x128xf32, #tpu.memory_space<vmem_shared>>
        tpu.enqueue_indirect_dma source(%arg12 : memref<128x128xf32, #tpu.memory_space<vmem>>) target(%dma_start3A_175 : memref<10112x128xf32, #tpu.memory_space<vmem_shared>>) offsets(%dma_start3A_172 : memref<128xi32, #tpu.memory_space<vmem>>) semaphore(%arg17 : memref<!tpu.dma_semaphore, #tpu.memory_space<semaphore_mem>>) {add = true}
        %add3A_176 = arith.constant 1 : i32
        %add3A_177 = arith.addi %add3A_163, %add3A_176 : i32
        %lt3A_178 = arith.constant 24 : i32
        %lt3A_179 = arith.cmpi slt, %add3A_177, %lt3A_178 : i32
        %convert_element_type3A_180 = arith.extui %lt3A_179 : i1 to i32
        %cond3A_181 = arith.constant 0 : i32
        %cond3A_182 = arith.cmpi ne, %convert_element_type3A_180, %cond3A_181 : i32
        scf.if %cond3A_182 {
          %ge3A = arith.constant 1 : i32
          %ge3A_183 = arith.cmpi sge, %add3A_163, %ge3A : i32
          %convert_element_type3A_184 = arith.extui %ge3A_183 : i1 to i32
          %cond3A_185 = arith.constant 0 : i32
          %cond3A_186 = arith.cmpi ne, %convert_element_type3A_184, %cond3A_185 : i32
          scf.if %cond3A_186 {
            %sub3A_193 = arith.constant 1 : i32
            %sub3A_194 = arith.subi %add3A_163, %sub3A_193 : i32
            %dma_wait3A_195 = arith.constant 0 : i32
            %dma_wait3A_196 = tpu.memref_slice %arg10[%sub3A_194, %dma_wait3A_195] : memref<24x128xi32, #tpu.memory_space<vmem>> -> memref<1x128xi32, #tpu.memory_space<vmem>>
            %dma_wait3A_197 = tpu.memref_squeeze %dma_wait3A_196 : memref<1x128xi32, #tpu.memory_space<vmem>> -> memref<128xi32, #tpu.memory_space<vmem>>
            %dma_wait3A_198 = arith.constant 0 : i32
            %dma_wait3A_199 = arith.constant 0 : i32
            %dma_wait3A_200 = tpu.memref_slice %arg13[%dma_wait3A_198, %dma_wait3A_199] : memref<10112x128xf32, #tpu.memory_space<vmem_shared>> -> memref<10112x128xf32, #tpu.memory_space<vmem_shared>>
            tpu.wait_indirect_dma semaphore(%arg16 : memref<!tpu.dma_semaphore, #tpu.memory_space<semaphore_mem>>) src(%arg11 : memref<128x128xf32, #tpu.memory_space<vmem>>) dst(%dma_wait3A_200 : memref<10112x128xf32, #tpu.memory_space<vmem_shared>>)
          } else {
          }
          %dma_start3A_187 = arith.constant 0 : i32
          %dma_start3A_188 = tpu.memref_slice %arg9[%add3A_177, %dma_start3A_187] : memref<24x128xi32, #tpu.memory_space<vmem>> -> memref<1x128xi32, #tpu.memory_space<vmem>>
          %dma_start3A_189 = tpu.memref_squeeze %dma_start3A_188 : memref<1x128xi32, #tpu.memory_space<vmem>> -> memref<128xi32, #tpu.memory_space<vmem>>
          %dma_start3A_190 = arith.constant 0 : i32
          %dma_start3A_191 = arith.constant 0 : i32
          %dma_start3A_192 = tpu.memref_slice %arg3[%dma_start3A_190, %dma_start3A_191] : memref<10000x128xf32, #tpu.memory_space<hbm>> -> memref<10000x128xf32, #tpu.memory_space<hbm>>
          tpu.enqueue_indirect_dma source(%dma_start3A_192 : memref<10000x128xf32, #tpu.memory_space<hbm>>) target(%arg11 : memref<128x128xf32, #tpu.memory_space<vmem>>) offsets(%dma_start3A_189 : memref<128xi32, #tpu.memory_space<vmem>>) semaphore(%arg14 : memref<!tpu.dma_semaphore, #tpu.memory_space<semaphore_mem>>)
        } else {
        }
      }
      %scan3A_91 = arith.constant 12 : i32
      %dma_wait3A_92 = arith.constant 22 : i32
      %dma_wait3A_93 = arith.constant 0 : i32
      %dma_wait3A_94 = tpu.memref_slice %arg10[%dma_wait3A_92, %dma_wait3A_93] : memref<24x128xi32, #tpu.memory_space<vmem>> -> memref<1x128xi32, #tpu.memory_space<vmem>>
      %dma_wait3A_95 = tpu.memref_squeeze %dma_wait3A_94 : memref<1x128xi32, #tpu.memory_space<vmem>> -> memref<128xi32, #tpu.memory_space<vmem>>
      %dma_wait3A_96 = arith.constant 0 : i32
      %dma_wait3A_97 = arith.constant 0 : i32
      %dma_wait3A_98 = tpu.memref_slice %arg13[%dma_wait3A_96, %dma_wait3A_97] : memref<10112x128xf32, #tpu.memory_space<vmem_shared>> -> memref<10112x128xf32, #tpu.memory_space<vmem_shared>>
      tpu.wait_indirect_dma semaphore(%arg16 : memref<!tpu.dma_semaphore, #tpu.memory_space<semaphore_mem>>) src(%arg11 : memref<128x128xf32, #tpu.memory_space<vmem>>) dst(%dma_wait3A_98 : memref<10112x128xf32, #tpu.memory_space<vmem_shared>>)
      %dma_wait3A_99 = arith.constant 23 : i32
      %dma_wait3A_100 = arith.constant 0 : i32
      %dma_wait3A_101 = tpu.memref_slice %arg10[%dma_wait3A_99, %dma_wait3A_100] : memref<24x128xi32, #tpu.memory_space<vmem>> -> memref<1x128xi32, #tpu.memory_space<vmem>>
      %dma_wait3A_102 = tpu.memref_squeeze %dma_wait3A_101 : memref<1x128xi32, #tpu.memory_space<vmem>> -> memref<128xi32, #tpu.memory_space<vmem>>
      %dma_wait3A_103 = arith.constant 0 : i32
      %dma_wait3A_104 = arith.constant 0 : i32
      %dma_wait3A_105 = tpu.memref_slice %arg13[%dma_wait3A_103, %dma_wait3A_104] : memref<10112x128xf32, #tpu.memory_space<vmem_shared>> -> memref<10112x128xf32, #tpu.memory_space<vmem_shared>>
      tpu.wait_indirect_dma semaphore(%arg17 : memref<!tpu.dma_semaphore, #tpu.memory_space<semaphore_mem>>) src(%arg12 : memref<128x128xf32, #tpu.memory_space<vmem>>) dst(%dma_wait3A_105 : memref<10112x128xf32, #tpu.memory_space<vmem_shared>>)
      %mul3A_106 = arith.constant 72 : i32
      %mul3A_107 = arith.muli %arg1, %mul3A_106 : i32
      %add3A_108 = arith.constant 48 : i32
      %add3A_109 = arith.addi %mul3A_107, %add3A_108 : i32
      "tpu.region"() ({
        %run_scoped3A = tpu.sem_alloc : memref<!tpu.dma_semaphore, #tpu.memory_space<semaphore_mem>>
        %dma_start3A_137 = arith.constant 0 : i32
        %dma_start3A_138 = arith.constant 0 : i32
        %dma_start3A_139 = tpu.memref_slice %arg9[%dma_start3A_137, %dma_start3A_138] : memref<24x128xi32, #tpu.memory_space<vmem>> -> memref<24x128xi32, #tpu.memory_space<vmem>>
        %dma_start3A_140 = arith.constant 0 : i32
        %dma_start3A_141 = tpu.memref_slice %arg6[%add3A_109, %dma_start3A_140] : memref<1280x128xi32, #tpu.memory_space<hbm>> -> memref<24x128xi32, #tpu.memory_space<hbm>>
        %dma_start3A_142 = arith.constant 0 : i32
        %dma_start3A_143 = arith.constant 0 : i32
        %dma_start3A_144 = tpu.memref_slice %arg9[%dma_start3A_142, %dma_start3A_143] : memref<24x128xi32, #tpu.memory_space<vmem>> -> memref<24x128xi32, #tpu.memory_space<vmem>>
        %dma_start3A_145 = arith.constant 0 : i32
        %dma_start3A_146 = tpu.memref_slice %arg6[%add3A_109, %dma_start3A_145] : memref<1280x128xi32, #tpu.memory_space<hbm>> -> memref<24x128xi32, #tpu.memory_space<hbm>>
        tpu.enqueue_dma source(%dma_start3A_146 : memref<24x128xi32, #tpu.memory_space<hbm>>) target(%dma_start3A_144 : memref<24x128xi32, #tpu.memory_space<vmem>>) target_semaphore(%run_scoped3A : memref<!tpu.dma_semaphore, #tpu.memory_space<semaphore_mem>>)
        %dma_wait3A_147 = arith.constant 0 : i32
        %dma_wait3A_148 = arith.constant 0 : i32
        %dma_wait3A_149 = tpu.memref_slice %arg9[%dma_wait3A_147, %dma_wait3A_148] : memref<24x128xi32, #tpu.memory_space<vmem>> -> memref<24x128xi32, #tpu.memory_space<vmem>>
        %dma_wait3A_150 = arith.constant 0 : i32
        %dma_wait3A_151 = tpu.memref_slice %arg6[%add3A_109, %dma_wait3A_150] : memref<1280x128xi32, #tpu.memory_space<hbm>> -> memref<24x128xi32, #tpu.memory_space<hbm>>
        %dma_wait3A_152 = arith.constant 0 : i32
        %dma_wait3A_153 = arith.constant 0 : i32
        %dma_wait3A_154 = tpu.memref_slice %arg9[%dma_wait3A_152, %dma_wait3A_153] : memref<24x128xi32, #tpu.memory_space<vmem>> -> memref<24x128xi32, #tpu.memory_space<vmem>>
        %dma_wait3A_155 = arith.constant 0 : i32
        %dma_wait3A_156 = tpu.memref_slice %arg6[%add3A_109, %dma_wait3A_155] : memref<1280x128xi32, #tpu.memory_space<hbm>> -> memref<24x128xi32, #tpu.memory_space<hbm>>
        tpu.wait_dma2 semaphore(%run_scoped3A : memref<!tpu.dma_semaphore, #tpu.memory_space<semaphore_mem>>) src(%dma_wait3A_156 : memref<24x128xi32, #tpu.memory_space<hbm>>) dst(%dma_wait3A_154 : memref<24x128xi32, #tpu.memory_space<vmem>>)
        tpu.yield
      }) : () -> ()
      "tpu.region"() ({
        %run_scoped3A = tpu.sem_alloc : memref<!tpu.dma_semaphore, #tpu.memory_space<semaphore_mem>>
        %dma_start3A_137 = arith.constant 0 : i32
        %dma_start3A_138 = arith.constant 0 : i32
        %dma_start3A_139 = tpu.memref_slice %arg10[%dma_start3A_137, %dma_start3A_138] : memref<24x128xi32, #tpu.memory_space<vmem>> -> memref<24x128xi32, #tpu.memory_space<vmem>>
        %dma_start3A_140 = arith.constant 0 : i32
        %dma_start3A_141 = tpu.memref_slice %arg7[%add3A_109, %dma_start3A_140] : memref<1280x128xi32, #tpu.memory_space<hbm>> -> memref<24x128xi32, #tpu.memory_space<hbm>>
        %dma_start3A_142 = arith.constant 0 : i32
        %dma_start3A_143 = arith.constant 0 : i32
        %dma_start3A_144 = tpu.memref_slice %arg10[%dma_start3A_142, %dma_start3A_143] : memref<24x128xi32, #tpu.memory_space<vmem>> -> memref<24x128xi32, #tpu.memory_space<vmem>>
        %dma_start3A_145 = arith.constant 0 : i32
        %dma_start3A_146 = tpu.memref_slice %arg7[%add3A_109, %dma_start3A_145] : memref<1280x128xi32, #tpu.memory_space<hbm>> -> memref<24x128xi32, #tpu.memory_space<hbm>>
        tpu.enqueue_dma source(%dma_start3A_146 : memref<24x128xi32, #tpu.memory_space<hbm>>) target(%dma_start3A_144 : memref<24x128xi32, #tpu.memory_space<vmem>>) target_semaphore(%run_scoped3A : memref<!tpu.dma_semaphore, #tpu.memory_space<semaphore_mem>>)
        %dma_wait3A_147 = arith.constant 0 : i32
        %dma_wait3A_148 = arith.constant 0 : i32
        %dma_wait3A_149 = tpu.memref_slice %arg10[%dma_wait3A_147, %dma_wait3A_148] : memref<24x128xi32, #tpu.memory_space<vmem>> -> memref<24x128xi32, #tpu.memory_space<vmem>>
        %dma_wait3A_150 = arith.constant 0 : i32
        %dma_wait3A_151 = tpu.memref_slice %arg7[%add3A_109, %dma_wait3A_150] : memref<1280x128xi32, #tpu.memory_space<hbm>> -> memref<24x128xi32, #tpu.memory_space<hbm>>
        %dma_wait3A_152 = arith.constant 0 : i32
        %dma_wait3A_153 = arith.constant 0 : i32
        %dma_wait3A_154 = tpu.memref_slice %arg10[%dma_wait3A_152, %dma_wait3A_153] : memref<24x128xi32, #tpu.memory_space<vmem>> -> memref<24x128xi32, #tpu.memory_space<vmem>>
        %dma_wait3A_155 = arith.constant 0 : i32
        %dma_wait3A_156 = tpu.memref_slice %arg7[%add3A_109, %dma_wait3A_155] : memref<1280x128xi32, #tpu.memory_space<hbm>> -> memref<24x128xi32, #tpu.memory_space<hbm>>
        tpu.wait_dma2 semaphore(%run_scoped3A : memref<!tpu.dma_semaphore, #tpu.memory_space<semaphore_mem>>) src(%dma_wait3A_156 : memref<24x128xi32, #tpu.memory_space<hbm>>) dst(%dma_wait3A_154 : memref<24x128xi32, #tpu.memory_space<vmem>>)
        tpu.yield
      }) : () -> ()
      %dma_start3A_110 = arith.constant 0 : i32
      %dma_start3A_111 = arith.constant 0 : i32
      %dma_start3A_112 = tpu.memref_slice %arg9[%dma_start3A_110, %dma_start3A_111] : memref<24x128xi32, #tpu.memory_space<vmem>> -> memref<1x128xi32, #tpu.memory_space<vmem>>
      %dma_start3A_113 = tpu.memref_squeeze %dma_start3A_112 : memref<1x128xi32, #tpu.memory_space<vmem>> -> memref<128xi32, #tpu.memory_space<vmem>>
      %dma_start3A_114 = arith.constant 0 : i32
      %dma_start3A_115 = arith.constant 0 : i32
      %dma_start3A_116 = tpu.memref_slice %arg3[%dma_start3A_114, %dma_start3A_115] : memref<10000x128xf32, #tpu.memory_space<hbm>> -> memref<10000x128xf32, #tpu.memory_space<hbm>>
      tpu.enqueue_indirect_dma source(%dma_start3A_116 : memref<10000x128xf32, #tpu.memory_space<hbm>>) target(%arg11 : memref<128x128xf32, #tpu.memory_space<vmem>>) offsets(%dma_start3A_113 : memref<128xi32, #tpu.memory_space<vmem>>) semaphore(%arg14 : memref<!tpu.dma_semaphore, #tpu.memory_space<semaphore_mem>>)
      %scan3A_117 = arith.constant 0 : i32
      %scan3A_118 = arith.constant 0 : i32
      %scan3A_119 = arith.constant 12 : i32
      %scan3A_120 = arith.addi %scan3A_118, %scan3A_119 : i32
      %scan3A_121 = arith.constant 1 : i32
      scf.for %scan3A_137 = %scan3A_118 to %scan3A_120 step %scan3A_121  : i32 {
        %mul3A_138 = arith.constant 2 : i32
        %mul3A_139 = arith.muli %scan3A_137, %mul3A_138 : i32
        %add3A_140 = arith.constant 0 : i32
        %add3A_141 = arith.addi %mul3A_139, %add3A_140 : i32
        %dma_wait3A_142 = arith.constant 0 : i32
        %dma_wait3A_143 = tpu.memref_slice %arg9[%add3A_141, %dma_wait3A_142] : memref<24x128xi32, #tpu.memory_space<vmem>> -> memref<1x128xi32, #tpu.memory_space<vmem>>
        %dma_wait3A_144 = tpu.memref_squeeze %dma_wait3A_143 : memref<1x128xi32, #tpu.memory_space<vmem>> -> memref<128xi32, #tpu.memory_space<vmem>>
        %dma_wait3A_145 = arith.constant 0 : i32
        %dma_wait3A_146 = arith.constant 0 : i32
        %dma_wait3A_147 = tpu.memref_slice %arg3[%dma_wait3A_145, %dma_wait3A_146] : memref<10000x128xf32, #tpu.memory_space<hbm>> -> memref<10000x128xf32, #tpu.memory_space<hbm>>
        tpu.wait_indirect_dma semaphore(%arg14 : memref<!tpu.dma_semaphore, #tpu.memory_space<semaphore_mem>>) src(%dma_wait3A_147 : memref<10000x128xf32, #tpu.memory_space<hbm>>) dst(%arg11 : memref<128x128xf32, #tpu.memory_space<vmem>>)
        %dma_start3A_148 = arith.constant 0 : i32
        %dma_start3A_149 = tpu.memref_slice %arg10[%add3A_141, %dma_start3A_148] : memref<24x128xi32, #tpu.memory_space<vmem>> -> memref<1x128xi32, #tpu.memory_space<vmem>>
        %dma_start3A_150 = tpu.memref_squeeze %dma_start3A_149 : memref<1x128xi32, #tpu.memory_space<vmem>> -> memref<128xi32, #tpu.memory_space<vmem>>
        %dma_start3A_151 = arith.constant 0 : i32
        %dma_start3A_152 = arith.constant 0 : i32
        %dma_start3A_153 = tpu.memref_slice %arg13[%dma_start3A_151, %dma_start3A_152] : memref<10112x128xf32, #tpu.memory_space<vmem_shared>> -> memref<10112x128xf32, #tpu.memory_space<vmem_shared>>
        tpu.enqueue_indirect_dma source(%arg11 : memref<128x128xf32, #tpu.memory_space<vmem>>) target(%dma_start3A_153 : memref<10112x128xf32, #tpu.memory_space<vmem_shared>>) offsets(%dma_start3A_150 : memref<128xi32, #tpu.memory_space<vmem>>) semaphore(%arg16 : memref<!tpu.dma_semaphore, #tpu.memory_space<semaphore_mem>>) {add = true}
        %add3A_154 = arith.constant 1 : i32
        %add3A_155 = arith.addi %add3A_141, %add3A_154 : i32
        %lt3A = arith.constant 24 : i32
        %lt3A_156 = arith.cmpi slt, %add3A_155, %lt3A : i32
        %convert_element_type3A_157 = arith.extui %lt3A_156 : i1 to i32
        %cond3A_158 = arith.constant 0 : i32
        %cond3A_159 = arith.cmpi ne, %convert_element_type3A_157, %cond3A_158 : i32
        scf.if %cond3A_159 {
          %ge3A = arith.constant 1 : i32
          %ge3A_183 = arith.cmpi sge, %add3A_141, %ge3A : i32
          %convert_element_type3A_184 = arith.extui %ge3A_183 : i1 to i32
          %cond3A_185 = arith.constant 0 : i32
          %cond3A_186 = arith.cmpi ne, %convert_element_type3A_184, %cond3A_185 : i32
          scf.if %cond3A_186 {
            %sub3A_193 = arith.constant 1 : i32
            %sub3A_194 = arith.subi %add3A_141, %sub3A_193 : i32
            %dma_wait3A_195 = arith.constant 0 : i32
            %dma_wait3A_196 = tpu.memref_slice %arg10[%sub3A_194, %dma_wait3A_195] : memref<24x128xi32, #tpu.memory_space<vmem>> -> memref<1x128xi32, #tpu.memory_space<vmem>>
            %dma_wait3A_197 = tpu.memref_squeeze %dma_wait3A_196 : memref<1x128xi32, #tpu.memory_space<vmem>> -> memref<128xi32, #tpu.memory_space<vmem>>
            %dma_wait3A_198 = arith.constant 0 : i32
            %dma_wait3A_199 = arith.constant 0 : i32
            %dma_wait3A_200 = tpu.memref_slice %arg13[%dma_wait3A_198, %dma_wait3A_199] : memref<10112x128xf32, #tpu.memory_space<vmem_shared>> -> memref<10112x128xf32, #tpu.memory_space<vmem_shared>>
            tpu.wait_indirect_dma semaphore(%arg17 : memref<!tpu.dma_semaphore, #tpu.memory_space<semaphore_mem>>) src(%arg12 : memref<128x128xf32, #tpu.memory_space<vmem>>) dst(%dma_wait3A_200 : memref<10112x128xf32, #tpu.memory_space<vmem_shared>>)
          } else {
          }
          %dma_start3A_187 = arith.constant 0 : i32
          %dma_start3A_188 = tpu.memref_slice %arg9[%add3A_155, %dma_start3A_187] : memref<24x128xi32, #tpu.memory_space<vmem>> -> memref<1x128xi32, #tpu.memory_space<vmem>>
          %dma_start3A_189 = tpu.memref_squeeze %dma_start3A_188 : memref<1x128xi32, #tpu.memory_space<vmem>> -> memref<128xi32, #tpu.memory_space<vmem>>
          %dma_start3A_190 = arith.constant 0 : i32
          %dma_start3A_191 = arith.constant 0 : i32
          %dma_start3A_192 = tpu.memref_slice %arg3[%dma_start3A_190, %dma_start3A_191] : memref<10000x128xf32, #tpu.memory_space<hbm>> -> memref<10000x128xf32, #tpu.memory_space<hbm>>
          tpu.enqueue_indirect_dma source(%dma_start3A_192 : memref<10000x128xf32, #tpu.memory_space<hbm>>) target(%arg12 : memref<128x128xf32, #tpu.memory_space<vmem>>) offsets(%dma_start3A_189 : memref<128xi32, #tpu.memory_space<vmem>>) semaphore(%arg15 : memref<!tpu.dma_semaphore, #tpu.memory_space<semaphore_mem>>)
        } else {
        }
        %mul3A_160 = arith.constant 2 : i32
        %mul3A_161 = arith.muli %scan3A_137, %mul3A_160 : i32
        %add3A_162 = arith.constant 1 : i32
        %add3A_163 = arith.addi %mul3A_161, %add3A_162 : i32
        %dma_wait3A_164 = arith.constant 0 : i32
        %dma_wait3A_165 = tpu.memref_slice %arg9[%add3A_163, %dma_wait3A_164] : memref<24x128xi32, #tpu.memory_space<vmem>> -> memref<1x128xi32, #tpu.memory_space<vmem>>
        %dma_wait3A_166 = tpu.memref_squeeze %dma_wait3A_165 : memref<1x128xi32, #tpu.memory_space<vmem>> -> memref<128xi32, #tpu.memory_space<vmem>>
        %dma_wait3A_167 = arith.constant 0 : i32
        %dma_wait3A_168 = arith.constant 0 : i32
        %dma_wait3A_169 = tpu.memref_slice %arg3[%dma_wait3A_167, %dma_wait3A_168] : memref<10000x128xf32, #tpu.memory_space<hbm>> -> memref<10000x128xf32, #tpu.memory_space<hbm>>
        tpu.wait_indirect_dma semaphore(%arg15 : memref<!tpu.dma_semaphore, #tpu.memory_space<semaphore_mem>>) src(%dma_wait3A_169 : memref<10000x128xf32, #tpu.memory_space<hbm>>) dst(%arg12 : memref<128x128xf32, #tpu.memory_space<vmem>>)
        %dma_start3A_170 = arith.constant 0 : i32
        %dma_start3A_171 = tpu.memref_slice %arg10[%add3A_163, %dma_start3A_170] : memref<24x128xi32, #tpu.memory_space<vmem>> -> memref<1x128xi32, #tpu.memory_space<vmem>>
        %dma_start3A_172 = tpu.memref_squeeze %dma_start3A_171 : memref<1x128xi32, #tpu.memory_space<vmem>> -> memref<128xi32, #tpu.memory_space<vmem>>
        %dma_start3A_173 = arith.constant 0 : i32
        %dma_start3A_174 = arith.constant 0 : i32
        %dma_start3A_175 = tpu.memref_slice %arg13[%dma_start3A_173, %dma_start3A_174] : memref<10112x128xf32, #tpu.memory_space<vmem_shared>> -> memref<10112x128xf32, #tpu.memory_space<vmem_shared>>
        tpu.enqueue_indirect_dma source(%arg12 : memref<128x128xf32, #tpu.memory_space<vmem>>) target(%dma_start3A_175 : memref<10112x128xf32, #tpu.memory_space<vmem_shared>>) offsets(%dma_start3A_172 : memref<128xi32, #tpu.memory_space<vmem>>) semaphore(%arg17 : memref<!tpu.dma_semaphore, #tpu.memory_space<semaphore_mem>>) {add = true}
        %add3A_176 = arith.constant 1 : i32
        %add3A_177 = arith.addi %add3A_163, %add3A_176 : i32
        %lt3A_178 = arith.constant 24 : i32
        %lt3A_179 = arith.cmpi slt, %add3A_177, %lt3A_178 : i32
        %convert_element_type3A_180 = arith.extui %lt3A_179 : i1 to i32
        %cond3A_181 = arith.constant 0 : i32
        %cond3A_182 = arith.cmpi ne, %convert_element_type3A_180, %cond3A_181 : i32
        scf.if %cond3A_182 {
          %ge3A = arith.constant 1 : i32
          %ge3A_183 = arith.cmpi sge, %add3A_163, %ge3A : i32
          %convert_element_type3A_184 = arith.extui %ge3A_183 : i1 to i32
          %cond3A_185 = arith.constant 0 : i32
          %cond3A_186 = arith.cmpi ne, %convert_element_type3A_184, %cond3A_185 : i32
          scf.if %cond3A_186 {
            %sub3A_193 = arith.constant 1 : i32
            %sub3A_194 = arith.subi %add3A_163, %sub3A_193 : i32
            %dma_wait3A_195 = arith.constant 0 : i32
            %dma_wait3A_196 = tpu.memref_slice %arg10[%sub3A_194, %dma_wait3A_195] : memref<24x128xi32, #tpu.memory_space<vmem>> -> memref<1x128xi32, #tpu.memory_space<vmem>>
            %dma_wait3A_197 = tpu.memref_squeeze %dma_wait3A_196 : memref<1x128xi32, #tpu.memory_space<vmem>> -> memref<128xi32, #tpu.memory_space<vmem>>
            %dma_wait3A_198 = arith.constant 0 : i32
            %dma_wait3A_199 = arith.constant 0 : i32
            %dma_wait3A_200 = tpu.memref_slice %arg13[%dma_wait3A_198, %dma_wait3A_199] : memref<10112x128xf32, #tpu.memory_space<vmem_shared>> -> memref<10112x128xf32, #tpu.memory_space<vmem_shared>>
            tpu.wait_indirect_dma semaphore(%arg16 : memref<!tpu.dma_semaphore, #tpu.memory_space<semaphore_mem>>) src(%arg11 : memref<128x128xf32, #tpu.memory_space<vmem>>) dst(%dma_wait3A_200 : memref<10112x128xf32, #tpu.memory_space<vmem_shared>>)
          } else {
          }
          %dma_start3A_187 = arith.constant 0 : i32
          %dma_start3A_188 = tpu.memref_slice %arg9[%add3A_177, %dma_start3A_187] : memref<24x128xi32, #tpu.memory_space<vmem>> -> memref<1x128xi32, #tpu.memory_space<vmem>>
          %dma_start3A_189 = tpu.memref_squeeze %dma_start3A_188 : memref<1x128xi32, #tpu.memory_space<vmem>> -> memref<128xi32, #tpu.memory_space<vmem>>
          %dma_start3A_190 = arith.constant 0 : i32
          %dma_start3A_191 = arith.constant 0 : i32
          %dma_start3A_192 = tpu.memref_slice %arg3[%dma_start3A_190, %dma_start3A_191] : memref<10000x128xf32, #tpu.memory_space<hbm>> -> memref<10000x128xf32, #tpu.memory_space<hbm>>
          tpu.enqueue_indirect_dma source(%dma_start3A_192 : memref<10000x128xf32, #tpu.memory_space<hbm>>) target(%arg11 : memref<128x128xf32, #tpu.memory_space<vmem>>) offsets(%dma_start3A_189 : memref<128xi32, #tpu.memory_space<vmem>>) semaphore(%arg14 : memref<!tpu.dma_semaphore, #tpu.memory_space<semaphore_mem>>)
        } else {
        }
      }
      %scan3A_122 = arith.constant 12 : i32
      %dma_wait3A_123 = arith.constant 22 : i32
      %dma_wait3A_124 = arith.constant 0 : i32
      %dma_wait3A_125 = tpu.memref_slice %arg10[%dma_wait3A_123, %dma_wait3A_124] : memref<24x128xi32, #tpu.memory_space<vmem>> -> memref<1x128xi32, #tpu.memory_space<vmem>>
      %dma_wait3A_126 = tpu.memref_squeeze %dma_wait3A_125 : memref<1x128xi32, #tpu.memory_space<vmem>> -> memref<128xi32, #tpu.memory_space<vmem>>
      %dma_wait3A_127 = arith.constant 0 : i32
      %dma_wait3A_128 = arith.constant 0 : i32
      %dma_wait3A_129 = tpu.memref_slice %arg13[%dma_wait3A_127, %dma_wait3A_128] : memref<10112x128xf32, #tpu.memory_space<vmem_shared>> -> memref<10112x128xf32, #tpu.memory_space<vmem_shared>>
      tpu.wait_indirect_dma semaphore(%arg16 : memref<!tpu.dma_semaphore, #tpu.memory_space<semaphore_mem>>) src(%arg11 : memref<128x128xf32, #tpu.memory_space<vmem>>) dst(%dma_wait3A_129 : memref<10112x128xf32, #tpu.memory_space<vmem_shared>>)
      %dma_wait3A_130 = arith.constant 23 : i32
      %dma_wait3A_131 = arith.constant 0 : i32
      %dma_wait3A_132 = tpu.memref_slice %arg10[%dma_wait3A_130, %dma_wait3A_131] : memref<24x128xi32, #tpu.memory_space<vmem>> -> memref<1x128xi32, #tpu.memory_space<vmem>>
      %dma_wait3A_133 = tpu.memref_squeeze %dma_wait3A_132 : memref<1x128xi32, #tpu.memory_space<vmem>> -> memref<128xi32, #tpu.memory_space<vmem>>
      %dma_wait3A_134 = arith.constant 0 : i32
      %dma_wait3A_135 = arith.constant 0 : i32
      %dma_wait3A_136 = tpu.memref_slice %arg13[%dma_wait3A_134, %dma_wait3A_135] : memref<10112x128xf32, #tpu.memory_space<vmem_shared>> -> memref<10112x128xf32, #tpu.memory_space<vmem_shared>>
      tpu.wait_indirect_dma semaphore(%arg17 : memref<!tpu.dma_semaphore, #tpu.memory_space<semaphore_mem>>) src(%arg12 : memref<128x128xf32, #tpu.memory_space<vmem>>) dst(%dma_wait3A_136 : memref<10112x128xf32, #tpu.memory_space<vmem_shared>>)
    } else {
    }
    %eq3A_36 = arith.constant 1 : i32
    %eq3A_37 = arith.cmpi eq, %arg0, %eq3A_36 : i32
    %convert_element_type3A_38 = arith.extui %eq3A_37 : i1 to i32
    %cond3A_39 = arith.constant 0 : i32
    %cond3A_40 = arith.cmpi ne, %convert_element_type3A_38, %cond3A_39 : i32
    scf.if %cond3A_40 {
      %mul3A_46 = arith.constant 8 : i32
      %mul3A_47 = arith.muli %arg1, %mul3A_46 : i32
      %add3A_48 = arith.constant 1152 : i32
      %add3A_49 = arith.addi %add3A_48, %mul3A_47 : i32
      "tpu.region"() ({
        %run_scoped3A = tpu.sem_alloc : memref<!tpu.dma_semaphore, #tpu.memory_space<semaphore_mem>>
        %dma_start3A_75 = arith.constant 0 : i32
        %dma_start3A_76 = arith.constant 0 : i32
        %dma_start3A_77 = tpu.memref_slice %arg9[%dma_start3A_75, %dma_start3A_76] : memref<24x128xi32, #tpu.memory_space<vmem>> -> memref<8x128xi32, #tpu.memory_space<vmem>>
        %dma_start3A_78 = arith.constant 0 : i32
        %dma_start3A_79 = tpu.memref_slice %arg6[%add3A_49, %dma_start3A_78] : memref<1280x128xi32, #tpu.memory_space<hbm>> -> memref<8x128xi32, #tpu.memory_space<hbm>>
        %dma_start3A_80 = arith.constant 0 : i32
        %dma_start3A_81 = arith.constant 0 : i32
        %dma_start3A_82 = tpu.memref_slice %arg9[%dma_start3A_80, %dma_start3A_81] : memref<24x128xi32, #tpu.memory_space<vmem>> -> memref<8x128xi32, #tpu.memory_space<vmem>>
        %dma_start3A_83 = arith.constant 0 : i32
        %dma_start3A_84 = tpu.memref_slice %arg6[%add3A_49, %dma_start3A_83] : memref<1280x128xi32, #tpu.memory_space<hbm>> -> memref<8x128xi32, #tpu.memory_space<hbm>>
        tpu.enqueue_dma source(%dma_start3A_84 : memref<8x128xi32, #tpu.memory_space<hbm>>) target(%dma_start3A_82 : memref<8x128xi32, #tpu.memory_space<vmem>>) target_semaphore(%run_scoped3A : memref<!tpu.dma_semaphore, #tpu.memory_space<semaphore_mem>>)
        %dma_wait3A_85 = arith.constant 0 : i32
        %dma_wait3A_86 = arith.constant 0 : i32
        %dma_wait3A_87 = tpu.memref_slice %arg9[%dma_wait3A_85, %dma_wait3A_86] : memref<24x128xi32, #tpu.memory_space<vmem>> -> memref<8x128xi32, #tpu.memory_space<vmem>>
        %dma_wait3A_88 = arith.constant 0 : i32
        %dma_wait3A_89 = tpu.memref_slice %arg6[%add3A_49, %dma_wait3A_88] : memref<1280x128xi32, #tpu.memory_space<hbm>> -> memref<8x128xi32, #tpu.memory_space<hbm>>
        %dma_wait3A_90 = arith.constant 0 : i32
        %dma_wait3A_91 = arith.constant 0 : i32
        %dma_wait3A_92 = tpu.memref_slice %arg9[%dma_wait3A_90, %dma_wait3A_91] : memref<24x128xi32, #tpu.memory_space<vmem>> -> memref<8x128xi32, #tpu.memory_space<vmem>>
        %dma_wait3A_93 = arith.constant 0 : i32
        %dma_wait3A_94 = tpu.memref_slice %arg6[%add3A_49, %dma_wait3A_93] : memref<1280x128xi32, #tpu.memory_space<hbm>> -> memref<8x128xi32, #tpu.memory_space<hbm>>
        tpu.wait_dma2 semaphore(%run_scoped3A : memref<!tpu.dma_semaphore, #tpu.memory_space<semaphore_mem>>) src(%dma_wait3A_94 : memref<8x128xi32, #tpu.memory_space<hbm>>) dst(%dma_wait3A_92 : memref<8x128xi32, #tpu.memory_space<vmem>>)
        tpu.yield
      }) : () -> ()
      "tpu.region"() ({
        %run_scoped3A = tpu.sem_alloc : memref<!tpu.dma_semaphore, #tpu.memory_space<semaphore_mem>>
        %dma_start3A_75 = arith.constant 0 : i32
        %dma_start3A_76 = arith.constant 0 : i32
        %dma_start3A_77 = tpu.memref_slice %arg10[%dma_start3A_75, %dma_start3A_76] : memref<24x128xi32, #tpu.memory_space<vmem>> -> memref<8x128xi32, #tpu.memory_space<vmem>>
        %dma_start3A_78 = arith.constant 0 : i32
        %dma_start3A_79 = tpu.memref_slice %arg7[%add3A_49, %dma_start3A_78] : memref<1280x128xi32, #tpu.memory_space<hbm>> -> memref<8x128xi32, #tpu.memory_space<hbm>>
        %dma_start3A_80 = arith.constant 0 : i32
        %dma_start3A_81 = arith.constant 0 : i32
        %dma_start3A_82 = tpu.memref_slice %arg10[%dma_start3A_80, %dma_start3A_81] : memref<24x128xi32, #tpu.memory_space<vmem>> -> memref<8x128xi32, #tpu.memory_space<vmem>>
        %dma_start3A_83 = arith.constant 0 : i32
        %dma_start3A_84 = tpu.memref_slice %arg7[%add3A_49, %dma_start3A_83] : memref<1280x128xi32, #tpu.memory_space<hbm>> -> memref<8x128xi32, #tpu.memory_space<hbm>>
        tpu.enqueue_dma source(%dma_start3A_84 : memref<8x128xi32, #tpu.memory_space<hbm>>) target(%dma_start3A_82 : memref<8x128xi32, #tpu.memory_space<vmem>>) target_semaphore(%run_scoped3A : memref<!tpu.dma_semaphore, #tpu.memory_space<semaphore_mem>>)
        %dma_wait3A_85 = arith.constant 0 : i32
        %dma_wait3A_86 = arith.constant 0 : i32
        %dma_wait3A_87 = tpu.memref_slice %arg10[%dma_wait3A_85, %dma_wait3A_86] : memref<24x128xi32, #tpu.memory_space<vmem>> -> memref<8x128xi32, #tpu.memory_space<vmem>>
        %dma_wait3A_88 = arith.constant 0 : i32
        %dma_wait3A_89 = tpu.memref_slice %arg7[%add3A_49, %dma_wait3A_88] : memref<1280x128xi32, #tpu.memory_space<hbm>> -> memref<8x128xi32, #tpu.memory_space<hbm>>
        %dma_wait3A_90 = arith.constant 0 : i32
        %dma_wait3A_91 = arith.constant 0 : i32
        %dma_wait3A_92 = tpu.memref_slice %arg10[%dma_wait3A_90, %dma_wait3A_91] : memref<24x128xi32, #tpu.memory_space<vmem>> -> memref<8x128xi32, #tpu.memory_space<vmem>>
        %dma_wait3A_93 = arith.constant 0 : i32
        %dma_wait3A_94 = tpu.memref_slice %arg7[%add3A_49, %dma_wait3A_93] : memref<1280x128xi32, #tpu.memory_space<hbm>> -> memref<8x128xi32, #tpu.memory_space<hbm>>
        tpu.wait_dma2 semaphore(%run_scoped3A : memref<!tpu.dma_semaphore, #tpu.memory_space<semaphore_mem>>) src(%dma_wait3A_94 : memref<8x128xi32, #tpu.memory_space<hbm>>) dst(%dma_wait3A_92 : memref<8x128xi32, #tpu.memory_space<vmem>>)
        tpu.yield
      }) : () -> ()
      %dma_start3A = arith.constant 0 : i32
      %dma_start3A_50 = arith.constant 0 : i32
      %dma_start3A_51 = tpu.memref_slice %arg9[%dma_start3A, %dma_start3A_50] : memref<24x128xi32, #tpu.memory_space<vmem>> -> memref<1x128xi32, #tpu.memory_space<vmem>>
      %dma_start3A_52 = tpu.memref_squeeze %dma_start3A_51 : memref<1x128xi32, #tpu.memory_space<vmem>> -> memref<128xi32, #tpu.memory_space<vmem>>
      %dma_start3A_53 = arith.constant 0 : i32
      %dma_start3A_54 = arith.constant 0 : i32
      %dma_start3A_55 = tpu.memref_slice %arg3[%dma_start3A_53, %dma_start3A_54] : memref<10000x128xf32, #tpu.memory_space<hbm>> -> memref<10000x128xf32, #tpu.memory_space<hbm>>
      tpu.enqueue_indirect_dma source(%dma_start3A_55 : memref<10000x128xf32, #tpu.memory_space<hbm>>) target(%arg11 : memref<128x128xf32, #tpu.memory_space<vmem>>) offsets(%dma_start3A_52 : memref<128xi32, #tpu.memory_space<vmem>>) semaphore(%arg14 : memref<!tpu.dma_semaphore, #tpu.memory_space<semaphore_mem>>)
      %scan3A_56 = arith.constant 0 : i32
      %scan3A_57 = arith.constant 0 : i32
      %scan3A_58 = arith.constant 4 : i32
      %scan3A_59 = arith.addi %scan3A_57, %scan3A_58 : i32
      %scan3A_60 = arith.constant 1 : i32
      scf.for %scan3A_75 = %scan3A_57 to %scan3A_59 step %scan3A_60  : i32 {
        %mul3A_76 = arith.constant 2 : i32
        %mul3A_77 = arith.muli %scan3A_75, %mul3A_76 : i32
        %add3A_78 = arith.constant 0 : i32
        %add3A_79 = arith.addi %mul3A_77, %add3A_78 : i32
        %dma_wait3A_80 = arith.constant 0 : i32
        %dma_wait3A_81 = tpu.memref_slice %arg9[%add3A_79, %dma_wait3A_80] : memref<24x128xi32, #tpu.memory_space<vmem>> -> memref<1x128xi32, #tpu.memory_space<vmem>>
        %dma_wait3A_82 = tpu.memref_squeeze %dma_wait3A_81 : memref<1x128xi32, #tpu.memory_space<vmem>> -> memref<128xi32, #tpu.memory_space<vmem>>
        %dma_wait3A_83 = arith.constant 0 : i32
        %dma_wait3A_84 = arith.constant 0 : i32
        %dma_wait3A_85 = tpu.memref_slice %arg3[%dma_wait3A_83, %dma_wait3A_84] : memref<10000x128xf32, #tpu.memory_space<hbm>> -> memref<10000x128xf32, #tpu.memory_space<hbm>>
        tpu.wait_indirect_dma semaphore(%arg14 : memref<!tpu.dma_semaphore, #tpu.memory_space<semaphore_mem>>) src(%dma_wait3A_85 : memref<10000x128xf32, #tpu.memory_space<hbm>>) dst(%arg11 : memref<128x128xf32, #tpu.memory_space<vmem>>)
        %dma_start3A_86 = arith.constant 0 : i32
        %dma_start3A_87 = tpu.memref_slice %arg10[%add3A_79, %dma_start3A_86] : memref<24x128xi32, #tpu.memory_space<vmem>> -> memref<1x128xi32, #tpu.memory_space<vmem>>
        %dma_start3A_88 = tpu.memref_squeeze %dma_start3A_87 : memref<1x128xi32, #tpu.memory_space<vmem>> -> memref<128xi32, #tpu.memory_space<vmem>>
        %dma_start3A_89 = arith.constant 0 : i32
        %dma_start3A_90 = arith.constant 0 : i32
        %dma_start3A_91 = tpu.memref_slice %arg13[%dma_start3A_89, %dma_start3A_90] : memref<10112x128xf32, #tpu.memory_space<vmem_shared>> -> memref<10112x128xf32, #tpu.memory_space<vmem_shared>>
        tpu.enqueue_indirect_dma source(%arg11 : memref<128x128xf32, #tpu.memory_space<vmem>>) target(%dma_start3A_91 : memref<10112x128xf32, #tpu.memory_space<vmem_shared>>) offsets(%dma_start3A_88 : memref<128xi32, #tpu.memory_space<vmem>>) semaphore(%arg16 : memref<!tpu.dma_semaphore, #tpu.memory_space<semaphore_mem>>) {add = true}
        %add3A_92 = arith.constant 1 : i32
        %add3A_93 = arith.addi %add3A_79, %add3A_92 : i32
        %lt3A = arith.constant 8 : i32
        %lt3A_94 = arith.cmpi slt, %add3A_93, %lt3A : i32
        %convert_element_type3A_95 = arith.extui %lt3A_94 : i1 to i32
        %cond3A_96 = arith.constant 0 : i32
        %cond3A_97 = arith.cmpi ne, %convert_element_type3A_95, %cond3A_96 : i32
        scf.if %cond3A_97 {
          %ge3A = arith.constant 1 : i32
          %ge3A_121 = arith.cmpi sge, %add3A_79, %ge3A : i32
          %convert_element_type3A_122 = arith.extui %ge3A_121 : i1 to i32
          %cond3A_123 = arith.constant 0 : i32
          %cond3A_124 = arith.cmpi ne, %convert_element_type3A_122, %cond3A_123 : i32
          scf.if %cond3A_124 {
            %sub3A_131 = arith.constant 1 : i32
            %sub3A_132 = arith.subi %add3A_79, %sub3A_131 : i32
            %dma_wait3A_133 = arith.constant 0 : i32
            %dma_wait3A_134 = tpu.memref_slice %arg10[%sub3A_132, %dma_wait3A_133] : memref<24x128xi32, #tpu.memory_space<vmem>> -> memref<1x128xi32, #tpu.memory_space<vmem>>
            %dma_wait3A_135 = tpu.memref_squeeze %dma_wait3A_134 : memref<1x128xi32, #tpu.memory_space<vmem>> -> memref<128xi32, #tpu.memory_space<vmem>>
            %dma_wait3A_136 = arith.constant 0 : i32
            %dma_wait3A_137 = arith.constant 0 : i32
            %dma_wait3A_138 = tpu.memref_slice %arg13[%dma_wait3A_136, %dma_wait3A_137] : memref<10112x128xf32, #tpu.memory_space<vmem_shared>> -> memref<10112x128xf32, #tpu.memory_space<vmem_shared>>
            tpu.wait_indirect_dma semaphore(%arg17 : memref<!tpu.dma_semaphore, #tpu.memory_space<semaphore_mem>>) src(%arg12 : memref<128x128xf32, #tpu.memory_space<vmem>>) dst(%dma_wait3A_138 : memref<10112x128xf32, #tpu.memory_space<vmem_shared>>)
          } else {
          }
          %dma_start3A_125 = arith.constant 0 : i32
          %dma_start3A_126 = tpu.memref_slice %arg9[%add3A_93, %dma_start3A_125] : memref<24x128xi32, #tpu.memory_space<vmem>> -> memref<1x128xi32, #tpu.memory_space<vmem>>
          %dma_start3A_127 = tpu.memref_squeeze %dma_start3A_126 : memref<1x128xi32, #tpu.memory_space<vmem>> -> memref<128xi32, #tpu.memory_space<vmem>>
          %dma_start3A_128 = arith.constant 0 : i32
          %dma_start3A_129 = arith.constant 0 : i32
          %dma_start3A_130 = tpu.memref_slice %arg3[%dma_start3A_128, %dma_start3A_129] : memref<10000x128xf32, #tpu.memory_space<hbm>> -> memref<10000x128xf32, #tpu.memory_space<hbm>>
          tpu.enqueue_indirect_dma source(%dma_start3A_130 : memref<10000x128xf32, #tpu.memory_space<hbm>>) target(%arg12 : memref<128x128xf32, #tpu.memory_space<vmem>>) offsets(%dma_start3A_127 : memref<128xi32, #tpu.memory_space<vmem>>) semaphore(%arg15 : memref<!tpu.dma_semaphore, #tpu.memory_space<semaphore_mem>>)
        } else {
        }
        %mul3A_98 = arith.constant 2 : i32
        %mul3A_99 = arith.muli %scan3A_75, %mul3A_98 : i32
        %add3A_100 = arith.constant 1 : i32
        %add3A_101 = arith.addi %mul3A_99, %add3A_100 : i32
        %dma_wait3A_102 = arith.constant 0 : i32
        %dma_wait3A_103 = tpu.memref_slice %arg9[%add3A_101, %dma_wait3A_102] : memref<24x128xi32, #tpu.memory_space<vmem>> -> memref<1x128xi32, #tpu.memory_space<vmem>>
        %dma_wait3A_104 = tpu.memref_squeeze %dma_wait3A_103 : memref<1x128xi32, #tpu.memory_space<vmem>> -> memref<128xi32, #tpu.memory_space<vmem>>
        %dma_wait3A_105 = arith.constant 0 : i32
        %dma_wait3A_106 = arith.constant 0 : i32
        %dma_wait3A_107 = tpu.memref_slice %arg3[%dma_wait3A_105, %dma_wait3A_106] : memref<10000x128xf32, #tpu.memory_space<hbm>> -> memref<10000x128xf32, #tpu.memory_space<hbm>>
        tpu.wait_indirect_dma semaphore(%arg15 : memref<!tpu.dma_semaphore, #tpu.memory_space<semaphore_mem>>) src(%dma_wait3A_107 : memref<10000x128xf32, #tpu.memory_space<hbm>>) dst(%arg12 : memref<128x128xf32, #tpu.memory_space<vmem>>)
        %dma_start3A_108 = arith.constant 0 : i32
        %dma_start3A_109 = tpu.memref_slice %arg10[%add3A_101, %dma_start3A_108] : memref<24x128xi32, #tpu.memory_space<vmem>> -> memref<1x128xi32, #tpu.memory_space<vmem>>
        %dma_start3A_110 = tpu.memref_squeeze %dma_start3A_109 : memref<1x128xi32, #tpu.memory_space<vmem>> -> memref<128xi32, #tpu.memory_space<vmem>>
        %dma_start3A_111 = arith.constant 0 : i32
        %dma_start3A_112 = arith.constant 0 : i32
        %dma_start3A_113 = tpu.memref_slice %arg13[%dma_start3A_111, %dma_start3A_112] : memref<10112x128xf32, #tpu.memory_space<vmem_shared>> -> memref<10112x128xf32, #tpu.memory_space<vmem_shared>>
        tpu.enqueue_indirect_dma source(%arg12 : memref<128x128xf32, #tpu.memory_space<vmem>>) target(%dma_start3A_113 : memref<10112x128xf32, #tpu.memory_space<vmem_shared>>) offsets(%dma_start3A_110 : memref<128xi32, #tpu.memory_space<vmem>>) semaphore(%arg17 : memref<!tpu.dma_semaphore, #tpu.memory_space<semaphore_mem>>) {add = true}
        %add3A_114 = arith.constant 1 : i32
        %add3A_115 = arith.addi %add3A_101, %add3A_114 : i32
        %lt3A_116 = arith.constant 8 : i32
        %lt3A_117 = arith.cmpi slt, %add3A_115, %lt3A_116 : i32
        %convert_element_type3A_118 = arith.extui %lt3A_117 : i1 to i32
        %cond3A_119 = arith.constant 0 : i32
        %cond3A_120 = arith.cmpi ne, %convert_element_type3A_118, %cond3A_119 : i32
        scf.if %cond3A_120 {
          %ge3A = arith.constant 1 : i32
          %ge3A_121 = arith.cmpi sge, %add3A_101, %ge3A : i32
          %convert_element_type3A_122 = arith.extui %ge3A_121 : i1 to i32
          %cond3A_123 = arith.constant 0 : i32
          %cond3A_124 = arith.cmpi ne, %convert_element_type3A_122, %cond3A_123 : i32
          scf.if %cond3A_124 {
            %sub3A_131 = arith.constant 1 : i32
            %sub3A_132 = arith.subi %add3A_101, %sub3A_131 : i32
            %dma_wait3A_133 = arith.constant 0 : i32
            %dma_wait3A_134 = tpu.memref_slice %arg10[%sub3A_132, %dma_wait3A_133] : memref<24x128xi32, #tpu.memory_space<vmem>> -> memref<1x128xi32, #tpu.memory_space<vmem>>
            %dma_wait3A_135 = tpu.memref_squeeze %dma_wait3A_134 : memref<1x128xi32, #tpu.memory_space<vmem>> -> memref<128xi32, #tpu.memory_space<vmem>>
            %dma_wait3A_136 = arith.constant 0 : i32
            %dma_wait3A_137 = arith.constant 0 : i32
            %dma_wait3A_138 = tpu.memref_slice %arg13[%dma_wait3A_136, %dma_wait3A_137] : memref<10112x128xf32, #tpu.memory_space<vmem_shared>> -> memref<10112x128xf32, #tpu.memory_space<vmem_shared>>
            tpu.wait_indirect_dma semaphore(%arg16 : memref<!tpu.dma_semaphore, #tpu.memory_space<semaphore_mem>>) src(%arg11 : memref<128x128xf32, #tpu.memory_space<vmem>>) dst(%dma_wait3A_138 : memref<10112x128xf32, #tpu.memory_space<vmem_shared>>)
          } else {
          }
          %dma_start3A_125 = arith.constant 0 : i32
          %dma_start3A_126 = tpu.memref_slice %arg9[%add3A_115, %dma_start3A_125] : memref<24x128xi32, #tpu.memory_space<vmem>> -> memref<1x128xi32, #tpu.memory_space<vmem>>
          %dma_start3A_127 = tpu.memref_squeeze %dma_start3A_126 : memref<1x128xi32, #tpu.memory_space<vmem>> -> memref<128xi32, #tpu.memory_space<vmem>>
          %dma_start3A_128 = arith.constant 0 : i32
          %dma_start3A_129 = arith.constant 0 : i32
          %dma_start3A_130 = tpu.memref_slice %arg3[%dma_start3A_128, %dma_start3A_129] : memref<10000x128xf32, #tpu.memory_space<hbm>> -> memref<10000x128xf32, #tpu.memory_space<hbm>>
          tpu.enqueue_indirect_dma source(%dma_start3A_130 : memref<10000x128xf32, #tpu.memory_space<hbm>>) target(%arg11 : memref<128x128xf32, #tpu.memory_space<vmem>>) offsets(%dma_start3A_127 : memref<128xi32, #tpu.memory_space<vmem>>) semaphore(%arg14 : memref<!tpu.dma_semaphore, #tpu.memory_space<semaphore_mem>>)
        } else {
        }
      }
      %scan3A_61 = arith.constant 4 : i32
      %dma_wait3A = arith.constant 6 : i32
      %dma_wait3A_62 = arith.constant 0 : i32
      %dma_wait3A_63 = tpu.memref_slice %arg10[%dma_wait3A, %dma_wait3A_62] : memref<24x128xi32, #tpu.memory_space<vmem>> -> memref<1x128xi32, #tpu.memory_space<vmem>>
      %dma_wait3A_64 = tpu.memref_squeeze %dma_wait3A_63 : memref<1x128xi32, #tpu.memory_space<vmem>> -> memref<128xi32, #tpu.memory_space<vmem>>
      %dma_wait3A_65 = arith.constant 0 : i32
      %dma_wait3A_66 = arith.constant 0 : i32
      %dma_wait3A_67 = tpu.memref_slice %arg13[%dma_wait3A_65, %dma_wait3A_66] : memref<10112x128xf32, #tpu.memory_space<vmem_shared>> -> memref<10112x128xf32, #tpu.memory_space<vmem_shared>>
      tpu.wait_indirect_dma semaphore(%arg16 : memref<!tpu.dma_semaphore, #tpu.memory_space<semaphore_mem>>) src(%arg11 : memref<128x128xf32, #tpu.memory_space<vmem>>) dst(%dma_wait3A_67 : memref<10112x128xf32, #tpu.memory_space<vmem_shared>>)
      %dma_wait3A_68 = arith.constant 7 : i32
      %dma_wait3A_69 = arith.constant 0 : i32
      %dma_wait3A_70 = tpu.memref_slice %arg10[%dma_wait3A_68, %dma_wait3A_69] : memref<24x128xi32, #tpu.memory_space<vmem>> -> memref<1x128xi32, #tpu.memory_space<vmem>>
      %dma_wait3A_71 = tpu.memref_squeeze %dma_wait3A_70 : memref<1x128xi32, #tpu.memory_space<vmem>> -> memref<128xi32, #tpu.memory_space<vmem>>
      %dma_wait3A_72 = arith.constant 0 : i32
      %dma_wait3A_73 = arith.constant 0 : i32
      %dma_wait3A_74 = tpu.memref_slice %arg13[%dma_wait3A_72, %dma_wait3A_73] : memref<10112x128xf32, #tpu.memory_space<vmem_shared>> -> memref<10112x128xf32, #tpu.memory_space<vmem_shared>>
      tpu.wait_indirect_dma semaphore(%arg17 : memref<!tpu.dma_semaphore, #tpu.memory_space<semaphore_mem>>) src(%arg12 : memref<128x128xf32, #tpu.memory_space<vmem>>) dst(%dma_wait3A_74 : memref<10112x128xf32, #tpu.memory_space<vmem_shared>>)
    } else {
    }
    %barrier3A_41 = arith.constant 0 : index
    tpu.barrier barrier_id(%barrier3A_41)
    %mul3A_42 = arith.constant 632 : i32
    %mul3A_43 = arith.muli %arg1, %mul3A_42 : i32
    %mul3A_44 = arith.constant 632 : i32
    %mul3A_45 = arith.muli %arg1, %mul3A_44 : i32
    "tpu.region"() ({
      %run_scoped3A = tpu.sem_alloc : memref<!tpu.dma_semaphore, #tpu.memory_space<semaphore_mem>>
      %dma_start3A = arith.constant 0 : i32
      %dma_start3A_46 = tpu.memref_slice %arg8[%arg0, %mul3A_45, %dma_start3A] : memref<2x10112x128xf32, #tpu.memory_space<hbm>> -> memref<1x632x128xf32, #tpu.memory_space<hbm>>
      %dma_start3A_47 = tpu.memref_squeeze %dma_start3A_46 : memref<1x632x128xf32, #tpu.memory_space<hbm>> -> memref<632x128xf32, #tpu.memory_space<hbm>>
      %dma_start3A_48 = arith.constant 0 : i32
      %dma_start3A_49 = tpu.memref_slice %arg13[%mul3A_43, %dma_start3A_48] : memref<10112x128xf32, #tpu.memory_space<vmem_shared>> -> memref<632x128xf32, #tpu.memory_space<vmem_shared>>
      tpu.enqueue_dma source(%dma_start3A_49 : memref<632x128xf32, #tpu.memory_space<vmem_shared>>) target(%dma_start3A_47 : memref<632x128xf32, #tpu.memory_space<hbm>>) target_semaphore(%run_scoped3A : memref<!tpu.dma_semaphore, #tpu.memory_space<semaphore_mem>>)
      %dma_wait3A = arith.constant 0 : i32
      %dma_wait3A_50 = tpu.memref_slice %arg8[%arg0, %mul3A_45, %dma_wait3A] : memref<2x10112x128xf32, #tpu.memory_space<hbm>> -> memref<1x632x128xf32, #tpu.memory_space<hbm>>
      %dma_wait3A_51 = tpu.memref_squeeze %dma_wait3A_50 : memref<1x632x128xf32, #tpu.memory_space<hbm>> -> memref<632x128xf32, #tpu.memory_space<hbm>>
      %dma_wait3A_52 = arith.constant 0 : i32
      %dma_wait3A_53 = tpu.memref_slice %arg13[%mul3A_43, %dma_wait3A_52] : memref<10112x128xf32, #tpu.memory_space<vmem_shared>> -> memref<632x128xf32, #tpu.memory_space<vmem_shared>>
      tpu.wait_dma2 semaphore(%run_scoped3A : memref<!tpu.dma_semaphore, #tpu.memory_space<semaphore_mem>>) src(%dma_wait3A_53 : memref<632x128xf32, #tpu.memory_space<vmem_shared>>) dst(%dma_wait3A_51 : memref<632x128xf32, #tpu.memory_space<hbm>>)
      tpu.yield
    }) : () -> ()
    return
  }
}

#map = affine_map<(d0, d1) -> (0, 0)>
#map1 = affine_map<(d0, d1) -> (0, 0, 0)>
module attributes {stable_mosaic.version = 14 : i64} {
  func.func @_sc_agg(%arg0: i32, %arg1: i32, %arg2: memref<10000x128xf32, #tpu.memory_space<hbm>>, %arg3: memref<10000x128xf32, #tpu.memory_space<hbm>>, %arg4: memref<1280x128xi32, #tpu.memory_space<hbm>>, %arg5: memref<1280x128xi32, #tpu.memory_space<hbm>>, %arg6: memref<1280x128xi32, #tpu.memory_space<hbm>>, %arg7: memref<1280x128xi32, #tpu.memory_space<hbm>>, %arg8: memref<2x10112x128xf32, #tpu.memory_space<hbm>>, %arg9: memref<24x128xi32, #tpu.memory_space<vmem>>, %arg10: memref<24x128xi32, #tpu.memory_space<vmem>>, %arg11: memref<128x128xf32, #tpu.memory_space<vmem>>, %arg12: memref<128x128xf32, #tpu.memory_space<vmem>>, %arg13: memref<10112x128xf32, #tpu.memory_space<vmem_shared>>, %arg14: memref<!tpu.dma_semaphore, #tpu.memory_space<semaphore_mem>>, %arg15: memref<!tpu.dma_semaphore, #tpu.memory_space<semaphore_mem>>, %arg16: memref<!tpu.dma_semaphore, #tpu.memory_space<semaphore_mem>>, %arg17: memref<!tpu.dma_semaphore, #tpu.memory_space<semaphore_mem>>) attributes {dimension_semantics = [#tpu.dimension_semantics<core_parallel>, #tpu.dimension_semantics<subcore_parallel>], iteration_bounds = array<i64: 2, 16>, scalar_prefetch = 0 : i64, scratch_operands = 9 : i64, tpu.core_type = #tpu.core_type<sc_vector_subcore>, window_params = [{transform_indices = #map}, {transform_indices = #map}, {transform_indices = #map}, {transform_indices = #map}, {transform_indices = #map}, {transform_indices = #map}, {transform_indices = #map1}]} {
    %scan3A = arith.constant 0 : i32
    %scan3A_0 = arith.constant 0 : i32
    %scan3A_1 = arith.constant 128 : i32
    %scan3A_2 = arith.addi %scan3A_0, %scan3A_1 : i32
    %scan3A_3 = arith.constant 1 : i32
    scf.for %scan3A_46 = %scan3A_0 to %scan3A_2 step %scan3A_3  : i32 {
      %broadcast_in_dim3A = arith.constant 0.000000e+00 : f32
      %broadcast_in_dim3A_47 = vector.broadcast %broadcast_in_dim3A : f32 to vector<16xf32>
      %swap3A = arith.index_cast %scan3A_46 : i32 to index
      %swap3A_48 = arith.constant 0 : index
      %swap3A_49 = tpu.vector_load %arg11[%swap3A, %swap3A_48] {strides = array<i32>} : memref<128x128xf32, #tpu.memory_space<vmem>>, vector<1x16xf32>,
      %swap3A_50 = vector.shape_cast %swap3A_49 : vector<1x16xf32> to vector<16xf32>
      %swap3A_51 = vector.shape_cast %broadcast_in_dim3A_47 : vector<16xf32> to vector<1x16xf32>
      tpu.vector_store %arg11[%swap3A, %swap3A_48], %swap3A_51 {strides = array<i32>} : memref<128x128xf32, #tpu.memory_space<vmem>>, vector<1x16xf32>,
      %broadcast_in_dim3A_52 = arith.constant 0.000000e+00 : f32
      %broadcast_in_dim3A_53 = vector.broadcast %broadcast_in_dim3A_52 : f32 to vector<16xf32>
      %swap3A_54 = arith.index_cast %scan3A_46 : i32 to index
      %swap3A_55 = arith.constant 16 : index
      %swap3A_56 = tpu.vector_load %arg11[%swap3A_54, %swap3A_55] {strides = array<i32>} : memref<128x128xf32, #tpu.memory_space<vmem>>, vector<1x16xf32>,
      %swap3A_57 = vector.shape_cast %swap3A_56 : vector<1x16xf32> to vector<16xf32>
      %swap3A_58 = vector.shape_cast %broadcast_in_dim3A_53 : vector<16xf32> to vector<1x16xf32>
      tpu.vector_store %arg11[%swap3A_54, %swap3A_55], %swap3A_58 {strides = array<i32>} : memref<128x128xf32, #tpu.memory_space<vmem>>, vector<1x16xf32>,
      %broadcast_in_dim3A_59 = arith.constant 0.000000e+00 : f32
      %broadcast_in_dim3A_60 = vector.broadcast %broadcast_in_dim3A_59 : f32 to vector<16xf32>
      %swap3A_61 = arith.index_cast %scan3A_46 : i32 to index
      %swap3A_62 = arith.constant 32 : index
      %swap3A_63 = tpu.vector_load %arg11[%swap3A_61, %swap3A_62] {strides = array<i32>} : memref<128x128xf32, #tpu.memory_space<vmem>>, vector<1x16xf32>,
      %swap3A_64 = vector.shape_cast %swap3A_63 : vector<1x16xf32> to vector<16xf32>
      %swap3A_65 = vector.shape_cast %broadcast_in_dim3A_60 : vector<16xf32> to vector<1x16xf32>
      tpu.vector_store %arg11[%swap3A_61, %swap3A_62], %swap3A_65 {strides = array<i32>} : memref<128x128xf32, #tpu.memory_space<vmem>>, vector<1x16xf32>,
      %broadcast_in_dim3A_66 = arith.constant 0.000000e+00 : f32
      %broadcast_in_dim3A_67 = vector.broadcast %broadcast_in_dim3A_66 : f32 to vector<16xf32>
      %swap3A_68 = arith.index_cast %scan3A_46 : i32 to index
      %swap3A_69 = arith.constant 48 : index
      %swap3A_70 = tpu.vector_load %arg11[%swap3A_68, %swap3A_69] {strides = array<i32>} : memref<128x128xf32, #tpu.memory_space<vmem>>, vector<1x16xf32>,
      %swap3A_71 = vector.shape_cast %swap3A_70 : vector<1x16xf32> to vector<16xf32>
      %swap3A_72 = vector.shape_cast %broadcast_in_dim3A_67 : vector<16xf32> to vector<1x16xf32>
      tpu.vector_store %arg11[%swap3A_68, %swap3A_69], %swap3A_72 {strides = array<i32>} : memref<128x128xf32, #tpu.memory_space<vmem>>, vector<1x16xf32>,
      %broadcast_in_dim3A_73 = arith.constant 0.000000e+00 : f32
      %broadcast_in_dim3A_74 = vector.broadcast %broadcast_in_dim3A_73 : f32 to vector<16xf32>
      %swap3A_75 = arith.index_cast %scan3A_46 : i32 to index
      %swap3A_76 = arith.constant 64 : index
      %swap3A_77 = tpu.vector_load %arg11[%swap3A_75, %swap3A_76] {strides = array<i32>} : memref<128x128xf32, #tpu.memory_space<vmem>>, vector<1x16xf32>,
      %swap3A_78 = vector.shape_cast %swap3A_77 : vector<1x16xf32> to vector<16xf32>
      %swap3A_79 = vector.shape_cast %broadcast_in_dim3A_74 : vector<16xf32> to vector<1x16xf32>
      tpu.vector_store %arg11[%swap3A_75, %swap3A_76], %swap3A_79 {strides = array<i32>} : memref<128x128xf32, #tpu.memory_space<vmem>>, vector<1x16xf32>,
      %broadcast_in_dim3A_80 = arith.constant 0.000000e+00 : f32
      %broadcast_in_dim3A_81 = vector.broadcast %broadcast_in_dim3A_80 : f32 to vector<16xf32>
      %swap3A_82 = arith.index_cast %scan3A_46 : i32 to index
      %swap3A_83 = arith.constant 80 : index
      %swap3A_84 = tpu.vector_load %arg11[%swap3A_82, %swap3A_83] {strides = array<i32>} : memref<128x128xf32, #tpu.memory_space<vmem>>, vector<1x16xf32>,
      %swap3A_85 = vector.shape_cast %swap3A_84 : vector<1x16xf32> to vector<16xf32>
      %swap3A_86 = vector.shape_cast %broadcast_in_dim3A_81 : vector<16xf32> to vector<1x16xf32>
      tpu.vector_store %arg11[%swap3A_82, %swap3A_83], %swap3A_86 {strides = array<i32>} : memref<128x128xf32, #tpu.memory_space<vmem>>, vector<1x16xf32>,
      %broadcast_in_dim3A_87 = arith.constant 0.000000e+00 : f32
      %broadcast_in_dim3A_88 = vector.broadcast %broadcast_in_dim3A_87 : f32 to vector<16xf32>
      %swap3A_89 = arith.index_cast %scan3A_46 : i32 to index
      %swap3A_90 = arith.constant 96 : index
      %swap3A_91 = tpu.vector_load %arg11[%swap3A_89, %swap3A_90] {strides = array<i32>} : memref<128x128xf32, #tpu.memory_space<vmem>>, vector<1x16xf32>,
      %swap3A_92 = vector.shape_cast %swap3A_91 : vector<1x16xf32> to vector<16xf32>
      %swap3A_93 = vector.shape_cast %broadcast_in_dim3A_88 : vector<16xf32> to vector<1x16xf32>
      tpu.vector_store %arg11[%swap3A_89, %swap3A_90], %swap3A_93 {strides = array<i32>} : memref<128x128xf32, #tpu.memory_space<vmem>>, vector<1x16xf32>,
      %broadcast_in_dim3A_94 = arith.constant 0.000000e+00 : f32
      %broadcast_in_dim3A_95 = vector.broadcast %broadcast_in_dim3A_94 : f32 to vector<16xf32>
      %swap3A_96 = arith.index_cast %scan3A_46 : i32 to index
      %swap3A_97 = arith.constant 112 : index
      %swap3A_98 = tpu.vector_load %arg11[%swap3A_96, %swap3A_97] {strides = array<i32>} : memref<128x128xf32, #tpu.memory_space<vmem>>, vector<1x16xf32>,
      %swap3A_99 = vector.shape_cast %swap3A_98 : vector<1x16xf32> to vector<16xf32>
      %swap3A_100 = vector.shape_cast %broadcast_in_dim3A_95 : vector<16xf32> to vector<1x16xf32>
      tpu.vector_store %arg11[%swap3A_96, %swap3A_97], %swap3A_100 {strides = array<i32>} : memref<128x128xf32, #tpu.memory_space<vmem>>, vector<1x16xf32>,
    }
    %scan3A_4 = arith.constant 128 : i32
    %mul3A = arith.constant 632 : i32
    %mul3A_5 = arith.muli %arg1, %mul3A : i32
    %add3A = arith.constant 0 : i32
    %add3A_6 = arith.addi %mul3A_5, %add3A : i32
    "tpu.region"() ({
      %run_scoped3A = tpu.sem_alloc : memref<!tpu.dma_semaphore, #tpu.memory_space<semaphore_mem>>
      %dma_start3A = arith.constant 0 : i32
      %dma_start3A_46 = tpu.memref_slice %arg13[%add3A_6, %dma_start3A] : memref<10112x128xf32, #tpu.memory_space<vmem_shared>> -> memref<128x128xf32, #tpu.memory_space<vmem_shared>>
      %dma_start3A_47 = arith.constant 0 : i32
      %dma_start3A_48 = tpu.memref_slice %arg13[%add3A_6, %dma_start3A_47] : memref<10112x128xf32, #tpu.memory_space<vmem_shared>> -> memref<128x128xf32, #tpu.memory_space<vmem_shared>>
      tpu.enqueue_dma source(%arg11 : memref<128x128xf32, #tpu.memory_space<vmem>>) target(%dma_start3A_48 : memref<128x128xf32, #tpu.memory_space<vmem_shared>>) target_semaphore(%run_scoped3A : memref<!tpu.dma_semaphore, #tpu.memory_space<semaphore_mem>>)
      %dma_wait3A = arith.constant 0 : i32
      %dma_wait3A_49 = tpu.memref_slice %arg13[%add3A_6, %dma_wait3A] : memref<10112x128xf32, #tpu.memory_space<vmem_shared>> -> memref<128x128xf32, #tpu.memory_space<vmem_shared>>
      %dma_wait3A_50 = arith.constant 0 : i32
      %dma_wait3A_51 = tpu.memref_slice %arg13[%add3A_6, %dma_wait3A_50] : memref<10112x128xf32, #tpu.memory_space<vmem_shared>> -> memref<128x128xf32, #tpu.memory_space<vmem_shared>>
      tpu.wait_dma2 semaphore(%run_scoped3A : memref<!tpu.dma_semaphore, #tpu.memory_space<semaphore_mem>>) src(%arg11 : memref<128x128xf32, #tpu.memory_space<vmem>>) dst(%dma_wait3A_51 : memref<128x128xf32, #tpu.memory_space<vmem_shared>>)
      tpu.yield
    }) : () -> ()
    %mul3A_7 = arith.constant 632 : i32
    %mul3A_8 = arith.muli %arg1, %mul3A_7 : i32
    %add3A_9 = arith.constant 128 : i32
    %add3A_10 = arith.addi %mul3A_8, %add3A_9 : i32
    "tpu.region"() ({
      %run_scoped3A = tpu.sem_alloc : memref<!tpu.dma_semaphore, #tpu.memory_space<semaphore_mem>>
      %dma_start3A = arith.constant 0 : i32
      %dma_start3A_46 = tpu.memref_slice %arg13[%add3A_10, %dma_start3A] : memref<10112x128xf32, #tpu.memory_space<vmem_shared>> -> memref<128x128xf32, #tpu.memory_space<vmem_shared>>
      %dma_start3A_47 = arith.constant 0 : i32
      %dma_start3A_48 = tpu.memref_slice %arg13[%add3A_10, %dma_start3A_47] : memref<10112x128xf32, #tpu.memory_space<vmem_shared>> -> memref<128x128xf32, #tpu.memory_space<vmem_shared>>
      tpu.enqueue_dma source(%arg11 : memref<128x128xf32, #tpu.memory_space<vmem>>) target(%dma_start3A_48 : memref<128x128xf32, #tpu.memory_space<vmem_shared>>) target_semaphore(%run_scoped3A : memref<!tpu.dma_semaphore, #tpu.memory_space<semaphore_mem>>)
      %dma_wait3A = arith.constant 0 : i32
      %dma_wait3A_49 = tpu.memref_slice %arg13[%add3A_10, %dma_wait3A] : memref<10112x128xf32, #tpu.memory_space<vmem_shared>> -> memref<128x128xf32, #tpu.memory_space<vmem_shared>>
      %dma_wait3A_50 = arith.constant 0 : i32
      %dma_wait3A_51 = tpu.memref_slice %arg13[%add3A_10, %dma_wait3A_50] : memref<10112x128xf32, #tpu.memory_space<vmem_shared>> -> memref<128x128xf32, #tpu.memory_space<vmem_shared>>
      tpu.wait_dma2 semaphore(%run_scoped3A : memref<!tpu.dma_semaphore, #tpu.memory_space<semaphore_mem>>) src(%arg11 : memref<128x128xf32, #tpu.memory_space<vmem>>) dst(%dma_wait3A_51 : memref<128x128xf32, #tpu.memory_space<vmem_shared>>)
      tpu.yield
    }) : () -> ()
    %mul3A_11 = arith.constant 632 : i32
    %mul3A_12 = arith.muli %arg1, %mul3A_11 : i32
    %add3A_13 = arith.constant 256 : i32
    %add3A_14 = arith.addi %mul3A_12, %add3A_13 : i32
    "tpu.region"() ({
      %run_scoped3A = tpu.sem_alloc : memref<!tpu.dma_semaphore, #tpu.memory_space<semaphore_mem>>
      %dma_start3A = arith.constant 0 : i32
      %dma_start3A_46 = tpu.memref_slice %arg13[%add3A_14, %dma_start3A] : memref<10112x128xf32, #tpu.memory_space<vmem_shared>> -> memref<128x128xf32, #tpu.memory_space<vmem_shared>>
      %dma_start3A_47 = arith.constant 0 : i32
      %dma_start3A_48 = tpu.memref_slice %arg13[%add3A_14, %dma_start3A_47] : memref<10112x128xf32, #tpu.memory_space<vmem_shared>> -> memref<128x128xf32, #tpu.memory_space<vmem_shared>>
      tpu.enqueue_dma source(%arg11 : memref<128x128xf32, #tpu.memory_space<vmem>>) target(%dma_start3A_48 : memref<128x128xf32, #tpu.memory_space<vmem_shared>>) target_semaphore(%run_scoped3A : memref<!tpu.dma_semaphore, #tpu.memory_space<semaphore_mem>>)
      %dma_wait3A = arith.constant 0 : i32
      %dma_wait3A_49 = tpu.memref_slice %arg13[%add3A_14, %dma_wait3A] : memref<10112x128xf32, #tpu.memory_space<vmem_shared>> -> memref<128x128xf32, #tpu.memory_space<vmem_shared>>
      %dma_wait3A_50 = arith.constant 0 : i32
      %dma_wait3A_51 = tpu.memref_slice %arg13[%add3A_14, %dma_wait3A_50] : memref<10112x128xf32, #tpu.memory_space<vmem_shared>> -> memref<128x128xf32, #tpu.memory_space<vmem_shared>>
      tpu.wait_dma2 semaphore(%run_scoped3A : memref<!tpu.dma_semaphore, #tpu.memory_space<semaphore_mem>>) src(%arg11 : memref<128x128xf32, #tpu.memory_space<vmem>>) dst(%dma_wait3A_51 : memref<128x128xf32, #tpu.memory_space<vmem_shared>>)
      tpu.yield
    }) : () -> ()
    %mul3A_15 = arith.constant 632 : i32
    %mul3A_16 = arith.muli %arg1, %mul3A_15 : i32
    %add3A_17 = arith.constant 384 : i32
    %add3A_18 = arith.addi %mul3A_16, %add3A_17 : i32
    "tpu.region"() ({
      %run_scoped3A = tpu.sem_alloc : memref<!tpu.dma_semaphore, #tpu.memory_space<semaphore_mem>>
      %dma_start3A = arith.constant 0 : i32
      %dma_start3A_46 = tpu.memref_slice %arg13[%add3A_18, %dma_start3A] : memref<10112x128xf32, #tpu.memory_space<vmem_shared>> -> memref<128x128xf32, #tpu.memory_space<vmem_shared>>
      %dma_start3A_47 = arith.constant 0 : i32
      %dma_start3A_48 = tpu.memref_slice %arg13[%add3A_18, %dma_start3A_47] : memref<10112x128xf32, #tpu.memory_space<vmem_shared>> -> memref<128x128xf32, #tpu.memory_space<vmem_shared>>
      tpu.enqueue_dma source(%arg11 : memref<128x128xf32, #tpu.memory_space<vmem>>) target(%dma_start3A_48 : memref<128x128xf32, #tpu.memory_space<vmem_shared>>) target_semaphore(%run_scoped3A : memref<!tpu.dma_semaphore, #tpu.memory_space<semaphore_mem>>)
      %dma_wait3A = arith.constant 0 : i32
      %dma_wait3A_49 = tpu.memref_slice %arg13[%add3A_18, %dma_wait3A] : memref<10112x128xf32, #tpu.memory_space<vmem_shared>> -> memref<128x128xf32, #tpu.memory_space<vmem_shared>>
      %dma_wait3A_50 = arith.constant 0 : i32
      %dma_wait3A_51 = tpu.memref_slice %arg13[%add3A_18, %dma_wait3A_50] : memref<10112x128xf32, #tpu.memory_space<vmem_shared>> -> memref<128x128xf32, #tpu.memory_space<vmem_shared>>
      tpu.wait_dma2 semaphore(%run_scoped3A : memref<!tpu.dma_semaphore, #tpu.memory_space<semaphore_mem>>) src(%arg11 : memref<128x128xf32, #tpu.memory_space<vmem>>) dst(%dma_wait3A_51 : memref<128x128xf32, #tpu.memory_space<vmem_shared>>)
      tpu.yield
    }) : () -> ()
    %mul3A_19 = arith.constant 632 : i32
    %mul3A_20 = arith.muli %arg1, %mul3A_19 : i32
    %add3A_21 = arith.constant 632 : i32
    %add3A_22 = arith.addi %mul3A_20, %add3A_21 : i32
    %sub3A = arith.constant 120 : i32
    %sub3A_23 = arith.subi %add3A_22, %sub3A : i32
    "tpu.region"() ({
      %run_scoped3A = tpu.sem_alloc : memref<!tpu.dma_semaphore, #tpu.memory_space<semaphore_mem>>
      %dma_start3A = arith.constant 0 : i32
      %dma_start3A_46 = arith.constant 0 : i32
      %dma_start3A_47 = tpu.memref_slice %arg11[%dma_start3A, %dma_start3A_46] : memref<128x128xf32, #tpu.memory_space<vmem>> -> memref<120x128xf32, #tpu.memory_space<vmem>>
      %dma_start3A_48 = arith.constant 0 : i32
      %dma_start3A_49 = tpu.memref_slice %arg13[%sub3A_23, %dma_start3A_48] : memref<10112x128xf32, #tpu.memory_space<vmem_shared>> -> memref<120x128xf32, #tpu.memory_space<vmem_shared>>
      %dma_start3A_50 = arith.constant 0 : i32
      %dma_start3A_51 = tpu.memref_slice %arg13[%sub3A_23, %dma_start3A_50] : memref<10112x128xf32, #tpu.memory_space<vmem_shared>> -> memref<120x128xf32, #tpu.memory_space<vmem_shared>>
      %dma_start3A_52 = arith.constant 0 : i32
      %dma_start3A_53 = arith.constant 0 : i32
      %dma_start3A_54 = tpu.memref_slice %arg11[%dma_start3A_52, %dma_start3A_53] : memref<128x128xf32, #tpu.memory_space<vmem>> -> memref<120x128xf32, #tpu.memory_space<vmem>>
      tpu.enqueue_dma source(%dma_start3A_54 : memref<120x128xf32, #tpu.memory_space<vmem>>) target(%dma_start3A_51 : memref<120x128xf32, #tpu.memory_space<vmem_shared>>) target_semaphore(%run_scoped3A : memref<!tpu.dma_semaphore, #tpu.memory_space<semaphore_mem>>)
      %dma_wait3A = arith.constant 0 : i32
      %dma_wait3A_55 = arith.constant 0 : i32
      %dma_wait3A_56 = tpu.memref_slice %arg11[%dma_wait3A, %dma_wait3A_55] : memref<128x128xf32, #tpu.memory_space<vmem>> -> memref<120x128xf32, #tpu.memory_space<vmem>>
      %dma_wait3A_57 = arith.constant 0 : i32
      %dma_wait3A_58 = tpu.memref_slice %arg13[%sub3A_23, %dma_wait3A_57] : memref<10112x128xf32, #tpu.memory_space<vmem_shared>> -> memref<120x128xf32, #tpu.memory_space<vmem_shared>>
      %dma_wait3A_59 = arith.constant 0 : i32
      %dma_wait3A_60 = tpu.memref_slice %arg13[%sub3A_23, %dma_wait3A_59] : memref<10112x128xf32, #tpu.memory_space<vmem_shared>> -> memref<120x128xf32, #tpu.memory_space<vmem_shared>>
      %dma_wait3A_61 = arith.constant 0 : i32
      %dma_wait3A_62 = arith.constant 0 : i32
      %dma_wait3A_63 = tpu.memref_slice %arg11[%dma_wait3A_61, %dma_wait3A_62] : memref<128x128xf32, #tpu.memory_space<vmem>> -> memref<120x128xf32, #tpu.memory_space<vmem>>
      tpu.wait_dma2 semaphore(%run_scoped3A : memref<!tpu.dma_semaphore, #tpu.memory_space<semaphore_mem>>) src(%dma_wait3A_63 : memref<120x128xf32, #tpu.memory_space<vmem>>) dst(%dma_wait3A_60 : memref<120x128xf32, #tpu.memory_space<vmem_shared>>)
      tpu.yield
    }) : () -> ()
    %barrier3A = arith.constant 0 : index
    tpu.barrier barrier_id(%barrier3A)
    %eq3A = arith.constant 0 : i32
    %eq3A_24 = arith.cmpi eq, %arg0, %eq3A : i32
    %convert_element_type3A = arith.extui %eq3A_24 : i1 to i32
    %cond3A = arith.constant 0 : i32
    %cond3A_25 = arith.cmpi ne, %convert_element_type3A, %cond3A : i32
    scf.if %cond3A_25 {
      %mul3A_46 = arith.constant 72 : i32
      %mul3A_47 = arith.muli %arg1, %mul3A_46 : i32
      %add3A_48 = arith.constant 0 : i32
      %add3A_49 = arith.addi %mul3A_47, %add3A_48 : i32
      "tpu.region"() ({
        %run_scoped3A = tpu.sem_alloc : memref<!tpu.dma_semaphore, #tpu.memory_space<semaphore_mem>>
        %dma_start3A_137 = arith.constant 0 : i32
        %dma_start3A_138 = arith.constant 0 : i32
        %dma_start3A_139 = tpu.memref_slice %arg9[%dma_start3A_137, %dma_start3A_138] : memref<24x128xi32, #tpu.memory_space<vmem>> -> memref<24x128xi32, #tpu.memory_space<vmem>>
        %dma_start3A_140 = arith.constant 0 : i32
        %dma_start3A_141 = tpu.memref_slice %arg4[%add3A_49, %dma_start3A_140] : memref<1280x128xi32, #tpu.memory_space<hbm>> -> memref<24x128xi32, #tpu.memory_space<hbm>>
        %dma_start3A_142 = arith.constant 0 : i32
        %dma_start3A_143 = arith.constant 0 : i32
        %dma_start3A_144 = tpu.memref_slice %arg9[%dma_start3A_142, %dma_start3A_143] : memref<24x128xi32, #tpu.memory_space<vmem>> -> memref<24x128xi32, #tpu.memory_space<vmem>>
        %dma_start3A_145 = arith.constant 0 : i32
        %dma_start3A_146 = tpu.memref_slice %arg4[%add3A_49, %dma_start3A_145] : memref<1280x128xi32, #tpu.memory_space<hbm>> -> memref<24x128xi32, #tpu.memory_space<hbm>>
        tpu.enqueue_dma source(%dma_start3A_146 : memref<24x128xi32, #tpu.memory_space<hbm>>) target(%dma_start3A_144 : memref<24x128xi32, #tpu.memory_space<vmem>>) target_semaphore(%run_scoped3A : memref<!tpu.dma_semaphore, #tpu.memory_space<semaphore_mem>>)
        %dma_wait3A_147 = arith.constant 0 : i32
        %dma_wait3A_148 = arith.constant 0 : i32
        %dma_wait3A_149 = tpu.memref_slice %arg9[%dma_wait3A_147, %dma_wait3A_148] : memref<24x128xi32, #tpu.memory_space<vmem>> -> memref<24x128xi32, #tpu.memory_space<vmem>>
        %dma_wait3A_150 = arith.constant 0 : i32
        %dma_wait3A_151 = tpu.memref_slice %arg4[%add3A_49, %dma_wait3A_150] : memref<1280x128xi32, #tpu.memory_space<hbm>> -> memref<24x128xi32, #tpu.memory_space<hbm>>
        %dma_wait3A_152 = arith.constant 0 : i32
        %dma_wait3A_153 = arith.constant 0 : i32
        %dma_wait3A_154 = tpu.memref_slice %arg9[%dma_wait3A_152, %dma_wait3A_153] : memref<24x128xi32, #tpu.memory_space<vmem>> -> memref<24x128xi32, #tpu.memory_space<vmem>>
        %dma_wait3A_155 = arith.constant 0 : i32
        %dma_wait3A_156 = tpu.memref_slice %arg4[%add3A_49, %dma_wait3A_155] : memref<1280x128xi32, #tpu.memory_space<hbm>> -> memref<24x128xi32, #tpu.memory_space<hbm>>
        tpu.wait_dma2 semaphore(%run_scoped3A : memref<!tpu.dma_semaphore, #tpu.memory_space<semaphore_mem>>) src(%dma_wait3A_156 : memref<24x128xi32, #tpu.memory_space<hbm>>) dst(%dma_wait3A_154 : memref<24x128xi32, #tpu.memory_space<vmem>>)
        tpu.yield
      }) : () -> ()
      "tpu.region"() ({
        %run_scoped3A = tpu.sem_alloc : memref<!tpu.dma_semaphore, #tpu.memory_space<semaphore_mem>>
        %dma_start3A_137 = arith.constant 0 : i32
        %dma_start3A_138 = arith.constant 0 : i32
        %dma_start3A_139 = tpu.memref_slice %arg10[%dma_start3A_137, %dma_start3A_138] : memref<24x128xi32, #tpu.memory_space<vmem>> -> memref<24x128xi32, #tpu.memory_space<vmem>>
        %dma_start3A_140 = arith.constant 0 : i32
        %dma_start3A_141 = tpu.memref_slice %arg5[%add3A_49, %dma_start3A_140] : memref<1280x128xi32, #tpu.memory_space<hbm>> -> memref<24x128xi32, #tpu.memory_space<hbm>>
        %dma_start3A_142 = arith.constant 0 : i32
        %dma_start3A_143 = arith.constant 0 : i32
        %dma_start3A_144 = tpu.memref_slice %arg10[%dma_start3A_142, %dma_start3A_143] : memref<24x128xi32, #tpu.memory_space<vmem>> -> memref<24x128xi32, #tpu.memory_space<vmem>>
        %dma_start3A_145 = arith.constant 0 : i32
        %dma_start3A_146 = tpu.memref_slice %arg5[%add3A_49, %dma_start3A_145] : memref<1280x128xi32, #tpu.memory_space<hbm>> -> memref<24x128xi32, #tpu.memory_space<hbm>>
        tpu.enqueue_dma source(%dma_start3A_146 : memref<24x128xi32, #tpu.memory_space<hbm>>) target(%dma_start3A_144 : memref<24x128xi32, #tpu.memory_space<vmem>>) target_semaphore(%run_scoped3A : memref<!tpu.dma_semaphore, #tpu.memory_space<semaphore_mem>>)
        %dma_wait3A_147 = arith.constant 0 : i32
        %dma_wait3A_148 = arith.constant 0 : i32
        %dma_wait3A_149 = tpu.memref_slice %arg10[%dma_wait3A_147, %dma_wait3A_148] : memref<24x128xi32, #tpu.memory_space<vmem>> -> memref<24x128xi32, #tpu.memory_space<vmem>>
        %dma_wait3A_150 = arith.constant 0 : i32
        %dma_wait3A_151 = tpu.memref_slice %arg5[%add3A_49, %dma_wait3A_150] : memref<1280x128xi32, #tpu.memory_space<hbm>> -> memref<24x128xi32, #tpu.memory_space<hbm>>
        %dma_wait3A_152 = arith.constant 0 : i32
        %dma_wait3A_153 = arith.constant 0 : i32
        %dma_wait3A_154 = tpu.memref_slice %arg10[%dma_wait3A_152, %dma_wait3A_153] : memref<24x128xi32, #tpu.memory_space<vmem>> -> memref<24x128xi32, #tpu.memory_space<vmem>>
        %dma_wait3A_155 = arith.constant 0 : i32
        %dma_wait3A_156 = tpu.memref_slice %arg5[%add3A_49, %dma_wait3A_155] : memref<1280x128xi32, #tpu.memory_space<hbm>> -> memref<24x128xi32, #tpu.memory_space<hbm>>
        tpu.wait_dma2 semaphore(%run_scoped3A : memref<!tpu.dma_semaphore, #tpu.memory_space<semaphore_mem>>) src(%dma_wait3A_156 : memref<24x128xi32, #tpu.memory_space<hbm>>) dst(%dma_wait3A_154 : memref<24x128xi32, #tpu.memory_space<vmem>>)
        tpu.yield
      }) : () -> ()
      %dma_start3A = arith.constant 0 : i32
      %dma_start3A_50 = arith.constant 0 : i32
      %dma_start3A_51 = tpu.memref_slice %arg9[%dma_start3A, %dma_start3A_50] : memref<24x128xi32, #tpu.memory_space<vmem>> -> memref<1x128xi32, #tpu.memory_space<vmem>>
      %dma_start3A_52 = tpu.memref_squeeze %dma_start3A_51 : memref<1x128xi32, #tpu.memory_space<vmem>> -> memref<128xi32, #tpu.memory_space<vmem>>
      %dma_start3A_53 = arith.constant 0 : i32
      %dma_start3A_54 = arith.constant 0 : i32
      %dma_start3A_55 = tpu.memref_slice %arg2[%dma_start3A_53, %dma_start3A_54] : memref<10000x128xf32, #tpu.memory_space<hbm>> -> memref<10000x128xf32, #tpu.memory_space<hbm>>
      tpu.enqueue_indirect_dma source(%dma_start3A_55 : memref<10000x128xf32, #tpu.memory_space<hbm>>) target(%arg11 : memref<128x128xf32, #tpu.memory_space<vmem>>) offsets(%dma_start3A_52 : memref<128xi32, #tpu.memory_space<vmem>>) semaphore(%arg14 : memref<!tpu.dma_semaphore, #tpu.memory_space<semaphore_mem>>)
      %scan3A_56 = arith.constant 0 : i32
      %scan3A_57 = arith.constant 0 : i32
      %scan3A_58 = arith.constant 12 : i32
      %scan3A_59 = arith.addi %scan3A_57, %scan3A_58 : i32
      %scan3A_60 = arith.constant 1 : i32
      scf.for %scan3A_137 = %scan3A_57 to %scan3A_59 step %scan3A_60  : i32 {
        %mul3A_138 = arith.constant 2 : i32
        %mul3A_139 = arith.muli %scan3A_137, %mul3A_138 : i32
        %add3A_140 = arith.constant 0 : i32
        %add3A_141 = arith.addi %mul3A_139, %add3A_140 : i32
        %dma_wait3A_142 = arith.constant 0 : i32
        %dma_wait3A_143 = tpu.memref_slice %arg9[%add3A_141, %dma_wait3A_142] : memref<24x128xi32, #tpu.memory_space<vmem>> -> memref<1x128xi32, #tpu.memory_space<vmem>>
        %dma_wait3A_144 = tpu.memref_squeeze %dma_wait3A_143 : memref<1x128xi32, #tpu.memory_space<vmem>> -> memref<128xi32, #tpu.memory_space<vmem>>
        %dma_wait3A_145 = arith.constant 0 : i32
        %dma_wait3A_146 = arith.constant 0 : i32
        %dma_wait3A_147 = tpu.memref_slice %arg2[%dma_wait3A_145, %dma_wait3A_146] : memref<10000x128xf32, #tpu.memory_space<hbm>> -> memref<10000x128xf32, #tpu.memory_space<hbm>>
        tpu.wait_indirect_dma semaphore(%arg14 : memref<!tpu.dma_semaphore, #tpu.memory_space<semaphore_mem>>) src(%dma_wait3A_147 : memref<10000x128xf32, #tpu.memory_space<hbm>>) dst(%arg11 : memref<128x128xf32, #tpu.memory_space<vmem>>)
        %dma_start3A_148 = arith.constant 0 : i32
        %dma_start3A_149 = tpu.memref_slice %arg10[%add3A_141, %dma_start3A_148] : memref<24x128xi32, #tpu.memory_space<vmem>> -> memref<1x128xi32, #tpu.memory_space<vmem>>
        %dma_start3A_150 = tpu.memref_squeeze %dma_start3A_149 : memref<1x128xi32, #tpu.memory_space<vmem>> -> memref<128xi32, #tpu.memory_space<vmem>>
        %dma_start3A_151 = arith.constant 0 : i32
        %dma_start3A_152 = arith.constant 0 : i32
        %dma_start3A_153 = tpu.memref_slice %arg13[%dma_start3A_151, %dma_start3A_152] : memref<10112x128xf32, #tpu.memory_space<vmem_shared>> -> memref<10112x128xf32, #tpu.memory_space<vmem_shared>>
        tpu.enqueue_indirect_dma source(%arg11 : memref<128x128xf32, #tpu.memory_space<vmem>>) target(%dma_start3A_153 : memref<10112x128xf32, #tpu.memory_space<vmem_shared>>) offsets(%dma_start3A_150 : memref<128xi32, #tpu.memory_space<vmem>>) semaphore(%arg16 : memref<!tpu.dma_semaphore, #tpu.memory_space<semaphore_mem>>) {add = true}
        %add3A_154 = arith.constant 1 : i32
        %add3A_155 = arith.addi %add3A_141, %add3A_154 : i32
        %lt3A = arith.constant 24 : i32
        %lt3A_156 = arith.cmpi slt, %add3A_155, %lt3A : i32
        %convert_element_type3A_157 = arith.extui %lt3A_156 : i1 to i32
        %cond3A_158 = arith.constant 0 : i32
        %cond3A_159 = arith.cmpi ne, %convert_element_type3A_157, %cond3A_158 : i32
        scf.if %cond3A_159 {
          %ge3A = arith.constant 1 : i32
          %ge3A_183 = arith.cmpi sge, %add3A_141, %ge3A : i32
          %convert_element_type3A_184 = arith.extui %ge3A_183 : i1 to i32
          %cond3A_185 = arith.constant 0 : i32
          %cond3A_186 = arith.cmpi ne, %convert_element_type3A_184, %cond3A_185 : i32
          scf.if %cond3A_186 {
            %sub3A_193 = arith.constant 1 : i32
            %sub3A_194 = arith.subi %add3A_141, %sub3A_193 : i32
            %dma_wait3A_195 = arith.constant 0 : i32
            %dma_wait3A_196 = tpu.memref_slice %arg10[%sub3A_194, %dma_wait3A_195] : memref<24x128xi32, #tpu.memory_space<vmem>> -> memref<1x128xi32, #tpu.memory_space<vmem>>
            %dma_wait3A_197 = tpu.memref_squeeze %dma_wait3A_196 : memref<1x128xi32, #tpu.memory_space<vmem>> -> memref<128xi32, #tpu.memory_space<vmem>>
            %dma_wait3A_198 = arith.constant 0 : i32
            %dma_wait3A_199 = arith.constant 0 : i32
            %dma_wait3A_200 = tpu.memref_slice %arg13[%dma_wait3A_198, %dma_wait3A_199] : memref<10112x128xf32, #tpu.memory_space<vmem_shared>> -> memref<10112x128xf32, #tpu.memory_space<vmem_shared>>
            tpu.wait_indirect_dma semaphore(%arg17 : memref<!tpu.dma_semaphore, #tpu.memory_space<semaphore_mem>>) src(%arg12 : memref<128x128xf32, #tpu.memory_space<vmem>>) dst(%dma_wait3A_200 : memref<10112x128xf32, #tpu.memory_space<vmem_shared>>)
          } else {
          }
          %dma_start3A_187 = arith.constant 0 : i32
          %dma_start3A_188 = tpu.memref_slice %arg9[%add3A_155, %dma_start3A_187] : memref<24x128xi32, #tpu.memory_space<vmem>> -> memref<1x128xi32, #tpu.memory_space<vmem>>
          %dma_start3A_189 = tpu.memref_squeeze %dma_start3A_188 : memref<1x128xi32, #tpu.memory_space<vmem>> -> memref<128xi32, #tpu.memory_space<vmem>>
          %dma_start3A_190 = arith.constant 0 : i32
          %dma_start3A_191 = arith.constant 0 : i32
          %dma_start3A_192 = tpu.memref_slice %arg2[%dma_start3A_190, %dma_start3A_191] : memref<10000x128xf32, #tpu.memory_space<hbm>> -> memref<10000x128xf32, #tpu.memory_space<hbm>>
          tpu.enqueue_indirect_dma source(%dma_start3A_192 : memref<10000x128xf32, #tpu.memory_space<hbm>>) target(%arg12 : memref<128x128xf32, #tpu.memory_space<vmem>>) offsets(%dma_start3A_189 : memref<128xi32, #tpu.memory_space<vmem>>) semaphore(%arg15 : memref<!tpu.dma_semaphore, #tpu.memory_space<semaphore_mem>>)
        } else {
        }
        %mul3A_160 = arith.constant 2 : i32
        %mul3A_161 = arith.muli %scan3A_137, %mul3A_160 : i32
        %add3A_162 = arith.constant 1 : i32
        %add3A_163 = arith.addi %mul3A_161, %add3A_162 : i32
        %dma_wait3A_164 = arith.constant 0 : i32
        %dma_wait3A_165 = tpu.memref_slice %arg9[%add3A_163, %dma_wait3A_164] : memref<24x128xi32, #tpu.memory_space<vmem>> -> memref<1x128xi32, #tpu.memory_space<vmem>>
        %dma_wait3A_166 = tpu.memref_squeeze %dma_wait3A_165 : memref<1x128xi32, #tpu.memory_space<vmem>> -> memref<128xi32, #tpu.memory_space<vmem>>
        %dma_wait3A_167 = arith.constant 0 : i32
        %dma_wait3A_168 = arith.constant 0 : i32
        %dma_wait3A_169 = tpu.memref_slice %arg2[%dma_wait3A_167, %dma_wait3A_168] : memref<10000x128xf32, #tpu.memory_space<hbm>> -> memref<10000x128xf32, #tpu.memory_space<hbm>>
        tpu.wait_indirect_dma semaphore(%arg15 : memref<!tpu.dma_semaphore, #tpu.memory_space<semaphore_mem>>) src(%dma_wait3A_169 : memref<10000x128xf32, #tpu.memory_space<hbm>>) dst(%arg12 : memref<128x128xf32, #tpu.memory_space<vmem>>)
        %dma_start3A_170 = arith.constant 0 : i32
        %dma_start3A_171 = tpu.memref_slice %arg10[%add3A_163, %dma_start3A_170] : memref<24x128xi32, #tpu.memory_space<vmem>> -> memref<1x128xi32, #tpu.memory_space<vmem>>
        %dma_start3A_172 = tpu.memref_squeeze %dma_start3A_171 : memref<1x128xi32, #tpu.memory_space<vmem>> -> memref<128xi32, #tpu.memory_space<vmem>>
        %dma_start3A_173 = arith.constant 0 : i32
        %dma_start3A_174 = arith.constant 0 : i32
        %dma_start3A_175 = tpu.memref_slice %arg13[%dma_start3A_173, %dma_start3A_174] : memref<10112x128xf32, #tpu.memory_space<vmem_shared>> -> memref<10112x128xf32, #tpu.memory_space<vmem_shared>>
        tpu.enqueue_indirect_dma source(%arg12 : memref<128x128xf32, #tpu.memory_space<vmem>>) target(%dma_start3A_175 : memref<10112x128xf32, #tpu.memory_space<vmem_shared>>) offsets(%dma_start3A_172 : memref<128xi32, #tpu.memory_space<vmem>>) semaphore(%arg17 : memref<!tpu.dma_semaphore, #tpu.memory_space<semaphore_mem>>) {add = true}
        %add3A_176 = arith.constant 1 : i32
        %add3A_177 = arith.addi %add3A_163, %add3A_176 : i32
        %lt3A_178 = arith.constant 24 : i32
        %lt3A_179 = arith.cmpi slt, %add3A_177, %lt3A_178 : i32
        %convert_element_type3A_180 = arith.extui %lt3A_179 : i1 to i32
        %cond3A_181 = arith.constant 0 : i32
        %cond3A_182 = arith.cmpi ne, %convert_element_type3A_180, %cond3A_181 : i32
        scf.if %cond3A_182 {
          %ge3A = arith.constant 1 : i32
          %ge3A_183 = arith.cmpi sge, %add3A_163, %ge3A : i32
          %convert_element_type3A_184 = arith.extui %ge3A_183 : i1 to i32
          %cond3A_185 = arith.constant 0 : i32
          %cond3A_186 = arith.cmpi ne, %convert_element_type3A_184, %cond3A_185 : i32
          scf.if %cond3A_186 {
            %sub3A_193 = arith.constant 1 : i32
            %sub3A_194 = arith.subi %add3A_163, %sub3A_193 : i32
            %dma_wait3A_195 = arith.constant 0 : i32
            %dma_wait3A_196 = tpu.memref_slice %arg10[%sub3A_194, %dma_wait3A_195] : memref<24x128xi32, #tpu.memory_space<vmem>> -> memref<1x128xi32, #tpu.memory_space<vmem>>
            %dma_wait3A_197 = tpu.memref_squeeze %dma_wait3A_196 : memref<1x128xi32, #tpu.memory_space<vmem>> -> memref<128xi32, #tpu.memory_space<vmem>>
            %dma_wait3A_198 = arith.constant 0 : i32
            %dma_wait3A_199 = arith.constant 0 : i32
            %dma_wait3A_200 = tpu.memref_slice %arg13[%dma_wait3A_198, %dma_wait3A_199] : memref<10112x128xf32, #tpu.memory_space<vmem_shared>> -> memref<10112x128xf32, #tpu.memory_space<vmem_shared>>
            tpu.wait_indirect_dma semaphore(%arg16 : memref<!tpu.dma_semaphore, #tpu.memory_space<semaphore_mem>>) src(%arg11 : memref<128x128xf32, #tpu.memory_space<vmem>>) dst(%dma_wait3A_200 : memref<10112x128xf32, #tpu.memory_space<vmem_shared>>)
          } else {
          }
          %dma_start3A_187 = arith.constant 0 : i32
          %dma_start3A_188 = tpu.memref_slice %arg9[%add3A_177, %dma_start3A_187] : memref<24x128xi32, #tpu.memory_space<vmem>> -> memref<1x128xi32, #tpu.memory_space<vmem>>
          %dma_start3A_189 = tpu.memref_squeeze %dma_start3A_188 : memref<1x128xi32, #tpu.memory_space<vmem>> -> memref<128xi32, #tpu.memory_space<vmem>>
          %dma_start3A_190 = arith.constant 0 : i32
          %dma_start3A_191 = arith.constant 0 : i32
          %dma_start3A_192 = tpu.memref_slice %arg2[%dma_start3A_190, %dma_start3A_191] : memref<10000x128xf32, #tpu.memory_space<hbm>> -> memref<10000x128xf32, #tpu.memory_space<hbm>>
          tpu.enqueue_indirect_dma source(%dma_start3A_192 : memref<10000x128xf32, #tpu.memory_space<hbm>>) target(%arg11 : memref<128x128xf32, #tpu.memory_space<vmem>>) offsets(%dma_start3A_189 : memref<128xi32, #tpu.memory_space<vmem>>) semaphore(%arg14 : memref<!tpu.dma_semaphore, #tpu.memory_space<semaphore_mem>>)
        } else {
        }
      }
      %scan3A_61 = arith.constant 12 : i32
      %dma_wait3A = arith.constant 22 : i32
      %dma_wait3A_62 = arith.constant 0 : i32
      %dma_wait3A_63 = tpu.memref_slice %arg10[%dma_wait3A, %dma_wait3A_62] : memref<24x128xi32, #tpu.memory_space<vmem>> -> memref<1x128xi32, #tpu.memory_space<vmem>>
      %dma_wait3A_64 = tpu.memref_squeeze %dma_wait3A_63 : memref<1x128xi32, #tpu.memory_space<vmem>> -> memref<128xi32, #tpu.memory_space<vmem>>
      %dma_wait3A_65 = arith.constant 0 : i32
      %dma_wait3A_66 = arith.constant 0 : i32
      %dma_wait3A_67 = tpu.memref_slice %arg13[%dma_wait3A_65, %dma_wait3A_66] : memref<10112x128xf32, #tpu.memory_space<vmem_shared>> -> memref<10112x128xf32, #tpu.memory_space<vmem_shared>>
      tpu.wait_indirect_dma semaphore(%arg16 : memref<!tpu.dma_semaphore, #tpu.memory_space<semaphore_mem>>) src(%arg11 : memref<128x128xf32, #tpu.memory_space<vmem>>) dst(%dma_wait3A_67 : memref<10112x128xf32, #tpu.memory_space<vmem_shared>>)
      %dma_wait3A_68 = arith.constant 23 : i32
      %dma_wait3A_69 = arith.constant 0 : i32
      %dma_wait3A_70 = tpu.memref_slice %arg10[%dma_wait3A_68, %dma_wait3A_69] : memref<24x128xi32, #tpu.memory_space<vmem>> -> memref<1x128xi32, #tpu.memory_space<vmem>>
      %dma_wait3A_71 = tpu.memref_squeeze %dma_wait3A_70 : memref<1x128xi32, #tpu.memory_space<vmem>> -> memref<128xi32, #tpu.memory_space<vmem>>
      %dma_wait3A_72 = arith.constant 0 : i32
      %dma_wait3A_73 = arith.constant 0 : i32
      %dma_wait3A_74 = tpu.memref_slice %arg13[%dma_wait3A_72, %dma_wait3A_73] : memref<10112x128xf32, #tpu.memory_space<vmem_shared>> -> memref<10112x128xf32, #tpu.memory_space<vmem_shared>>
      tpu.wait_indirect_dma semaphore(%arg17 : memref<!tpu.dma_semaphore, #tpu.memory_space<semaphore_mem>>) src(%arg12 : memref<128x128xf32, #tpu.memory_space<vmem>>) dst(%dma_wait3A_74 : memref<10112x128xf32, #tpu.memory_space<vmem_shared>>)
      %mul3A_75 = arith.constant 72 : i32
      %mul3A_76 = arith.muli %arg1, %mul3A_75 : i32
      %add3A_77 = arith.constant 24 : i32
      %add3A_78 = arith.addi %mul3A_76, %add3A_77 : i32
      "tpu.region"() ({
        %run_scoped3A = tpu.sem_alloc : memref<!tpu.dma_semaphore, #tpu.memory_space<semaphore_mem>>
        %dma_start3A_137 = arith.constant 0 : i32
        %dma_start3A_138 = arith.constant 0 : i32
        %dma_start3A_139 = tpu.memref_slice %arg9[%dma_start3A_137, %dma_start3A_138] : memref<24x128xi32, #tpu.memory_space<vmem>> -> memref<24x128xi32, #tpu.memory_space<vmem>>
        %dma_start3A_140 = arith.constant 0 : i32
        %dma_start3A_141 = tpu.memref_slice %arg4[%add3A_78, %dma_start3A_140] : memref<1280x128xi32, #tpu.memory_space<hbm>> -> memref<24x128xi32, #tpu.memory_space<hbm>>
        %dma_start3A_142 = arith.constant 0 : i32
        %dma_start3A_143 = arith.constant 0 : i32
        %dma_start3A_144 = tpu.memref_slice %arg9[%dma_start3A_142, %dma_start3A_143] : memref<24x128xi32, #tpu.memory_space<vmem>> -> memref<24x128xi32, #tpu.memory_space<vmem>>
        %dma_start3A_145 = arith.constant 0 : i32
        %dma_start3A_146 = tpu.memref_slice %arg4[%add3A_78, %dma_start3A_145] : memref<1280x128xi32, #tpu.memory_space<hbm>> -> memref<24x128xi32, #tpu.memory_space<hbm>>
        tpu.enqueue_dma source(%dma_start3A_146 : memref<24x128xi32, #tpu.memory_space<hbm>>) target(%dma_start3A_144 : memref<24x128xi32, #tpu.memory_space<vmem>>) target_semaphore(%run_scoped3A : memref<!tpu.dma_semaphore, #tpu.memory_space<semaphore_mem>>)
        %dma_wait3A_147 = arith.constant 0 : i32
        %dma_wait3A_148 = arith.constant 0 : i32
        %dma_wait3A_149 = tpu.memref_slice %arg9[%dma_wait3A_147, %dma_wait3A_148] : memref<24x128xi32, #tpu.memory_space<vmem>> -> memref<24x128xi32, #tpu.memory_space<vmem>>
        %dma_wait3A_150 = arith.constant 0 : i32
        %dma_wait3A_151 = tpu.memref_slice %arg4[%add3A_78, %dma_wait3A_150] : memref<1280x128xi32, #tpu.memory_space<hbm>> -> memref<24x128xi32, #tpu.memory_space<hbm>>
        %dma_wait3A_152 = arith.constant 0 : i32
        %dma_wait3A_153 = arith.constant 0 : i32
        %dma_wait3A_154 = tpu.memref_slice %arg9[%dma_wait3A_152, %dma_wait3A_153] : memref<24x128xi32, #tpu.memory_space<vmem>> -> memref<24x128xi32, #tpu.memory_space<vmem>>
        %dma_wait3A_155 = arith.constant 0 : i32
        %dma_wait3A_156 = tpu.memref_slice %arg4[%add3A_78, %dma_wait3A_155] : memref<1280x128xi32, #tpu.memory_space<hbm>> -> memref<24x128xi32, #tpu.memory_space<hbm>>
        tpu.wait_dma2 semaphore(%run_scoped3A : memref<!tpu.dma_semaphore, #tpu.memory_space<semaphore_mem>>) src(%dma_wait3A_156 : memref<24x128xi32, #tpu.memory_space<hbm>>) dst(%dma_wait3A_154 : memref<24x128xi32, #tpu.memory_space<vmem>>)
        tpu.yield
      }) : () -> ()
      "tpu.region"() ({
        %run_scoped3A = tpu.sem_alloc : memref<!tpu.dma_semaphore, #tpu.memory_space<semaphore_mem>>
        %dma_start3A_137 = arith.constant 0 : i32
        %dma_start3A_138 = arith.constant 0 : i32
        %dma_start3A_139 = tpu.memref_slice %arg10[%dma_start3A_137, %dma_start3A_138] : memref<24x128xi32, #tpu.memory_space<vmem>> -> memref<24x128xi32, #tpu.memory_space<vmem>>
        %dma_start3A_140 = arith.constant 0 : i32
        %dma_start3A_141 = tpu.memref_slice %arg5[%add3A_78, %dma_start3A_140] : memref<1280x128xi32, #tpu.memory_space<hbm>> -> memref<24x128xi32, #tpu.memory_space<hbm>>
        %dma_start3A_142 = arith.constant 0 : i32
        %dma_start3A_143 = arith.constant 0 : i32
        %dma_start3A_144 = tpu.memref_slice %arg10[%dma_start3A_142, %dma_start3A_143] : memref<24x128xi32, #tpu.memory_space<vmem>> -> memref<24x128xi32, #tpu.memory_space<vmem>>
        %dma_start3A_145 = arith.constant 0 : i32
        %dma_start3A_146 = tpu.memref_slice %arg5[%add3A_78, %dma_start3A_145] : memref<1280x128xi32, #tpu.memory_space<hbm>> -> memref<24x128xi32, #tpu.memory_space<hbm>>
        tpu.enqueue_dma source(%dma_start3A_146 : memref<24x128xi32, #tpu.memory_space<hbm>>) target(%dma_start3A_144 : memref<24x128xi32, #tpu.memory_space<vmem>>) target_semaphore(%run_scoped3A : memref<!tpu.dma_semaphore, #tpu.memory_space<semaphore_mem>>)
        %dma_wait3A_147 = arith.constant 0 : i32
        %dma_wait3A_148 = arith.constant 0 : i32
        %dma_wait3A_149 = tpu.memref_slice %arg10[%dma_wait3A_147, %dma_wait3A_148] : memref<24x128xi32, #tpu.memory_space<vmem>> -> memref<24x128xi32, #tpu.memory_space<vmem>>
        %dma_wait3A_150 = arith.constant 0 : i32
        %dma_wait3A_151 = tpu.memref_slice %arg5[%add3A_78, %dma_wait3A_150] : memref<1280x128xi32, #tpu.memory_space<hbm>> -> memref<24x128xi32, #tpu.memory_space<hbm>>
        %dma_wait3A_152 = arith.constant 0 : i32
        %dma_wait3A_153 = arith.constant 0 : i32
        %dma_wait3A_154 = tpu.memref_slice %arg10[%dma_wait3A_152, %dma_wait3A_153] : memref<24x128xi32, #tpu.memory_space<vmem>> -> memref<24x128xi32, #tpu.memory_space<vmem>>
        %dma_wait3A_155 = arith.constant 0 : i32
        %dma_wait3A_156 = tpu.memref_slice %arg5[%add3A_78, %dma_wait3A_155] : memref<1280x128xi32, #tpu.memory_space<hbm>> -> memref<24x128xi32, #tpu.memory_space<hbm>>
        tpu.wait_dma2 semaphore(%run_scoped3A : memref<!tpu.dma_semaphore, #tpu.memory_space<semaphore_mem>>) src(%dma_wait3A_156 : memref<24x128xi32, #tpu.memory_space<hbm>>) dst(%dma_wait3A_154 : memref<24x128xi32, #tpu.memory_space<vmem>>)
        tpu.yield
      }) : () -> ()
      %dma_start3A_79 = arith.constant 0 : i32
      %dma_start3A_80 = arith.constant 0 : i32
      %dma_start3A_81 = tpu.memref_slice %arg9[%dma_start3A_79, %dma_start3A_80] : memref<24x128xi32, #tpu.memory_space<vmem>> -> memref<1x128xi32, #tpu.memory_space<vmem>>
      %dma_start3A_82 = tpu.memref_squeeze %dma_start3A_81 : memref<1x128xi32, #tpu.memory_space<vmem>> -> memref<128xi32, #tpu.memory_space<vmem>>
      %dma_start3A_83 = arith.constant 0 : i32
      %dma_start3A_84 = arith.constant 0 : i32
      %dma_start3A_85 = tpu.memref_slice %arg2[%dma_start3A_83, %dma_start3A_84] : memref<10000x128xf32, #tpu.memory_space<hbm>> -> memref<10000x128xf32, #tpu.memory_space<hbm>>
      tpu.enqueue_indirect_dma source(%dma_start3A_85 : memref<10000x128xf32, #tpu.memory_space<hbm>>) target(%arg11 : memref<128x128xf32, #tpu.memory_space<vmem>>) offsets(%dma_start3A_82 : memref<128xi32, #tpu.memory_space<vmem>>) semaphore(%arg14 : memref<!tpu.dma_semaphore, #tpu.memory_space<semaphore_mem>>)
      %scan3A_86 = arith.constant 0 : i32
      %scan3A_87 = arith.constant 0 : i32
      %scan3A_88 = arith.constant 12 : i32
      %scan3A_89 = arith.addi %scan3A_87, %scan3A_88 : i32
      %scan3A_90 = arith.constant 1 : i32
      scf.for %scan3A_137 = %scan3A_87 to %scan3A_89 step %scan3A_90  : i32 {
        %mul3A_138 = arith.constant 2 : i32
        %mul3A_139 = arith.muli %scan3A_137, %mul3A_138 : i32
        %add3A_140 = arith.constant 0 : i32
        %add3A_141 = arith.addi %mul3A_139, %add3A_140 : i32
        %dma_wait3A_142 = arith.constant 0 : i32
        %dma_wait3A_143 = tpu.memref_slice %arg9[%add3A_141, %dma_wait3A_142] : memref<24x128xi32, #tpu.memory_space<vmem>> -> memref<1x128xi32, #tpu.memory_space<vmem>>
        %dma_wait3A_144 = tpu.memref_squeeze %dma_wait3A_143 : memref<1x128xi32, #tpu.memory_space<vmem>> -> memref<128xi32, #tpu.memory_space<vmem>>
        %dma_wait3A_145 = arith.constant 0 : i32
        %dma_wait3A_146 = arith.constant 0 : i32
        %dma_wait3A_147 = tpu.memref_slice %arg2[%dma_wait3A_145, %dma_wait3A_146] : memref<10000x128xf32, #tpu.memory_space<hbm>> -> memref<10000x128xf32, #tpu.memory_space<hbm>>
        tpu.wait_indirect_dma semaphore(%arg14 : memref<!tpu.dma_semaphore, #tpu.memory_space<semaphore_mem>>) src(%dma_wait3A_147 : memref<10000x128xf32, #tpu.memory_space<hbm>>) dst(%arg11 : memref<128x128xf32, #tpu.memory_space<vmem>>)
        %dma_start3A_148 = arith.constant 0 : i32
        %dma_start3A_149 = tpu.memref_slice %arg10[%add3A_141, %dma_start3A_148] : memref<24x128xi32, #tpu.memory_space<vmem>> -> memref<1x128xi32, #tpu.memory_space<vmem>>
        %dma_start3A_150 = tpu.memref_squeeze %dma_start3A_149 : memref<1x128xi32, #tpu.memory_space<vmem>> -> memref<128xi32, #tpu.memory_space<vmem>>
        %dma_start3A_151 = arith.constant 0 : i32
        %dma_start3A_152 = arith.constant 0 : i32
        %dma_start3A_153 = tpu.memref_slice %arg13[%dma_start3A_151, %dma_start3A_152] : memref<10112x128xf32, #tpu.memory_space<vmem_shared>> -> memref<10112x128xf32, #tpu.memory_space<vmem_shared>>
        tpu.enqueue_indirect_dma source(%arg11 : memref<128x128xf32, #tpu.memory_space<vmem>>) target(%dma_start3A_153 : memref<10112x128xf32, #tpu.memory_space<vmem_shared>>) offsets(%dma_start3A_150 : memref<128xi32, #tpu.memory_space<vmem>>) semaphore(%arg16 : memref<!tpu.dma_semaphore, #tpu.memory_space<semaphore_mem>>) {add = true}
        %add3A_154 = arith.constant 1 : i32
        %add3A_155 = arith.addi %add3A_141, %add3A_154 : i32
        %lt3A = arith.constant 24 : i32
        %lt3A_156 = arith.cmpi slt, %add3A_155, %lt3A : i32
        %convert_element_type3A_157 = arith.extui %lt3A_156 : i1 to i32
        %cond3A_158 = arith.constant 0 : i32
        %cond3A_159 = arith.cmpi ne, %convert_element_type3A_157, %cond3A_158 : i32
        scf.if %cond3A_159 {
          %ge3A = arith.constant 1 : i32
          %ge3A_183 = arith.cmpi sge, %add3A_141, %ge3A : i32
          %convert_element_type3A_184 = arith.extui %ge3A_183 : i1 to i32
          %cond3A_185 = arith.constant 0 : i32
          %cond3A_186 = arith.cmpi ne, %convert_element_type3A_184, %cond3A_185 : i32
          scf.if %cond3A_186 {
            %sub3A_193 = arith.constant 1 : i32
            %sub3A_194 = arith.subi %add3A_141, %sub3A_193 : i32
            %dma_wait3A_195 = arith.constant 0 : i32
            %dma_wait3A_196 = tpu.memref_slice %arg10[%sub3A_194, %dma_wait3A_195] : memref<24x128xi32, #tpu.memory_space<vmem>> -> memref<1x128xi32, #tpu.memory_space<vmem>>
            %dma_wait3A_197 = tpu.memref_squeeze %dma_wait3A_196 : memref<1x128xi32, #tpu.memory_space<vmem>> -> memref<128xi32, #tpu.memory_space<vmem>>
            %dma_wait3A_198 = arith.constant 0 : i32
            %dma_wait3A_199 = arith.constant 0 : i32
            %dma_wait3A_200 = tpu.memref_slice %arg13[%dma_wait3A_198, %dma_wait3A_199] : memref<10112x128xf32, #tpu.memory_space<vmem_shared>> -> memref<10112x128xf32, #tpu.memory_space<vmem_shared>>
            tpu.wait_indirect_dma semaphore(%arg17 : memref<!tpu.dma_semaphore, #tpu.memory_space<semaphore_mem>>) src(%arg12 : memref<128x128xf32, #tpu.memory_space<vmem>>) dst(%dma_wait3A_200 : memref<10112x128xf32, #tpu.memory_space<vmem_shared>>)
          } else {
          }
          %dma_start3A_187 = arith.constant 0 : i32
          %dma_start3A_188 = tpu.memref_slice %arg9[%add3A_155, %dma_start3A_187] : memref<24x128xi32, #tpu.memory_space<vmem>> -> memref<1x128xi32, #tpu.memory_space<vmem>>
          %dma_start3A_189 = tpu.memref_squeeze %dma_start3A_188 : memref<1x128xi32, #tpu.memory_space<vmem>> -> memref<128xi32, #tpu.memory_space<vmem>>
          %dma_start3A_190 = arith.constant 0 : i32
          %dma_start3A_191 = arith.constant 0 : i32
          %dma_start3A_192 = tpu.memref_slice %arg2[%dma_start3A_190, %dma_start3A_191] : memref<10000x128xf32, #tpu.memory_space<hbm>> -> memref<10000x128xf32, #tpu.memory_space<hbm>>
          tpu.enqueue_indirect_dma source(%dma_start3A_192 : memref<10000x128xf32, #tpu.memory_space<hbm>>) target(%arg12 : memref<128x128xf32, #tpu.memory_space<vmem>>) offsets(%dma_start3A_189 : memref<128xi32, #tpu.memory_space<vmem>>) semaphore(%arg15 : memref<!tpu.dma_semaphore, #tpu.memory_space<semaphore_mem>>)
        } else {
        }
        %mul3A_160 = arith.constant 2 : i32
        %mul3A_161 = arith.muli %scan3A_137, %mul3A_160 : i32
        %add3A_162 = arith.constant 1 : i32
        %add3A_163 = arith.addi %mul3A_161, %add3A_162 : i32
        %dma_wait3A_164 = arith.constant 0 : i32
        %dma_wait3A_165 = tpu.memref_slice %arg9[%add3A_163, %dma_wait3A_164] : memref<24x128xi32, #tpu.memory_space<vmem>> -> memref<1x128xi32, #tpu.memory_space<vmem>>
        %dma_wait3A_166 = tpu.memref_squeeze %dma_wait3A_165 : memref<1x128xi32, #tpu.memory_space<vmem>> -> memref<128xi32, #tpu.memory_space<vmem>>
        %dma_wait3A_167 = arith.constant 0 : i32
        %dma_wait3A_168 = arith.constant 0 : i32
        %dma_wait3A_169 = tpu.memref_slice %arg2[%dma_wait3A_167, %dma_wait3A_168] : memref<10000x128xf32, #tpu.memory_space<hbm>> -> memref<10000x128xf32, #tpu.memory_space<hbm>>
        tpu.wait_indirect_dma semaphore(%arg15 : memref<!tpu.dma_semaphore, #tpu.memory_space<semaphore_mem>>) src(%dma_wait3A_169 : memref<10000x128xf32, #tpu.memory_space<hbm>>) dst(%arg12 : memref<128x128xf32, #tpu.memory_space<vmem>>)
        %dma_start3A_170 = arith.constant 0 : i32
        %dma_start3A_171 = tpu.memref_slice %arg10[%add3A_163, %dma_start3A_170] : memref<24x128xi32, #tpu.memory_space<vmem>> -> memref<1x128xi32, #tpu.memory_space<vmem>>
        %dma_start3A_172 = tpu.memref_squeeze %dma_start3A_171 : memref<1x128xi32, #tpu.memory_space<vmem>> -> memref<128xi32, #tpu.memory_space<vmem>>
        %dma_start3A_173 = arith.constant 0 : i32
        %dma_start3A_174 = arith.constant 0 : i32
        %dma_start3A_175 = tpu.memref_slice %arg13[%dma_start3A_173, %dma_start3A_174] : memref<10112x128xf32, #tpu.memory_space<vmem_shared>> -> memref<10112x128xf32, #tpu.memory_space<vmem_shared>>
        tpu.enqueue_indirect_dma source(%arg12 : memref<128x128xf32, #tpu.memory_space<vmem>>) target(%dma_start3A_175 : memref<10112x128xf32, #tpu.memory_space<vmem_shared>>) offsets(%dma_start3A_172 : memref<128xi32, #tpu.memory_space<vmem>>) semaphore(%arg17 : memref<!tpu.dma_semaphore, #tpu.memory_space<semaphore_mem>>) {add = true}
        %add3A_176 = arith.constant 1 : i32
        %add3A_177 = arith.addi %add3A_163, %add3A_176 : i32
        %lt3A_178 = arith.constant 24 : i32
        %lt3A_179 = arith.cmpi slt, %add3A_177, %lt3A_178 : i32
        %convert_element_type3A_180 = arith.extui %lt3A_179 : i1 to i32
        %cond3A_181 = arith.constant 0 : i32
        %cond3A_182 = arith.cmpi ne, %convert_element_type3A_180, %cond3A_181 : i32
        scf.if %cond3A_182 {
          %ge3A = arith.constant 1 : i32
          %ge3A_183 = arith.cmpi sge, %add3A_163, %ge3A : i32
          %convert_element_type3A_184 = arith.extui %ge3A_183 : i1 to i32
          %cond3A_185 = arith.constant 0 : i32
          %cond3A_186 = arith.cmpi ne, %convert_element_type3A_184, %cond3A_185 : i32
          scf.if %cond3A_186 {
            %sub3A_193 = arith.constant 1 : i32
            %sub3A_194 = arith.subi %add3A_163, %sub3A_193 : i32
            %dma_wait3A_195 = arith.constant 0 : i32
            %dma_wait3A_196 = tpu.memref_slice %arg10[%sub3A_194, %dma_wait3A_195] : memref<24x128xi32, #tpu.memory_space<vmem>> -> memref<1x128xi32, #tpu.memory_space<vmem>>
            %dma_wait3A_197 = tpu.memref_squeeze %dma_wait3A_196 : memref<1x128xi32, #tpu.memory_space<vmem>> -> memref<128xi32, #tpu.memory_space<vmem>>
            %dma_wait3A_198 = arith.constant 0 : i32
            %dma_wait3A_199 = arith.constant 0 : i32
            %dma_wait3A_200 = tpu.memref_slice %arg13[%dma_wait3A_198, %dma_wait3A_199] : memref<10112x128xf32, #tpu.memory_space<vmem_shared>> -> memref<10112x128xf32, #tpu.memory_space<vmem_shared>>
            tpu.wait_indirect_dma semaphore(%arg16 : memref<!tpu.dma_semaphore, #tpu.memory_space<semaphore_mem>>) src(%arg11 : memref<128x128xf32, #tpu.memory_space<vmem>>) dst(%dma_wait3A_200 : memref<10112x128xf32, #tpu.memory_space<vmem_shared>>)
          } else {
          }
          %dma_start3A_187 = arith.constant 0 : i32
          %dma_start3A_188 = tpu.memref_slice %arg9[%add3A_177, %dma_start3A_187] : memref<24x128xi32, #tpu.memory_space<vmem>> -> memref<1x128xi32, #tpu.memory_space<vmem>>
          %dma_start3A_189 = tpu.memref_squeeze %dma_start3A_188 : memref<1x128xi32, #tpu.memory_space<vmem>> -> memref<128xi32, #tpu.memory_space<vmem>>
          %dma_start3A_190 = arith.constant 0 : i32
          %dma_start3A_191 = arith.constant 0 : i32
          %dma_start3A_192 = tpu.memref_slice %arg2[%dma_start3A_190, %dma_start3A_191] : memref<10000x128xf32, #tpu.memory_space<hbm>> -> memref<10000x128xf32, #tpu.memory_space<hbm>>
          tpu.enqueue_indirect_dma source(%dma_start3A_192 : memref<10000x128xf32, #tpu.memory_space<hbm>>) target(%arg11 : memref<128x128xf32, #tpu.memory_space<vmem>>) offsets(%dma_start3A_189 : memref<128xi32, #tpu.memory_space<vmem>>) semaphore(%arg14 : memref<!tpu.dma_semaphore, #tpu.memory_space<semaphore_mem>>)
        } else {
        }
      }
      %scan3A_91 = arith.constant 12 : i32
      %dma_wait3A_92 = arith.constant 22 : i32
      %dma_wait3A_93 = arith.constant 0 : i32
      %dma_wait3A_94 = tpu.memref_slice %arg10[%dma_wait3A_92, %dma_wait3A_93] : memref<24x128xi32, #tpu.memory_space<vmem>> -> memref<1x128xi32, #tpu.memory_space<vmem>>
      %dma_wait3A_95 = tpu.memref_squeeze %dma_wait3A_94 : memref<1x128xi32, #tpu.memory_space<vmem>> -> memref<128xi32, #tpu.memory_space<vmem>>
      %dma_wait3A_96 = arith.constant 0 : i32
      %dma_wait3A_97 = arith.constant 0 : i32
      %dma_wait3A_98 = tpu.memref_slice %arg13[%dma_wait3A_96, %dma_wait3A_97] : memref<10112x128xf32, #tpu.memory_space<vmem_shared>> -> memref<10112x128xf32, #tpu.memory_space<vmem_shared>>
      tpu.wait_indirect_dma semaphore(%arg16 : memref<!tpu.dma_semaphore, #tpu.memory_space<semaphore_mem>>) src(%arg11 : memref<128x128xf32, #tpu.memory_space<vmem>>) dst(%dma_wait3A_98 : memref<10112x128xf32, #tpu.memory_space<vmem_shared>>)
      %dma_wait3A_99 = arith.constant 23 : i32
      %dma_wait3A_100 = arith.constant 0 : i32
      %dma_wait3A_101 = tpu.memref_slice %arg10[%dma_wait3A_99, %dma_wait3A_100] : memref<24x128xi32, #tpu.memory_space<vmem>> -> memref<1x128xi32, #tpu.memory_space<vmem>>
      %dma_wait3A_102 = tpu.memref_squeeze %dma_wait3A_101 : memref<1x128xi32, #tpu.memory_space<vmem>> -> memref<128xi32, #tpu.memory_space<vmem>>
      %dma_wait3A_103 = arith.constant 0 : i32
      %dma_wait3A_104 = arith.constant 0 : i32
      %dma_wait3A_105 = tpu.memref_slice %arg13[%dma_wait3A_103, %dma_wait3A_104] : memref<10112x128xf32, #tpu.memory_space<vmem_shared>> -> memref<10112x128xf32, #tpu.memory_space<vmem_shared>>
      tpu.wait_indirect_dma semaphore(%arg17 : memref<!tpu.dma_semaphore, #tpu.memory_space<semaphore_mem>>) src(%arg12 : memref<128x128xf32, #tpu.memory_space<vmem>>) dst(%dma_wait3A_105 : memref<10112x128xf32, #tpu.memory_space<vmem_shared>>)
      %mul3A_106 = arith.constant 72 : i32
      %mul3A_107 = arith.muli %arg1, %mul3A_106 : i32
      %add3A_108 = arith.constant 48 : i32
      %add3A_109 = arith.addi %mul3A_107, %add3A_108 : i32
      "tpu.region"() ({
        %run_scoped3A = tpu.sem_alloc : memref<!tpu.dma_semaphore, #tpu.memory_space<semaphore_mem>>
        %dma_start3A_137 = arith.constant 0 : i32
        %dma_start3A_138 = arith.constant 0 : i32
        %dma_start3A_139 = tpu.memref_slice %arg9[%dma_start3A_137, %dma_start3A_138] : memref<24x128xi32, #tpu.memory_space<vmem>> -> memref<24x128xi32, #tpu.memory_space<vmem>>
        %dma_start3A_140 = arith.constant 0 : i32
        %dma_start3A_141 = tpu.memref_slice %arg4[%add3A_109, %dma_start3A_140] : memref<1280x128xi32, #tpu.memory_space<hbm>> -> memref<24x128xi32, #tpu.memory_space<hbm>>
        %dma_start3A_142 = arith.constant 0 : i32
        %dma_start3A_143 = arith.constant 0 : i32
        %dma_start3A_144 = tpu.memref_slice %arg9[%dma_start3A_142, %dma_start3A_143] : memref<24x128xi32, #tpu.memory_space<vmem>> -> memref<24x128xi32, #tpu.memory_space<vmem>>
        %dma_start3A_145 = arith.constant 0 : i32
        %dma_start3A_146 = tpu.memref_slice %arg4[%add3A_109, %dma_start3A_145] : memref<1280x128xi32, #tpu.memory_space<hbm>> -> memref<24x128xi32, #tpu.memory_space<hbm>>
        tpu.enqueue_dma source(%dma_start3A_146 : memref<24x128xi32, #tpu.memory_space<hbm>>) target(%dma_start3A_144 : memref<24x128xi32, #tpu.memory_space<vmem>>) target_semaphore(%run_scoped3A : memref<!tpu.dma_semaphore, #tpu.memory_space<semaphore_mem>>)
        %dma_wait3A_147 = arith.constant 0 : i32
        %dma_wait3A_148 = arith.constant 0 : i32
        %dma_wait3A_149 = tpu.memref_slice %arg9[%dma_wait3A_147, %dma_wait3A_148] : memref<24x128xi32, #tpu.memory_space<vmem>> -> memref<24x128xi32, #tpu.memory_space<vmem>>
        %dma_wait3A_150 = arith.constant 0 : i32
        %dma_wait3A_151 = tpu.memref_slice %arg4[%add3A_109, %dma_wait3A_150] : memref<1280x128xi32, #tpu.memory_space<hbm>> -> memref<24x128xi32, #tpu.memory_space<hbm>>
        %dma_wait3A_152 = arith.constant 0 : i32
        %dma_wait3A_153 = arith.constant 0 : i32
        %dma_wait3A_154 = tpu.memref_slice %arg9[%dma_wait3A_152, %dma_wait3A_153] : memref<24x128xi32, #tpu.memory_space<vmem>> -> memref<24x128xi32, #tpu.memory_space<vmem>>
        %dma_wait3A_155 = arith.constant 0 : i32
        %dma_wait3A_156 = tpu.memref_slice %arg4[%add3A_109, %dma_wait3A_155] : memref<1280x128xi32, #tpu.memory_space<hbm>> -> memref<24x128xi32, #tpu.memory_space<hbm>>
        tpu.wait_dma2 semaphore(%run_scoped3A : memref<!tpu.dma_semaphore, #tpu.memory_space<semaphore_mem>>) src(%dma_wait3A_156 : memref<24x128xi32, #tpu.memory_space<hbm>>) dst(%dma_wait3A_154 : memref<24x128xi32, #tpu.memory_space<vmem>>)
        tpu.yield
      }) : () -> ()
      "tpu.region"() ({
        %run_scoped3A = tpu.sem_alloc : memref<!tpu.dma_semaphore, #tpu.memory_space<semaphore_mem>>
        %dma_start3A_137 = arith.constant 0 : i32
        %dma_start3A_138 = arith.constant 0 : i32
        %dma_start3A_139 = tpu.memref_slice %arg10[%dma_start3A_137, %dma_start3A_138] : memref<24x128xi32, #tpu.memory_space<vmem>> -> memref<24x128xi32, #tpu.memory_space<vmem>>
        %dma_start3A_140 = arith.constant 0 : i32
        %dma_start3A_141 = tpu.memref_slice %arg5[%add3A_109, %dma_start3A_140] : memref<1280x128xi32, #tpu.memory_space<hbm>> -> memref<24x128xi32, #tpu.memory_space<hbm>>
        %dma_start3A_142 = arith.constant 0 : i32
        %dma_start3A_143 = arith.constant 0 : i32
        %dma_start3A_144 = tpu.memref_slice %arg10[%dma_start3A_142, %dma_start3A_143] : memref<24x128xi32, #tpu.memory_space<vmem>> -> memref<24x128xi32, #tpu.memory_space<vmem>>
        %dma_start3A_145 = arith.constant 0 : i32
        %dma_start3A_146 = tpu.memref_slice %arg5[%add3A_109, %dma_start3A_145] : memref<1280x128xi32, #tpu.memory_space<hbm>> -> memref<24x128xi32, #tpu.memory_space<hbm>>
        tpu.enqueue_dma source(%dma_start3A_146 : memref<24x128xi32, #tpu.memory_space<hbm>>) target(%dma_start3A_144 : memref<24x128xi32, #tpu.memory_space<vmem>>) target_semaphore(%run_scoped3A : memref<!tpu.dma_semaphore, #tpu.memory_space<semaphore_mem>>)
        %dma_wait3A_147 = arith.constant 0 : i32
        %dma_wait3A_148 = arith.constant 0 : i32
        %dma_wait3A_149 = tpu.memref_slice %arg10[%dma_wait3A_147, %dma_wait3A_148] : memref<24x128xi32, #tpu.memory_space<vmem>> -> memref<24x128xi32, #tpu.memory_space<vmem>>
        %dma_wait3A_150 = arith.constant 0 : i32
        %dma_wait3A_151 = tpu.memref_slice %arg5[%add3A_109, %dma_wait3A_150] : memref<1280x128xi32, #tpu.memory_space<hbm>> -> memref<24x128xi32, #tpu.memory_space<hbm>>
        %dma_wait3A_152 = arith.constant 0 : i32
        %dma_wait3A_153 = arith.constant 0 : i32
        %dma_wait3A_154 = tpu.memref_slice %arg10[%dma_wait3A_152, %dma_wait3A_153] : memref<24x128xi32, #tpu.memory_space<vmem>> -> memref<24x128xi32, #tpu.memory_space<vmem>>
        %dma_wait3A_155 = arith.constant 0 : i32
        %dma_wait3A_156 = tpu.memref_slice %arg5[%add3A_109, %dma_wait3A_155] : memref<1280x128xi32, #tpu.memory_space<hbm>> -> memref<24x128xi32, #tpu.memory_space<hbm>>
        tpu.wait_dma2 semaphore(%run_scoped3A : memref<!tpu.dma_semaphore, #tpu.memory_space<semaphore_mem>>) src(%dma_wait3A_156 : memref<24x128xi32, #tpu.memory_space<hbm>>) dst(%dma_wait3A_154 : memref<24x128xi32, #tpu.memory_space<vmem>>)
        tpu.yield
      }) : () -> ()
      %dma_start3A_110 = arith.constant 0 : i32
      %dma_start3A_111 = arith.constant 0 : i32
      %dma_start3A_112 = tpu.memref_slice %arg9[%dma_start3A_110, %dma_start3A_111] : memref<24x128xi32, #tpu.memory_space<vmem>> -> memref<1x128xi32, #tpu.memory_space<vmem>>
      %dma_start3A_113 = tpu.memref_squeeze %dma_start3A_112 : memref<1x128xi32, #tpu.memory_space<vmem>> -> memref<128xi32, #tpu.memory_space<vmem>>
      %dma_start3A_114 = arith.constant 0 : i32
      %dma_start3A_115 = arith.constant 0 : i32
      %dma_start3A_116 = tpu.memref_slice %arg2[%dma_start3A_114, %dma_start3A_115] : memref<10000x128xf32, #tpu.memory_space<hbm>> -> memref<10000x128xf32, #tpu.memory_space<hbm>>
      tpu.enqueue_indirect_dma source(%dma_start3A_116 : memref<10000x128xf32, #tpu.memory_space<hbm>>) target(%arg11 : memref<128x128xf32, #tpu.memory_space<vmem>>) offsets(%dma_start3A_113 : memref<128xi32, #tpu.memory_space<vmem>>) semaphore(%arg14 : memref<!tpu.dma_semaphore, #tpu.memory_space<semaphore_mem>>)
      %scan3A_117 = arith.constant 0 : i32
      %scan3A_118 = arith.constant 0 : i32
      %scan3A_119 = arith.constant 12 : i32
      %scan3A_120 = arith.addi %scan3A_118, %scan3A_119 : i32
      %scan3A_121 = arith.constant 1 : i32
      scf.for %scan3A_137 = %scan3A_118 to %scan3A_120 step %scan3A_121  : i32 {
        %mul3A_138 = arith.constant 2 : i32
        %mul3A_139 = arith.muli %scan3A_137, %mul3A_138 : i32
        %add3A_140 = arith.constant 0 : i32
        %add3A_141 = arith.addi %mul3A_139, %add3A_140 : i32
        %dma_wait3A_142 = arith.constant 0 : i32
        %dma_wait3A_143 = tpu.memref_slice %arg9[%add3A_141, %dma_wait3A_142] : memref<24x128xi32, #tpu.memory_space<vmem>> -> memref<1x128xi32, #tpu.memory_space<vmem>>
        %dma_wait3A_144 = tpu.memref_squeeze %dma_wait3A_143 : memref<1x128xi32, #tpu.memory_space<vmem>> -> memref<128xi32, #tpu.memory_space<vmem>>
        %dma_wait3A_145 = arith.constant 0 : i32
        %dma_wait3A_146 = arith.constant 0 : i32
        %dma_wait3A_147 = tpu.memref_slice %arg2[%dma_wait3A_145, %dma_wait3A_146] : memref<10000x128xf32, #tpu.memory_space<hbm>> -> memref<10000x128xf32, #tpu.memory_space<hbm>>
        tpu.wait_indirect_dma semaphore(%arg14 : memref<!tpu.dma_semaphore, #tpu.memory_space<semaphore_mem>>) src(%dma_wait3A_147 : memref<10000x128xf32, #tpu.memory_space<hbm>>) dst(%arg11 : memref<128x128xf32, #tpu.memory_space<vmem>>)
        %dma_start3A_148 = arith.constant 0 : i32
        %dma_start3A_149 = tpu.memref_slice %arg10[%add3A_141, %dma_start3A_148] : memref<24x128xi32, #tpu.memory_space<vmem>> -> memref<1x128xi32, #tpu.memory_space<vmem>>
        %dma_start3A_150 = tpu.memref_squeeze %dma_start3A_149 : memref<1x128xi32, #tpu.memory_space<vmem>> -> memref<128xi32, #tpu.memory_space<vmem>>
        %dma_start3A_151 = arith.constant 0 : i32
        %dma_start3A_152 = arith.constant 0 : i32
        %dma_start3A_153 = tpu.memref_slice %arg13[%dma_start3A_151, %dma_start3A_152] : memref<10112x128xf32, #tpu.memory_space<vmem_shared>> -> memref<10112x128xf32, #tpu.memory_space<vmem_shared>>
        tpu.enqueue_indirect_dma source(%arg11 : memref<128x128xf32, #tpu.memory_space<vmem>>) target(%dma_start3A_153 : memref<10112x128xf32, #tpu.memory_space<vmem_shared>>) offsets(%dma_start3A_150 : memref<128xi32, #tpu.memory_space<vmem>>) semaphore(%arg16 : memref<!tpu.dma_semaphore, #tpu.memory_space<semaphore_mem>>) {add = true}
        %add3A_154 = arith.constant 1 : i32
        %add3A_155 = arith.addi %add3A_141, %add3A_154 : i32
        %lt3A = arith.constant 24 : i32
        %lt3A_156 = arith.cmpi slt, %add3A_155, %lt3A : i32
        %convert_element_type3A_157 = arith.extui %lt3A_156 : i1 to i32
        %cond3A_158 = arith.constant 0 : i32
        %cond3A_159 = arith.cmpi ne, %convert_element_type3A_157, %cond3A_158 : i32
        scf.if %cond3A_159 {
          %ge3A = arith.constant 1 : i32
          %ge3A_183 = arith.cmpi sge, %add3A_141, %ge3A : i32
          %convert_element_type3A_184 = arith.extui %ge3A_183 : i1 to i32
          %cond3A_185 = arith.constant 0 : i32
          %cond3A_186 = arith.cmpi ne, %convert_element_type3A_184, %cond3A_185 : i32
          scf.if %cond3A_186 {
            %sub3A_193 = arith.constant 1 : i32
            %sub3A_194 = arith.subi %add3A_141, %sub3A_193 : i32
            %dma_wait3A_195 = arith.constant 0 : i32
            %dma_wait3A_196 = tpu.memref_slice %arg10[%sub3A_194, %dma_wait3A_195] : memref<24x128xi32, #tpu.memory_space<vmem>> -> memref<1x128xi32, #tpu.memory_space<vmem>>
            %dma_wait3A_197 = tpu.memref_squeeze %dma_wait3A_196 : memref<1x128xi32, #tpu.memory_space<vmem>> -> memref<128xi32, #tpu.memory_space<vmem>>
            %dma_wait3A_198 = arith.constant 0 : i32
            %dma_wait3A_199 = arith.constant 0 : i32
            %dma_wait3A_200 = tpu.memref_slice %arg13[%dma_wait3A_198, %dma_wait3A_199] : memref<10112x128xf32, #tpu.memory_space<vmem_shared>> -> memref<10112x128xf32, #tpu.memory_space<vmem_shared>>
            tpu.wait_indirect_dma semaphore(%arg17 : memref<!tpu.dma_semaphore, #tpu.memory_space<semaphore_mem>>) src(%arg12 : memref<128x128xf32, #tpu.memory_space<vmem>>) dst(%dma_wait3A_200 : memref<10112x128xf32, #tpu.memory_space<vmem_shared>>)
          } else {
          }
          %dma_start3A_187 = arith.constant 0 : i32
          %dma_start3A_188 = tpu.memref_slice %arg9[%add3A_155, %dma_start3A_187] : memref<24x128xi32, #tpu.memory_space<vmem>> -> memref<1x128xi32, #tpu.memory_space<vmem>>
          %dma_start3A_189 = tpu.memref_squeeze %dma_start3A_188 : memref<1x128xi32, #tpu.memory_space<vmem>> -> memref<128xi32, #tpu.memory_space<vmem>>
          %dma_start3A_190 = arith.constant 0 : i32
          %dma_start3A_191 = arith.constant 0 : i32
          %dma_start3A_192 = tpu.memref_slice %arg2[%dma_start3A_190, %dma_start3A_191] : memref<10000x128xf32, #tpu.memory_space<hbm>> -> memref<10000x128xf32, #tpu.memory_space<hbm>>
          tpu.enqueue_indirect_dma source(%dma_start3A_192 : memref<10000x128xf32, #tpu.memory_space<hbm>>) target(%arg12 : memref<128x128xf32, #tpu.memory_space<vmem>>) offsets(%dma_start3A_189 : memref<128xi32, #tpu.memory_space<vmem>>) semaphore(%arg15 : memref<!tpu.dma_semaphore, #tpu.memory_space<semaphore_mem>>)
        } else {
        }
        %mul3A_160 = arith.constant 2 : i32
        %mul3A_161 = arith.muli %scan3A_137, %mul3A_160 : i32
        %add3A_162 = arith.constant 1 : i32
        %add3A_163 = arith.addi %mul3A_161, %add3A_162 : i32
        %dma_wait3A_164 = arith.constant 0 : i32
        %dma_wait3A_165 = tpu.memref_slice %arg9[%add3A_163, %dma_wait3A_164] : memref<24x128xi32, #tpu.memory_space<vmem>> -> memref<1x128xi32, #tpu.memory_space<vmem>>
        %dma_wait3A_166 = tpu.memref_squeeze %dma_wait3A_165 : memref<1x128xi32, #tpu.memory_space<vmem>> -> memref<128xi32, #tpu.memory_space<vmem>>
        %dma_wait3A_167 = arith.constant 0 : i32
        %dma_wait3A_168 = arith.constant 0 : i32
        %dma_wait3A_169 = tpu.memref_slice %arg2[%dma_wait3A_167, %dma_wait3A_168] : memref<10000x128xf32, #tpu.memory_space<hbm>> -> memref<10000x128xf32, #tpu.memory_space<hbm>>
        tpu.wait_indirect_dma semaphore(%arg15 : memref<!tpu.dma_semaphore, #tpu.memory_space<semaphore_mem>>) src(%dma_wait3A_169 : memref<10000x128xf32, #tpu.memory_space<hbm>>) dst(%arg12 : memref<128x128xf32, #tpu.memory_space<vmem>>)
        %dma_start3A_170 = arith.constant 0 : i32
        %dma_start3A_171 = tpu.memref_slice %arg10[%add3A_163, %dma_start3A_170] : memref<24x128xi32, #tpu.memory_space<vmem>> -> memref<1x128xi32, #tpu.memory_space<vmem>>
        %dma_start3A_172 = tpu.memref_squeeze %dma_start3A_171 : memref<1x128xi32, #tpu.memory_space<vmem>> -> memref<128xi32, #tpu.memory_space<vmem>>
        %dma_start3A_173 = arith.constant 0 : i32
        %dma_start3A_174 = arith.constant 0 : i32
        %dma_start3A_175 = tpu.memref_slice %arg13[%dma_start3A_173, %dma_start3A_174] : memref<10112x128xf32, #tpu.memory_space<vmem_shared>> -> memref<10112x128xf32, #tpu.memory_space<vmem_shared>>
        tpu.enqueue_indirect_dma source(%arg12 : memref<128x128xf32, #tpu.memory_space<vmem>>) target(%dma_start3A_175 : memref<10112x128xf32, #tpu.memory_space<vmem_shared>>) offsets(%dma_start3A_172 : memref<128xi32, #tpu.memory_space<vmem>>) semaphore(%arg17 : memref<!tpu.dma_semaphore, #tpu.memory_space<semaphore_mem>>) {add = true}
        %add3A_176 = arith.constant 1 : i32
        %add3A_177 = arith.addi %add3A_163, %add3A_176 : i32
        %lt3A_178 = arith.constant 24 : i32
        %lt3A_179 = arith.cmpi slt, %add3A_177, %lt3A_178 : i32
        %convert_element_type3A_180 = arith.extui %lt3A_179 : i1 to i32
        %cond3A_181 = arith.constant 0 : i32
        %cond3A_182 = arith.cmpi ne, %convert_element_type3A_180, %cond3A_181 : i32
        scf.if %cond3A_182 {
          %ge3A = arith.constant 1 : i32
          %ge3A_183 = arith.cmpi sge, %add3A_163, %ge3A : i32
          %convert_element_type3A_184 = arith.extui %ge3A_183 : i1 to i32
          %cond3A_185 = arith.constant 0 : i32
          %cond3A_186 = arith.cmpi ne, %convert_element_type3A_184, %cond3A_185 : i32
          scf.if %cond3A_186 {
            %sub3A_193 = arith.constant 1 : i32
            %sub3A_194 = arith.subi %add3A_163, %sub3A_193 : i32
            %dma_wait3A_195 = arith.constant 0 : i32
            %dma_wait3A_196 = tpu.memref_slice %arg10[%sub3A_194, %dma_wait3A_195] : memref<24x128xi32, #tpu.memory_space<vmem>> -> memref<1x128xi32, #tpu.memory_space<vmem>>
            %dma_wait3A_197 = tpu.memref_squeeze %dma_wait3A_196 : memref<1x128xi32, #tpu.memory_space<vmem>> -> memref<128xi32, #tpu.memory_space<vmem>>
            %dma_wait3A_198 = arith.constant 0 : i32
            %dma_wait3A_199 = arith.constant 0 : i32
            %dma_wait3A_200 = tpu.memref_slice %arg13[%dma_wait3A_198, %dma_wait3A_199] : memref<10112x128xf32, #tpu.memory_space<vmem_shared>> -> memref<10112x128xf32, #tpu.memory_space<vmem_shared>>
            tpu.wait_indirect_dma semaphore(%arg16 : memref<!tpu.dma_semaphore, #tpu.memory_space<semaphore_mem>>) src(%arg11 : memref<128x128xf32, #tpu.memory_space<vmem>>) dst(%dma_wait3A_200 : memref<10112x128xf32, #tpu.memory_space<vmem_shared>>)
          } else {
          }
          %dma_start3A_187 = arith.constant 0 : i32
          %dma_start3A_188 = tpu.memref_slice %arg9[%add3A_177, %dma_start3A_187] : memref<24x128xi32, #tpu.memory_space<vmem>> -> memref<1x128xi32, #tpu.memory_space<vmem>>
          %dma_start3A_189 = tpu.memref_squeeze %dma_start3A_188 : memref<1x128xi32, #tpu.memory_space<vmem>> -> memref<128xi32, #tpu.memory_space<vmem>>
          %dma_start3A_190 = arith.constant 0 : i32
          %dma_start3A_191 = arith.constant 0 : i32
          %dma_start3A_192 = tpu.memref_slice %arg2[%dma_start3A_190, %dma_start3A_191] : memref<10000x128xf32, #tpu.memory_space<hbm>> -> memref<10000x128xf32, #tpu.memory_space<hbm>>
          tpu.enqueue_indirect_dma source(%dma_start3A_192 : memref<10000x128xf32, #tpu.memory_space<hbm>>) target(%arg11 : memref<128x128xf32, #tpu.memory_space<vmem>>) offsets(%dma_start3A_189 : memref<128xi32, #tpu.memory_space<vmem>>) semaphore(%arg14 : memref<!tpu.dma_semaphore, #tpu.memory_space<semaphore_mem>>)
        } else {
        }
      }
      %scan3A_122 = arith.constant 12 : i32
      %dma_wait3A_123 = arith.constant 22 : i32
      %dma_wait3A_124 = arith.constant 0 : i32
      %dma_wait3A_125 = tpu.memref_slice %arg10[%dma_wait3A_123, %dma_wait3A_124] : memref<24x128xi32, #tpu.memory_space<vmem>> -> memref<1x128xi32, #tpu.memory_space<vmem>>
      %dma_wait3A_126 = tpu.memref_squeeze %dma_wait3A_125 : memref<1x128xi32, #tpu.memory_space<vmem>> -> memref<128xi32, #tpu.memory_space<vmem>>
      %dma_wait3A_127 = arith.constant 0 : i32
      %dma_wait3A_128 = arith.constant 0 : i32
      %dma_wait3A_129 = tpu.memref_slice %arg13[%dma_wait3A_127, %dma_wait3A_128] : memref<10112x128xf32, #tpu.memory_space<vmem_shared>> -> memref<10112x128xf32, #tpu.memory_space<vmem_shared>>
      tpu.wait_indirect_dma semaphore(%arg16 : memref<!tpu.dma_semaphore, #tpu.memory_space<semaphore_mem>>) src(%arg11 : memref<128x128xf32, #tpu.memory_space<vmem>>) dst(%dma_wait3A_129 : memref<10112x128xf32, #tpu.memory_space<vmem_shared>>)
      %dma_wait3A_130 = arith.constant 23 : i32
      %dma_wait3A_131 = arith.constant 0 : i32
      %dma_wait3A_132 = tpu.memref_slice %arg10[%dma_wait3A_130, %dma_wait3A_131] : memref<24x128xi32, #tpu.memory_space<vmem>> -> memref<1x128xi32, #tpu.memory_space<vmem>>
      %dma_wait3A_133 = tpu.memref_squeeze %dma_wait3A_132 : memref<1x128xi32, #tpu.memory_space<vmem>> -> memref<128xi32, #tpu.memory_space<vmem>>
      %dma_wait3A_134 = arith.constant 0 : i32
      %dma_wait3A_135 = arith.constant 0 : i32
      %dma_wait3A_136 = tpu.memref_slice %arg13[%dma_wait3A_134, %dma_wait3A_135] : memref<10112x128xf32, #tpu.memory_space<vmem_shared>> -> memref<10112x128xf32, #tpu.memory_space<vmem_shared>>
      tpu.wait_indirect_dma semaphore(%arg17 : memref<!tpu.dma_semaphore, #tpu.memory_space<semaphore_mem>>) src(%arg12 : memref<128x128xf32, #tpu.memory_space<vmem>>) dst(%dma_wait3A_136 : memref<10112x128xf32, #tpu.memory_space<vmem_shared>>)
    } else {
    }
    %eq3A_26 = arith.constant 1 : i32
    %eq3A_27 = arith.cmpi eq, %arg0, %eq3A_26 : i32
    %convert_element_type3A_28 = arith.extui %eq3A_27 : i1 to i32
    %cond3A_29 = arith.constant 0 : i32
    %cond3A_30 = arith.cmpi ne, %convert_element_type3A_28, %cond3A_29 : i32
    scf.if %cond3A_30 {
      %mul3A_46 = arith.constant 8 : i32
      %mul3A_47 = arith.muli %arg1, %mul3A_46 : i32
      %add3A_48 = arith.constant 1152 : i32
      %add3A_49 = arith.addi %add3A_48, %mul3A_47 : i32
      "tpu.region"() ({
        %run_scoped3A = tpu.sem_alloc : memref<!tpu.dma_semaphore, #tpu.memory_space<semaphore_mem>>
        %dma_start3A_75 = arith.constant 0 : i32
        %dma_start3A_76 = arith.constant 0 : i32
        %dma_start3A_77 = tpu.memref_slice %arg9[%dma_start3A_75, %dma_start3A_76] : memref<24x128xi32, #tpu.memory_space<vmem>> -> memref<8x128xi32, #tpu.memory_space<vmem>>
        %dma_start3A_78 = arith.constant 0 : i32
        %dma_start3A_79 = tpu.memref_slice %arg4[%add3A_49, %dma_start3A_78] : memref<1280x128xi32, #tpu.memory_space<hbm>> -> memref<8x128xi32, #tpu.memory_space<hbm>>
        %dma_start3A_80 = arith.constant 0 : i32
        %dma_start3A_81 = arith.constant 0 : i32
        %dma_start3A_82 = tpu.memref_slice %arg9[%dma_start3A_80, %dma_start3A_81] : memref<24x128xi32, #tpu.memory_space<vmem>> -> memref<8x128xi32, #tpu.memory_space<vmem>>
        %dma_start3A_83 = arith.constant 0 : i32
        %dma_start3A_84 = tpu.memref_slice %arg4[%add3A_49, %dma_start3A_83] : memref<1280x128xi32, #tpu.memory_space<hbm>> -> memref<8x128xi32, #tpu.memory_space<hbm>>
        tpu.enqueue_dma source(%dma_start3A_84 : memref<8x128xi32, #tpu.memory_space<hbm>>) target(%dma_start3A_82 : memref<8x128xi32, #tpu.memory_space<vmem>>) target_semaphore(%run_scoped3A : memref<!tpu.dma_semaphore, #tpu.memory_space<semaphore_mem>>)
        %dma_wait3A_85 = arith.constant 0 : i32
        %dma_wait3A_86 = arith.constant 0 : i32
        %dma_wait3A_87 = tpu.memref_slice %arg9[%dma_wait3A_85, %dma_wait3A_86] : memref<24x128xi32, #tpu.memory_space<vmem>> -> memref<8x128xi32, #tpu.memory_space<vmem>>
        %dma_wait3A_88 = arith.constant 0 : i32
        %dma_wait3A_89 = tpu.memref_slice %arg4[%add3A_49, %dma_wait3A_88] : memref<1280x128xi32, #tpu.memory_space<hbm>> -> memref<8x128xi32, #tpu.memory_space<hbm>>
        %dma_wait3A_90 = arith.constant 0 : i32
        %dma_wait3A_91 = arith.constant 0 : i32
        %dma_wait3A_92 = tpu.memref_slice %arg9[%dma_wait3A_90, %dma_wait3A_91] : memref<24x128xi32, #tpu.memory_space<vmem>> -> memref<8x128xi32, #tpu.memory_space<vmem>>
        %dma_wait3A_93 = arith.constant 0 : i32
        %dma_wait3A_94 = tpu.memref_slice %arg4[%add3A_49, %dma_wait3A_93] : memref<1280x128xi32, #tpu.memory_space<hbm>> -> memref<8x128xi32, #tpu.memory_space<hbm>>
        tpu.wait_dma2 semaphore(%run_scoped3A : memref<!tpu.dma_semaphore, #tpu.memory_space<semaphore_mem>>) src(%dma_wait3A_94 : memref<8x128xi32, #tpu.memory_space<hbm>>) dst(%dma_wait3A_92 : memref<8x128xi32, #tpu.memory_space<vmem>>)
        tpu.yield
      }) : () -> ()
      "tpu.region"() ({
        %run_scoped3A = tpu.sem_alloc : memref<!tpu.dma_semaphore, #tpu.memory_space<semaphore_mem>>
        %dma_start3A_75 = arith.constant 0 : i32
        %dma_start3A_76 = arith.constant 0 : i32
        %dma_start3A_77 = tpu.memref_slice %arg10[%dma_start3A_75, %dma_start3A_76] : memref<24x128xi32, #tpu.memory_space<vmem>> -> memref<8x128xi32, #tpu.memory_space<vmem>>
        %dma_start3A_78 = arith.constant 0 : i32
        %dma_start3A_79 = tpu.memref_slice %arg5[%add3A_49, %dma_start3A_78] : memref<1280x128xi32, #tpu.memory_space<hbm>> -> memref<8x128xi32, #tpu.memory_space<hbm>>
        %dma_start3A_80 = arith.constant 0 : i32
        %dma_start3A_81 = arith.constant 0 : i32
        %dma_start3A_82 = tpu.memref_slice %arg10[%dma_start3A_80, %dma_start3A_81] : memref<24x128xi32, #tpu.memory_space<vmem>> -> memref<8x128xi32, #tpu.memory_space<vmem>>
        %dma_start3A_83 = arith.constant 0 : i32
        %dma_start3A_84 = tpu.memref_slice %arg5[%add3A_49, %dma_start3A_83] : memref<1280x128xi32, #tpu.memory_space<hbm>> -> memref<8x128xi32, #tpu.memory_space<hbm>>
        tpu.enqueue_dma source(%dma_start3A_84 : memref<8x128xi32, #tpu.memory_space<hbm>>) target(%dma_start3A_82 : memref<8x128xi32, #tpu.memory_space<vmem>>) target_semaphore(%run_scoped3A : memref<!tpu.dma_semaphore, #tpu.memory_space<semaphore_mem>>)
        %dma_wait3A_85 = arith.constant 0 : i32
        %dma_wait3A_86 = arith.constant 0 : i32
        %dma_wait3A_87 = tpu.memref_slice %arg10[%dma_wait3A_85, %dma_wait3A_86] : memref<24x128xi32, #tpu.memory_space<vmem>> -> memref<8x128xi32, #tpu.memory_space<vmem>>
        %dma_wait3A_88 = arith.constant 0 : i32
        %dma_wait3A_89 = tpu.memref_slice %arg5[%add3A_49, %dma_wait3A_88] : memref<1280x128xi32, #tpu.memory_space<hbm>> -> memref<8x128xi32, #tpu.memory_space<hbm>>
        %dma_wait3A_90 = arith.constant 0 : i32
        %dma_wait3A_91 = arith.constant 0 : i32
        %dma_wait3A_92 = tpu.memref_slice %arg10[%dma_wait3A_90, %dma_wait3A_91] : memref<24x128xi32, #tpu.memory_space<vmem>> -> memref<8x128xi32, #tpu.memory_space<vmem>>
        %dma_wait3A_93 = arith.constant 0 : i32
        %dma_wait3A_94 = tpu.memref_slice %arg5[%add3A_49, %dma_wait3A_93] : memref<1280x128xi32, #tpu.memory_space<hbm>> -> memref<8x128xi32, #tpu.memory_space<hbm>>
        tpu.wait_dma2 semaphore(%run_scoped3A : memref<!tpu.dma_semaphore, #tpu.memory_space<semaphore_mem>>) src(%dma_wait3A_94 : memref<8x128xi32, #tpu.memory_space<hbm>>) dst(%dma_wait3A_92 : memref<8x128xi32, #tpu.memory_space<vmem>>)
        tpu.yield
      }) : () -> ()
      %dma_start3A = arith.constant 0 : i32
      %dma_start3A_50 = arith.constant 0 : i32
      %dma_start3A_51 = tpu.memref_slice %arg9[%dma_start3A, %dma_start3A_50] : memref<24x128xi32, #tpu.memory_space<vmem>> -> memref<1x128xi32, #tpu.memory_space<vmem>>
      %dma_start3A_52 = tpu.memref_squeeze %dma_start3A_51 : memref<1x128xi32, #tpu.memory_space<vmem>> -> memref<128xi32, #tpu.memory_space<vmem>>
      %dma_start3A_53 = arith.constant 0 : i32
      %dma_start3A_54 = arith.constant 0 : i32
      %dma_start3A_55 = tpu.memref_slice %arg2[%dma_start3A_53, %dma_start3A_54] : memref<10000x128xf32, #tpu.memory_space<hbm>> -> memref<10000x128xf32, #tpu.memory_space<hbm>>
      tpu.enqueue_indirect_dma source(%dma_start3A_55 : memref<10000x128xf32, #tpu.memory_space<hbm>>) target(%arg11 : memref<128x128xf32, #tpu.memory_space<vmem>>) offsets(%dma_start3A_52 : memref<128xi32, #tpu.memory_space<vmem>>) semaphore(%arg14 : memref<!tpu.dma_semaphore, #tpu.memory_space<semaphore_mem>>)
      %scan3A_56 = arith.constant 0 : i32
      %scan3A_57 = arith.constant 0 : i32
      %scan3A_58 = arith.constant 4 : i32
      %scan3A_59 = arith.addi %scan3A_57, %scan3A_58 : i32
      %scan3A_60 = arith.constant 1 : i32
      scf.for %scan3A_75 = %scan3A_57 to %scan3A_59 step %scan3A_60  : i32 {
        %mul3A_76 = arith.constant 2 : i32
        %mul3A_77 = arith.muli %scan3A_75, %mul3A_76 : i32
        %add3A_78 = arith.constant 0 : i32
        %add3A_79 = arith.addi %mul3A_77, %add3A_78 : i32
        %dma_wait3A_80 = arith.constant 0 : i32
        %dma_wait3A_81 = tpu.memref_slice %arg9[%add3A_79, %dma_wait3A_80] : memref<24x128xi32, #tpu.memory_space<vmem>> -> memref<1x128xi32, #tpu.memory_space<vmem>>
        %dma_wait3A_82 = tpu.memref_squeeze %dma_wait3A_81 : memref<1x128xi32, #tpu.memory_space<vmem>> -> memref<128xi32, #tpu.memory_space<vmem>>
        %dma_wait3A_83 = arith.constant 0 : i32
        %dma_wait3A_84 = arith.constant 0 : i32
        %dma_wait3A_85 = tpu.memref_slice %arg2[%dma_wait3A_83, %dma_wait3A_84] : memref<10000x128xf32, #tpu.memory_space<hbm>> -> memref<10000x128xf32, #tpu.memory_space<hbm>>
        tpu.wait_indirect_dma semaphore(%arg14 : memref<!tpu.dma_semaphore, #tpu.memory_space<semaphore_mem>>) src(%dma_wait3A_85 : memref<10000x128xf32, #tpu.memory_space<hbm>>) dst(%arg11 : memref<128x128xf32, #tpu.memory_space<vmem>>)
        %dma_start3A_86 = arith.constant 0 : i32
        %dma_start3A_87 = tpu.memref_slice %arg10[%add3A_79, %dma_start3A_86] : memref<24x128xi32, #tpu.memory_space<vmem>> -> memref<1x128xi32, #tpu.memory_space<vmem>>
        %dma_start3A_88 = tpu.memref_squeeze %dma_start3A_87 : memref<1x128xi32, #tpu.memory_space<vmem>> -> memref<128xi32, #tpu.memory_space<vmem>>
        %dma_start3A_89 = arith.constant 0 : i32
        %dma_start3A_90 = arith.constant 0 : i32
        %dma_start3A_91 = tpu.memref_slice %arg13[%dma_start3A_89, %dma_start3A_90] : memref<10112x128xf32, #tpu.memory_space<vmem_shared>> -> memref<10112x128xf32, #tpu.memory_space<vmem_shared>>
        tpu.enqueue_indirect_dma source(%arg11 : memref<128x128xf32, #tpu.memory_space<vmem>>) target(%dma_start3A_91 : memref<10112x128xf32, #tpu.memory_space<vmem_shared>>) offsets(%dma_start3A_88 : memref<128xi32, #tpu.memory_space<vmem>>) semaphore(%arg16 : memref<!tpu.dma_semaphore, #tpu.memory_space<semaphore_mem>>) {add = true}
        %add3A_92 = arith.constant 1 : i32
        %add3A_93 = arith.addi %add3A_79, %add3A_92 : i32
        %lt3A = arith.constant 8 : i32
        %lt3A_94 = arith.cmpi slt, %add3A_93, %lt3A : i32
        %convert_element_type3A_95 = arith.extui %lt3A_94 : i1 to i32
        %cond3A_96 = arith.constant 0 : i32
        %cond3A_97 = arith.cmpi ne, %convert_element_type3A_95, %cond3A_96 : i32
        scf.if %cond3A_97 {
          %ge3A = arith.constant 1 : i32
          %ge3A_121 = arith.cmpi sge, %add3A_79, %ge3A : i32
          %convert_element_type3A_122 = arith.extui %ge3A_121 : i1 to i32
          %cond3A_123 = arith.constant 0 : i32
          %cond3A_124 = arith.cmpi ne, %convert_element_type3A_122, %cond3A_123 : i32
          scf.if %cond3A_124 {
            %sub3A_131 = arith.constant 1 : i32
            %sub3A_132 = arith.subi %add3A_79, %sub3A_131 : i32
            %dma_wait3A_133 = arith.constant 0 : i32
            %dma_wait3A_134 = tpu.memref_slice %arg10[%sub3A_132, %dma_wait3A_133] : memref<24x128xi32, #tpu.memory_space<vmem>> -> memref<1x128xi32, #tpu.memory_space<vmem>>
            %dma_wait3A_135 = tpu.memref_squeeze %dma_wait3A_134 : memref<1x128xi32, #tpu.memory_space<vmem>> -> memref<128xi32, #tpu.memory_space<vmem>>
            %dma_wait3A_136 = arith.constant 0 : i32
            %dma_wait3A_137 = arith.constant 0 : i32
            %dma_wait3A_138 = tpu.memref_slice %arg13[%dma_wait3A_136, %dma_wait3A_137] : memref<10112x128xf32, #tpu.memory_space<vmem_shared>> -> memref<10112x128xf32, #tpu.memory_space<vmem_shared>>
            tpu.wait_indirect_dma semaphore(%arg17 : memref<!tpu.dma_semaphore, #tpu.memory_space<semaphore_mem>>) src(%arg12 : memref<128x128xf32, #tpu.memory_space<vmem>>) dst(%dma_wait3A_138 : memref<10112x128xf32, #tpu.memory_space<vmem_shared>>)
          } else {
          }
          %dma_start3A_125 = arith.constant 0 : i32
          %dma_start3A_126 = tpu.memref_slice %arg9[%add3A_93, %dma_start3A_125] : memref<24x128xi32, #tpu.memory_space<vmem>> -> memref<1x128xi32, #tpu.memory_space<vmem>>
          %dma_start3A_127 = tpu.memref_squeeze %dma_start3A_126 : memref<1x128xi32, #tpu.memory_space<vmem>> -> memref<128xi32, #tpu.memory_space<vmem>>
          %dma_start3A_128 = arith.constant 0 : i32
          %dma_start3A_129 = arith.constant 0 : i32
          %dma_start3A_130 = tpu.memref_slice %arg2[%dma_start3A_128, %dma_start3A_129] : memref<10000x128xf32, #tpu.memory_space<hbm>> -> memref<10000x128xf32, #tpu.memory_space<hbm>>
          tpu.enqueue_indirect_dma source(%dma_start3A_130 : memref<10000x128xf32, #tpu.memory_space<hbm>>) target(%arg12 : memref<128x128xf32, #tpu.memory_space<vmem>>) offsets(%dma_start3A_127 : memref<128xi32, #tpu.memory_space<vmem>>) semaphore(%arg15 : memref<!tpu.dma_semaphore, #tpu.memory_space<semaphore_mem>>)
        } else {
        }
        %mul3A_98 = arith.constant 2 : i32
        %mul3A_99 = arith.muli %scan3A_75, %mul3A_98 : i32
        %add3A_100 = arith.constant 1 : i32
        %add3A_101 = arith.addi %mul3A_99, %add3A_100 : i32
        %dma_wait3A_102 = arith.constant 0 : i32
        %dma_wait3A_103 = tpu.memref_slice %arg9[%add3A_101, %dma_wait3A_102] : memref<24x128xi32, #tpu.memory_space<vmem>> -> memref<1x128xi32, #tpu.memory_space<vmem>>
        %dma_wait3A_104 = tpu.memref_squeeze %dma_wait3A_103 : memref<1x128xi32, #tpu.memory_space<vmem>> -> memref<128xi32, #tpu.memory_space<vmem>>
        %dma_wait3A_105 = arith.constant 0 : i32
        %dma_wait3A_106 = arith.constant 0 : i32
        %dma_wait3A_107 = tpu.memref_slice %arg2[%dma_wait3A_105, %dma_wait3A_106] : memref<10000x128xf32, #tpu.memory_space<hbm>> -> memref<10000x128xf32, #tpu.memory_space<hbm>>
        tpu.wait_indirect_dma semaphore(%arg15 : memref<!tpu.dma_semaphore, #tpu.memory_space<semaphore_mem>>) src(%dma_wait3A_107 : memref<10000x128xf32, #tpu.memory_space<hbm>>) dst(%arg12 : memref<128x128xf32, #tpu.memory_space<vmem>>)
        %dma_start3A_108 = arith.constant 0 : i32
        %dma_start3A_109 = tpu.memref_slice %arg10[%add3A_101, %dma_start3A_108] : memref<24x128xi32, #tpu.memory_space<vmem>> -> memref<1x128xi32, #tpu.memory_space<vmem>>
        %dma_start3A_110 = tpu.memref_squeeze %dma_start3A_109 : memref<1x128xi32, #tpu.memory_space<vmem>> -> memref<128xi32, #tpu.memory_space<vmem>>
        %dma_start3A_111 = arith.constant 0 : i32
        %dma_start3A_112 = arith.constant 0 : i32
        %dma_start3A_113 = tpu.memref_slice %arg13[%dma_start3A_111, %dma_start3A_112] : memref<10112x128xf32, #tpu.memory_space<vmem_shared>> -> memref<10112x128xf32, #tpu.memory_space<vmem_shared>>
        tpu.enqueue_indirect_dma source(%arg12 : memref<128x128xf32, #tpu.memory_space<vmem>>) target(%dma_start3A_113 : memref<10112x128xf32, #tpu.memory_space<vmem_shared>>) offsets(%dma_start3A_110 : memref<128xi32, #tpu.memory_space<vmem>>) semaphore(%arg17 : memref<!tpu.dma_semaphore, #tpu.memory_space<semaphore_mem>>) {add = true}
        %add3A_114 = arith.constant 1 : i32
        %add3A_115 = arith.addi %add3A_101, %add3A_114 : i32
        %lt3A_116 = arith.constant 8 : i32
        %lt3A_117 = arith.cmpi slt, %add3A_115, %lt3A_116 : i32
        %convert_element_type3A_118 = arith.extui %lt3A_117 : i1 to i32
        %cond3A_119 = arith.constant 0 : i32
        %cond3A_120 = arith.cmpi ne, %convert_element_type3A_118, %cond3A_119 : i32
        scf.if %cond3A_120 {
          %ge3A = arith.constant 1 : i32
          %ge3A_121 = arith.cmpi sge, %add3A_101, %ge3A : i32
          %convert_element_type3A_122 = arith.extui %ge3A_121 : i1 to i32
          %cond3A_123 = arith.constant 0 : i32
          %cond3A_124 = arith.cmpi ne, %convert_element_type3A_122, %cond3A_123 : i32
          scf.if %cond3A_124 {
            %sub3A_131 = arith.constant 1 : i32
            %sub3A_132 = arith.subi %add3A_101, %sub3A_131 : i32
            %dma_wait3A_133 = arith.constant 0 : i32
            %dma_wait3A_134 = tpu.memref_slice %arg10[%sub3A_132, %dma_wait3A_133] : memref<24x128xi32, #tpu.memory_space<vmem>> -> memref<1x128xi32, #tpu.memory_space<vmem>>
            %dma_wait3A_135 = tpu.memref_squeeze %dma_wait3A_134 : memref<1x128xi32, #tpu.memory_space<vmem>> -> memref<128xi32, #tpu.memory_space<vmem>>
            %dma_wait3A_136 = arith.constant 0 : i32
            %dma_wait3A_137 = arith.constant 0 : i32
            %dma_wait3A_138 = tpu.memref_slice %arg13[%dma_wait3A_136, %dma_wait3A_137] : memref<10112x128xf32, #tpu.memory_space<vmem_shared>> -> memref<10112x128xf32, #tpu.memory_space<vmem_shared>>
            tpu.wait_indirect_dma semaphore(%arg16 : memref<!tpu.dma_semaphore, #tpu.memory_space<semaphore_mem>>) src(%arg11 : memref<128x128xf32, #tpu.memory_space<vmem>>) dst(%dma_wait3A_138 : memref<10112x128xf32, #tpu.memory_space<vmem_shared>>)
          } else {
          }
          %dma_start3A_125 = arith.constant 0 : i32
          %dma_start3A_126 = tpu.memref_slice %arg9[%add3A_115, %dma_start3A_125] : memref<24x128xi32, #tpu.memory_space<vmem>> -> memref<1x128xi32, #tpu.memory_space<vmem>>
          %dma_start3A_127 = tpu.memref_squeeze %dma_start3A_126 : memref<1x128xi32, #tpu.memory_space<vmem>> -> memref<128xi32, #tpu.memory_space<vmem>>
          %dma_start3A_128 = arith.constant 0 : i32
          %dma_start3A_129 = arith.constant 0 : i32
          %dma_start3A_130 = tpu.memref_slice %arg2[%dma_start3A_128, %dma_start3A_129] : memref<10000x128xf32, #tpu.memory_space<hbm>> -> memref<10000x128xf32, #tpu.memory_space<hbm>>
          tpu.enqueue_indirect_dma source(%dma_start3A_130 : memref<10000x128xf32, #tpu.memory_space<hbm>>) target(%arg11 : memref<128x128xf32, #tpu.memory_space<vmem>>) offsets(%dma_start3A_127 : memref<128xi32, #tpu.memory_space<vmem>>) semaphore(%arg14 : memref<!tpu.dma_semaphore, #tpu.memory_space<semaphore_mem>>)
        } else {
        }
      }
      %scan3A_61 = arith.constant 4 : i32
      %dma_wait3A = arith.constant 6 : i32
      %dma_wait3A_62 = arith.constant 0 : i32
      %dma_wait3A_63 = tpu.memref_slice %arg10[%dma_wait3A, %dma_wait3A_62] : memref<24x128xi32, #tpu.memory_space<vmem>> -> memref<1x128xi32, #tpu.memory_space<vmem>>
      %dma_wait3A_64 = tpu.memref_squeeze %dma_wait3A_63 : memref<1x128xi32, #tpu.memory_space<vmem>> -> memref<128xi32, #tpu.memory_space<vmem>>
      %dma_wait3A_65 = arith.constant 0 : i32
      %dma_wait3A_66 = arith.constant 0 : i32
      %dma_wait3A_67 = tpu.memref_slice %arg13[%dma_wait3A_65, %dma_wait3A_66] : memref<10112x128xf32, #tpu.memory_space<vmem_shared>> -> memref<10112x128xf32, #tpu.memory_space<vmem_shared>>
      tpu.wait_indirect_dma semaphore(%arg16 : memref<!tpu.dma_semaphore, #tpu.memory_space<semaphore_mem>>) src(%arg11 : memref<128x128xf32, #tpu.memory_space<vmem>>) dst(%dma_wait3A_67 : memref<10112x128xf32, #tpu.memory_space<vmem_shared>>)
      %dma_wait3A_68 = arith.constant 7 : i32
      %dma_wait3A_69 = arith.constant 0 : i32
      %dma_wait3A_70 = tpu.memref_slice %arg10[%dma_wait3A_68, %dma_wait3A_69] : memref<24x128xi32, #tpu.memory_space<vmem>> -> memref<1x128xi32, #tpu.memory_space<vmem>>
      %dma_wait3A_71 = tpu.memref_squeeze %dma_wait3A_70 : memref<1x128xi32, #tpu.memory_space<vmem>> -> memref<128xi32, #tpu.memory_space<vmem>>
      %dma_wait3A_72 = arith.constant 0 : i32
      %dma_wait3A_73 = arith.constant 0 : i32
      %dma_wait3A_74 = tpu.memref_slice %arg13[%dma_wait3A_72, %dma_wait3A_73] : memref<10112x128xf32, #tpu.memory_space<vmem_shared>> -> memref<10112x128xf32, #tpu.memory_space<vmem_shared>>
      tpu.wait_indirect_dma semaphore(%arg17 : memref<!tpu.dma_semaphore, #tpu.memory_space<semaphore_mem>>) src(%arg12 : memref<128x128xf32, #tpu.memory_space<vmem>>) dst(%dma_wait3A_74 : memref<10112x128xf32, #tpu.memory_space<vmem_shared>>)
    } else {
    }
    %eq3A_31 = arith.constant 0 : i32
    %eq3A_32 = arith.cmpi eq, %arg0, %eq3A_31 : i32
    %convert_element_type3A_33 = arith.extui %eq3A_32 : i1 to i32
    %cond3A_34 = arith.constant 0 : i32
    %cond3A_35 = arith.cmpi ne, %convert_element_type3A_33, %cond3A_34 : i32
    scf.if %cond3A_35 {
      %mul3A_46 = arith.constant 72 : i32
      %mul3A_47 = arith.muli %arg1, %mul3A_46 : i32
      %add3A_48 = arith.constant 0 : i32
      %add3A_49 = arith.addi %mul3A_47, %add3A_48 : i32
      "tpu.region"() ({
        %run_scoped3A = tpu.sem_alloc : memref<!tpu.dma_semaphore, #tpu.memory_space<semaphore_mem>>
        %dma_start3A_137 = arith.constant 0 : i32
        %dma_start3A_138 = arith.constant 0 : i32
        %dma_start3A_139 = tpu.memref_slice %arg9[%dma_start3A_137, %dma_start3A_138] : memref<24x128xi32, #tpu.memory_space<vmem>> -> memref<24x128xi32, #tpu.memory_space<vmem>>
        %dma_start3A_140 = arith.constant 0 : i32
        %dma_start3A_141 = tpu.memref_slice %arg6[%add3A_49, %dma_start3A_140] : memref<1280x128xi32, #tpu.memory_space<hbm>> -> memref<24x128xi32, #tpu.memory_space<hbm>>
        %dma_start3A_142 = arith.constant 0 : i32
        %dma_start3A_143 = arith.constant 0 : i32
        %dma_start3A_144 = tpu.memref_slice %arg9[%dma_start3A_142, %dma_start3A_143] : memref<24x128xi32, #tpu.memory_space<vmem>> -> memref<24x128xi32, #tpu.memory_space<vmem>>
        %dma_start3A_145 = arith.constant 0 : i32
        %dma_start3A_146 = tpu.memref_slice %arg6[%add3A_49, %dma_start3A_145] : memref<1280x128xi32, #tpu.memory_space<hbm>> -> memref<24x128xi32, #tpu.memory_space<hbm>>
        tpu.enqueue_dma source(%dma_start3A_146 : memref<24x128xi32, #tpu.memory_space<hbm>>) target(%dma_start3A_144 : memref<24x128xi32, #tpu.memory_space<vmem>>) target_semaphore(%run_scoped3A : memref<!tpu.dma_semaphore, #tpu.memory_space<semaphore_mem>>)
        %dma_wait3A_147 = arith.constant 0 : i32
        %dma_wait3A_148 = arith.constant 0 : i32
        %dma_wait3A_149 = tpu.memref_slice %arg9[%dma_wait3A_147, %dma_wait3A_148] : memref<24x128xi32, #tpu.memory_space<vmem>> -> memref<24x128xi32, #tpu.memory_space<vmem>>
        %dma_wait3A_150 = arith.constant 0 : i32
        %dma_wait3A_151 = tpu.memref_slice %arg6[%add3A_49, %dma_wait3A_150] : memref<1280x128xi32, #tpu.memory_space<hbm>> -> memref<24x128xi32, #tpu.memory_space<hbm>>
        %dma_wait3A_152 = arith.constant 0 : i32
        %dma_wait3A_153 = arith.constant 0 : i32
        %dma_wait3A_154 = tpu.memref_slice %arg9[%dma_wait3A_152, %dma_wait3A_153] : memref<24x128xi32, #tpu.memory_space<vmem>> -> memref<24x128xi32, #tpu.memory_space<vmem>>
        %dma_wait3A_155 = arith.constant 0 : i32
        %dma_wait3A_156 = tpu.memref_slice %arg6[%add3A_49, %dma_wait3A_155] : memref<1280x128xi32, #tpu.memory_space<hbm>> -> memref<24x128xi32, #tpu.memory_space<hbm>>
        tpu.wait_dma2 semaphore(%run_scoped3A : memref<!tpu.dma_semaphore, #tpu.memory_space<semaphore_mem>>) src(%dma_wait3A_156 : memref<24x128xi32, #tpu.memory_space<hbm>>) dst(%dma_wait3A_154 : memref<24x128xi32, #tpu.memory_space<vmem>>)
        tpu.yield
      }) : () -> ()
      "tpu.region"() ({
        %run_scoped3A = tpu.sem_alloc : memref<!tpu.dma_semaphore, #tpu.memory_space<semaphore_mem>>
        %dma_start3A_137 = arith.constant 0 : i32
        %dma_start3A_138 = arith.constant 0 : i32
        %dma_start3A_139 = tpu.memref_slice %arg10[%dma_start3A_137, %dma_start3A_138] : memref<24x128xi32, #tpu.memory_space<vmem>> -> memref<24x128xi32, #tpu.memory_space<vmem>>
        %dma_start3A_140 = arith.constant 0 : i32
        %dma_start3A_141 = tpu.memref_slice %arg7[%add3A_49, %dma_start3A_140] : memref<1280x128xi32, #tpu.memory_space<hbm>> -> memref<24x128xi32, #tpu.memory_space<hbm>>
        %dma_start3A_142 = arith.constant 0 : i32
        %dma_start3A_143 = arith.constant 0 : i32
        %dma_start3A_144 = tpu.memref_slice %arg10[%dma_start3A_142, %dma_start3A_143] : memref<24x128xi32, #tpu.memory_space<vmem>> -> memref<24x128xi32, #tpu.memory_space<vmem>>
        %dma_start3A_145 = arith.constant 0 : i32
        %dma_start3A_146 = tpu.memref_slice %arg7[%add3A_49, %dma_start3A_145] : memref<1280x128xi32, #tpu.memory_space<hbm>> -> memref<24x128xi32, #tpu.memory_space<hbm>>
        tpu.enqueue_dma source(%dma_start3A_146 : memref<24x128xi32, #tpu.memory_space<hbm>>) target(%dma_start3A_144 : memref<24x128xi32, #tpu.memory_space<vmem>>) target_semaphore(%run_scoped3A : memref<!tpu.dma_semaphore, #tpu.memory_space<semaphore_mem>>)
        %dma_wait3A_147 = arith.constant 0 : i32
        %dma_wait3A_148 = arith.constant 0 : i32
        %dma_wait3A_149 = tpu.memref_slice %arg10[%dma_wait3A_147, %dma_wait3A_148] : memref<24x128xi32, #tpu.memory_space<vmem>> -> memref<24x128xi32, #tpu.memory_space<vmem>>
        %dma_wait3A_150 = arith.constant 0 : i32
        %dma_wait3A_151 = tpu.memref_slice %arg7[%add3A_49, %dma_wait3A_150] : memref<1280x128xi32, #tpu.memory_space<hbm>> -> memref<24x128xi32, #tpu.memory_space<hbm>>
        %dma_wait3A_152 = arith.constant 0 : i32
        %dma_wait3A_153 = arith.constant 0 : i32
        %dma_wait3A_154 = tpu.memref_slice %arg10[%dma_wait3A_152, %dma_wait3A_153] : memref<24x128xi32, #tpu.memory_space<vmem>> -> memref<24x128xi32, #tpu.memory_space<vmem>>
        %dma_wait3A_155 = arith.constant 0 : i32
        %dma_wait3A_156 = tpu.memref_slice %arg7[%add3A_49, %dma_wait3A_155] : memref<1280x128xi32, #tpu.memory_space<hbm>> -> memref<24x128xi32, #tpu.memory_space<hbm>>
        tpu.wait_dma2 semaphore(%run_scoped3A : memref<!tpu.dma_semaphore, #tpu.memory_space<semaphore_mem>>) src(%dma_wait3A_156 : memref<24x128xi32, #tpu.memory_space<hbm>>) dst(%dma_wait3A_154 : memref<24x128xi32, #tpu.memory_space<vmem>>)
        tpu.yield
      }) : () -> ()
      %dma_start3A = arith.constant 0 : i32
      %dma_start3A_50 = arith.constant 0 : i32
      %dma_start3A_51 = tpu.memref_slice %arg9[%dma_start3A, %dma_start3A_50] : memref<24x128xi32, #tpu.memory_space<vmem>> -> memref<1x128xi32, #tpu.memory_space<vmem>>
      %dma_start3A_52 = tpu.memref_squeeze %dma_start3A_51 : memref<1x128xi32, #tpu.memory_space<vmem>> -> memref<128xi32, #tpu.memory_space<vmem>>
      %dma_start3A_53 = arith.constant 0 : i32
      %dma_start3A_54 = arith.constant 0 : i32
      %dma_start3A_55 = tpu.memref_slice %arg3[%dma_start3A_53, %dma_start3A_54] : memref<10000x128xf32, #tpu.memory_space<hbm>> -> memref<10000x128xf32, #tpu.memory_space<hbm>>
      tpu.enqueue_indirect_dma source(%dma_start3A_55 : memref<10000x128xf32, #tpu.memory_space<hbm>>) target(%arg11 : memref<128x128xf32, #tpu.memory_space<vmem>>) offsets(%dma_start3A_52 : memref<128xi32, #tpu.memory_space<vmem>>) semaphore(%arg14 : memref<!tpu.dma_semaphore, #tpu.memory_space<semaphore_mem>>)
      %scan3A_56 = arith.constant 0 : i32
      %scan3A_57 = arith.constant 0 : i32
      %scan3A_58 = arith.constant 12 : i32
      %scan3A_59 = arith.addi %scan3A_57, %scan3A_58 : i32
      %scan3A_60 = arith.constant 1 : i32
      scf.for %scan3A_137 = %scan3A_57 to %scan3A_59 step %scan3A_60  : i32 {
        %mul3A_138 = arith.constant 2 : i32
        %mul3A_139 = arith.muli %scan3A_137, %mul3A_138 : i32
        %add3A_140 = arith.constant 0 : i32
        %add3A_141 = arith.addi %mul3A_139, %add3A_140 : i32
        %dma_wait3A_142 = arith.constant 0 : i32
        %dma_wait3A_143 = tpu.memref_slice %arg9[%add3A_141, %dma_wait3A_142] : memref<24x128xi32, #tpu.memory_space<vmem>> -> memref<1x128xi32, #tpu.memory_space<vmem>>
        %dma_wait3A_144 = tpu.memref_squeeze %dma_wait3A_143 : memref<1x128xi32, #tpu.memory_space<vmem>> -> memref<128xi32, #tpu.memory_space<vmem>>
        %dma_wait3A_145 = arith.constant 0 : i32
        %dma_wait3A_146 = arith.constant 0 : i32
        %dma_wait3A_147 = tpu.memref_slice %arg3[%dma_wait3A_145, %dma_wait3A_146] : memref<10000x128xf32, #tpu.memory_space<hbm>> -> memref<10000x128xf32, #tpu.memory_space<hbm>>
        tpu.wait_indirect_dma semaphore(%arg14 : memref<!tpu.dma_semaphore, #tpu.memory_space<semaphore_mem>>) src(%dma_wait3A_147 : memref<10000x128xf32, #tpu.memory_space<hbm>>) dst(%arg11 : memref<128x128xf32, #tpu.memory_space<vmem>>)
        %dma_start3A_148 = arith.constant 0 : i32
        %dma_start3A_149 = tpu.memref_slice %arg10[%add3A_141, %dma_start3A_148] : memref<24x128xi32, #tpu.memory_space<vmem>> -> memref<1x128xi32, #tpu.memory_space<vmem>>
        %dma_start3A_150 = tpu.memref_squeeze %dma_start3A_149 : memref<1x128xi32, #tpu.memory_space<vmem>> -> memref<128xi32, #tpu.memory_space<vmem>>
        %dma_start3A_151 = arith.constant 0 : i32
        %dma_start3A_152 = arith.constant 0 : i32
        %dma_start3A_153 = tpu.memref_slice %arg13[%dma_start3A_151, %dma_start3A_152] : memref<10112x128xf32, #tpu.memory_space<vmem_shared>> -> memref<10112x128xf32, #tpu.memory_space<vmem_shared>>
        tpu.enqueue_indirect_dma source(%arg11 : memref<128x128xf32, #tpu.memory_space<vmem>>) target(%dma_start3A_153 : memref<10112x128xf32, #tpu.memory_space<vmem_shared>>) offsets(%dma_start3A_150 : memref<128xi32, #tpu.memory_space<vmem>>) semaphore(%arg16 : memref<!tpu.dma_semaphore, #tpu.memory_space<semaphore_mem>>) {add = true}
        %add3A_154 = arith.constant 1 : i32
        %add3A_155 = arith.addi %add3A_141, %add3A_154 : i32
        %lt3A = arith.constant 24 : i32
        %lt3A_156 = arith.cmpi slt, %add3A_155, %lt3A : i32
        %convert_element_type3A_157 = arith.extui %lt3A_156 : i1 to i32
        %cond3A_158 = arith.constant 0 : i32
        %cond3A_159 = arith.cmpi ne, %convert_element_type3A_157, %cond3A_158 : i32
        scf.if %cond3A_159 {
          %ge3A = arith.constant 1 : i32
          %ge3A_183 = arith.cmpi sge, %add3A_141, %ge3A : i32
          %convert_element_type3A_184 = arith.extui %ge3A_183 : i1 to i32
          %cond3A_185 = arith.constant 0 : i32
          %cond3A_186 = arith.cmpi ne, %convert_element_type3A_184, %cond3A_185 : i32
          scf.if %cond3A_186 {
            %sub3A_193 = arith.constant 1 : i32
            %sub3A_194 = arith.subi %add3A_141, %sub3A_193 : i32
            %dma_wait3A_195 = arith.constant 0 : i32
            %dma_wait3A_196 = tpu.memref_slice %arg10[%sub3A_194, %dma_wait3A_195] : memref<24x128xi32, #tpu.memory_space<vmem>> -> memref<1x128xi32, #tpu.memory_space<vmem>>
            %dma_wait3A_197 = tpu.memref_squeeze %dma_wait3A_196 : memref<1x128xi32, #tpu.memory_space<vmem>> -> memref<128xi32, #tpu.memory_space<vmem>>
            %dma_wait3A_198 = arith.constant 0 : i32
            %dma_wait3A_199 = arith.constant 0 : i32
            %dma_wait3A_200 = tpu.memref_slice %arg13[%dma_wait3A_198, %dma_wait3A_199] : memref<10112x128xf32, #tpu.memory_space<vmem_shared>> -> memref<10112x128xf32, #tpu.memory_space<vmem_shared>>
            tpu.wait_indirect_dma semaphore(%arg17 : memref<!tpu.dma_semaphore, #tpu.memory_space<semaphore_mem>>) src(%arg12 : memref<128x128xf32, #tpu.memory_space<vmem>>) dst(%dma_wait3A_200 : memref<10112x128xf32, #tpu.memory_space<vmem_shared>>)
          } else {
          }
          %dma_start3A_187 = arith.constant 0 : i32
          %dma_start3A_188 = tpu.memref_slice %arg9[%add3A_155, %dma_start3A_187] : memref<24x128xi32, #tpu.memory_space<vmem>> -> memref<1x128xi32, #tpu.memory_space<vmem>>
          %dma_start3A_189 = tpu.memref_squeeze %dma_start3A_188 : memref<1x128xi32, #tpu.memory_space<vmem>> -> memref<128xi32, #tpu.memory_space<vmem>>
          %dma_start3A_190 = arith.constant 0 : i32
          %dma_start3A_191 = arith.constant 0 : i32
          %dma_start3A_192 = tpu.memref_slice %arg3[%dma_start3A_190, %dma_start3A_191] : memref<10000x128xf32, #tpu.memory_space<hbm>> -> memref<10000x128xf32, #tpu.memory_space<hbm>>
          tpu.enqueue_indirect_dma source(%dma_start3A_192 : memref<10000x128xf32, #tpu.memory_space<hbm>>) target(%arg12 : memref<128x128xf32, #tpu.memory_space<vmem>>) offsets(%dma_start3A_189 : memref<128xi32, #tpu.memory_space<vmem>>) semaphore(%arg15 : memref<!tpu.dma_semaphore, #tpu.memory_space<semaphore_mem>>)
        } else {
        }
        %mul3A_160 = arith.constant 2 : i32
        %mul3A_161 = arith.muli %scan3A_137, %mul3A_160 : i32
        %add3A_162 = arith.constant 1 : i32
        %add3A_163 = arith.addi %mul3A_161, %add3A_162 : i32
        %dma_wait3A_164 = arith.constant 0 : i32
        %dma_wait3A_165 = tpu.memref_slice %arg9[%add3A_163, %dma_wait3A_164] : memref<24x128xi32, #tpu.memory_space<vmem>> -> memref<1x128xi32, #tpu.memory_space<vmem>>
        %dma_wait3A_166 = tpu.memref_squeeze %dma_wait3A_165 : memref<1x128xi32, #tpu.memory_space<vmem>> -> memref<128xi32, #tpu.memory_space<vmem>>
        %dma_wait3A_167 = arith.constant 0 : i32
        %dma_wait3A_168 = arith.constant 0 : i32
        %dma_wait3A_169 = tpu.memref_slice %arg3[%dma_wait3A_167, %dma_wait3A_168] : memref<10000x128xf32, #tpu.memory_space<hbm>> -> memref<10000x128xf32, #tpu.memory_space<hbm>>
        tpu.wait_indirect_dma semaphore(%arg15 : memref<!tpu.dma_semaphore, #tpu.memory_space<semaphore_mem>>) src(%dma_wait3A_169 : memref<10000x128xf32, #tpu.memory_space<hbm>>) dst(%arg12 : memref<128x128xf32, #tpu.memory_space<vmem>>)
        %dma_start3A_170 = arith.constant 0 : i32
        %dma_start3A_171 = tpu.memref_slice %arg10[%add3A_163, %dma_start3A_170] : memref<24x128xi32, #tpu.memory_space<vmem>> -> memref<1x128xi32, #tpu.memory_space<vmem>>
        %dma_start3A_172 = tpu.memref_squeeze %dma_start3A_171 : memref<1x128xi32, #tpu.memory_space<vmem>> -> memref<128xi32, #tpu.memory_space<vmem>>
        %dma_start3A_173 = arith.constant 0 : i32
        %dma_start3A_174 = arith.constant 0 : i32
        %dma_start3A_175 = tpu.memref_slice %arg13[%dma_start3A_173, %dma_start3A_174] : memref<10112x128xf32, #tpu.memory_space<vmem_shared>> -> memref<10112x128xf32, #tpu.memory_space<vmem_shared>>
        tpu.enqueue_indirect_dma source(%arg12 : memref<128x128xf32, #tpu.memory_space<vmem>>) target(%dma_start3A_175 : memref<10112x128xf32, #tpu.memory_space<vmem_shared>>) offsets(%dma_start3A_172 : memref<128xi32, #tpu.memory_space<vmem>>) semaphore(%arg17 : memref<!tpu.dma_semaphore, #tpu.memory_space<semaphore_mem>>) {add = true}
        %add3A_176 = arith.constant 1 : i32
        %add3A_177 = arith.addi %add3A_163, %add3A_176 : i32
        %lt3A_178 = arith.constant 24 : i32
        %lt3A_179 = arith.cmpi slt, %add3A_177, %lt3A_178 : i32
        %convert_element_type3A_180 = arith.extui %lt3A_179 : i1 to i32
        %cond3A_181 = arith.constant 0 : i32
        %cond3A_182 = arith.cmpi ne, %convert_element_type3A_180, %cond3A_181 : i32
        scf.if %cond3A_182 {
          %ge3A = arith.constant 1 : i32
          %ge3A_183 = arith.cmpi sge, %add3A_163, %ge3A : i32
          %convert_element_type3A_184 = arith.extui %ge3A_183 : i1 to i32
          %cond3A_185 = arith.constant 0 : i32
          %cond3A_186 = arith.cmpi ne, %convert_element_type3A_184, %cond3A_185 : i32
          scf.if %cond3A_186 {
            %sub3A_193 = arith.constant 1 : i32
            %sub3A_194 = arith.subi %add3A_163, %sub3A_193 : i32
            %dma_wait3A_195 = arith.constant 0 : i32
            %dma_wait3A_196 = tpu.memref_slice %arg10[%sub3A_194, %dma_wait3A_195] : memref<24x128xi32, #tpu.memory_space<vmem>> -> memref<1x128xi32, #tpu.memory_space<vmem>>
            %dma_wait3A_197 = tpu.memref_squeeze %dma_wait3A_196 : memref<1x128xi32, #tpu.memory_space<vmem>> -> memref<128xi32, #tpu.memory_space<vmem>>
            %dma_wait3A_198 = arith.constant 0 : i32
            %dma_wait3A_199 = arith.constant 0 : i32
            %dma_wait3A_200 = tpu.memref_slice %arg13[%dma_wait3A_198, %dma_wait3A_199] : memref<10112x128xf32, #tpu.memory_space<vmem_shared>> -> memref<10112x128xf32, #tpu.memory_space<vmem_shared>>
            tpu.wait_indirect_dma semaphore(%arg16 : memref<!tpu.dma_semaphore, #tpu.memory_space<semaphore_mem>>) src(%arg11 : memref<128x128xf32, #tpu.memory_space<vmem>>) dst(%dma_wait3A_200 : memref<10112x128xf32, #tpu.memory_space<vmem_shared>>)
          } else {
          }
          %dma_start3A_187 = arith.constant 0 : i32
          %dma_start3A_188 = tpu.memref_slice %arg9[%add3A_177, %dma_start3A_187] : memref<24x128xi32, #tpu.memory_space<vmem>> -> memref<1x128xi32, #tpu.memory_space<vmem>>
          %dma_start3A_189 = tpu.memref_squeeze %dma_start3A_188 : memref<1x128xi32, #tpu.memory_space<vmem>> -> memref<128xi32, #tpu.memory_space<vmem>>
          %dma_start3A_190 = arith.constant 0 : i32
          %dma_start3A_191 = arith.constant 0 : i32
          %dma_start3A_192 = tpu.memref_slice %arg3[%dma_start3A_190, %dma_start3A_191] : memref<10000x128xf32, #tpu.memory_space<hbm>> -> memref<10000x128xf32, #tpu.memory_space<hbm>>
          tpu.enqueue_indirect_dma source(%dma_start3A_192 : memref<10000x128xf32, #tpu.memory_space<hbm>>) target(%arg11 : memref<128x128xf32, #tpu.memory_space<vmem>>) offsets(%dma_start3A_189 : memref<128xi32, #tpu.memory_space<vmem>>) semaphore(%arg14 : memref<!tpu.dma_semaphore, #tpu.memory_space<semaphore_mem>>)
        } else {
        }
      }
      %scan3A_61 = arith.constant 12 : i32
      %dma_wait3A = arith.constant 22 : i32
      %dma_wait3A_62 = arith.constant 0 : i32
      %dma_wait3A_63 = tpu.memref_slice %arg10[%dma_wait3A, %dma_wait3A_62] : memref<24x128xi32, #tpu.memory_space<vmem>> -> memref<1x128xi32, #tpu.memory_space<vmem>>
      %dma_wait3A_64 = tpu.memref_squeeze %dma_wait3A_63 : memref<1x128xi32, #tpu.memory_space<vmem>> -> memref<128xi32, #tpu.memory_space<vmem>>
      %dma_wait3A_65 = arith.constant 0 : i32
      %dma_wait3A_66 = arith.constant 0 : i32
      %dma_wait3A_67 = tpu.memref_slice %arg13[%dma_wait3A_65, %dma_wait3A_66] : memref<10112x128xf32, #tpu.memory_space<vmem_shared>> -> memref<10112x128xf32, #tpu.memory_space<vmem_shared>>
      tpu.wait_indirect_dma semaphore(%arg16 : memref<!tpu.dma_semaphore, #tpu.memory_space<semaphore_mem>>) src(%arg11 : memref<128x128xf32, #tpu.memory_space<vmem>>) dst(%dma_wait3A_67 : memref<10112x128xf32, #tpu.memory_space<vmem_shared>>)
      %dma_wait3A_68 = arith.constant 23 : i32
      %dma_wait3A_69 = arith.constant 0 : i32
      %dma_wait3A_70 = tpu.memref_slice %arg10[%dma_wait3A_68, %dma_wait3A_69] : memref<24x128xi32, #tpu.memory_space<vmem>> -> memref<1x128xi32, #tpu.memory_space<vmem>>
      %dma_wait3A_71 = tpu.memref_squeeze %dma_wait3A_70 : memref<1x128xi32, #tpu.memory_space<vmem>> -> memref<128xi32, #tpu.memory_space<vmem>>
      %dma_wait3A_72 = arith.constant 0 : i32
      %dma_wait3A_73 = arith.constant 0 : i32
      %dma_wait3A_74 = tpu.memref_slice %arg13[%dma_wait3A_72, %dma_wait3A_73] : memref<10112x128xf32, #tpu.memory_space<vmem_shared>> -> memref<10112x128xf32, #tpu.memory_space<vmem_shared>>
      tpu.wait_indirect_dma semaphore(%arg17 : memref<!tpu.dma_semaphore, #tpu.memory_space<semaphore_mem>>) src(%arg12 : memref<128x128xf32, #tpu.memory_space<vmem>>) dst(%dma_wait3A_74 : memref<10112x128xf32, #tpu.memory_space<vmem_shared>>)
      %mul3A_75 = arith.constant 72 : i32
      %mul3A_76 = arith.muli %arg1, %mul3A_75 : i32
      %add3A_77 = arith.constant 24 : i32
      %add3A_78 = arith.addi %mul3A_76, %add3A_77 : i32
      "tpu.region"() ({
        %run_scoped3A = tpu.sem_alloc : memref<!tpu.dma_semaphore, #tpu.memory_space<semaphore_mem>>
        %dma_start3A_137 = arith.constant 0 : i32
        %dma_start3A_138 = arith.constant 0 : i32
        %dma_start3A_139 = tpu.memref_slice %arg9[%dma_start3A_137, %dma_start3A_138] : memref<24x128xi32, #tpu.memory_space<vmem>> -> memref<24x128xi32, #tpu.memory_space<vmem>>
        %dma_start3A_140 = arith.constant 0 : i32
        %dma_start3A_141 = tpu.memref_slice %arg6[%add3A_78, %dma_start3A_140] : memref<1280x128xi32, #tpu.memory_space<hbm>> -> memref<24x128xi32, #tpu.memory_space<hbm>>
        %dma_start3A_142 = arith.constant 0 : i32
        %dma_start3A_143 = arith.constant 0 : i32
        %dma_start3A_144 = tpu.memref_slice %arg9[%dma_start3A_142, %dma_start3A_143] : memref<24x128xi32, #tpu.memory_space<vmem>> -> memref<24x128xi32, #tpu.memory_space<vmem>>
        %dma_start3A_145 = arith.constant 0 : i32
        %dma_start3A_146 = tpu.memref_slice %arg6[%add3A_78, %dma_start3A_145] : memref<1280x128xi32, #tpu.memory_space<hbm>> -> memref<24x128xi32, #tpu.memory_space<hbm>>
        tpu.enqueue_dma source(%dma_start3A_146 : memref<24x128xi32, #tpu.memory_space<hbm>>) target(%dma_start3A_144 : memref<24x128xi32, #tpu.memory_space<vmem>>) target_semaphore(%run_scoped3A : memref<!tpu.dma_semaphore, #tpu.memory_space<semaphore_mem>>)
        %dma_wait3A_147 = arith.constant 0 : i32
        %dma_wait3A_148 = arith.constant 0 : i32
        %dma_wait3A_149 = tpu.memref_slice %arg9[%dma_wait3A_147, %dma_wait3A_148] : memref<24x128xi32, #tpu.memory_space<vmem>> -> memref<24x128xi32, #tpu.memory_space<vmem>>
        %dma_wait3A_150 = arith.constant 0 : i32
        %dma_wait3A_151 = tpu.memref_slice %arg6[%add3A_78, %dma_wait3A_150] : memref<1280x128xi32, #tpu.memory_space<hbm>> -> memref<24x128xi32, #tpu.memory_space<hbm>>
        %dma_wait3A_152 = arith.constant 0 : i32
        %dma_wait3A_153 = arith.constant 0 : i32
        %dma_wait3A_154 = tpu.memref_slice %arg9[%dma_wait3A_152, %dma_wait3A_153] : memref<24x128xi32, #tpu.memory_space<vmem>> -> memref<24x128xi32, #tpu.memory_space<vmem>>
        %dma_wait3A_155 = arith.constant 0 : i32
        %dma_wait3A_156 = tpu.memref_slice %arg6[%add3A_78, %dma_wait3A_155] : memref<1280x128xi32, #tpu.memory_space<hbm>> -> memref<24x128xi32, #tpu.memory_space<hbm>>
        tpu.wait_dma2 semaphore(%run_scoped3A : memref<!tpu.dma_semaphore, #tpu.memory_space<semaphore_mem>>) src(%dma_wait3A_156 : memref<24x128xi32, #tpu.memory_space<hbm>>) dst(%dma_wait3A_154 : memref<24x128xi32, #tpu.memory_space<vmem>>)
        tpu.yield
      }) : () -> ()
      "tpu.region"() ({
        %run_scoped3A = tpu.sem_alloc : memref<!tpu.dma_semaphore, #tpu.memory_space<semaphore_mem>>
        %dma_start3A_137 = arith.constant 0 : i32
        %dma_start3A_138 = arith.constant 0 : i32
        %dma_start3A_139 = tpu.memref_slice %arg10[%dma_start3A_137, %dma_start3A_138] : memref<24x128xi32, #tpu.memory_space<vmem>> -> memref<24x128xi32, #tpu.memory_space<vmem>>
        %dma_start3A_140 = arith.constant 0 : i32
        %dma_start3A_141 = tpu.memref_slice %arg7[%add3A_78, %dma_start3A_140] : memref<1280x128xi32, #tpu.memory_space<hbm>> -> memref<24x128xi32, #tpu.memory_space<hbm>>
        %dma_start3A_142 = arith.constant 0 : i32
        %dma_start3A_143 = arith.constant 0 : i32
        %dma_start3A_144 = tpu.memref_slice %arg10[%dma_start3A_142, %dma_start3A_143] : memref<24x128xi32, #tpu.memory_space<vmem>> -> memref<24x128xi32, #tpu.memory_space<vmem>>
        %dma_start3A_145 = arith.constant 0 : i32
        %dma_start3A_146 = tpu.memref_slice %arg7[%add3A_78, %dma_start3A_145] : memref<1280x128xi32, #tpu.memory_space<hbm>> -> memref<24x128xi32, #tpu.memory_space<hbm>>
        tpu.enqueue_dma source(%dma_start3A_146 : memref<24x128xi32, #tpu.memory_space<hbm>>) target(%dma_start3A_144 : memref<24x128xi32, #tpu.memory_space<vmem>>) target_semaphore(%run_scoped3A : memref<!tpu.dma_semaphore, #tpu.memory_space<semaphore_mem>>)
        %dma_wait3A_147 = arith.constant 0 : i32
        %dma_wait3A_148 = arith.constant 0 : i32
        %dma_wait3A_149 = tpu.memref_slice %arg10[%dma_wait3A_147, %dma_wait3A_148] : memref<24x128xi32, #tpu.memory_space<vmem>> -> memref<24x128xi32, #tpu.memory_space<vmem>>
        %dma_wait3A_150 = arith.constant 0 : i32
        %dma_wait3A_151 = tpu.memref_slice %arg7[%add3A_78, %dma_wait3A_150] : memref<1280x128xi32, #tpu.memory_space<hbm>> -> memref<24x128xi32, #tpu.memory_space<hbm>>
        %dma_wait3A_152 = arith.constant 0 : i32
        %dma_wait3A_153 = arith.constant 0 : i32
        %dma_wait3A_154 = tpu.memref_slice %arg10[%dma_wait3A_152, %dma_wait3A_153] : memref<24x128xi32, #tpu.memory_space<vmem>> -> memref<24x128xi32, #tpu.memory_space<vmem>>
        %dma_wait3A_155 = arith.constant 0 : i32
        %dma_wait3A_156 = tpu.memref_slice %arg7[%add3A_78, %dma_wait3A_155] : memref<1280x128xi32, #tpu.memory_space<hbm>> -> memref<24x128xi32, #tpu.memory_space<hbm>>
        tpu.wait_dma2 semaphore(%run_scoped3A : memref<!tpu.dma_semaphore, #tpu.memory_space<semaphore_mem>>) src(%dma_wait3A_156 : memref<24x128xi32, #tpu.memory_space<hbm>>) dst(%dma_wait3A_154 : memref<24x128xi32, #tpu.memory_space<vmem>>)
        tpu.yield
      }) : () -> ()
      %dma_start3A_79 = arith.constant 0 : i32
      %dma_start3A_80 = arith.constant 0 : i32
      %dma_start3A_81 = tpu.memref_slice %arg9[%dma_start3A_79, %dma_start3A_80] : memref<24x128xi32, #tpu.memory_space<vmem>> -> memref<1x128xi32, #tpu.memory_space<vmem>>
      %dma_start3A_82 = tpu.memref_squeeze %dma_start3A_81 : memref<1x128xi32, #tpu.memory_space<vmem>> -> memref<128xi32, #tpu.memory_space<vmem>>
      %dma_start3A_83 = arith.constant 0 : i32
      %dma_start3A_84 = arith.constant 0 : i32
      %dma_start3A_85 = tpu.memref_slice %arg3[%dma_start3A_83, %dma_start3A_84] : memref<10000x128xf32, #tpu.memory_space<hbm>> -> memref<10000x128xf32, #tpu.memory_space<hbm>>
      tpu.enqueue_indirect_dma source(%dma_start3A_85 : memref<10000x128xf32, #tpu.memory_space<hbm>>) target(%arg11 : memref<128x128xf32, #tpu.memory_space<vmem>>) offsets(%dma_start3A_82 : memref<128xi32, #tpu.memory_space<vmem>>) semaphore(%arg14 : memref<!tpu.dma_semaphore, #tpu.memory_space<semaphore_mem>>)
      %scan3A_86 = arith.constant 0 : i32
      %scan3A_87 = arith.constant 0 : i32
      %scan3A_88 = arith.constant 12 : i32
      %scan3A_89 = arith.addi %scan3A_87, %scan3A_88 : i32
      %scan3A_90 = arith.constant 1 : i32
      scf.for %scan3A_137 = %scan3A_87 to %scan3A_89 step %scan3A_90  : i32 {
        %mul3A_138 = arith.constant 2 : i32
        %mul3A_139 = arith.muli %scan3A_137, %mul3A_138 : i32
        %add3A_140 = arith.constant 0 : i32
        %add3A_141 = arith.addi %mul3A_139, %add3A_140 : i32
        %dma_wait3A_142 = arith.constant 0 : i32
        %dma_wait3A_143 = tpu.memref_slice %arg9[%add3A_141, %dma_wait3A_142] : memref<24x128xi32, #tpu.memory_space<vmem>> -> memref<1x128xi32, #tpu.memory_space<vmem>>
        %dma_wait3A_144 = tpu.memref_squeeze %dma_wait3A_143 : memref<1x128xi32, #tpu.memory_space<vmem>> -> memref<128xi32, #tpu.memory_space<vmem>>
        %dma_wait3A_145 = arith.constant 0 : i32
        %dma_wait3A_146 = arith.constant 0 : i32
        %dma_wait3A_147 = tpu.memref_slice %arg3[%dma_wait3A_145, %dma_wait3A_146] : memref<10000x128xf32, #tpu.memory_space<hbm>> -> memref<10000x128xf32, #tpu.memory_space<hbm>>
        tpu.wait_indirect_dma semaphore(%arg14 : memref<!tpu.dma_semaphore, #tpu.memory_space<semaphore_mem>>) src(%dma_wait3A_147 : memref<10000x128xf32, #tpu.memory_space<hbm>>) dst(%arg11 : memref<128x128xf32, #tpu.memory_space<vmem>>)
        %dma_start3A_148 = arith.constant 0 : i32
        %dma_start3A_149 = tpu.memref_slice %arg10[%add3A_141, %dma_start3A_148] : memref<24x128xi32, #tpu.memory_space<vmem>> -> memref<1x128xi32, #tpu.memory_space<vmem>>
        %dma_start3A_150 = tpu.memref_squeeze %dma_start3A_149 : memref<1x128xi32, #tpu.memory_space<vmem>> -> memref<128xi32, #tpu.memory_space<vmem>>
        %dma_start3A_151 = arith.constant 0 : i32
        %dma_start3A_152 = arith.constant 0 : i32
        %dma_start3A_153 = tpu.memref_slice %arg13[%dma_start3A_151, %dma_start3A_152] : memref<10112x128xf32, #tpu.memory_space<vmem_shared>> -> memref<10112x128xf32, #tpu.memory_space<vmem_shared>>
        tpu.enqueue_indirect_dma source(%arg11 : memref<128x128xf32, #tpu.memory_space<vmem>>) target(%dma_start3A_153 : memref<10112x128xf32, #tpu.memory_space<vmem_shared>>) offsets(%dma_start3A_150 : memref<128xi32, #tpu.memory_space<vmem>>) semaphore(%arg16 : memref<!tpu.dma_semaphore, #tpu.memory_space<semaphore_mem>>) {add = true}
        %add3A_154 = arith.constant 1 : i32
        %add3A_155 = arith.addi %add3A_141, %add3A_154 : i32
        %lt3A = arith.constant 24 : i32
        %lt3A_156 = arith.cmpi slt, %add3A_155, %lt3A : i32
        %convert_element_type3A_157 = arith.extui %lt3A_156 : i1 to i32
        %cond3A_158 = arith.constant 0 : i32
        %cond3A_159 = arith.cmpi ne, %convert_element_type3A_157, %cond3A_158 : i32
        scf.if %cond3A_159 {
          %ge3A = arith.constant 1 : i32
          %ge3A_183 = arith.cmpi sge, %add3A_141, %ge3A : i32
          %convert_element_type3A_184 = arith.extui %ge3A_183 : i1 to i32
          %cond3A_185 = arith.constant 0 : i32
          %cond3A_186 = arith.cmpi ne, %convert_element_type3A_184, %cond3A_185 : i32
          scf.if %cond3A_186 {
            %sub3A_193 = arith.constant 1 : i32
            %sub3A_194 = arith.subi %add3A_141, %sub3A_193 : i32
            %dma_wait3A_195 = arith.constant 0 : i32
            %dma_wait3A_196 = tpu.memref_slice %arg10[%sub3A_194, %dma_wait3A_195] : memref<24x128xi32, #tpu.memory_space<vmem>> -> memref<1x128xi32, #tpu.memory_space<vmem>>
            %dma_wait3A_197 = tpu.memref_squeeze %dma_wait3A_196 : memref<1x128xi32, #tpu.memory_space<vmem>> -> memref<128xi32, #tpu.memory_space<vmem>>
            %dma_wait3A_198 = arith.constant 0 : i32
            %dma_wait3A_199 = arith.constant 0 : i32
            %dma_wait3A_200 = tpu.memref_slice %arg13[%dma_wait3A_198, %dma_wait3A_199] : memref<10112x128xf32, #tpu.memory_space<vmem_shared>> -> memref<10112x128xf32, #tpu.memory_space<vmem_shared>>
            tpu.wait_indirect_dma semaphore(%arg17 : memref<!tpu.dma_semaphore, #tpu.memory_space<semaphore_mem>>) src(%arg12 : memref<128x128xf32, #tpu.memory_space<vmem>>) dst(%dma_wait3A_200 : memref<10112x128xf32, #tpu.memory_space<vmem_shared>>)
          } else {
          }
          %dma_start3A_187 = arith.constant 0 : i32
          %dma_start3A_188 = tpu.memref_slice %arg9[%add3A_155, %dma_start3A_187] : memref<24x128xi32, #tpu.memory_space<vmem>> -> memref<1x128xi32, #tpu.memory_space<vmem>>
          %dma_start3A_189 = tpu.memref_squeeze %dma_start3A_188 : memref<1x128xi32, #tpu.memory_space<vmem>> -> memref<128xi32, #tpu.memory_space<vmem>>
          %dma_start3A_190 = arith.constant 0 : i32
          %dma_start3A_191 = arith.constant 0 : i32
          %dma_start3A_192 = tpu.memref_slice %arg3[%dma_start3A_190, %dma_start3A_191] : memref<10000x128xf32, #tpu.memory_space<hbm>> -> memref<10000x128xf32, #tpu.memory_space<hbm>>
          tpu.enqueue_indirect_dma source(%dma_start3A_192 : memref<10000x128xf32, #tpu.memory_space<hbm>>) target(%arg12 : memref<128x128xf32, #tpu.memory_space<vmem>>) offsets(%dma_start3A_189 : memref<128xi32, #tpu.memory_space<vmem>>) semaphore(%arg15 : memref<!tpu.dma_semaphore, #tpu.memory_space<semaphore_mem>>)
        } else {
        }
        %mul3A_160 = arith.constant 2 : i32
        %mul3A_161 = arith.muli %scan3A_137, %mul3A_160 : i32
        %add3A_162 = arith.constant 1 : i32
        %add3A_163 = arith.addi %mul3A_161, %add3A_162 : i32
        %dma_wait3A_164 = arith.constant 0 : i32
        %dma_wait3A_165 = tpu.memref_slice %arg9[%add3A_163, %dma_wait3A_164] : memref<24x128xi32, #tpu.memory_space<vmem>> -> memref<1x128xi32, #tpu.memory_space<vmem>>
        %dma_wait3A_166 = tpu.memref_squeeze %dma_wait3A_165 : memref<1x128xi32, #tpu.memory_space<vmem>> -> memref<128xi32, #tpu.memory_space<vmem>>
        %dma_wait3A_167 = arith.constant 0 : i32
        %dma_wait3A_168 = arith.constant 0 : i32
        %dma_wait3A_169 = tpu.memref_slice %arg3[%dma_wait3A_167, %dma_wait3A_168] : memref<10000x128xf32, #tpu.memory_space<hbm>> -> memref<10000x128xf32, #tpu.memory_space<hbm>>
        tpu.wait_indirect_dma semaphore(%arg15 : memref<!tpu.dma_semaphore, #tpu.memory_space<semaphore_mem>>) src(%dma_wait3A_169 : memref<10000x128xf32, #tpu.memory_space<hbm>>) dst(%arg12 : memref<128x128xf32, #tpu.memory_space<vmem>>)
        %dma_start3A_170 = arith.constant 0 : i32
        %dma_start3A_171 = tpu.memref_slice %arg10[%add3A_163, %dma_start3A_170] : memref<24x128xi32, #tpu.memory_space<vmem>> -> memref<1x128xi32, #tpu.memory_space<vmem>>
        %dma_start3A_172 = tpu.memref_squeeze %dma_start3A_171 : memref<1x128xi32, #tpu.memory_space<vmem>> -> memref<128xi32, #tpu.memory_space<vmem>>
        %dma_start3A_173 = arith.constant 0 : i32
        %dma_start3A_174 = arith.constant 0 : i32
        %dma_start3A_175 = tpu.memref_slice %arg13[%dma_start3A_173, %dma_start3A_174] : memref<10112x128xf32, #tpu.memory_space<vmem_shared>> -> memref<10112x128xf32, #tpu.memory_space<vmem_shared>>
        tpu.enqueue_indirect_dma source(%arg12 : memref<128x128xf32, #tpu.memory_space<vmem>>) target(%dma_start3A_175 : memref<10112x128xf32, #tpu.memory_space<vmem_shared>>) offsets(%dma_start3A_172 : memref<128xi32, #tpu.memory_space<vmem>>) semaphore(%arg17 : memref<!tpu.dma_semaphore, #tpu.memory_space<semaphore_mem>>) {add = true}
        %add3A_176 = arith.constant 1 : i32
        %add3A_177 = arith.addi %add3A_163, %add3A_176 : i32
        %lt3A_178 = arith.constant 24 : i32
        %lt3A_179 = arith.cmpi slt, %add3A_177, %lt3A_178 : i32
        %convert_element_type3A_180 = arith.extui %lt3A_179 : i1 to i32
        %cond3A_181 = arith.constant 0 : i32
        %cond3A_182 = arith.cmpi ne, %convert_element_type3A_180, %cond3A_181 : i32
        scf.if %cond3A_182 {
          %ge3A = arith.constant 1 : i32
          %ge3A_183 = arith.cmpi sge, %add3A_163, %ge3A : i32
          %convert_element_type3A_184 = arith.extui %ge3A_183 : i1 to i32
          %cond3A_185 = arith.constant 0 : i32
          %cond3A_186 = arith.cmpi ne, %convert_element_type3A_184, %cond3A_185 : i32
          scf.if %cond3A_186 {
            %sub3A_193 = arith.constant 1 : i32
            %sub3A_194 = arith.subi %add3A_163, %sub3A_193 : i32
            %dma_wait3A_195 = arith.constant 0 : i32
            %dma_wait3A_196 = tpu.memref_slice %arg10[%sub3A_194, %dma_wait3A_195] : memref<24x128xi32, #tpu.memory_space<vmem>> -> memref<1x128xi32, #tpu.memory_space<vmem>>
            %dma_wait3A_197 = tpu.memref_squeeze %dma_wait3A_196 : memref<1x128xi32, #tpu.memory_space<vmem>> -> memref<128xi32, #tpu.memory_space<vmem>>
            %dma_wait3A_198 = arith.constant 0 : i32
            %dma_wait3A_199 = arith.constant 0 : i32
            %dma_wait3A_200 = tpu.memref_slice %arg13[%dma_wait3A_198, %dma_wait3A_199] : memref<10112x128xf32, #tpu.memory_space<vmem_shared>> -> memref<10112x128xf32, #tpu.memory_space<vmem_shared>>
            tpu.wait_indirect_dma semaphore(%arg16 : memref<!tpu.dma_semaphore, #tpu.memory_space<semaphore_mem>>) src(%arg11 : memref<128x128xf32, #tpu.memory_space<vmem>>) dst(%dma_wait3A_200 : memref<10112x128xf32, #tpu.memory_space<vmem_shared>>)
          } else {
          }
          %dma_start3A_187 = arith.constant 0 : i32
          %dma_start3A_188 = tpu.memref_slice %arg9[%add3A_177, %dma_start3A_187] : memref<24x128xi32, #tpu.memory_space<vmem>> -> memref<1x128xi32, #tpu.memory_space<vmem>>
          %dma_start3A_189 = tpu.memref_squeeze %dma_start3A_188 : memref<1x128xi32, #tpu.memory_space<vmem>> -> memref<128xi32, #tpu.memory_space<vmem>>
          %dma_start3A_190 = arith.constant 0 : i32
          %dma_start3A_191 = arith.constant 0 : i32
          %dma_start3A_192 = tpu.memref_slice %arg3[%dma_start3A_190, %dma_start3A_191] : memref<10000x128xf32, #tpu.memory_space<hbm>> -> memref<10000x128xf32, #tpu.memory_space<hbm>>
          tpu.enqueue_indirect_dma source(%dma_start3A_192 : memref<10000x128xf32, #tpu.memory_space<hbm>>) target(%arg11 : memref<128x128xf32, #tpu.memory_space<vmem>>) offsets(%dma_start3A_189 : memref<128xi32, #tpu.memory_space<vmem>>) semaphore(%arg14 : memref<!tpu.dma_semaphore, #tpu.memory_space<semaphore_mem>>)
        } else {
        }
      }
      %scan3A_91 = arith.constant 12 : i32
      %dma_wait3A_92 = arith.constant 22 : i32
      %dma_wait3A_93 = arith.constant 0 : i32
      %dma_wait3A_94 = tpu.memref_slice %arg10[%dma_wait3A_92, %dma_wait3A_93] : memref<24x128xi32, #tpu.memory_space<vmem>> -> memref<1x128xi32, #tpu.memory_space<vmem>>
      %dma_wait3A_95 = tpu.memref_squeeze %dma_wait3A_94 : memref<1x128xi32, #tpu.memory_space<vmem>> -> memref<128xi32, #tpu.memory_space<vmem>>
      %dma_wait3A_96 = arith.constant 0 : i32
      %dma_wait3A_97 = arith.constant 0 : i32
      %dma_wait3A_98 = tpu.memref_slice %arg13[%dma_wait3A_96, %dma_wait3A_97] : memref<10112x128xf32, #tpu.memory_space<vmem_shared>> -> memref<10112x128xf32, #tpu.memory_space<vmem_shared>>
      tpu.wait_indirect_dma semaphore(%arg16 : memref<!tpu.dma_semaphore, #tpu.memory_space<semaphore_mem>>) src(%arg11 : memref<128x128xf32, #tpu.memory_space<vmem>>) dst(%dma_wait3A_98 : memref<10112x128xf32, #tpu.memory_space<vmem_shared>>)
      %dma_wait3A_99 = arith.constant 23 : i32
      %dma_wait3A_100 = arith.constant 0 : i32
      %dma_wait3A_101 = tpu.memref_slice %arg10[%dma_wait3A_99, %dma_wait3A_100] : memref<24x128xi32, #tpu.memory_space<vmem>> -> memref<1x128xi32, #tpu.memory_space<vmem>>
      %dma_wait3A_102 = tpu.memref_squeeze %dma_wait3A_101 : memref<1x128xi32, #tpu.memory_space<vmem>> -> memref<128xi32, #tpu.memory_space<vmem>>
      %dma_wait3A_103 = arith.constant 0 : i32
      %dma_wait3A_104 = arith.constant 0 : i32
      %dma_wait3A_105 = tpu.memref_slice %arg13[%dma_wait3A_103, %dma_wait3A_104] : memref<10112x128xf32, #tpu.memory_space<vmem_shared>> -> memref<10112x128xf32, #tpu.memory_space<vmem_shared>>
      tpu.wait_indirect_dma semaphore(%arg17 : memref<!tpu.dma_semaphore, #tpu.memory_space<semaphore_mem>>) src(%arg12 : memref<128x128xf32, #tpu.memory_space<vmem>>) dst(%dma_wait3A_105 : memref<10112x128xf32, #tpu.memory_space<vmem_shared>>)
      %mul3A_106 = arith.constant 72 : i32
      %mul3A_107 = arith.muli %arg1, %mul3A_106 : i32
      %add3A_108 = arith.constant 48 : i32
      %add3A_109 = arith.addi %mul3A_107, %add3A_108 : i32
      "tpu.region"() ({
        %run_scoped3A = tpu.sem_alloc : memref<!tpu.dma_semaphore, #tpu.memory_space<semaphore_mem>>
        %dma_start3A_137 = arith.constant 0 : i32
        %dma_start3A_138 = arith.constant 0 : i32
        %dma_start3A_139 = tpu.memref_slice %arg9[%dma_start3A_137, %dma_start3A_138] : memref<24x128xi32, #tpu.memory_space<vmem>> -> memref<24x128xi32, #tpu.memory_space<vmem>>
        %dma_start3A_140 = arith.constant 0 : i32
        %dma_start3A_141 = tpu.memref_slice %arg6[%add3A_109, %dma_start3A_140] : memref<1280x128xi32, #tpu.memory_space<hbm>> -> memref<24x128xi32, #tpu.memory_space<hbm>>
        %dma_start3A_142 = arith.constant 0 : i32
        %dma_start3A_143 = arith.constant 0 : i32
        %dma_start3A_144 = tpu.memref_slice %arg9[%dma_start3A_142, %dma_start3A_143] : memref<24x128xi32, #tpu.memory_space<vmem>> -> memref<24x128xi32, #tpu.memory_space<vmem>>
        %dma_start3A_145 = arith.constant 0 : i32
        %dma_start3A_146 = tpu.memref_slice %arg6[%add3A_109, %dma_start3A_145] : memref<1280x128xi32, #tpu.memory_space<hbm>> -> memref<24x128xi32, #tpu.memory_space<hbm>>
        tpu.enqueue_dma source(%dma_start3A_146 : memref<24x128xi32, #tpu.memory_space<hbm>>) target(%dma_start3A_144 : memref<24x128xi32, #tpu.memory_space<vmem>>) target_semaphore(%run_scoped3A : memref<!tpu.dma_semaphore, #tpu.memory_space<semaphore_mem>>)
        %dma_wait3A_147 = arith.constant 0 : i32
        %dma_wait3A_148 = arith.constant 0 : i32
        %dma_wait3A_149 = tpu.memref_slice %arg9[%dma_wait3A_147, %dma_wait3A_148] : memref<24x128xi32, #tpu.memory_space<vmem>> -> memref<24x128xi32, #tpu.memory_space<vmem>>
        %dma_wait3A_150 = arith.constant 0 : i32
        %dma_wait3A_151 = tpu.memref_slice %arg6[%add3A_109, %dma_wait3A_150] : memref<1280x128xi32, #tpu.memory_space<hbm>> -> memref<24x128xi32, #tpu.memory_space<hbm>>
        %dma_wait3A_152 = arith.constant 0 : i32
        %dma_wait3A_153 = arith.constant 0 : i32
        %dma_wait3A_154 = tpu.memref_slice %arg9[%dma_wait3A_152, %dma_wait3A_153] : memref<24x128xi32, #tpu.memory_space<vmem>> -> memref<24x128xi32, #tpu.memory_space<vmem>>
        %dma_wait3A_155 = arith.constant 0 : i32
        %dma_wait3A_156 = tpu.memref_slice %arg6[%add3A_109, %dma_wait3A_155] : memref<1280x128xi32, #tpu.memory_space<hbm>> -> memref<24x128xi32, #tpu.memory_space<hbm>>
        tpu.wait_dma2 semaphore(%run_scoped3A : memref<!tpu.dma_semaphore, #tpu.memory_space<semaphore_mem>>) src(%dma_wait3A_156 : memref<24x128xi32, #tpu.memory_space<hbm>>) dst(%dma_wait3A_154 : memref<24x128xi32, #tpu.memory_space<vmem>>)
        tpu.yield
      }) : () -> ()
      "tpu.region"() ({
        %run_scoped3A = tpu.sem_alloc : memref<!tpu.dma_semaphore, #tpu.memory_space<semaphore_mem>>
        %dma_start3A_137 = arith.constant 0 : i32
        %dma_start3A_138 = arith.constant 0 : i32
        %dma_start3A_139 = tpu.memref_slice %arg10[%dma_start3A_137, %dma_start3A_138] : memref<24x128xi32, #tpu.memory_space<vmem>> -> memref<24x128xi32, #tpu.memory_space<vmem>>
        %dma_start3A_140 = arith.constant 0 : i32
        %dma_start3A_141 = tpu.memref_slice %arg7[%add3A_109, %dma_start3A_140] : memref<1280x128xi32, #tpu.memory_space<hbm>> -> memref<24x128xi32, #tpu.memory_space<hbm>>
        %dma_start3A_142 = arith.constant 0 : i32
        %dma_start3A_143 = arith.constant 0 : i32
        %dma_start3A_144 = tpu.memref_slice %arg10[%dma_start3A_142, %dma_start3A_143] : memref<24x128xi32, #tpu.memory_space<vmem>> -> memref<24x128xi32, #tpu.memory_space<vmem>>
        %dma_start3A_145 = arith.constant 0 : i32
        %dma_start3A_146 = tpu.memref_slice %arg7[%add3A_109, %dma_start3A_145] : memref<1280x128xi32, #tpu.memory_space<hbm>> -> memref<24x128xi32, #tpu.memory_space<hbm>>
        tpu.enqueue_dma source(%dma_start3A_146 : memref<24x128xi32, #tpu.memory_space<hbm>>) target(%dma_start3A_144 : memref<24x128xi32, #tpu.memory_space<vmem>>) target_semaphore(%run_scoped3A : memref<!tpu.dma_semaphore, #tpu.memory_space<semaphore_mem>>)
        %dma_wait3A_147 = arith.constant 0 : i32
        %dma_wait3A_148 = arith.constant 0 : i32
        %dma_wait3A_149 = tpu.memref_slice %arg10[%dma_wait3A_147, %dma_wait3A_148] : memref<24x128xi32, #tpu.memory_space<vmem>> -> memref<24x128xi32, #tpu.memory_space<vmem>>
        %dma_wait3A_150 = arith.constant 0 : i32
        %dma_wait3A_151 = tpu.memref_slice %arg7[%add3A_109, %dma_wait3A_150] : memref<1280x128xi32, #tpu.memory_space<hbm>> -> memref<24x128xi32, #tpu.memory_space<hbm>>
        %dma_wait3A_152 = arith.constant 0 : i32
        %dma_wait3A_153 = arith.constant 0 : i32
        %dma_wait3A_154 = tpu.memref_slice %arg10[%dma_wait3A_152, %dma_wait3A_153] : memref<24x128xi32, #tpu.memory_space<vmem>> -> memref<24x128xi32, #tpu.memory_space<vmem>>
        %dma_wait3A_155 = arith.constant 0 : i32
        %dma_wait3A_156 = tpu.memref_slice %arg7[%add3A_109, %dma_wait3A_155] : memref<1280x128xi32, #tpu.memory_space<hbm>> -> memref<24x128xi32, #tpu.memory_space<hbm>>
        tpu.wait_dma2 semaphore(%run_scoped3A : memref<!tpu.dma_semaphore, #tpu.memory_space<semaphore_mem>>) src(%dma_wait3A_156 : memref<24x128xi32, #tpu.memory_space<hbm>>) dst(%dma_wait3A_154 : memref<24x128xi32, #tpu.memory_space<vmem>>)
        tpu.yield
      }) : () -> ()
      %dma_start3A_110 = arith.constant 0 : i32
      %dma_start3A_111 = arith.constant 0 : i32
      %dma_start3A_112 = tpu.memref_slice %arg9[%dma_start3A_110, %dma_start3A_111] : memref<24x128xi32, #tpu.memory_space<vmem>> -> memref<1x128xi32, #tpu.memory_space<vmem>>
      %dma_start3A_113 = tpu.memref_squeeze %dma_start3A_112 : memref<1x128xi32, #tpu.memory_space<vmem>> -> memref<128xi32, #tpu.memory_space<vmem>>
      %dma_start3A_114 = arith.constant 0 : i32
      %dma_start3A_115 = arith.constant 0 : i32
      %dma_start3A_116 = tpu.memref_slice %arg3[%dma_start3A_114, %dma_start3A_115] : memref<10000x128xf32, #tpu.memory_space<hbm>> -> memref<10000x128xf32, #tpu.memory_space<hbm>>
      tpu.enqueue_indirect_dma source(%dma_start3A_116 : memref<10000x128xf32, #tpu.memory_space<hbm>>) target(%arg11 : memref<128x128xf32, #tpu.memory_space<vmem>>) offsets(%dma_start3A_113 : memref<128xi32, #tpu.memory_space<vmem>>) semaphore(%arg14 : memref<!tpu.dma_semaphore, #tpu.memory_space<semaphore_mem>>)
      %scan3A_117 = arith.constant 0 : i32
      %scan3A_118 = arith.constant 0 : i32
      %scan3A_119 = arith.constant 12 : i32
      %scan3A_120 = arith.addi %scan3A_118, %scan3A_119 : i32
      %scan3A_121 = arith.constant 1 : i32
      scf.for %scan3A_137 = %scan3A_118 to %scan3A_120 step %scan3A_121  : i32 {
        %mul3A_138 = arith.constant 2 : i32
        %mul3A_139 = arith.muli %scan3A_137, %mul3A_138 : i32
        %add3A_140 = arith.constant 0 : i32
        %add3A_141 = arith.addi %mul3A_139, %add3A_140 : i32
        %dma_wait3A_142 = arith.constant 0 : i32
        %dma_wait3A_143 = tpu.memref_slice %arg9[%add3A_141, %dma_wait3A_142] : memref<24x128xi32, #tpu.memory_space<vmem>> -> memref<1x128xi32, #tpu.memory_space<vmem>>
        %dma_wait3A_144 = tpu.memref_squeeze %dma_wait3A_143 : memref<1x128xi32, #tpu.memory_space<vmem>> -> memref<128xi32, #tpu.memory_space<vmem>>
        %dma_wait3A_145 = arith.constant 0 : i32
        %dma_wait3A_146 = arith.constant 0 : i32
        %dma_wait3A_147 = tpu.memref_slice %arg3[%dma_wait3A_145, %dma_wait3A_146] : memref<10000x128xf32, #tpu.memory_space<hbm>> -> memref<10000x128xf32, #tpu.memory_space<hbm>>
        tpu.wait_indirect_dma semaphore(%arg14 : memref<!tpu.dma_semaphore, #tpu.memory_space<semaphore_mem>>) src(%dma_wait3A_147 : memref<10000x128xf32, #tpu.memory_space<hbm>>) dst(%arg11 : memref<128x128xf32, #tpu.memory_space<vmem>>)
        %dma_start3A_148 = arith.constant 0 : i32
        %dma_start3A_149 = tpu.memref_slice %arg10[%add3A_141, %dma_start3A_148] : memref<24x128xi32, #tpu.memory_space<vmem>> -> memref<1x128xi32, #tpu.memory_space<vmem>>
        %dma_start3A_150 = tpu.memref_squeeze %dma_start3A_149 : memref<1x128xi32, #tpu.memory_space<vmem>> -> memref<128xi32, #tpu.memory_space<vmem>>
        %dma_start3A_151 = arith.constant 0 : i32
        %dma_start3A_152 = arith.constant 0 : i32
        %dma_start3A_153 = tpu.memref_slice %arg13[%dma_start3A_151, %dma_start3A_152] : memref<10112x128xf32, #tpu.memory_space<vmem_shared>> -> memref<10112x128xf32, #tpu.memory_space<vmem_shared>>
        tpu.enqueue_indirect_dma source(%arg11 : memref<128x128xf32, #tpu.memory_space<vmem>>) target(%dma_start3A_153 : memref<10112x128xf32, #tpu.memory_space<vmem_shared>>) offsets(%dma_start3A_150 : memref<128xi32, #tpu.memory_space<vmem>>) semaphore(%arg16 : memref<!tpu.dma_semaphore, #tpu.memory_space<semaphore_mem>>) {add = true}
        %add3A_154 = arith.constant 1 : i32
        %add3A_155 = arith.addi %add3A_141, %add3A_154 : i32
        %lt3A = arith.constant 24 : i32
        %lt3A_156 = arith.cmpi slt, %add3A_155, %lt3A : i32
        %convert_element_type3A_157 = arith.extui %lt3A_156 : i1 to i32
        %cond3A_158 = arith.constant 0 : i32
        %cond3A_159 = arith.cmpi ne, %convert_element_type3A_157, %cond3A_158 : i32
        scf.if %cond3A_159 {
          %ge3A = arith.constant 1 : i32
          %ge3A_183 = arith.cmpi sge, %add3A_141, %ge3A : i32
          %convert_element_type3A_184 = arith.extui %ge3A_183 : i1 to i32
          %cond3A_185 = arith.constant 0 : i32
          %cond3A_186 = arith.cmpi ne, %convert_element_type3A_184, %cond3A_185 : i32
          scf.if %cond3A_186 {
            %sub3A_193 = arith.constant 1 : i32
            %sub3A_194 = arith.subi %add3A_141, %sub3A_193 : i32
            %dma_wait3A_195 = arith.constant 0 : i32
            %dma_wait3A_196 = tpu.memref_slice %arg10[%sub3A_194, %dma_wait3A_195] : memref<24x128xi32, #tpu.memory_space<vmem>> -> memref<1x128xi32, #tpu.memory_space<vmem>>
            %dma_wait3A_197 = tpu.memref_squeeze %dma_wait3A_196 : memref<1x128xi32, #tpu.memory_space<vmem>> -> memref<128xi32, #tpu.memory_space<vmem>>
            %dma_wait3A_198 = arith.constant 0 : i32
            %dma_wait3A_199 = arith.constant 0 : i32
            %dma_wait3A_200 = tpu.memref_slice %arg13[%dma_wait3A_198, %dma_wait3A_199] : memref<10112x128xf32, #tpu.memory_space<vmem_shared>> -> memref<10112x128xf32, #tpu.memory_space<vmem_shared>>
            tpu.wait_indirect_dma semaphore(%arg17 : memref<!tpu.dma_semaphore, #tpu.memory_space<semaphore_mem>>) src(%arg12 : memref<128x128xf32, #tpu.memory_space<vmem>>) dst(%dma_wait3A_200 : memref<10112x128xf32, #tpu.memory_space<vmem_shared>>)
          } else {
          }
          %dma_start3A_187 = arith.constant 0 : i32
          %dma_start3A_188 = tpu.memref_slice %arg9[%add3A_155, %dma_start3A_187] : memref<24x128xi32, #tpu.memory_space<vmem>> -> memref<1x128xi32, #tpu.memory_space<vmem>>
          %dma_start3A_189 = tpu.memref_squeeze %dma_start3A_188 : memref<1x128xi32, #tpu.memory_space<vmem>> -> memref<128xi32, #tpu.memory_space<vmem>>
          %dma_start3A_190 = arith.constant 0 : i32
          %dma_start3A_191 = arith.constant 0 : i32
          %dma_start3A_192 = tpu.memref_slice %arg3[%dma_start3A_190, %dma_start3A_191] : memref<10000x128xf32, #tpu.memory_space<hbm>> -> memref<10000x128xf32, #tpu.memory_space<hbm>>
          tpu.enqueue_indirect_dma source(%dma_start3A_192 : memref<10000x128xf32, #tpu.memory_space<hbm>>) target(%arg12 : memref<128x128xf32, #tpu.memory_space<vmem>>) offsets(%dma_start3A_189 : memref<128xi32, #tpu.memory_space<vmem>>) semaphore(%arg15 : memref<!tpu.dma_semaphore, #tpu.memory_space<semaphore_mem>>)
        } else {
        }
        %mul3A_160 = arith.constant 2 : i32
        %mul3A_161 = arith.muli %scan3A_137, %mul3A_160 : i32
        %add3A_162 = arith.constant 1 : i32
        %add3A_163 = arith.addi %mul3A_161, %add3A_162 : i32
        %dma_wait3A_164 = arith.constant 0 : i32
        %dma_wait3A_165 = tpu.memref_slice %arg9[%add3A_163, %dma_wait3A_164] : memref<24x128xi32, #tpu.memory_space<vmem>> -> memref<1x128xi32, #tpu.memory_space<vmem>>
        %dma_wait3A_166 = tpu.memref_squeeze %dma_wait3A_165 : memref<1x128xi32, #tpu.memory_space<vmem>> -> memref<128xi32, #tpu.memory_space<vmem>>
        %dma_wait3A_167 = arith.constant 0 : i32
        %dma_wait3A_168 = arith.constant 0 : i32
        %dma_wait3A_169 = tpu.memref_slice %arg3[%dma_wait3A_167, %dma_wait3A_168] : memref<10000x128xf32, #tpu.memory_space<hbm>> -> memref<10000x128xf32, #tpu.memory_space<hbm>>
        tpu.wait_indirect_dma semaphore(%arg15 : memref<!tpu.dma_semaphore, #tpu.memory_space<semaphore_mem>>) src(%dma_wait3A_169 : memref<10000x128xf32, #tpu.memory_space<hbm>>) dst(%arg12 : memref<128x128xf32, #tpu.memory_space<vmem>>)
        %dma_start3A_170 = arith.constant 0 : i32
        %dma_start3A_171 = tpu.memref_slice %arg10[%add3A_163, %dma_start3A_170] : memref<24x128xi32, #tpu.memory_space<vmem>> -> memref<1x128xi32, #tpu.memory_space<vmem>>
        %dma_start3A_172 = tpu.memref_squeeze %dma_start3A_171 : memref<1x128xi32, #tpu.memory_space<vmem>> -> memref<128xi32, #tpu.memory_space<vmem>>
        %dma_start3A_173 = arith.constant 0 : i32
        %dma_start3A_174 = arith.constant 0 : i32
        %dma_start3A_175 = tpu.memref_slice %arg13[%dma_start3A_173, %dma_start3A_174] : memref<10112x128xf32, #tpu.memory_space<vmem_shared>> -> memref<10112x128xf32, #tpu.memory_space<vmem_shared>>
        tpu.enqueue_indirect_dma source(%arg12 : memref<128x128xf32, #tpu.memory_space<vmem>>) target(%dma_start3A_175 : memref<10112x128xf32, #tpu.memory_space<vmem_shared>>) offsets(%dma_start3A_172 : memref<128xi32, #tpu.memory_space<vmem>>) semaphore(%arg17 : memref<!tpu.dma_semaphore, #tpu.memory_space<semaphore_mem>>) {add = true}
        %add3A_176 = arith.constant 1 : i32
        %add3A_177 = arith.addi %add3A_163, %add3A_176 : i32
        %lt3A_178 = arith.constant 24 : i32
        %lt3A_179 = arith.cmpi slt, %add3A_177, %lt3A_178 : i32
        %convert_element_type3A_180 = arith.extui %lt3A_179 : i1 to i32
        %cond3A_181 = arith.constant 0 : i32
        %cond3A_182 = arith.cmpi ne, %convert_element_type3A_180, %cond3A_181 : i32
        scf.if %cond3A_182 {
          %ge3A = arith.constant 1 : i32
          %ge3A_183 = arith.cmpi sge, %add3A_163, %ge3A : i32
          %convert_element_type3A_184 = arith.extui %ge3A_183 : i1 to i32
          %cond3A_185 = arith.constant 0 : i32
          %cond3A_186 = arith.cmpi ne, %convert_element_type3A_184, %cond3A_185 : i32
          scf.if %cond3A_186 {
            %sub3A_193 = arith.constant 1 : i32
            %sub3A_194 = arith.subi %add3A_163, %sub3A_193 : i32
            %dma_wait3A_195 = arith.constant 0 : i32
            %dma_wait3A_196 = tpu.memref_slice %arg10[%sub3A_194, %dma_wait3A_195] : memref<24x128xi32, #tpu.memory_space<vmem>> -> memref<1x128xi32, #tpu.memory_space<vmem>>
            %dma_wait3A_197 = tpu.memref_squeeze %dma_wait3A_196 : memref<1x128xi32, #tpu.memory_space<vmem>> -> memref<128xi32, #tpu.memory_space<vmem>>
            %dma_wait3A_198 = arith.constant 0 : i32
            %dma_wait3A_199 = arith.constant 0 : i32
            %dma_wait3A_200 = tpu.memref_slice %arg13[%dma_wait3A_198, %dma_wait3A_199] : memref<10112x128xf32, #tpu.memory_space<vmem_shared>> -> memref<10112x128xf32, #tpu.memory_space<vmem_shared>>
            tpu.wait_indirect_dma semaphore(%arg16 : memref<!tpu.dma_semaphore, #tpu.memory_space<semaphore_mem>>) src(%arg11 : memref<128x128xf32, #tpu.memory_space<vmem>>) dst(%dma_wait3A_200 : memref<10112x128xf32, #tpu.memory_space<vmem_shared>>)
          } else {
          }
          %dma_start3A_187 = arith.constant 0 : i32
          %dma_start3A_188 = tpu.memref_slice %arg9[%add3A_177, %dma_start3A_187] : memref<24x128xi32, #tpu.memory_space<vmem>> -> memref<1x128xi32, #tpu.memory_space<vmem>>
          %dma_start3A_189 = tpu.memref_squeeze %dma_start3A_188 : memref<1x128xi32, #tpu.memory_space<vmem>> -> memref<128xi32, #tpu.memory_space<vmem>>
          %dma_start3A_190 = arith.constant 0 : i32
          %dma_start3A_191 = arith.constant 0 : i32
          %dma_start3A_192 = tpu.memref_slice %arg3[%dma_start3A_190, %dma_start3A_191] : memref<10000x128xf32, #tpu.memory_space<hbm>> -> memref<10000x128xf32, #tpu.memory_space<hbm>>
          tpu.enqueue_indirect_dma source(%dma_start3A_192 : memref<10000x128xf32, #tpu.memory_space<hbm>>) target(%arg11 : memref<128x128xf32, #tpu.memory_space<vmem>>) offsets(%dma_start3A_189 : memref<128xi32, #tpu.memory_space<vmem>>) semaphore(%arg14 : memref<!tpu.dma_semaphore, #tpu.memory_space<semaphore_mem>>)
        } else {
        }
      }
      %scan3A_122 = arith.constant 12 : i32
      %dma_wait3A_123 = arith.constant 22 : i32
      %dma_wait3A_124 = arith.constant 0 : i32
      %dma_wait3A_125 = tpu.memref_slice %arg10[%dma_wait3A_123, %dma_wait3A_124] : memref<24x128xi32, #tpu.memory_space<vmem>> -> memref<1x128xi32, #tpu.memory_space<vmem>>
      %dma_wait3A_126 = tpu.memref_squeeze %dma_wait3A_125 : memref<1x128xi32, #tpu.memory_space<vmem>> -> memref<128xi32, #tpu.memory_space<vmem>>
      %dma_wait3A_127 = arith.constant 0 : i32
      %dma_wait3A_128 = arith.constant 0 : i32
      %dma_wait3A_129 = tpu.memref_slice %arg13[%dma_wait3A_127, %dma_wait3A_128] : memref<10112x128xf32, #tpu.memory_space<vmem_shared>> -> memref<10112x128xf32, #tpu.memory_space<vmem_shared>>
      tpu.wait_indirect_dma semaphore(%arg16 : memref<!tpu.dma_semaphore, #tpu.memory_space<semaphore_mem>>) src(%arg11 : memref<128x128xf32, #tpu.memory_space<vmem>>) dst(%dma_wait3A_129 : memref<10112x128xf32, #tpu.memory_space<vmem_shared>>)
      %dma_wait3A_130 = arith.constant 23 : i32
      %dma_wait3A_131 = arith.constant 0 : i32
      %dma_wait3A_132 = tpu.memref_slice %arg10[%dma_wait3A_130, %dma_wait3A_131] : memref<24x128xi32, #tpu.memory_space<vmem>> -> memref<1x128xi32, #tpu.memory_space<vmem>>
      %dma_wait3A_133 = tpu.memref_squeeze %dma_wait3A_132 : memref<1x128xi32, #tpu.memory_space<vmem>> -> memref<128xi32, #tpu.memory_space<vmem>>
      %dma_wait3A_134 = arith.constant 0 : i32
      %dma_wait3A_135 = arith.constant 0 : i32
      %dma_wait3A_136 = tpu.memref_slice %arg13[%dma_wait3A_134, %dma_wait3A_135] : memref<10112x128xf32, #tpu.memory_space<vmem_shared>> -> memref<10112x128xf32, #tpu.memory_space<vmem_shared>>
      tpu.wait_indirect_dma semaphore(%arg17 : memref<!tpu.dma_semaphore, #tpu.memory_space<semaphore_mem>>) src(%arg12 : memref<128x128xf32, #tpu.memory_space<vmem>>) dst(%dma_wait3A_136 : memref<10112x128xf32, #tpu.memory_space<vmem_shared>>)
    } else {
    }
    %eq3A_36 = arith.constant 1 : i32
    %eq3A_37 = arith.cmpi eq, %arg0, %eq3A_36 : i32
    %convert_element_type3A_38 = arith.extui %eq3A_37 : i1 to i32
    %cond3A_39 = arith.constant 0 : i32
    %cond3A_40 = arith.cmpi ne, %convert_element_type3A_38, %cond3A_39 : i32
    scf.if %cond3A_40 {
      %mul3A_46 = arith.constant 8 : i32
      %mul3A_47 = arith.muli %arg1, %mul3A_46 : i32
      %add3A_48 = arith.constant 1152 : i32
      %add3A_49 = arith.addi %add3A_48, %mul3A_47 : i32
      "tpu.region"() ({
        %run_scoped3A = tpu.sem_alloc : memref<!tpu.dma_semaphore, #tpu.memory_space<semaphore_mem>>
        %dma_start3A_75 = arith.constant 0 : i32
        %dma_start3A_76 = arith.constant 0 : i32
        %dma_start3A_77 = tpu.memref_slice %arg9[%dma_start3A_75, %dma_start3A_76] : memref<24x128xi32, #tpu.memory_space<vmem>> -> memref<8x128xi32, #tpu.memory_space<vmem>>
        %dma_start3A_78 = arith.constant 0 : i32
        %dma_start3A_79 = tpu.memref_slice %arg6[%add3A_49, %dma_start3A_78] : memref<1280x128xi32, #tpu.memory_space<hbm>> -> memref<8x128xi32, #tpu.memory_space<hbm>>
        %dma_start3A_80 = arith.constant 0 : i32
        %dma_start3A_81 = arith.constant 0 : i32
        %dma_start3A_82 = tpu.memref_slice %arg9[%dma_start3A_80, %dma_start3A_81] : memref<24x128xi32, #tpu.memory_space<vmem>> -> memref<8x128xi32, #tpu.memory_space<vmem>>
        %dma_start3A_83 = arith.constant 0 : i32
        %dma_start3A_84 = tpu.memref_slice %arg6[%add3A_49, %dma_start3A_83] : memref<1280x128xi32, #tpu.memory_space<hbm>> -> memref<8x128xi32, #tpu.memory_space<hbm>>
        tpu.enqueue_dma source(%dma_start3A_84 : memref<8x128xi32, #tpu.memory_space<hbm>>) target(%dma_start3A_82 : memref<8x128xi32, #tpu.memory_space<vmem>>) target_semaphore(%run_scoped3A : memref<!tpu.dma_semaphore, #tpu.memory_space<semaphore_mem>>)
        %dma_wait3A_85 = arith.constant 0 : i32
        %dma_wait3A_86 = arith.constant 0 : i32
        %dma_wait3A_87 = tpu.memref_slice %arg9[%dma_wait3A_85, %dma_wait3A_86] : memref<24x128xi32, #tpu.memory_space<vmem>> -> memref<8x128xi32, #tpu.memory_space<vmem>>
        %dma_wait3A_88 = arith.constant 0 : i32
        %dma_wait3A_89 = tpu.memref_slice %arg6[%add3A_49, %dma_wait3A_88] : memref<1280x128xi32, #tpu.memory_space<hbm>> -> memref<8x128xi32, #tpu.memory_space<hbm>>
        %dma_wait3A_90 = arith.constant 0 : i32
        %dma_wait3A_91 = arith.constant 0 : i32
        %dma_wait3A_92 = tpu.memref_slice %arg9[%dma_wait3A_90, %dma_wait3A_91] : memref<24x128xi32, #tpu.memory_space<vmem>> -> memref<8x128xi32, #tpu.memory_space<vmem>>
        %dma_wait3A_93 = arith.constant 0 : i32
        %dma_wait3A_94 = tpu.memref_slice %arg6[%add3A_49, %dma_wait3A_93] : memref<1280x128xi32, #tpu.memory_space<hbm>> -> memref<8x128xi32, #tpu.memory_space<hbm>>
        tpu.wait_dma2 semaphore(%run_scoped3A : memref<!tpu.dma_semaphore, #tpu.memory_space<semaphore_mem>>) src(%dma_wait3A_94 : memref<8x128xi32, #tpu.memory_space<hbm>>) dst(%dma_wait3A_92 : memref<8x128xi32, #tpu.memory_space<vmem>>)
        tpu.yield
      }) : () -> ()
      "tpu.region"() ({
        %run_scoped3A = tpu.sem_alloc : memref<!tpu.dma_semaphore, #tpu.memory_space<semaphore_mem>>
        %dma_start3A_75 = arith.constant 0 : i32
        %dma_start3A_76 = arith.constant 0 : i32
        %dma_start3A_77 = tpu.memref_slice %arg10[%dma_start3A_75, %dma_start3A_76] : memref<24x128xi32, #tpu.memory_space<vmem>> -> memref<8x128xi32, #tpu.memory_space<vmem>>
        %dma_start3A_78 = arith.constant 0 : i32
        %dma_start3A_79 = tpu.memref_slice %arg7[%add3A_49, %dma_start3A_78] : memref<1280x128xi32, #tpu.memory_space<hbm>> -> memref<8x128xi32, #tpu.memory_space<hbm>>
        %dma_start3A_80 = arith.constant 0 : i32
        %dma_start3A_81 = arith.constant 0 : i32
        %dma_start3A_82 = tpu.memref_slice %arg10[%dma_start3A_80, %dma_start3A_81] : memref<24x128xi32, #tpu.memory_space<vmem>> -> memref<8x128xi32, #tpu.memory_space<vmem>>
        %dma_start3A_83 = arith.constant 0 : i32
        %dma_start3A_84 = tpu.memref_slice %arg7[%add3A_49, %dma_start3A_83] : memref<1280x128xi32, #tpu.memory_space<hbm>> -> memref<8x128xi32, #tpu.memory_space<hbm>>
        tpu.enqueue_dma source(%dma_start3A_84 : memref<8x128xi32, #tpu.memory_space<hbm>>) target(%dma_start3A_82 : memref<8x128xi32, #tpu.memory_space<vmem>>) target_semaphore(%run_scoped3A : memref<!tpu.dma_semaphore, #tpu.memory_space<semaphore_mem>>)
        %dma_wait3A_85 = arith.constant 0 : i32
        %dma_wait3A_86 = arith.constant 0 : i32
        %dma_wait3A_87 = tpu.memref_slice %arg10[%dma_wait3A_85, %dma_wait3A_86] : memref<24x128xi32, #tpu.memory_space<vmem>> -> memref<8x128xi32, #tpu.memory_space<vmem>>
        %dma_wait3A_88 = arith.constant 0 : i32
        %dma_wait3A_89 = tpu.memref_slice %arg7[%add3A_49, %dma_wait3A_88] : memref<1280x128xi32, #tpu.memory_space<hbm>> -> memref<8x128xi32, #tpu.memory_space<hbm>>
        %dma_wait3A_90 = arith.constant 0 : i32
        %dma_wait3A_91 = arith.constant 0 : i32
        %dma_wait3A_92 = tpu.memref_slice %arg10[%dma_wait3A_90, %dma_wait3A_91] : memref<24x128xi32, #tpu.memory_space<vmem>> -> memref<8x128xi32, #tpu.memory_space<vmem>>
        %dma_wait3A_93 = arith.constant 0 : i32
        %dma_wait3A_94 = tpu.memref_slice %arg7[%add3A_49, %dma_wait3A_93] : memref<1280x128xi32, #tpu.memory_space<hbm>> -> memref<8x128xi32, #tpu.memory_space<hbm>>
        tpu.wait_dma2 semaphore(%run_scoped3A : memref<!tpu.dma_semaphore, #tpu.memory_space<semaphore_mem>>) src(%dma_wait3A_94 : memref<8x128xi32, #tpu.memory_space<hbm>>) dst(%dma_wait3A_92 : memref<8x128xi32, #tpu.memory_space<vmem>>)
        tpu.yield
      }) : () -> ()
      %dma_start3A = arith.constant 0 : i32
      %dma_start3A_50 = arith.constant 0 : i32
      %dma_start3A_51 = tpu.memref_slice %arg9[%dma_start3A, %dma_start3A_50] : memref<24x128xi32, #tpu.memory_space<vmem>> -> memref<1x128xi32, #tpu.memory_space<vmem>>
      %dma_start3A_52 = tpu.memref_squeeze %dma_start3A_51 : memref<1x128xi32, #tpu.memory_space<vmem>> -> memref<128xi32, #tpu.memory_space<vmem>>
      %dma_start3A_53 = arith.constant 0 : i32
      %dma_start3A_54 = arith.constant 0 : i32
      %dma_start3A_55 = tpu.memref_slice %arg3[%dma_start3A_53, %dma_start3A_54] : memref<10000x128xf32, #tpu.memory_space<hbm>> -> memref<10000x128xf32, #tpu.memory_space<hbm>>
      tpu.enqueue_indirect_dma source(%dma_start3A_55 : memref<10000x128xf32, #tpu.memory_space<hbm>>) target(%arg11 : memref<128x128xf32, #tpu.memory_space<vmem>>) offsets(%dma_start3A_52 : memref<128xi32, #tpu.memory_space<vmem>>) semaphore(%arg14 : memref<!tpu.dma_semaphore, #tpu.memory_space<semaphore_mem>>)
      %scan3A_56 = arith.constant 0 : i32
      %scan3A_57 = arith.constant 0 : i32
      %scan3A_58 = arith.constant 4 : i32
      %scan3A_59 = arith.addi %scan3A_57, %scan3A_58 : i32
      %scan3A_60 = arith.constant 1 : i32
      scf.for %scan3A_75 = %scan3A_57 to %scan3A_59 step %scan3A_60  : i32 {
        %mul3A_76 = arith.constant 2 : i32
        %mul3A_77 = arith.muli %scan3A_75, %mul3A_76 : i32
        %add3A_78 = arith.constant 0 : i32
        %add3A_79 = arith.addi %mul3A_77, %add3A_78 : i32
        %dma_wait3A_80 = arith.constant 0 : i32
        %dma_wait3A_81 = tpu.memref_slice %arg9[%add3A_79, %dma_wait3A_80] : memref<24x128xi32, #tpu.memory_space<vmem>> -> memref<1x128xi32, #tpu.memory_space<vmem>>
        %dma_wait3A_82 = tpu.memref_squeeze %dma_wait3A_81 : memref<1x128xi32, #tpu.memory_space<vmem>> -> memref<128xi32, #tpu.memory_space<vmem>>
        %dma_wait3A_83 = arith.constant 0 : i32
        %dma_wait3A_84 = arith.constant 0 : i32
        %dma_wait3A_85 = tpu.memref_slice %arg3[%dma_wait3A_83, %dma_wait3A_84] : memref<10000x128xf32, #tpu.memory_space<hbm>> -> memref<10000x128xf32, #tpu.memory_space<hbm>>
        tpu.wait_indirect_dma semaphore(%arg14 : memref<!tpu.dma_semaphore, #tpu.memory_space<semaphore_mem>>) src(%dma_wait3A_85 : memref<10000x128xf32, #tpu.memory_space<hbm>>) dst(%arg11 : memref<128x128xf32, #tpu.memory_space<vmem>>)
        %dma_start3A_86 = arith.constant 0 : i32
        %dma_start3A_87 = tpu.memref_slice %arg10[%add3A_79, %dma_start3A_86] : memref<24x128xi32, #tpu.memory_space<vmem>> -> memref<1x128xi32, #tpu.memory_space<vmem>>
        %dma_start3A_88 = tpu.memref_squeeze %dma_start3A_87 : memref<1x128xi32, #tpu.memory_space<vmem>> -> memref<128xi32, #tpu.memory_space<vmem>>
        %dma_start3A_89 = arith.constant 0 : i32
        %dma_start3A_90 = arith.constant 0 : i32
        %dma_start3A_91 = tpu.memref_slice %arg13[%dma_start3A_89, %dma_start3A_90] : memref<10112x128xf32, #tpu.memory_space<vmem_shared>> -> memref<10112x128xf32, #tpu.memory_space<vmem_shared>>
        tpu.enqueue_indirect_dma source(%arg11 : memref<128x128xf32, #tpu.memory_space<vmem>>) target(%dma_start3A_91 : memref<10112x128xf32, #tpu.memory_space<vmem_shared>>) offsets(%dma_start3A_88 : memref<128xi32, #tpu.memory_space<vmem>>) semaphore(%arg16 : memref<!tpu.dma_semaphore, #tpu.memory_space<semaphore_mem>>) {add = true}
        %add3A_92 = arith.constant 1 : i32
        %add3A_93 = arith.addi %add3A_79, %add3A_92 : i32
        %lt3A = arith.constant 8 : i32
        %lt3A_94 = arith.cmpi slt, %add3A_93, %lt3A : i32
        %convert_element_type3A_95 = arith.extui %lt3A_94 : i1 to i32
        %cond3A_96 = arith.constant 0 : i32
        %cond3A_97 = arith.cmpi ne, %convert_element_type3A_95, %cond3A_96 : i32
        scf.if %cond3A_97 {
          %ge3A = arith.constant 1 : i32
          %ge3A_121 = arith.cmpi sge, %add3A_79, %ge3A : i32
          %convert_element_type3A_122 = arith.extui %ge3A_121 : i1 to i32
          %cond3A_123 = arith.constant 0 : i32
          %cond3A_124 = arith.cmpi ne, %convert_element_type3A_122, %cond3A_123 : i32
          scf.if %cond3A_124 {
            %sub3A_131 = arith.constant 1 : i32
            %sub3A_132 = arith.subi %add3A_79, %sub3A_131 : i32
            %dma_wait3A_133 = arith.constant 0 : i32
            %dma_wait3A_134 = tpu.memref_slice %arg10[%sub3A_132, %dma_wait3A_133] : memref<24x128xi32, #tpu.memory_space<vmem>> -> memref<1x128xi32, #tpu.memory_space<vmem>>
            %dma_wait3A_135 = tpu.memref_squeeze %dma_wait3A_134 : memref<1x128xi32, #tpu.memory_space<vmem>> -> memref<128xi32, #tpu.memory_space<vmem>>
            %dma_wait3A_136 = arith.constant 0 : i32
            %dma_wait3A_137 = arith.constant 0 : i32
            %dma_wait3A_138 = tpu.memref_slice %arg13[%dma_wait3A_136, %dma_wait3A_137] : memref<10112x128xf32, #tpu.memory_space<vmem_shared>> -> memref<10112x128xf32, #tpu.memory_space<vmem_shared>>
            tpu.wait_indirect_dma semaphore(%arg17 : memref<!tpu.dma_semaphore, #tpu.memory_space<semaphore_mem>>) src(%arg12 : memref<128x128xf32, #tpu.memory_space<vmem>>) dst(%dma_wait3A_138 : memref<10112x128xf32, #tpu.memory_space<vmem_shared>>)
          } else {
          }
          %dma_start3A_125 = arith.constant 0 : i32
          %dma_start3A_126 = tpu.memref_slice %arg9[%add3A_93, %dma_start3A_125] : memref<24x128xi32, #tpu.memory_space<vmem>> -> memref<1x128xi32, #tpu.memory_space<vmem>>
          %dma_start3A_127 = tpu.memref_squeeze %dma_start3A_126 : memref<1x128xi32, #tpu.memory_space<vmem>> -> memref<128xi32, #tpu.memory_space<vmem>>
          %dma_start3A_128 = arith.constant 0 : i32
          %dma_start3A_129 = arith.constant 0 : i32
          %dma_start3A_130 = tpu.memref_slice %arg3[%dma_start3A_128, %dma_start3A_129] : memref<10000x128xf32, #tpu.memory_space<hbm>> -> memref<10000x128xf32, #tpu.memory_space<hbm>>
          tpu.enqueue_indirect_dma source(%dma_start3A_130 : memref<10000x128xf32, #tpu.memory_space<hbm>>) target(%arg12 : memref<128x128xf32, #tpu.memory_space<vmem>>) offsets(%dma_start3A_127 : memref<128xi32, #tpu.memory_space<vmem>>) semaphore(%arg15 : memref<!tpu.dma_semaphore, #tpu.memory_space<semaphore_mem>>)
        } else {
        }
        %mul3A_98 = arith.constant 2 : i32
        %mul3A_99 = arith.muli %scan3A_75, %mul3A_98 : i32
        %add3A_100 = arith.constant 1 : i32
        %add3A_101 = arith.addi %mul3A_99, %add3A_100 : i32
        %dma_wait3A_102 = arith.constant 0 : i32
        %dma_wait3A_103 = tpu.memref_slice %arg9[%add3A_101, %dma_wait3A_102] : memref<24x128xi32, #tpu.memory_space<vmem>> -> memref<1x128xi32, #tpu.memory_space<vmem>>
        %dma_wait3A_104 = tpu.memref_squeeze %dma_wait3A_103 : memref<1x128xi32, #tpu.memory_space<vmem>> -> memref<128xi32, #tpu.memory_space<vmem>>
        %dma_wait3A_105 = arith.constant 0 : i32
        %dma_wait3A_106 = arith.constant 0 : i32
        %dma_wait3A_107 = tpu.memref_slice %arg3[%dma_wait3A_105, %dma_wait3A_106] : memref<10000x128xf32, #tpu.memory_space<hbm>> -> memref<10000x128xf32, #tpu.memory_space<hbm>>
        tpu.wait_indirect_dma semaphore(%arg15 : memref<!tpu.dma_semaphore, #tpu.memory_space<semaphore_mem>>) src(%dma_wait3A_107 : memref<10000x128xf32, #tpu.memory_space<hbm>>) dst(%arg12 : memref<128x128xf32, #tpu.memory_space<vmem>>)
        %dma_start3A_108 = arith.constant 0 : i32
        %dma_start3A_109 = tpu.memref_slice %arg10[%add3A_101, %dma_start3A_108] : memref<24x128xi32, #tpu.memory_space<vmem>> -> memref<1x128xi32, #tpu.memory_space<vmem>>
        %dma_start3A_110 = tpu.memref_squeeze %dma_start3A_109 : memref<1x128xi32, #tpu.memory_space<vmem>> -> memref<128xi32, #tpu.memory_space<vmem>>
        %dma_start3A_111 = arith.constant 0 : i32
        %dma_start3A_112 = arith.constant 0 : i32
        %dma_start3A_113 = tpu.memref_slice %arg13[%dma_start3A_111, %dma_start3A_112] : memref<10112x128xf32, #tpu.memory_space<vmem_shared>> -> memref<10112x128xf32, #tpu.memory_space<vmem_shared>>
        tpu.enqueue_indirect_dma source(%arg12 : memref<128x128xf32, #tpu.memory_space<vmem>>) target(%dma_start3A_113 : memref<10112x128xf32, #tpu.memory_space<vmem_shared>>) offsets(%dma_start3A_110 : memref<128xi32, #tpu.memory_space<vmem>>) semaphore(%arg17 : memref<!tpu.dma_semaphore, #tpu.memory_space<semaphore_mem>>) {add = true}
        %add3A_114 = arith.constant 1 : i32
        %add3A_115 = arith.addi %add3A_101, %add3A_114 : i32
        %lt3A_116 = arith.constant 8 : i32
        %lt3A_117 = arith.cmpi slt, %add3A_115, %lt3A_116 : i32
        %convert_element_type3A_118 = arith.extui %lt3A_117 : i1 to i32
        %cond3A_119 = arith.constant 0 : i32
        %cond3A_120 = arith.cmpi ne, %convert_element_type3A_118, %cond3A_119 : i32
        scf.if %cond3A_120 {
          %ge3A = arith.constant 1 : i32
          %ge3A_121 = arith.cmpi sge, %add3A_101, %ge3A : i32
          %convert_element_type3A_122 = arith.extui %ge3A_121 : i1 to i32
          %cond3A_123 = arith.constant 0 : i32
          %cond3A_124 = arith.cmpi ne, %convert_element_type3A_122, %cond3A_123 : i32
          scf.if %cond3A_124 {
            %sub3A_131 = arith.constant 1 : i32
            %sub3A_132 = arith.subi %add3A_101, %sub3A_131 : i32
            %dma_wait3A_133 = arith.constant 0 : i32
            %dma_wait3A_134 = tpu.memref_slice %arg10[%sub3A_132, %dma_wait3A_133] : memref<24x128xi32, #tpu.memory_space<vmem>> -> memref<1x128xi32, #tpu.memory_space<vmem>>
            %dma_wait3A_135 = tpu.memref_squeeze %dma_wait3A_134 : memref<1x128xi32, #tpu.memory_space<vmem>> -> memref<128xi32, #tpu.memory_space<vmem>>
            %dma_wait3A_136 = arith.constant 0 : i32
            %dma_wait3A_137 = arith.constant 0 : i32
            %dma_wait3A_138 = tpu.memref_slice %arg13[%dma_wait3A_136, %dma_wait3A_137] : memref<10112x128xf32, #tpu.memory_space<vmem_shared>> -> memref<10112x128xf32, #tpu.memory_space<vmem_shared>>
            tpu.wait_indirect_dma semaphore(%arg16 : memref<!tpu.dma_semaphore, #tpu.memory_space<semaphore_mem>>) src(%arg11 : memref<128x128xf32, #tpu.memory_space<vmem>>) dst(%dma_wait3A_138 : memref<10112x128xf32, #tpu.memory_space<vmem_shared>>)
          } else {
          }
          %dma_start3A_125 = arith.constant 0 : i32
          %dma_start3A_126 = tpu.memref_slice %arg9[%add3A_115, %dma_start3A_125] : memref<24x128xi32, #tpu.memory_space<vmem>> -> memref<1x128xi32, #tpu.memory_space<vmem>>
          %dma_start3A_127 = tpu.memref_squeeze %dma_start3A_126 : memref<1x128xi32, #tpu.memory_space<vmem>> -> memref<128xi32, #tpu.memory_space<vmem>>
          %dma_start3A_128 = arith.constant 0 : i32
          %dma_start3A_129 = arith.constant 0 : i32
          %dma_start3A_130 = tpu.memref_slice %arg3[%dma_start3A_128, %dma_start3A_129] : memref<10000x128xf32, #tpu.memory_space<hbm>> -> memref<10000x128xf32, #tpu.memory_space<hbm>>
          tpu.enqueue_indirect_dma source(%dma_start3A_130 : memref<10000x128xf32, #tpu.memory_space<hbm>>) target(%arg11 : memref<128x128xf32, #tpu.memory_space<vmem>>) offsets(%dma_start3A_127 : memref<128xi32, #tpu.memory_space<vmem>>) semaphore(%arg14 : memref<!tpu.dma_semaphore, #tpu.memory_space<semaphore_mem>>)
        } else {
        }
      }
      %scan3A_61 = arith.constant 4 : i32
      %dma_wait3A = arith.constant 6 : i32
      %dma_wait3A_62 = arith.constant 0 : i32
      %dma_wait3A_63 = tpu.memref_slice %arg10[%dma_wait3A, %dma_wait3A_62] : memref<24x128xi32, #tpu.memory_space<vmem>> -> memref<1x128xi32, #tpu.memory_space<vmem>>
      %dma_wait3A_64 = tpu.memref_squeeze %dma_wait3A_63 : memref<1x128xi32, #tpu.memory_space<vmem>> -> memref<128xi32, #tpu.memory_space<vmem>>
      %dma_wait3A_65 = arith.constant 0 : i32
      %dma_wait3A_66 = arith.constant 0 : i32
      %dma_wait3A_67 = tpu.memref_slice %arg13[%dma_wait3A_65, %dma_wait3A_66] : memref<10112x128xf32, #tpu.memory_space<vmem_shared>> -> memref<10112x128xf32, #tpu.memory_space<vmem_shared>>
      tpu.wait_indirect_dma semaphore(%arg16 : memref<!tpu.dma_semaphore, #tpu.memory_space<semaphore_mem>>) src(%arg11 : memref<128x128xf32, #tpu.memory_space<vmem>>) dst(%dma_wait3A_67 : memref<10112x128xf32, #tpu.memory_space<vmem_shared>>)
      %dma_wait3A_68 = arith.constant 7 : i32
      %dma_wait3A_69 = arith.constant 0 : i32
      %dma_wait3A_70 = tpu.memref_slice %arg10[%dma_wait3A_68, %dma_wait3A_69] : memref<24x128xi32, #tpu.memory_space<vmem>> -> memref<1x128xi32, #tpu.memory_space<vmem>>
      %dma_wait3A_71 = tpu.memref_squeeze %dma_wait3A_70 : memref<1x128xi32, #tpu.memory_space<vmem>> -> memref<128xi32, #tpu.memory_space<vmem>>
      %dma_wait3A_72 = arith.constant 0 : i32
      %dma_wait3A_73 = arith.constant 0 : i32
      %dma_wait3A_74 = tpu.memref_slice %arg13[%dma_wait3A_72, %dma_wait3A_73] : memref<10112x128xf32, #tpu.memory_space<vmem_shared>> -> memref<10112x128xf32, #tpu.memory_space<vmem_shared>>
      tpu.wait_indirect_dma semaphore(%arg17 : memref<!tpu.dma_semaphore, #tpu.memory_space<semaphore_mem>>) src(%arg12 : memref<128x128xf32, #tpu.memory_space<vmem>>) dst(%dma_wait3A_74 : memref<10112x128xf32, #tpu.memory_space<vmem_shared>>)
    } else {
    }
    %barrier3A_41 = arith.constant 0 : index
    tpu.barrier barrier_id(%barrier3A_41)
    %mul3A_42 = arith.constant 632 : i32
    %mul3A_43 = arith.muli %arg1, %mul3A_42 : i32
    %mul3A_44 = arith.constant 632 : i32
    %mul3A_45 = arith.muli %arg1, %mul3A_44 : i32
    "tpu.region"() ({
      %run_scoped3A = tpu.sem_alloc : memref<!tpu.dma_semaphore, #tpu.memory_space<semaphore_mem>>
      %dma_start3A = arith.constant 0 : i32
      %dma_start3A_46 = tpu.memref_slice %arg8[%arg0, %mul3A_45, %dma_start3A] : memref<2x10112x128xf32, #tpu.memory_space<hbm>> -> memref<1x632x128xf32, #tpu.memory_space<hbm>>
      %dma_start3A_47 = tpu.memref_squeeze %dma_start3A_46 : memref<1x632x128xf32, #tpu.memory_space<hbm>> -> memref<632x128xf32, #tpu.memory_space<hbm>>
      %dma_start3A_48 = arith.constant 0 : i32
      %dma_start3A_49 = tpu.memref_slice %arg13[%mul3A_43, %dma_start3A_48] : memref<10112x128xf32, #tpu.memory_space<vmem_shared>> -> memref<632x128xf32, #tpu.memory_space<vmem_shared>>
      tpu.enqueue_dma source(%dma_start3A_49 : memref<632x128xf32, #tpu.memory_space<vmem_shared>>) target(%dma_start3A_47 : memref<632x128xf32, #tpu.memory_space<hbm>>) target_semaphore(%run_scoped3A : memref<!tpu.dma_semaphore, #tpu.memory_space<semaphore_mem>>)
      %dma_wait3A = arith.constant 0 : i32
      %dma_wait3A_50 = tpu.memref_slice %arg8[%arg0, %mul3A_45, %dma_wait3A] : memref<2x10112x128xf32, #tpu.memory_space<hbm>> -> memref<1x632x128xf32, #tpu.memory_space<hbm>>
      %dma_wait3A_51 = tpu.memref_squeeze %dma_wait3A_50 : memref<1x632x128xf32, #tpu.memory_space<hbm>> -> memref<632x128xf32, #tpu.memory_space<hbm>>
      %dma_wait3A_52 = arith.constant 0 : i32
      %dma_wait3A_53 = tpu.memref_slice %arg13[%mul3A_43, %dma_wait3A_52] : memref<10112x128xf32, #tpu.memory_space<vmem_shared>> -> memref<632x128xf32, #tpu.memory_space<vmem_shared>>
      tpu.wait_dma2 semaphore(%run_scoped3A : memref<!tpu.dma_semaphore, #tpu.memory_space<semaphore_mem>>) src(%dma_wait3A_53 : memref<632x128xf32, #tpu.memory_space<vmem_shared>>) dst(%dma_wait3A_51 : memref<632x128xf32, #tpu.memory_space<hbm>>)
      tpu.yield
    }) : () -> ()
    return
  }
}

module attributes {stable_mosaic.version = 14 : i64} {
  func.func @_tc1_body(%arg0: i32, %arg1: memref<1000x128xf32, #tpu.memory_space<vmem>>, %arg2: memref<128x128xf32, #tpu.memory_space<vmem>>, %arg3: memref<1x128xf32, #tpu.memory_space<vmem>>, %arg4: memref<128x128xf32, #tpu.memory_space<vmem>>, %arg5: memref<1x128xf32, #tpu.memory_space<vmem>>, %arg6: memref<128x128xf32, #tpu.memory_space<vmem>>, %arg7: memref<1x128xf32, #tpu.memory_space<vmem>>, %arg8: memref<128x128xf32, #tpu.memory_space<vmem>>, %arg9: memref<1x128xf32, #tpu.memory_space<vmem>>, %arg10: memref<128x128xf32, #tpu.memory_space<vmem>>, %arg11: memref<1x128xf32, #tpu.memory_space<vmem>>, %arg12: memref<1000x128xf32, #tpu.memory_space<vmem>>, %arg13: memref<1000x128xf32, #tpu.memory_space<vmem>>, %arg14: memref<1000x128xf32, #tpu.memory_space<vmem>>) attributes {dimension_semantics = [#tpu.dimension_semantics<arbitrary>], iteration_bounds = array<i64: 10>, scalar_prefetch = 0 : i64, scratch_operands = 0 : i64, tpu.core_type = #tpu.core_type<tc>, window_params = [{transform_indices = @transform_0, window_bounds = array<i64: 1000, 128>}, {pipeline_mode = #tpu.pipeline_mode<synchronous>, transform_indices = @transform_1, window_bounds = array<i64: 128, 128>}, {pipeline_mode = #tpu.pipeline_mode<synchronous>, transform_indices = @transform_2, window_bounds = array<i64: 1, 128>}, {pipeline_mode = #tpu.pipeline_mode<synchronous>, transform_indices = @transform_3, window_bounds = array<i64: 128, 128>}, {pipeline_mode = #tpu.pipeline_mode<synchronous>, transform_indices = @transform_4, window_bounds = array<i64: 1, 128>}, {pipeline_mode = #tpu.pipeline_mode<synchronous>, transform_indices = @transform_5, window_bounds = array<i64: 128, 128>}, {pipeline_mode = #tpu.pipeline_mode<synchronous>, transform_indices = @transform_6, window_bounds = array<i64: 1, 128>}, {pipeline_mode = #tpu.pipeline_mode<synchronous>, transform_indices = @transform_7, window_bounds = array<i64: 128, 128>}, {pipeline_mode = #tpu.pipeline_mode<synchronous>, transform_indices = @transform_8, window_bounds = array<i64: 1, 128>}, {pipeline_mode = #tpu.pipeline_mode<synchronous>, transform_indices = @transform_9, window_bounds = array<i64: 128, 128>}, {pipeline_mode = #tpu.pipeline_mode<synchronous>, transform_indices = @transform_10, window_bounds = array<i64: 1, 128>}, {transform_indices = @transform_11, window_bounds = array<i64: 1000, 128>}, {transform_indices = @transform_12, window_bounds = array<i64: 1000, 128>}, {transform_indices = @transform_13, window_bounds = array<i64: 1000, 128>}]} {
    %get3A = arith.constant 0 : index
    %get3A_0 = arith.constant 0 : index
    %get3A_1 = vector.load %arg1[%get3A, %get3A_0] : memref<1000x128xf32, #tpu.memory_space<vmem>>, vector<1000x128xf32>
    %get3A_2 = arith.constant 0 : index
    %get3A_3 = arith.constant 0 : index
    %get3A_4 = vector.load %arg2[%get3A_2, %get3A_3] : memref<128x128xf32, #tpu.memory_space<vmem>>, vector<128x128xf32>
    %dot_general3A = arith.constant dense<0.000000e+00> : vector<1000x128xf32>
    %dot_general3A_5 = tpu.matmul %get3A_1, %get3A_4, %dot_general3A {dimension_numbers = #tpu.dot_dimension_numbers<[1], [0], [0], [1], [0, 0, 1, 1], [], []>, transpose_lhs_hint = false} : vector<1000x128xf32>, vector<128x128xf32>, vector<1000x128xf32> -> vector<1000x128xf32>
    %get3A_6 = arith.constant 0 : index
    %get3A_7 = arith.constant 0 : index
    %get3A_8 = vector.load %arg3[%get3A_6, %get3A_7] : memref<1x128xf32, #tpu.memory_space<vmem>>, vector<1x128xf32>
    %add3A = vector.broadcast %get3A_8 : vector<1x128xf32> to vector<1000x128xf32>
    %add3A_9 = arith.addf %dot_general3A_5, %add3A : vector<1000x128xf32>
    %max3A = arith.constant 0.000000e+00 : f32
    %max3A_10 = vector.broadcast %max3A : f32 to vector<1000x128xf32>
    %max3A_11 = arith.maximumf %add3A_9, %max3A_10 : vector<1000x128xf32>
    %swap3A = arith.constant 0 : index
    %swap3A_12 = arith.constant 0 : index
    %swap3A_13 = vector.load %arg12[%swap3A, %swap3A_12] : memref<1000x128xf32, #tpu.memory_space<vmem>>, vector<1000x128xf32>
    tpu.vector_store %arg12[%swap3A, %swap3A_12], %max3A_11 {strides = array<i32>} : memref<1000x128xf32, #tpu.memory_space<vmem>>, vector<1000x128xf32>,
    %get3A_14 = arith.constant 0 : index
    %get3A_15 = arith.constant 0 : index
    %get3A_16 = vector.load %arg4[%get3A_14, %get3A_15] : memref<128x128xf32, #tpu.memory_space<vmem>>, vector<128x128xf32>
    %dot_general3A_17 = arith.constant dense<0.000000e+00> : vector<1000x128xf32>
    %dot_general3A_18 = tpu.matmul %max3A_11, %get3A_16, %dot_general3A_17 {dimension_numbers = #tpu.dot_dimension_numbers<[1], [0], [0], [1], [0, 0, 1, 1], [], []>, transpose_lhs_hint = false} : vector<1000x128xf32>, vector<128x128xf32>, vector<1000x128xf32> -> vector<1000x128xf32>
    %get3A_19 = arith.constant 0 : index
    %get3A_20 = arith.constant 0 : index
    %get3A_21 = vector.load %arg5[%get3A_19, %get3A_20] : memref<1x128xf32, #tpu.memory_space<vmem>>, vector<1x128xf32>
    %add3A_22 = vector.broadcast %get3A_21 : vector<1x128xf32> to vector<1000x128xf32>
    %add3A_23 = arith.addf %dot_general3A_18, %add3A_22 : vector<1000x128xf32>
    %max3A_24 = arith.constant 0.000000e+00 : f32
    %max3A_25 = vector.broadcast %max3A_24 : f32 to vector<1000x128xf32>
    %max3A_26 = arith.maximumf %add3A_23, %max3A_25 : vector<1000x128xf32>
    %get3A_27 = arith.constant 0 : index
    %get3A_28 = arith.constant 0 : index
    %get3A_29 = vector.load %arg6[%get3A_27, %get3A_28] : memref<128x128xf32, #tpu.memory_space<vmem>>, vector<128x128xf32>
    %dot_general3A_30 = arith.constant dense<0.000000e+00> : vector<1000x128xf32>
    %dot_general3A_31 = tpu.matmul %max3A_26, %get3A_29, %dot_general3A_30 {dimension_numbers = #tpu.dot_dimension_numbers<[1], [0], [0], [1], [0, 0, 1, 1], [], []>, transpose_lhs_hint = false} : vector<1000x128xf32>, vector<128x128xf32>, vector<1000x128xf32> -> vector<1000x128xf32>
    %get3A_32 = arith.constant 0 : index
    %get3A_33 = arith.constant 0 : index
    %get3A_34 = vector.load %arg7[%get3A_32, %get3A_33] : memref<1x128xf32, #tpu.memory_space<vmem>>, vector<1x128xf32>
    %add3A_35 = vector.broadcast %get3A_34 : vector<1x128xf32> to vector<1000x128xf32>
    %add3A_36 = arith.addf %dot_general3A_31, %add3A_35 : vector<1000x128xf32>
    %swap3A_37 = arith.constant 0 : index
    %swap3A_38 = arith.constant 0 : index
    %swap3A_39 = vector.load %arg13[%swap3A_37, %swap3A_38] : memref<1000x128xf32, #tpu.memory_space<vmem>>, vector<1000x128xf32>
    tpu.vector_store %arg13[%swap3A_37, %swap3A_38], %add3A_36 {strides = array<i32>} : memref<1000x128xf32, #tpu.memory_space<vmem>>, vector<1000x128xf32>,
    %get3A_40 = arith.constant 0 : index
    %get3A_41 = arith.constant 0 : index
    %get3A_42 = vector.load %arg8[%get3A_40, %get3A_41] : memref<128x128xf32, #tpu.memory_space<vmem>>, vector<128x128xf32>
    %dot_general3A_43 = arith.constant dense<0.000000e+00> : vector<1000x128xf32>
    %dot_general3A_44 = tpu.matmul %max3A_11, %get3A_42, %dot_general3A_43 {dimension_numbers = #tpu.dot_dimension_numbers<[1], [0], [0], [1], [0, 0, 1, 1], [], []>, transpose_lhs_hint = false} : vector<1000x128xf32>, vector<128x128xf32>, vector<1000x128xf32> -> vector<1000x128xf32>
    %get3A_45 = arith.constant 0 : index
    %get3A_46 = arith.constant 0 : index
    %get3A_47 = vector.load %arg9[%get3A_45, %get3A_46] : memref<1x128xf32, #tpu.memory_space<vmem>>, vector<1x128xf32>
    %add3A_48 = vector.broadcast %get3A_47 : vector<1x128xf32> to vector<1000x128xf32>
    %add3A_49 = arith.addf %dot_general3A_44, %add3A_48 : vector<1000x128xf32>
    %max3A_50 = arith.constant 0.000000e+00 : f32
    %max3A_51 = vector.broadcast %max3A_50 : f32 to vector<1000x128xf32>
    %max3A_52 = arith.maximumf %add3A_49, %max3A_51 : vector<1000x128xf32>
    %get3A_53 = arith.constant 0 : index
    %get3A_54 = arith.constant 0 : index
    %get3A_55 = vector.load %arg10[%get3A_53, %get3A_54] : memref<128x128xf32, #tpu.memory_space<vmem>>, vector<128x128xf32>
    %dot_general3A_56 = arith.constant dense<0.000000e+00> : vector<1000x128xf32>
    %dot_general3A_57 = tpu.matmul %max3A_52, %get3A_55, %dot_general3A_56 {dimension_numbers = #tpu.dot_dimension_numbers<[1], [0], [0], [1], [0, 0, 1, 1], [], []>, transpose_lhs_hint = false} : vector<1000x128xf32>, vector<128x128xf32>, vector<1000x128xf32> -> vector<1000x128xf32>
    %get3A_58 = arith.constant 0 : index
    %get3A_59 = arith.constant 0 : index
    %get3A_60 = vector.load %arg11[%get3A_58, %get3A_59] : memref<1x128xf32, #tpu.memory_space<vmem>>, vector<1x128xf32>
    %add3A_61 = vector.broadcast %get3A_60 : vector<1x128xf32> to vector<1000x128xf32>
    %add3A_62 = arith.addf %dot_general3A_57, %add3A_61 : vector<1000x128xf32>
    %swap3A_63 = arith.constant 0 : index
    %swap3A_64 = arith.constant 0 : index
    %swap3A_65 = vector.load %arg14[%swap3A_63, %swap3A_64] : memref<1000x128xf32, #tpu.memory_space<vmem>>, vector<1000x128xf32>
    tpu.vector_store %arg14[%swap3A_63, %swap3A_64], %add3A_62 {strides = array<i32>} : memref<1000x128xf32, #tpu.memory_space<vmem>>, vector<1000x128xf32>,
    return
  }
  func.func @transform_0(%arg0: i32) -> (i32, i32) {
    %c0_i32 = arith.constant 0 : i32
    %c0_i32_0 = arith.constant 0 : i32
    return %arg0, %c0_i32 : i32, i32
  }
  func.func @transform_1(%arg0: i32) -> (i32, i32) {
    %c0_i32 = arith.constant 0 : i32
    %c0_i32_0 = arith.constant 0 : i32
    %c0_i32_1 = arith.constant 0 : i32
    return %c0_i32, %c0_i32_0 : i32, i32
  }
  func.func @transform_2(%arg0: i32) -> (i32, i32) {
    %c0_i32 = arith.constant 0 : i32
    %c0_i32_0 = arith.constant 0 : i32
    %c0_i32_1 = arith.constant 0 : i32
    return %c0_i32, %c0_i32_0 : i32, i32
  }
  func.func @transform_3(%arg0: i32) -> (i32, i32) {
    %c0_i32 = arith.constant 0 : i32
    %c0_i32_0 = arith.constant 0 : i32
    %c0_i32_1 = arith.constant 0 : i32
    return %c0_i32, %c0_i32_0 : i32, i32
  }
  func.func @transform_4(%arg0: i32) -> (i32, i32) {
    %c0_i32 = arith.constant 0 : i32
    %c0_i32_0 = arith.constant 0 : i32
    %c0_i32_1 = arith.constant 0 : i32
    return %c0_i32, %c0_i32_0 : i32, i32
  }
  func.func @transform_5(%arg0: i32) -> (i32, i32) {
    %c0_i32 = arith.constant 0 : i32
    %c0_i32_0 = arith.constant 0 : i32
    %c0_i32_1 = arith.constant 0 : i32
    return %c0_i32, %c0_i32_0 : i32, i32
  }
  func.func @transform_6(%arg0: i32) -> (i32, i32) {
    %c0_i32 = arith.constant 0 : i32
    %c0_i32_0 = arith.constant 0 : i32
    %c0_i32_1 = arith.constant 0 : i32
    return %c0_i32, %c0_i32_0 : i32, i32
  }
  func.func @transform_7(%arg0: i32) -> (i32, i32) {
    %c0_i32 = arith.constant 0 : i32
    %c0_i32_0 = arith.constant 0 : i32
    %c0_i32_1 = arith.constant 0 : i32
    return %c0_i32, %c0_i32_0 : i32, i32
  }
  func.func @transform_8(%arg0: i32) -> (i32, i32) {
    %c0_i32 = arith.constant 0 : i32
    %c0_i32_0 = arith.constant 0 : i32
    %c0_i32_1 = arith.constant 0 : i32
    return %c0_i32, %c0_i32_0 : i32, i32
  }
  func.func @transform_9(%arg0: i32) -> (i32, i32) {
    %c0_i32 = arith.constant 0 : i32
    %c0_i32_0 = arith.constant 0 : i32
    %c0_i32_1 = arith.constant 0 : i32
    return %c0_i32, %c0_i32_0 : i32, i32
  }
  func.func @transform_10(%arg0: i32) -> (i32, i32) {
    %c0_i32 = arith.constant 0 : i32
    %c0_i32_0 = arith.constant 0 : i32
    %c0_i32_1 = arith.constant 0 : i32
    return %c0_i32, %c0_i32_0 : i32, i32
  }
  func.func @transform_11(%arg0: i32) -> (i32, i32) {
    %c0_i32 = arith.constant 0 : i32
    %c0_i32_0 = arith.constant 0 : i32
    return %arg0, %c0_i32 : i32, i32
  }
  func.func @transform_12(%arg0: i32) -> (i32, i32) {
    %c0_i32 = arith.constant 0 : i32
    %c0_i32_0 = arith.constant 0 : i32
    return %arg0, %c0_i32 : i32, i32
  }
  func.func @transform_13(%arg0: i32) -> (i32, i32) {
    %c0_i32 = arith.constant 0 : i32
    %c0_i32_0 = arith.constant 0 : i32
    return %arg0, %c0_i32 : i32, i32
  }
}

module attributes {stable_mosaic.version = 14 : i64} {
  func.func @_tc2_body(%arg0: i32, %arg1: memref<1000x128xf32, #tpu.memory_space<vmem>>, %arg2: memref<2x1000x128xf32, #tpu.memory_space<vmem>>, %arg3: memref<128x128xf32, #tpu.memory_space<vmem>>, %arg4: memref<128x128xf32, #tpu.memory_space<vmem>>, %arg5: memref<1x128xf32, #tpu.memory_space<vmem>>, %arg6: memref<128x128xf32, #tpu.memory_space<vmem>>, %arg7: memref<1x128xf32, #tpu.memory_space<vmem>>, %arg8: memref<128x128xf32, #tpu.memory_space<vmem>>, %arg9: memref<1x128xf32, #tpu.memory_space<vmem>>, %arg10: memref<128x128xf32, #tpu.memory_space<vmem>>, %arg11: memref<1x128xf32, #tpu.memory_space<vmem>>, %arg12: memref<128x128xf32, #tpu.memory_space<vmem>>, %arg13: memref<1x128xf32, #tpu.memory_space<vmem>>, %arg14: memref<128x128xf32, #tpu.memory_space<vmem>>, %arg15: memref<1x128xf32, #tpu.memory_space<vmem>>, %arg16: memref<1000x128xf32, #tpu.memory_space<vmem>>, %arg17: memref<1000x128xf32, #tpu.memory_space<vmem>>, %arg18: memref<1000x128xf32, #tpu.memory_space<vmem>>) attributes {dimension_semantics = [#tpu.dimension_semantics<arbitrary>], iteration_bounds = array<i64: 10>, scalar_prefetch = 0 : i64, scratch_operands = 0 : i64, tpu.core_type = #tpu.core_type<tc>, window_params = [{transform_indices = @transform_0, window_bounds = array<i64: 1000, 128>}, {transform_indices = @transform_1, window_bounds = array<i64: 2, 1000, 128>}, {pipeline_mode = #tpu.pipeline_mode<synchronous>, transform_indices = @transform_2, window_bounds = array<i64: 128, 128>}, {pipeline_mode = #tpu.pipeline_mode<synchronous>, transform_indices = @transform_3, window_bounds = array<i64: 128, 128>}, {pipeline_mode = #tpu.pipeline_mode<synchronous>, transform_indices = @transform_4, window_bounds = array<i64: 1, 128>}, {pipeline_mode = #tpu.pipeline_mode<synchronous>, transform_indices = @transform_5, window_bounds = array<i64: 128, 128>}, {pipeline_mode = #tpu.pipeline_mode<synchronous>, transform_indices = @transform_6, window_bounds = array<i64: 1, 128>}, {pipeline_mode = #tpu.pipeline_mode<synchronous>, transform_indices = @transform_7, window_bounds = array<i64: 128, 128>}, {pipeline_mode = #tpu.pipeline_mode<synchronous>, transform_indices = @transform_8, window_bounds = array<i64: 1, 128>}, {pipeline_mode = #tpu.pipeline_mode<synchronous>, transform_indices = @transform_9, window_bounds = array<i64: 128, 128>}, {pipeline_mode = #tpu.pipeline_mode<synchronous>, transform_indices = @transform_10, window_bounds = array<i64: 1, 128>}, {pipeline_mode = #tpu.pipeline_mode<synchronous>, transform_indices = @transform_11, window_bounds = array<i64: 128, 128>}, {pipeline_mode = #tpu.pipeline_mode<synchronous>, transform_indices = @transform_12, window_bounds = array<i64: 1, 128>}, {pipeline_mode = #tpu.pipeline_mode<synchronous>, transform_indices = @transform_13, window_bounds = array<i64: 128, 128>}, {pipeline_mode = #tpu.pipeline_mode<synchronous>, transform_indices = @transform_14, window_bounds = array<i64: 1, 128>}, {transform_indices = @transform_15, window_bounds = array<i64: 1000, 128>}, {transform_indices = @transform_16, window_bounds = array<i64: 1000, 128>}, {transform_indices = @transform_17, window_bounds = array<i64: 1000, 128>}]} {
    %get3A = arith.constant 0 : index
    %get3A_0 = arith.constant 0 : index
    %get3A_1 = arith.constant 0 : index
    %get3A_2 = vector.load %arg2[%get3A, %get3A_0, %get3A_1] : memref<2x1000x128xf32, #tpu.memory_space<vmem>>, vector<1x1000x128xf32>
    %get3A_3 = vector.shape_cast %get3A_2 : vector<1x1000x128xf32> to vector<1000x128xf32>
    %get3A_4 = arith.constant 1 : index
    %get3A_5 = arith.constant 0 : index
    %get3A_6 = arith.constant 0 : index
    %get3A_7 = vector.load %arg2[%get3A_4, %get3A_5, %get3A_6] : memref<2x1000x128xf32, #tpu.memory_space<vmem>>, vector<1x1000x128xf32>
    %get3A_8 = vector.shape_cast %get3A_7 : vector<1x1000x128xf32> to vector<1000x128xf32>
    %add3A = arith.addf %get3A_3, %get3A_8 : vector<1000x128xf32>
    %get3A_9 = arith.constant 0 : index
    %get3A_10 = arith.constant 0 : index
    %get3A_11 = vector.load %arg1[%get3A_9, %get3A_10] : memref<1000x128xf32, #tpu.memory_space<vmem>>, vector<1000x128xf32>
    %get3A_12 = arith.constant 0 : index
    %get3A_13 = arith.constant 0 : index
    %get3A_14 = vector.load %arg3[%get3A_12, %get3A_13] : memref<128x128xf32, #tpu.memory_space<vmem>>, vector<128x128xf32>
    %dot_general3A = arith.constant dense<0.000000e+00> : vector<1000x128xf32>
    %dot_general3A_15 = tpu.matmul %get3A_11, %get3A_14, %dot_general3A {dimension_numbers = #tpu.dot_dimension_numbers<[1], [0], [0], [1], [0, 0, 1, 1], [], []>, transpose_lhs_hint = false} : vector<1000x128xf32>, vector<128x128xf32>, vector<1000x128xf32> -> vector<1000x128xf32>
    %get3A_16 = arith.constant 0 : index
    %get3A_17 = arith.constant 0 : index
    %get3A_18 = vector.load %arg4[%get3A_16, %get3A_17] : memref<128x128xf32, #tpu.memory_space<vmem>>, vector<128x128xf32>
    %dot_general3A_19 = arith.constant dense<0.000000e+00> : vector<1000x128xf32>
    %dot_general3A_20 = tpu.matmul %add3A, %get3A_18, %dot_general3A_19 {dimension_numbers = #tpu.dot_dimension_numbers<[1], [0], [0], [1], [0, 0, 1, 1], [], []>, transpose_lhs_hint = false} : vector<1000x128xf32>, vector<128x128xf32>, vector<1000x128xf32> -> vector<1000x128xf32>
    %add3A_21 = arith.addf %dot_general3A_15, %dot_general3A_20 : vector<1000x128xf32>
    %get3A_22 = arith.constant 0 : index
    %get3A_23 = arith.constant 0 : index
    %get3A_24 = vector.load %arg5[%get3A_22, %get3A_23] : memref<1x128xf32, #tpu.memory_space<vmem>>, vector<1x128xf32>
    %add3A_25 = vector.broadcast %get3A_24 : vector<1x128xf32> to vector<1000x128xf32>
    %add3A_26 = arith.addf %add3A_21, %add3A_25 : vector<1000x128xf32>
    %max3A = arith.constant 0.000000e+00 : f32
    %max3A_27 = vector.broadcast %max3A : f32 to vector<1000x128xf32>
    %max3A_28 = arith.maximumf %add3A_26, %max3A_27 : vector<1000x128xf32>
    %get3A_29 = arith.constant 0 : index
    %get3A_30 = arith.constant 0 : index
    %get3A_31 = vector.load %arg6[%get3A_29, %get3A_30] : memref<128x128xf32, #tpu.memory_space<vmem>>, vector<128x128xf32>
    %dot_general3A_32 = arith.constant dense<0.000000e+00> : vector<1000x128xf32>
    %dot_general3A_33 = tpu.matmul %max3A_28, %get3A_31, %dot_general3A_32 {dimension_numbers = #tpu.dot_dimension_numbers<[1], [0], [0], [1], [0, 0, 1, 1], [], []>, transpose_lhs_hint = false} : vector<1000x128xf32>, vector<128x128xf32>, vector<1000x128xf32> -> vector<1000x128xf32>
    %get3A_34 = arith.constant 0 : index
    %get3A_35 = arith.constant 0 : index
    %get3A_36 = vector.load %arg7[%get3A_34, %get3A_35] : memref<1x128xf32, #tpu.memory_space<vmem>>, vector<1x128xf32>
    %add3A_37 = vector.broadcast %get3A_36 : vector<1x128xf32> to vector<1000x128xf32>
    %add3A_38 = arith.addf %dot_general3A_33, %add3A_37 : vector<1000x128xf32>
    %swap3A = arith.constant 0 : index
    %swap3A_39 = arith.constant 0 : index
    %swap3A_40 = vector.load %arg16[%swap3A, %swap3A_39] : memref<1000x128xf32, #tpu.memory_space<vmem>>, vector<1000x128xf32>
    tpu.vector_store %arg16[%swap3A, %swap3A_39], %add3A_38 {strides = array<i32>} : memref<1000x128xf32, #tpu.memory_space<vmem>>, vector<1000x128xf32>,
    %get3A_41 = arith.constant 0 : index
    %get3A_42 = arith.constant 0 : index
    %get3A_43 = vector.load %arg8[%get3A_41, %get3A_42] : memref<128x128xf32, #tpu.memory_space<vmem>>, vector<128x128xf32>
    %dot_general3A_44 = arith.constant dense<0.000000e+00> : vector<1000x128xf32>
    %dot_general3A_45 = tpu.matmul %add3A_38, %get3A_43, %dot_general3A_44 {dimension_numbers = #tpu.dot_dimension_numbers<[1], [0], [0], [1], [0, 0, 1, 1], [], []>, transpose_lhs_hint = false} : vector<1000x128xf32>, vector<128x128xf32>, vector<1000x128xf32> -> vector<1000x128xf32>
    %get3A_46 = arith.constant 0 : index
    %get3A_47 = arith.constant 0 : index
    %get3A_48 = vector.load %arg9[%get3A_46, %get3A_47] : memref<1x128xf32, #tpu.memory_space<vmem>>, vector<1x128xf32>
    %add3A_49 = vector.broadcast %get3A_48 : vector<1x128xf32> to vector<1000x128xf32>
    %add3A_50 = arith.addf %dot_general3A_45, %add3A_49 : vector<1000x128xf32>
    %max3A_51 = arith.constant 0.000000e+00 : f32
    %max3A_52 = vector.broadcast %max3A_51 : f32 to vector<1000x128xf32>
    %max3A_53 = arith.maximumf %add3A_50, %max3A_52 : vector<1000x128xf32>
    %get3A_54 = arith.constant 0 : index
    %get3A_55 = arith.constant 0 : index
    %get3A_56 = vector.load %arg10[%get3A_54, %get3A_55] : memref<128x128xf32, #tpu.memory_space<vmem>>, vector<128x128xf32>
    %dot_general3A_57 = arith.constant dense<0.000000e+00> : vector<1000x128xf32>
    %dot_general3A_58 = tpu.matmul %max3A_53, %get3A_56, %dot_general3A_57 {dimension_numbers = #tpu.dot_dimension_numbers<[1], [0], [0], [1], [0, 0, 1, 1], [], []>, transpose_lhs_hint = false} : vector<1000x128xf32>, vector<128x128xf32>, vector<1000x128xf32> -> vector<1000x128xf32>
    %get3A_59 = arith.constant 0 : index
    %get3A_60 = arith.constant 0 : index
    %get3A_61 = vector.load %arg11[%get3A_59, %get3A_60] : memref<1x128xf32, #tpu.memory_space<vmem>>, vector<1x128xf32>
    %add3A_62 = vector.broadcast %get3A_61 : vector<1x128xf32> to vector<1000x128xf32>
    %add3A_63 = arith.addf %dot_general3A_58, %add3A_62 : vector<1000x128xf32>
    %swap3A_64 = arith.constant 0 : index
    %swap3A_65 = arith.constant 0 : index
    %swap3A_66 = vector.load %arg17[%swap3A_64, %swap3A_65] : memref<1000x128xf32, #tpu.memory_space<vmem>>, vector<1000x128xf32>
    tpu.vector_store %arg17[%swap3A_64, %swap3A_65], %add3A_63 {strides = array<i32>} : memref<1000x128xf32, #tpu.memory_space<vmem>>, vector<1000x128xf32>,
    %get3A_67 = arith.constant 0 : index
    %get3A_68 = arith.constant 0 : index
    %get3A_69 = vector.load %arg12[%get3A_67, %get3A_68] : memref<128x128xf32, #tpu.memory_space<vmem>>, vector<128x128xf32>
    %dot_general3A_70 = arith.constant dense<0.000000e+00> : vector<1000x128xf32>
    %dot_general3A_71 = tpu.matmul %add3A_38, %get3A_69, %dot_general3A_70 {dimension_numbers = #tpu.dot_dimension_numbers<[1], [0], [0], [1], [0, 0, 1, 1], [], []>, transpose_lhs_hint = false} : vector<1000x128xf32>, vector<128x128xf32>, vector<1000x128xf32> -> vector<1000x128xf32>
    %get3A_72 = arith.constant 0 : index
    %get3A_73 = arith.constant 0 : index
    %get3A_74 = vector.load %arg13[%get3A_72, %get3A_73] : memref<1x128xf32, #tpu.memory_space<vmem>>, vector<1x128xf32>
    %add3A_75 = vector.broadcast %get3A_74 : vector<1x128xf32> to vector<1000x128xf32>
    %add3A_76 = arith.addf %dot_general3A_71, %add3A_75 : vector<1000x128xf32>
    %max3A_77 = arith.constant 0.000000e+00 : f32
    %max3A_78 = vector.broadcast %max3A_77 : f32 to vector<1000x128xf32>
    %max3A_79 = arith.maximumf %add3A_76, %max3A_78 : vector<1000x128xf32>
    %get3A_80 = arith.constant 0 : index
    %get3A_81 = arith.constant 0 : index
    %get3A_82 = vector.load %arg14[%get3A_80, %get3A_81] : memref<128x128xf32, #tpu.memory_space<vmem>>, vector<128x128xf32>
    %dot_general3A_83 = arith.constant dense<0.000000e+00> : vector<1000x128xf32>
    %dot_general3A_84 = tpu.matmul %max3A_79, %get3A_82, %dot_general3A_83 {dimension_numbers = #tpu.dot_dimension_numbers<[1], [0], [0], [1], [0, 0, 1, 1], [], []>, transpose_lhs_hint = false} : vector<1000x128xf32>, vector<128x128xf32>, vector<1000x128xf32> -> vector<1000x128xf32>
    %get3A_85 = arith.constant 0 : index
    %get3A_86 = arith.constant 0 : index
    %get3A_87 = vector.load %arg15[%get3A_85, %get3A_86] : memref<1x128xf32, #tpu.memory_space<vmem>>, vector<1x128xf32>
    %add3A_88 = vector.broadcast %get3A_87 : vector<1x128xf32> to vector<1000x128xf32>
    %add3A_89 = arith.addf %dot_general3A_84, %add3A_88 : vector<1000x128xf32>
    %swap3A_90 = arith.constant 0 : index
    %swap3A_91 = arith.constant 0 : index
    %swap3A_92 = vector.load %arg18[%swap3A_90, %swap3A_91] : memref<1000x128xf32, #tpu.memory_space<vmem>>, vector<1000x128xf32>
    tpu.vector_store %arg18[%swap3A_90, %swap3A_91], %add3A_89 {strides = array<i32>} : memref<1000x128xf32, #tpu.memory_space<vmem>>, vector<1000x128xf32>,
    return
  }
  func.func @transform_0(%arg0: i32) -> (i32, i32) {
    %c0_i32 = arith.constant 0 : i32
    %c0_i32_0 = arith.constant 0 : i32
    return %arg0, %c0_i32 : i32, i32
  }
  func.func @transform_1(%arg0: i32) -> (i32, i32, i32) {
    %c0_i32 = arith.constant 0 : i32
    %c0_i32_0 = arith.constant 0 : i32
    %c0_i32_1 = arith.constant 0 : i32
    return %c0_i32, %arg0, %c0_i32_0 : i32, i32, i32
  }
  func.func @transform_2(%arg0: i32) -> (i32, i32) {
    %c0_i32 = arith.constant 0 : i32
    %c0_i32_0 = arith.constant 0 : i32
    %c0_i32_1 = arith.constant 0 : i32
    return %c0_i32, %c0_i32_0 : i32, i32
  }
  func.func @transform_3(%arg0: i32) -> (i32, i32) {
    %c0_i32 = arith.constant 0 : i32
    %c0_i32_0 = arith.constant 0 : i32
    %c0_i32_1 = arith.constant 0 : i32
    return %c0_i32, %c0_i32_0 : i32, i32
  }
  func.func @transform_4(%arg0: i32) -> (i32, i32) {
    %c0_i32 = arith.constant 0 : i32
    %c0_i32_0 = arith.constant 0 : i32
    %c0_i32_1 = arith.constant 0 : i32
    return %c0_i32, %c0_i32_0 : i32, i32
  }
  func.func @transform_5(%arg0: i32) -> (i32, i32) {
    %c0_i32 = arith.constant 0 : i32
    %c0_i32_0 = arith.constant 0 : i32
    %c0_i32_1 = arith.constant 0 : i32
    return %c0_i32, %c0_i32_0 : i32, i32
  }
  func.func @transform_6(%arg0: i32) -> (i32, i32) {
    %c0_i32 = arith.constant 0 : i32
    %c0_i32_0 = arith.constant 0 : i32
    %c0_i32_1 = arith.constant 0 : i32
    return %c0_i32, %c0_i32_0 : i32, i32
  }
  func.func @transform_7(%arg0: i32) -> (i32, i32) {
    %c0_i32 = arith.constant 0 : i32
    %c0_i32_0 = arith.constant 0 : i32
    %c0_i32_1 = arith.constant 0 : i32
    return %c0_i32, %c0_i32_0 : i32, i32
  }
  func.func @transform_8(%arg0: i32) -> (i32, i32) {
    %c0_i32 = arith.constant 0 : i32
    %c0_i32_0 = arith.constant 0 : i32
    %c0_i32_1 = arith.constant 0 : i32
    return %c0_i32, %c0_i32_0 : i32, i32
  }
  func.func @transform_9(%arg0: i32) -> (i32, i32) {
    %c0_i32 = arith.constant 0 : i32
    %c0_i32_0 = arith.constant 0 : i32
    %c0_i32_1 = arith.constant 0 : i32
    return %c0_i32, %c0_i32_0 : i32, i32
  }
  func.func @transform_10(%arg0: i32) -> (i32, i32) {
    %c0_i32 = arith.constant 0 : i32
    %c0_i32_0 = arith.constant 0 : i32
    %c0_i32_1 = arith.constant 0 : i32
    return %c0_i32, %c0_i32_0 : i32, i32
  }
  func.func @transform_11(%arg0: i32) -> (i32, i32) {
    %c0_i32 = arith.constant 0 : i32
    %c0_i32_0 = arith.constant 0 : i32
    %c0_i32_1 = arith.constant 0 : i32
    return %c0_i32, %c0_i32_0 : i32, i32
  }
  func.func @transform_12(%arg0: i32) -> (i32, i32) {
    %c0_i32 = arith.constant 0 : i32
    %c0_i32_0 = arith.constant 0 : i32
    %c0_i32_1 = arith.constant 0 : i32
    return %c0_i32, %c0_i32_0 : i32, i32
  }
  func.func @transform_13(%arg0: i32) -> (i32, i32) {
    %c0_i32 = arith.constant 0 : i32
    %c0_i32_0 = arith.constant 0 : i32
    %c0_i32_1 = arith.constant 0 : i32
    return %c0_i32, %c0_i32_0 : i32, i32
  }
  func.func @transform_14(%arg0: i32) -> (i32, i32) {
    %c0_i32 = arith.constant 0 : i32
    %c0_i32_0 = arith.constant 0 : i32
    %c0_i32_1 = arith.constant 0 : i32
    return %c0_i32, %c0_i32_0 : i32, i32
  }
  func.func @transform_15(%arg0: i32) -> (i32, i32) {
    %c0_i32 = arith.constant 0 : i32
    %c0_i32_0 = arith.constant 0 : i32
    return %arg0, %c0_i32 : i32, i32
  }
  func.func @transform_16(%arg0: i32) -> (i32, i32) {
    %c0_i32 = arith.constant 0 : i32
    %c0_i32_0 = arith.constant 0 : i32
    return %arg0, %c0_i32 : i32, i32
  }
  func.func @transform_17(%arg0: i32) -> (i32, i32) {
    %c0_i32 = arith.constant 0 : i32
    %c0_i32_0 = arith.constant 0 : i32
    return %arg0, %c0_i32 : i32, i32
  }
}

module attributes {stable_mosaic.version = 14 : i64} {
  func.func @_tc3_body(%arg0: i32, %arg1: memref<1000x128xf32, #tpu.memory_space<vmem>>, %arg2: memref<2x1000x128xf32, #tpu.memory_space<vmem>>, %arg3: memref<128x128xf32, #tpu.memory_space<vmem>>, %arg4: memref<128x128xf32, #tpu.memory_space<vmem>>, %arg5: memref<1x128xf32, #tpu.memory_space<vmem>>, %arg6: memref<128x128xf32, #tpu.memory_space<vmem>>, %arg7: memref<1x128xf32, #tpu.memory_space<vmem>>, %arg8: memref<128x128xf32, #tpu.memory_space<vmem>>, %arg9: memref<1x128xf32, #tpu.memory_space<vmem>>, %arg10: memref<128x40xf32, #tpu.memory_space<vmem>>, %arg11: memref<1x40xf32, #tpu.memory_space<vmem>>, %arg12: memref<1000x40xf32, #tpu.memory_space<vmem>>) attributes {dimension_semantics = [#tpu.dimension_semantics<arbitrary>], iteration_bounds = array<i64: 10>, scalar_prefetch = 0 : i64, scratch_operands = 0 : i64, tpu.core_type = #tpu.core_type<tc>, window_params = [{transform_indices = @transform_0, window_bounds = array<i64: 1000, 128>}, {transform_indices = @transform_1, window_bounds = array<i64: 2, 1000, 128>}, {pipeline_mode = #tpu.pipeline_mode<synchronous>, transform_indices = @transform_2, window_bounds = array<i64: 128, 128>}, {pipeline_mode = #tpu.pipeline_mode<synchronous>, transform_indices = @transform_3, window_bounds = array<i64: 128, 128>}, {pipeline_mode = #tpu.pipeline_mode<synchronous>, transform_indices = @transform_4, window_bounds = array<i64: 1, 128>}, {pipeline_mode = #tpu.pipeline_mode<synchronous>, transform_indices = @transform_5, window_bounds = array<i64: 128, 128>}, {pipeline_mode = #tpu.pipeline_mode<synchronous>, transform_indices = @transform_6, window_bounds = array<i64: 1, 128>}, {pipeline_mode = #tpu.pipeline_mode<synchronous>, transform_indices = @transform_7, window_bounds = array<i64: 128, 128>}, {pipeline_mode = #tpu.pipeline_mode<synchronous>, transform_indices = @transform_8, window_bounds = array<i64: 1, 128>}, {pipeline_mode = #tpu.pipeline_mode<synchronous>, transform_indices = @transform_9, window_bounds = array<i64: 128, 40>}, {pipeline_mode = #tpu.pipeline_mode<synchronous>, transform_indices = @transform_10, window_bounds = array<i64: 1, 40>}, {transform_indices = @transform_11, window_bounds = array<i64: 1000, 40>}]} {
    %get3A = arith.constant 0 : index
    %get3A_0 = arith.constant 0 : index
    %get3A_1 = arith.constant 0 : index
    %get3A_2 = vector.load %arg2[%get3A, %get3A_0, %get3A_1] : memref<2x1000x128xf32, #tpu.memory_space<vmem>>, vector<1x1000x128xf32>
    %get3A_3 = vector.shape_cast %get3A_2 : vector<1x1000x128xf32> to vector<1000x128xf32>
    %get3A_4 = arith.constant 1 : index
    %get3A_5 = arith.constant 0 : index
    %get3A_6 = arith.constant 0 : index
    %get3A_7 = vector.load %arg2[%get3A_4, %get3A_5, %get3A_6] : memref<2x1000x128xf32, #tpu.memory_space<vmem>>, vector<1x1000x128xf32>
    %get3A_8 = vector.shape_cast %get3A_7 : vector<1x1000x128xf32> to vector<1000x128xf32>
    %add3A = arith.addf %get3A_3, %get3A_8 : vector<1000x128xf32>
    %get3A_9 = arith.constant 0 : index
    %get3A_10 = arith.constant 0 : index
    %get3A_11 = vector.load %arg1[%get3A_9, %get3A_10] : memref<1000x128xf32, #tpu.memory_space<vmem>>, vector<1000x128xf32>
    %get3A_12 = arith.constant 0 : index
    %get3A_13 = arith.constant 0 : index
    %get3A_14 = vector.load %arg3[%get3A_12, %get3A_13] : memref<128x128xf32, #tpu.memory_space<vmem>>, vector<128x128xf32>
    %dot_general3A = arith.constant dense<0.000000e+00> : vector<1000x128xf32>
    %dot_general3A_15 = tpu.matmul %get3A_11, %get3A_14, %dot_general3A {dimension_numbers = #tpu.dot_dimension_numbers<[1], [0], [0], [1], [0, 0, 1, 1], [], []>, transpose_lhs_hint = false} : vector<1000x128xf32>, vector<128x128xf32>, vector<1000x128xf32> -> vector<1000x128xf32>
    %get3A_16 = arith.constant 0 : index
    %get3A_17 = arith.constant 0 : index
    %get3A_18 = vector.load %arg4[%get3A_16, %get3A_17] : memref<128x128xf32, #tpu.memory_space<vmem>>, vector<128x128xf32>
    %dot_general3A_19 = arith.constant dense<0.000000e+00> : vector<1000x128xf32>
    %dot_general3A_20 = tpu.matmul %add3A, %get3A_18, %dot_general3A_19 {dimension_numbers = #tpu.dot_dimension_numbers<[1], [0], [0], [1], [0, 0, 1, 1], [], []>, transpose_lhs_hint = false} : vector<1000x128xf32>, vector<128x128xf32>, vector<1000x128xf32> -> vector<1000x128xf32>
    %add3A_21 = arith.addf %dot_general3A_15, %dot_general3A_20 : vector<1000x128xf32>
    %get3A_22 = arith.constant 0 : index
    %get3A_23 = arith.constant 0 : index
    %get3A_24 = vector.load %arg5[%get3A_22, %get3A_23] : memref<1x128xf32, #tpu.memory_space<vmem>>, vector<1x128xf32>
    %add3A_25 = vector.broadcast %get3A_24 : vector<1x128xf32> to vector<1000x128xf32>
    %add3A_26 = arith.addf %add3A_21, %add3A_25 : vector<1000x128xf32>
    %max3A = arith.constant 0.000000e+00 : f32
    %max3A_27 = vector.broadcast %max3A : f32 to vector<1000x128xf32>
    %max3A_28 = arith.maximumf %add3A_26, %max3A_27 : vector<1000x128xf32>
    %get3A_29 = arith.constant 0 : index
    %get3A_30 = arith.constant 0 : index
    %get3A_31 = vector.load %arg6[%get3A_29, %get3A_30] : memref<128x128xf32, #tpu.memory_space<vmem>>, vector<128x128xf32>
    %dot_general3A_32 = arith.constant dense<0.000000e+00> : vector<1000x128xf32>
    %dot_general3A_33 = tpu.matmul %max3A_28, %get3A_31, %dot_general3A_32 {dimension_numbers = #tpu.dot_dimension_numbers<[1], [0], [0], [1], [0, 0, 1, 1], [], []>, transpose_lhs_hint = false} : vector<1000x128xf32>, vector<128x128xf32>, vector<1000x128xf32> -> vector<1000x128xf32>
    %get3A_34 = arith.constant 0 : index
    %get3A_35 = arith.constant 0 : index
    %get3A_36 = vector.load %arg7[%get3A_34, %get3A_35] : memref<1x128xf32, #tpu.memory_space<vmem>>, vector<1x128xf32>
    %add3A_37 = vector.broadcast %get3A_36 : vector<1x128xf32> to vector<1000x128xf32>
    %add3A_38 = arith.addf %dot_general3A_33, %add3A_37 : vector<1000x128xf32>
    %get3A_39 = arith.constant 0 : index
    %get3A_40 = arith.constant 0 : index
    %get3A_41 = vector.load %arg8[%get3A_39, %get3A_40] : memref<128x128xf32, #tpu.memory_space<vmem>>, vector<128x128xf32>
    %dot_general3A_42 = arith.constant dense<0.000000e+00> : vector<1000x128xf32>
    %dot_general3A_43 = tpu.matmul %add3A_38, %get3A_41, %dot_general3A_42 {dimension_numbers = #tpu.dot_dimension_numbers<[1], [0], [0], [1], [0, 0, 1, 1], [], []>, transpose_lhs_hint = false} : vector<1000x128xf32>, vector<128x128xf32>, vector<1000x128xf32> -> vector<1000x128xf32>
    %get3A_44 = arith.constant 0 : index
    %get3A_45 = arith.constant 0 : index
    %get3A_46 = vector.load %arg9[%get3A_44, %get3A_45] : memref<1x128xf32, #tpu.memory_space<vmem>>, vector<1x128xf32>
    %add3A_47 = vector.broadcast %get3A_46 : vector<1x128xf32> to vector<1000x128xf32>
    %add3A_48 = arith.addf %dot_general3A_43, %add3A_47 : vector<1000x128xf32>
    %max3A_49 = arith.constant 0.000000e+00 : f32
    %max3A_50 = vector.broadcast %max3A_49 : f32 to vector<1000x128xf32>
    %max3A_51 = arith.maximumf %add3A_48, %max3A_50 : vector<1000x128xf32>
    %get3A_52 = arith.constant 0 : index
    %get3A_53 = arith.constant 0 : index
    %get3A_54 = vector.load %arg10[%get3A_52, %get3A_53] : memref<128x40xf32, #tpu.memory_space<vmem>>, vector<128x40xf32>
    %dot_general3A_55 = arith.constant dense<0.000000e+00> : vector<1000x40xf32>
    %dot_general3A_56 = tpu.matmul %max3A_51, %get3A_54, %dot_general3A_55 {dimension_numbers = #tpu.dot_dimension_numbers<[1], [0], [0], [1], [0, 0, 1, 1], [], []>, transpose_lhs_hint = false} : vector<1000x128xf32>, vector<128x40xf32>, vector<1000x40xf32> -> vector<1000x40xf32>
    %get3A_57 = arith.constant 0 : index
    %get3A_58 = arith.constant 0 : index
    %get3A_59 = vector.load %arg11[%get3A_57, %get3A_58] : memref<1x40xf32, #tpu.memory_space<vmem>>, vector<1x40xf32>
    %add3A_60 = vector.broadcast %get3A_59 : vector<1x40xf32> to vector<1000x40xf32>
    %add3A_61 = arith.addf %dot_general3A_56, %add3A_60 : vector<1000x40xf32>
    %swap3A = arith.constant 0 : index
    %swap3A_62 = arith.constant 0 : index
    %swap3A_63 = vector.load %arg12[%swap3A, %swap3A_62] : memref<1000x40xf32, #tpu.memory_space<vmem>>, vector<1000x40xf32>
    tpu.vector_store %arg12[%swap3A, %swap3A_62], %add3A_61 {strides = array<i32>} : memref<1000x40xf32, #tpu.memory_space<vmem>>, vector<1000x40xf32>,
    return
  }
  func.func @transform_0(%arg0: i32) -> (i32, i32) {
    %c0_i32 = arith.constant 0 : i32
    %c0_i32_0 = arith.constant 0 : i32
    return %arg0, %c0_i32 : i32, i32
  }
  func.func @transform_1(%arg0: i32) -> (i32, i32, i32) {
    %c0_i32 = arith.constant 0 : i32
    %c0_i32_0 = arith.constant 0 : i32
    %c0_i32_1 = arith.constant 0 : i32
    return %c0_i32, %arg0, %c0_i32_0 : i32, i32, i32
  }
  func.func @transform_2(%arg0: i32) -> (i32, i32) {
    %c0_i32 = arith.constant 0 : i32
    %c0_i32_0 = arith.constant 0 : i32
    %c0_i32_1 = arith.constant 0 : i32
    return %c0_i32, %c0_i32_0 : i32, i32
  }
  func.func @transform_3(%arg0: i32) -> (i32, i32) {
    %c0_i32 = arith.constant 0 : i32
    %c0_i32_0 = arith.constant 0 : i32
    %c0_i32_1 = arith.constant 0 : i32
    return %c0_i32, %c0_i32_0 : i32, i32
  }
  func.func @transform_4(%arg0: i32) -> (i32, i32) {
    %c0_i32 = arith.constant 0 : i32
    %c0_i32_0 = arith.constant 0 : i32
    %c0_i32_1 = arith.constant 0 : i32
    return %c0_i32, %c0_i32_0 : i32, i32
  }
  func.func @transform_5(%arg0: i32) -> (i32, i32) {
    %c0_i32 = arith.constant 0 : i32
    %c0_i32_0 = arith.constant 0 : i32
    %c0_i32_1 = arith.constant 0 : i32
    return %c0_i32, %c0_i32_0 : i32, i32
  }
  func.func @transform_6(%arg0: i32) -> (i32, i32) {
    %c0_i32 = arith.constant 0 : i32
    %c0_i32_0 = arith.constant 0 : i32
    %c0_i32_1 = arith.constant 0 : i32
    return %c0_i32, %c0_i32_0 : i32, i32
  }
  func.func @transform_7(%arg0: i32) -> (i32, i32) {
    %c0_i32 = arith.constant 0 : i32
    %c0_i32_0 = arith.constant 0 : i32
    %c0_i32_1 = arith.constant 0 : i32
    return %c0_i32, %c0_i32_0 : i32, i32
  }
  func.func @transform_8(%arg0: i32) -> (i32, i32) {
    %c0_i32 = arith.constant 0 : i32
    %c0_i32_0 = arith.constant 0 : i32
    %c0_i32_1 = arith.constant 0 : i32
    return %c0_i32, %c0_i32_0 : i32, i32
  }
  func.func @transform_9(%arg0: i32) -> (i32, i32) {
    %c0_i32 = arith.constant 0 : i32
    %c0_i32_0 = arith.constant 0 : i32
    %c0_i32_1 = arith.constant 0 : i32
    return %c0_i32, %c0_i32_0 : i32, i32
  }
  func.func @transform_10(%arg0: i32) -> (i32, i32) {
    %c0_i32 = arith.constant 0 : i32
    %c0_i32_0 = arith.constant 0 : i32
    %c0_i32_1 = arith.constant 0 : i32
    return %c0_i32, %c0_i32_0 : i32, i32
  }
  func.func @transform_11(%arg0: i32) -> (i32, i32) {
    %c0_i32 = arith.constant 0 : i32
    %c0_i32_0 = arith.constant 0 : i32
    return %arg0, %c0_i32 : i32, i32
  }
}

</mosaic_0001>

<sc_bundles>
// kernel: kernel.10.cloned.1.call-start
scs
__scs_entry_jumppad:
0x0: {  	(pc) =	sbr.rel $0x88, $3  }
0x1: {  	(tag) =	ssettag $0x0;
	lr =	simm.s32 $0x1  }
0x2: {  	[smem:$0x3F85] =	sst lr;
	_ =	strace $0xD0000000  }
0x3: {  	_ = 	snop  }
0x4: {  	_ = 	snop  }
0x5: {  	_ = 	snop  }
0x6: {  	_ = 	snop  }
0x7: {  	_ = 	snop  }
__scs_overlays_trampoline_lowered:
0x8: {  	[smem:$0x3F94] =	sst s0  }
0x9: {  	[smem:$0x3F95] =	sst s1  }
0xa: {  	[smem:$0x3F96] =	sst s2  }
0xb: {  	[smem:$0x3F97] =	sst s3  }
0xc: {  	[smem:$0x3F98] =	sst s4  }
0xd: {  	[smem:$0x3F99] =	sst s5  }
0xe: {  	[smem:$0x3F9A] =	sst s6  }
0xf: {  	[smem:$0x3F9B] =	sst s7  }
0x10: {  	[smem:$0x3F9C] =	sst s8  }
0x11: {  	[smem:$0x3F9D] =	sst s9;
	s0 =	simm.s32 @!p0 $0x0  }
0x12: {  	s1 =	sld [smem:$0x3F83];
	s0 =	simm.s32 @p0 $0x1  }
0x13: {  	[smem:$0x3F9E] =	sst s0;
	s0 =	simm.s32 @!p1 $0x0  }
0x14: {  	s2 =	sld [smem:$0x3F82];
	s0 =	simm.s32 @p1 $0x1  }
0x15: {  	[smem:$0x3F9F] =	sst s0;
	s0 =	simm.s32 @!p2 $0x0  }
0x16: {  	s3 =	sld [smem:$0x3FDB];
	s0 =	simm.s32 @p2 $0x1  }
0x17: {  	s4 =	simm.s32 $0x1BF5;
	[smem:$0x3FA1] =	sst s0  }
0x18: {  	s0 =	sld [smem:$0x3F84];
	_ =	swait.ge [sflag:s4], $0x0  }
0x19: {  	s7 =	sld [smem:$0x3F85]  }
0x1a: {  	s8 =	sadd.s32 $0xFFFFE003, lr  }
0x1b: {  	s9 =	sadd.s32 $0xFFFFFEF7, lr;
	s5 =	simm.s32 $0xFFFFFFFF;
	p2 =	slt.u32 s8, $0xFFFFF086  }
0x1c: {  	p1 =	slt.u32 s9, $0xF7A;
	s5 =	simm.s32 @!p2 $0x0  }
0x1d: {  	s5 =	simm.s32 @p1 $0x1;
	p0 =	seq.s32 s7, s2  }
0x1e: {  	s7 =	smul.u32 @!p0 $0xF7A, s2;
	p2 =	seq.s32 @!p0 s5, $0x0  }
0x1f: {  	s9 =	smul.u32 $0xF7A, s1;
	s8 =	simm.s32 @!p0 $0x1BF5;
	p2 =	por !p2, p0  }
0x20: {  	[sflag:s8] =	ssyncset.s32 @!p0 $0xFFFFF086;
	s6 =	sadd.s32 @!p0 s3, s7;
	s7 =	simm.s32 @!p0 $0x108  }
0x21: {  	s3 =	sadd.s32 s3, s9;
	s6 =	sadd.s32 @!p0 $0x88, s6;
	s7 =	simm.s32 @p2 $0x1082  }
0x22: {  	[simem:s7], [sflag:s8] =	dma.local @!p0 [hbm:s6], $0xF7A  }
0x23: {  	s9 =	sor.u32 $0xD0000000, s2;
	s6 =	simm.s32 $0x108;
	_ =	swait.ge @!p0 [sflag:s8], $0x0  }
0x24: {  	s3 =	sadd.s32 $0x88, s3;
	s6 =	simm.s32 @!p1 $0x1082;
	[sflag:s4] =	ssyncset.s32 $0xFFFFF086  }
0x25: {  	[simem:s6], [sflag:s4] =	dma.local [hbm:s3], $0xF7A  }
0x26: {  	[smem:$0x3F85] =	sst s1;
	(tag) =	ssettag s2;
	_ =	strace s9  }
0x27: {  	s1 =	sld [smem:$0x3F95]  }
0x28: {  	s2 =	sld [smem:$0x3F96]  }
0x29: {  	s4 =	sld [smem:$0x3F98]  }
0x2a: {  	p0 =	seq.s32 s5, $0x0;
	s5 =	sld [smem:$0x3F99]  }
0x2b: {  	s6 =	sld [smem:$0x3F9A]  }
0x2c: {  	s7 =	sld [smem:$0x3F9B]  }
0x2d: {  	s3 =	simm.s32 $0x108;
	s8 =	sld [smem:$0x3F9C]  }
0x2e: {  	s3 =	simm.s32 @!p0 $0x1082;
	s9 =	sld [smem:$0x3F9D]  }
0x2f: {  	lr =	sadd.s32 s0, s3;
	s0 =	sld [smem:$0x3F94]  }
0x30: {  	s3 =	sld [smem:$0x3F97]  }
0x31: {  	[smem:$0x3FA0] =	sst s10  }
0x32: {  	s10 =	sld [smem:$0x3F9E];
	_ =	sdelay $0x3  }
0x33: {  	p0 =	seq.s32 s10, $0x1;
	s10 =	sld [smem:$0x3FA0];
	_ =	sdelay $0x3  }
0x34: {  	[smem:$0x3FA0] =	sst s10  }
0x35: {  	s10 =	sld [smem:$0x3F9F];
	_ =	sdelay $0x3  }
0x36: {  	p1 =	seq.s32 s10, $0x1;
	s10 =	sld [smem:$0x3FA0];
	_ =	sdelay $0x3  }
0x37: {  	[smem:$0x3FA0] =	sst s10  }
0x38: {  	s10 =	sld [smem:$0x3FA1]  }
0x39: {  	_ = 	snop;
	(pc) =	sbr.ind lr, $3  }
0x3a: {  	_ = 	snop  }
0x3b: {  	_ = 	snop  }
0x3c: {  	p2 =	seq.s32 s10, $0x1;
	s10 =	sld [smem:$0x3FA0]  }
0x3d: {  	_ =	shalt  }
0x3e: {  	_ =	shalt  }
0x3f: {  	_ =	shalt  }
0x40: {  	_ =	shalt  }
0x41: {  	_ =	shalt  }
0x42: {  	_ =	shalt  }
0x43: {  	_ =	shalt  }
0x44: {  	_ =	shalt  }
0x45: {  	_ =	shalt  }
0x46: {  	_ =	shalt  }
0x47: {  	_ =	shalt  }
0x48: {  	_ =	shalt  }
0x49: {  	_ =	shalt  }
0x4a: {  	_ =	shalt  }
0x4b: {  	_ =	shalt  }
0x4c: {  	_ =	shalt  }
0x4d: {  	_ =	shalt  }
0x4e: {  	_ =	shalt  }
0x4f: {  	_ =	shalt  }
0x50: {  	_ =	shalt  }
0x51: {  	_ =	shalt  }
0x52: {  	_ =	shalt  }
0x53: {  	_ =	shalt  }
0x54: {  	_ =	shalt  }
0x55: {  	_ =	shalt  }
0x56: {  	_ =	shalt  }
0x57: {  	_ =	shalt  }
0x58: {  	_ =	shalt  }
0x59: {  	_ =	shalt  }
0x5a: {  	_ =	shalt  }
0x5b: {  	_ =	shalt  }
0x5c: {  	_ =	shalt  }
0x5d: {  	_ =	shalt  }
0x5e: {  	_ =	shalt  }
0x5f: {  	_ =	shalt  }
0x60: {  	_ =	shalt  }
0x61: {  	_ =	shalt  }
0x62: {  	_ =	shalt  }
0x63: {  	_ =	shalt  }
0x64: {  	_ =	shalt  }
0x65: {  	_ =	shalt  }
0x66: {  	_ =	shalt  }
0x67: {  	_ =	shalt  }
0x68: {  	_ =	shalt  }
0x69: {  	_ =	shalt  }
0x6a: {  	_ =	shalt  }
0x6b: {  	_ =	shalt  }
0x6c: {  	_ =	shalt  }
0x6d: {  	_ =	shalt  }
0x6e: {  	_ =	shalt  }
0x6f: {  	_ =	shalt  }
0x70: {  	_ =	shalt  }
0x71: {  	_ =	shalt  }
0x72: {  	_ =	shalt  }
0x73: {  	_ =	shalt  }
0x74: {  	_ =	shalt  }
0x75: {  	_ =	shalt  }
0x76: {  	_ =	shalt  }
0x77: {  	_ =	shalt  }
0x78: {  	_ =	shalt  }
0x79: {  	_ =	shalt  }
0x7a: {  	_ =	shalt  }
0x7b: {  	_ =	shalt  }
0x7c: {  	_ =	shalt  }
0x7d: {  	_ =	shalt  }
0x7e: {  	_ =	shalt  }
0x7f: {  	_ =	shalt  }
0x80: {  	_ =	shalt  }
0x81: {  	_ =	shalt  }
0x82: {  	_ =	shalt  }
0x83: {  	_ =	shalt  }
0x84: {  	_ =	shalt  }
0x85: {  	_ =	shalt  }
0x86: {  	_ =	shalt  }
0x87: {  	_ =	shalt  }
.Lfunc_end0:
.L_simem_size_0:
called_computation.1_lowered:
.L_overlay_start_0:
0x88: {  	s2 =	sld [smem:$0x3FD9]  }
0x89: {  	s3 =	sld [smem:$0x3FFE];
	_ =	sdelay $0x1  }
0x8a: {  	s1 =	srdreg.scid  }
0x8b: {  	s0 =	sand.u32 $0x1, s1  }
0x8c: {  	s17 =	sshll.u32 s0, $0xA;
	s2 =	sadd.s32 s3, s2  }
0x8d: {  	s2 =	sadd.s32 s2, s17  }
0x8e: {  	[smem:$0x3FAC] =	sst s2  }
0x8f: {  	_ = 	snop  }
0x90: {  	s2 =	sld [smem:$0x3FD0];
	(tm) =	ssettm $0x1  }
0x91: {  	s18 =	sld [smem:$0x3FFB];
	_ =	sdelay $0x3  }
0x92: {  	_ =	strace s18  }
0x93: {  	s3 =	sld [smem:$0x3FFC];
	_ =	sdelay $0x3  }
0x94: {  	_ =	strace s3  }
0x95: {  	s3 =	sld [smem:$0x3FFD];
	_ =	sdelay $0x3  }
0x96: {  	_ =	strace s3  }
0x97: {  	_ =	strace $0x8FFFFFFF  }
0x98: {  	s19 =	sld [smem:$0x3FDB];
	_ =	sdelay $0x1  }
0x99: {  	s4 =	simm.s32 $_scs_section_size  }
0x9a: {  	s5 =	simm.s32 $_size__tile_overlayer_lowered;
	s6 =	simm.s32 $_tile_overlayer_lowered  }
0x9b: {  	s22 =	simm.s32 $0x1BFF;
	s21 =	sshll.u32 s6, $0x1;
	s3 =	sadd.s32 s4, s19  }
0x9c: {  	s7 =	simm.s32 $0x0;
	s20 =	sshll.u32 s5, $0x1;
	s5 =	sadd.s32 s21, s3  }
0x9d: {  	[timem:s7], [sflag:s22] =	dma.local [hbm:s5], s20  }
0x9e: {  	_ =	swait.ge [sflag:s22], s20  }
0x9f: {  	s4 =	ssub.s32 $0x0, s20;
	[sflag:s22] =	ssyncset.done $0x0  }
0xa0: {  	[sflag:s22] =	ssyncadd.s32 s4;
	_ =	sdelay $0x1  }
0xa1: {  	s23 =	simm.s32 $0x1B8B  }
0xa2: {  	_ =	swait.ge [sflag:s23], $0x1  }
0xa3: {  	[sflag:s23] =	ssyncset.done $0x0  }
0xa4: {  	s25 =	simm.s32 $0x1B8E;
	s24 =	sld [smem:$0x3FFE];
	[sflag:s23] =	ssyncadd.s32 $0xFFFFFFFF  }
0xa5: {  	s26 =	simm.s32 $execute0_lowered;
	[smem:$0x3FD2] =	sst s25  }
0xa6: {  	s5 =	sshll.u32 s26, $0x1;
	_ =	strace $0x80000049;
	[dreg:$0x1] =	wrdreg $0xFFFFFFFF  }
0xa7: {  	s28 =	simm.s32 $_size_execute0_lowered;
	s3 =	sadd.s32 s3, s5;
	[dreg:$0x0] =	wrdreg $0x0  }
0xa8: {  	s5 =	sshll.u32 s28, $0x1;
	[dreg:$0x2] =	wrdreg s3  }
0xa9: {  	[dreg:$0x3] =	wrdreg s5  }
0xaa: {  	[dreg:$0x4] =	wrdreg $0xC0  }
0xab: {  	_ =	task [dreg:s7], $0x5FFFF  }
0xac: {  	[dreg:$0x1] =	wrdreg $0xFFFFFFFF  }
0xad: {  	[dreg:$0x0] =	wrdreg $0x60  }
0xae: {  	[dreg:$0x2] =	wrdreg s24  }
0xaf: {  	[dreg:$0x3] =	wrdreg s2  }
0xb0: {  	[dreg:$0x4] =	wrdreg $0x98000  }
0xb1: {  	[dreg:$0x5] =	wrdreg $0x9  }
0xb2: {  	_ =	task.clear_ibuf [dreg:s7], $0x6FFFF;
	_ =	strace $0x90000049  }
0xb3: {  	s29 =	simm.s32 $0x9;
	_ =	strace $0x8000004B  }
0xb4: {  	_ =	swait.ge [sflag:s29], $0x1  }
0xb5: {  	[sflag:s29] =	ssyncadd.s32 $0xFFFFFFFF  }
0xb6: {  	_ =	strace $0x9000004B  }
0xb7: {  	_ =	sfence  }
0xb8: {  	s30 =	sld [smem:$0x0];
	_ =	sdelay $0x2  }
0xb9: {  	s31 =	sshll.u32 s1, $0xD;
	s1 =	sshrl.u32 s1, $0x2  }
0xba: {  	s3 =	sand.u32 $0x4000, s31;
	s1 =	sadd.s32 s1, s30  }
0xbb: {  	s0 =	sor.u32 s3, s0;
	s1 =	sshll.u32 s1, $0x11  }
0xbc: {  	s0 =	sor.u32 s1, s0  }
0xbd: {  	s0 =	sadd.s32 $0x8F2B, s0  }
0xbe: {  	[sflag:s0] =	ssyncadd.remote.s32 $0x1  }
0xbf: {  	_ =	sfence.sel $0xFFFF  }
0xc0: {  	[dreg:$0x0] =	wrdreg $0xFFFFFFFF;
	(pc) =	sbr.abs _section_cstart, $3  }
0xc1: {  	[dreg:$0x1] =	wrdreg $0xFFFFFFFF  }
0xc2: {  	_ =	task.clear_ibuf [dreg:s7], $0x2FFFF;
	_ =	strace $0x9FFFFFFF  }
0xc3: {  	(tm) =	ssettm $0x7FFFFFFF  }
tec
execute0_lowered:
.L_overlay_start_1:
0x0: {  	(tag) =	ssettag $0x1  }
0x1: {  	s0 =	rddreg [dreg:$0x0]  }
0x2: {  	s4 =	rddreg [dreg:$0x1]  }
0x3: {  	s1 =	rddreg [dreg:$0x2];
	s2 =	srdreg.scid  }
0x4: {  	s3 =	simm.s32 $0x0;
	s30 =	simm.s32 $0x1800;
	s31 =	simm.s32 $0x5  }
0x5: {  	s28 =	simm.s32 $0xD80;
	s29 =	simm.s32 $0x300;
	s5 =	sand.u32 $0x1, s2  }
0x6: {  	s2 =	stileid.u32;
	[smem:$0x7FF] =	sst s3;
	s8 =	sadd.s32 $0x4200, s0  }
0x7: {  	s9 =	sadd.s32 $0xE200, s0;
	s10 =	sadd.s32 $0x9200, s0;
	s6 =	smul.u32 $0x13C000, s5  }
0x8: {  	s7 =	smul.u32 $0x13C00, s2;
	_ =	strace $0x8000004A;
	s11 =	sshll.u32 s2, $0x7  }
0x9: {  	s21 =	ssub.s32 $0x2, s5;
	s12 =	smul.u32 $0x480, s2;
	s11 =	sor.u32 $0x4800, s11  }
0xa: {  	s14 =	smul.u32 $0x2400, s2;
	p0 =	sne.s32 s5, $0x0;
	s15 =	sadd.s32 s8, s11  }
0xb: {  	s5 =	simm.s32 $0x1;
	s22 =	sadd.s32 s4, s11;
	[dreg:$0x4] =	wrdreg s15  }
0xc: {  	s13 =	sshrl.u32 s21, $0x1;
	s23 =	sadd.s32 s8, s12;
	[dreg:$0x5] =	wrdreg s22  }
0xd: {  	s6 =	sadd.s32 s7, s6;
	s24 =	sadd.s32 s4, s12;
	[dreg:$0x6] =	wrdreg s23  }
0xe: {  	s7 =	ssub.s32 s21, s13;
	s17 =	sadd.s32 s9, s12;
	[dreg:$0x7] =	wrdreg s24  }
0xf: {  	s13 =	smul.u32 $0x4F000, s2;
	s18 =	sadd.s32 s10, s12;
	[dreg:$0xc] =	wrdreg s17  }
0x10: {  	s14 =	sshrl.u32 s14, $0x3;
	[dreg:$0xd] =	wrdreg s18;
	s23 =	sadd.s32 s9, s11  }
0x11: {  	s25 =	sadd.s32 $0x180, s14;
	s24 =	sadd.s32 s10, s11;
	[dreg:$0x12] =	wrdreg s23  }
0x12: {  	s14 =	sadd.s32 $0x300, s14;
	s16 =	sadd.s32 s8, s25;
	[dreg:$0x13] =	wrdreg s24  }
0x13: {  	s11 =	simm.s32 $0x4;
	s26 =	sadd.s32 s4, s25;
	[dreg:$0x8] =	wrdreg s16  }
0x14: {  	s15 =	simm.s32 $0x0;
	s8 =	sadd.s32 s8, s14;
	[dreg:$0x9] =	wrdreg s26  }
0x15: {  	s4 =	sadd.s32 s4, s14;
	s19 =	sadd.s32 s9, s25;
	[dreg:$0xa] =	wrdreg s8  }
0x16: {  	s20 =	sadd.s32 s10, s25;
	s21 =	sadd.s32 s9, s14;
	[dreg:$0xb] =	wrdreg s4  }
0x17: {  	s22 =	sadd.s32 s10, s14;
	s25 =	sshrl.u32 s6, $0x3;
	[dreg:$0xe] =	wrdreg s19  }
0x18: {  	s14 =	smax.u32 s7, $0x1;
	s6 =	simm.s32 $0x5800;
	[dreg:$0xf] =	wrdreg s20  }
0x19: {  	s7 =	simm.s32 $0x2;
	s9 =	simm.s32 $0x3;
	[dreg:$0x10] =	wrdreg s21  }
0x1a: {  	s10 =	simm.s32 $0x100;
	[dreg:$0x11] =	wrdreg s22;
	s20 =	sadd.s32 $0x13200, s0  }
.Ltmp0:
0x1b: {  	s26 =	sshrl.u32 s13, $0x2;
	s4 =	sadd.s32 s25, s0;
	(pc) =	sbr.rel .LBB2_1-.Ltmp0, $4  }
0x1c: {  	s21 =	sadd.s32 $0x3A400, s0;
	s0 =	simm.s32 $0xC00;
	s8 =	simm.s32 $0xC80  }
0x1d: {  	s25 =	simm.s32 $0xE00;
	s22 =	sadd.s32 s26, s1;
	s13 =	sadd.s32 $0x61600, s4  }
0x1e: {  	s4 =	simm.s32 $0x80;
	s26 =	simm.s32 $0x280;
	s12 =	sadd.s32 $0x4000, s22  }
0x1f: {  	v0 =	vimm.f32 $0.0e+00;
	s19 =	sadd.s32 $0x8000, s22;
	s23 =	sadd.s32 $0xC000, s22;
	s24 =	sadd.s32 $0x10000, s22  }
.LBB2_22:
0x20: {  	s16 =	rddreg [dreg:$0x4]  }
0x21: {  	[tilespmem:s3], [sflag:$0x5] =	stream.linear.gather [hbm4b:s16+s3], $0x400, $0x38;
	[tilespmem:$0x1D400] =	vst v63  }
0x22: {  	_ =	swait.ge [sflag:s31], $0x400  }
0x23: {  	[sflag:s31] =	ssyncset.done $0x0  }
0x24: {  	s2 =	rddreg [dreg:$0x5];
	[sflag:s31] =	ssyncadd.s32 $0xFFFFFC00  }
0x25: {  	[tilespmem:s0], [sflag:$0x5] =	stream.linear.gather [hbm4b:s2+s3], $0x400, $0x38;
	[tilespmem:$0x1D400] =	vst v63  }
0x26: {  	_ =	swait.ge [sflag:s31], $0x400  }
0x27: {  	[sflag:s31] =	ssyncset.done $0x0  }
0x28: {  	[sflag:s31] =	ssyncadd.s32 $0xFFFFFC00  }
0x29: {  	[tilespmem:s30], [sflag:$0x1] =	stream.indirect.gather [hbm4b:s20+s4], $0x80, s3, s4, $0xb8;
	[tilespmem:$0x1D400] =	vst v63  }
0x2a: {  	_ =	swait.ge [sflag:s5], $0x4000  }
0x2b: {  	[sflag:s5] =	ssyncset.done $0x0  }
0x2c: {  	[sflag:s5] =	ssyncadd.s32 $0xFFFFC000  }
0x2d: {  	[spmem:s1] =	stream.indirect.scatter.add.f32 [tilespmem:s30], [sflag:$0x3], $0x80, s0, s4, $0xb8;
	[tilespmem:$0x1D400] =	vst v63  }
0x2e: {  	_ = 	snop  }
0x2f: {  	[tilespmem:s6], [sflag:$0x2] =	stream.indirect.gather [hbm4b:s20+s4], $0x80, s4, s4, $0xb8;
	[tilespmem:$0x1D400] =	vst v63  }
0x30: {  	_ =	swait.ge [sflag:s7], $0x4000  }
0x31: {  	[sflag:s7] =	ssyncset.done $0x0  }
0x32: {  	[sflag:s7] =	ssyncadd.s32 $0xFFFFC000  }
0x33: {  	[spmem:s1] =	stream.indirect.scatter.add.f32 [tilespmem:s6], [sflag:$0x4], $0x80, s8, s4, $0xb8;
	[tilespmem:$0x1D400] =	vst v63  }
0x34: {  	_ =	swait.ge [sflag:s9], $0x4000  }
0x35: {  	[sflag:s9] =	ssyncset.done $0x0  }
0x36: {  	[sflag:s9] =	ssyncadd.s32 $0xFFFFC000  }
0x37: {  	[tilespmem:s30], [sflag:$0x1] =	stream.indirect.gather [hbm4b:s20+s4], $0x80, s10, s4, $0xb8;
	[tilespmem:$0x1D400] =	vst v63  }
0x38: {  	_ =	swait.ge [sflag:s5], $0x4000  }
0x39: {  	[sflag:s5] =	ssyncset.done $0x0  }
0x3a: {  	s17 =	simm.s32 $0xD00;
	[sflag:s5] =	ssyncadd.s32 $0xFFFFC000  }
0x3b: {  	[spmem:s1] =	stream.indirect.scatter.add.f32 [tilespmem:s30], [sflag:$0x3], $0x80, s17, s4, $0xb8;
	[tilespmem:$0x1D400] =	vst v63  }
0x3c: {  	_ =	swait.ge [sflag:s11], $0x4000  }
0x3d: {  	[sflag:s11] =	ssyncset.done $0x0  }
0x3e: {  	s18 =	simm.s32 $0x180;
	[sflag:s11] =	ssyncadd.s32 $0xFFFFC000  }
0x3f: {  	[tilespmem:s6], [sflag:$0x2] =	stream.indirect.gather [hbm4b:s20+s4], $0x80, s18, s4, $0xb8;
	[tilespmem:$0x1D400] =	vst v63  }
0x40: {  	_ =	swait.ge [sflag:s7], $0x4000  }
0x41: {  	[sflag:s7] =	ssyncset.done $0x0  }
0x42: {  	[sflag:s7] =	ssyncadd.s32 $0xFFFFC000  }
0x43: {  	[spmem:s1] =	stream.indirect.scatter.add.f32 [tilespmem:s6], [sflag:$0x4], $0x80, s28, s4, $0xb8;
	[tilespmem:$0x1D400] =	vst v63  }
0x44: {  	_ =	swait.ge [sflag:s9], $0x4000  }
0x45: {  	[sflag:s9] =	ssyncset.done $0x0  }
0x46: {  	s8 =	simm.s32 $0x200;
	[sflag:s9] =	ssyncadd.s32 $0xFFFFC000  }
0x47: {  	[tilespmem:s30], [sflag:$0x1] =	stream.indirect.gather [hbm4b:s20+s4], $0x80, s8, s4, $0xb8;
	[tilespmem:$0x1D400] =	vst v63  }
0x48: {  	_ =	swait.ge [sflag:s5], $0x4000  }
0x49: {  	[sflag:s5] =	ssyncset.done $0x0  }
0x4a: {  	[sflag:s5] =	ssyncadd.s32 $0xFFFFC000  }
0x4b: {  	[spmem:s1] =	stream.indirect.scatter.add.f32 [tilespmem:s30], [sflag:$0x3], $0x80, s25, s4, $0xb8;
	[tilespmem:$0x1D400] =	vst v63  }
0x4c: {  	_ =	swait.ge [sflag:s11], $0x4000  }
0x4d: {  	[sflag:s11] =	ssyncset.done $0x0  }
0x4e: {  	[sflag:s11] =	ssyncadd.s32 $0xFFFFC000  }
0x4f: {  	[tilespmem:s6], [sflag:$0x2] =	stream.indirect.gather [hbm4b:s20+s4], $0x80, s26, s4, $0xb8;
	[tilespmem:$0x1D400] =	vst v63  }
0x50: {  	_ =	swait.ge [sflag:s7], $0x4000  }
0x51: {  	[sflag:s7] =	ssyncset.done $0x0  }
0x52: {  	s2 =	simm.s32 $0xE80;
	[sflag:s7] =	ssyncadd.s32 $0xFFFFC000  }
0x53: {  	[spmem:s1] =	stream.indirect.scatter.add.f32 [tilespmem:s6], [sflag:$0x4], $0x80, s2, s4, $0xb8;
	[tilespmem:$0x1D400] =	vst v63  }
0x54: {  	_ =	swait.ge [sflag:s9], $0x4000  }
0x55: {  	[sflag:s9] =	ssyncset.done $0x0  }
0x56: {  	[sflag:s9] =	ssyncadd.s32 $0xFFFFC000  }
0x57: {  	[tilespmem:s30], [sflag:$0x1] =	stream.indirect.gather [hbm4b:s20+s4], $0x80, s29, s4, $0xb8;
	[tilespmem:$0x1D400] =	vst v63  }
0x58: {  	_ =	swait.ge [sflag:s5], $0x4000  }
0x59: {  	[sflag:s5] =	ssyncset.done $0x0  }
0x5a: {  	s16 =	simm.s32 $0xF00;
	[sflag:s5] =	ssyncadd.s32 $0xFFFFC000  }
0x5b: {  	[spmem:s1] =	stream.indirect.scatter.add.f32 [tilespmem:s30], [sflag:$0x3], $0x80, s16, s4, $0xb8;
	[tilespmem:$0x1D400] =	vst v63  }
0x5c: {  	_ =	swait.ge [sflag:s11], $0x4000  }
0x5d: {  	[sflag:s11] =	ssyncset.done $0x0  }
0x5e: {  	s16 =	simm.s32 $0x380;
	[sflag:s11] =	ssyncadd.s32 $0xFFFFC000  }
0x5f: {  	[tilespmem:s6], [sflag:$0x2] =	stream.indirect.gather [hbm4b:s20+s4], $0x80, s16, s4, $0xb8;
	[tilespmem:$0x1D400] =	vst v63  }
0x60: {  	_ =	swait.ge [sflag:s7], $0x4000  }
0x61: {  	[sflag:s7] =	ssyncset.done $0x0  }
0x62: {  	s16 =	simm.s32 $0xF80;
	[sflag:s7] =	ssyncadd.s32 $0xFFFFC000  }
0x63: {  	[spmem:s1] =	stream.indirect.scatter.add.f32 [tilespmem:s6], [sflag:$0x4], $0x80, s16, s4, $0xb8;
	[tilespmem:$0x1D400] =	vst v63  }
0x64: {  	_ =	swait.ge [sflag:s9], $0x4000  }
0x65: {  	[sflag:s9] =	ssyncset.done $0x0  }
0x66: {  	[sflag:s9] =	ssyncadd.s32 $0xFFFFC000  }
0x67: {  	_ =	swait.ge [sflag:s11], $0x4000  }
0x68: {  	[sflag:s11] =	ssyncset.done $0x0  }
0x69: {  	s16 =	rddreg [dreg:$0x12];
	[sflag:s11] =	ssyncadd.s32 $0xFFFFC000  }
0x6a: {  	[tilespmem:s3], [sflag:$0x5] =	stream.linear.gather [hbm4b:s16+s3], $0x400, $0x38;
	[tilespmem:$0x1D400] =	vst v63  }
0x6b: {  	_ =	swait.ge [sflag:s31], $0x400  }
0x6c: {  	[sflag:s31] =	ssyncset.done $0x0  }
0x6d: {  	s0 =	simm.s32 $0xC00;
	s16 =	rddreg [dreg:$0x13];
	[sflag:s31] =	ssyncadd.s32 $0xFFFFFC00  }
0x6e: {  	[tilespmem:s0], [sflag:$0x5] =	stream.linear.gather [hbm4b:s16+s3], $0x400, $0x38;
	[tilespmem:$0x1D400] =	vst v63  }
0x6f: {  	_ =	swait.ge [sflag:s31], $0x400  }
0x70: {  	[sflag:s31] =	ssyncset.done $0x0  }
0x71: {  	[sflag:s31] =	ssyncadd.s32 $0xFFFFFC00  }
0x72: {  	[tilespmem:s30], [sflag:$0x1] =	stream.indirect.gather [hbm4b:s21+s4], $0x80, s3, s4, $0xb8;
	[tilespmem:$0x1D400] =	vst v63  }
0x73: {  	_ =	swait.ge [sflag:s5], $0x4000  }
0x74: {  	[sflag:s5] =	ssyncset.done $0x0  }
0x75: {  	[sflag:s5] =	ssyncadd.s32 $0xFFFFC000  }
0x76: {  	[spmem:s1] =	stream.indirect.scatter.add.f32 [tilespmem:s30], [sflag:$0x3], $0x80, s0, s4, $0xb8;
	[tilespmem:$0x1D400] =	vst v63  }
0x77: {  	_ = 	snop  }
0x78: {  	[tilespmem:s6], [sflag:$0x2] =	stream.indirect.gather [hbm4b:s21+s4], $0x80, s4, s4, $0xb8;
	[tilespmem:$0x1D400] =	vst v63  }
0x79: {  	_ =	swait.ge [sflag:s7], $0x4000  }
0x7a: {  	[sflag:s7] =	ssyncset.done $0x0  }
0x7b: {  	s10 =	simm.s32 $0xC80;
	[sflag:s7] =	ssyncadd.s32 $0xFFFFC000  }
0x7c: {  	[spmem:s1] =	stream.indirect.scatter.add.f32 [tilespmem:s6], [sflag:$0x4], $0x80, s10, s4, $0xb8;
	[tilespmem:$0x1D400] =	vst v63  }
0x7d: {  	_ =	swait.ge [sflag:s9], $0x4000  }
0x7e: {  	[sflag:s9] =	ssyncset.done $0x0  }
0x7f: {  	s10 =	simm.s32 $0x100;
	[sflag:s9] =	ssyncadd.s32 $0xFFFFC000  }
0x80: {  	[tilespmem:s30], [sflag:$0x1] =	stream.indirect.gather [hbm4b:s21+s4], $0x80, s10, s4, $0xb8;
	[tilespmem:$0x1D400] =	vst v63  }
0x81: {  	_ =	swait.ge [sflag:s5], $0x4000  }
0x82: {  	[sflag:s5] =	ssyncset.done $0x0  }
0x83: {  	[sflag:s5] =	ssyncadd.s32 $0xFFFFC000  }
0x84: {  	[spmem:s1] =	stream.indirect.scatter.add.f32 [tilespmem:s30], [sflag:$0x3], $0x80, s17, s4, $0xb8;
	[tilespmem:$0x1D400] =	vst v63  }
0x85: {  	_ =	swait.ge [sflag:s11], $0x4000  }
0x86: {  	[sflag:s11] =	ssyncset.done $0x0  }
0x87: {  	[sflag:s11] =	ssyncadd.s32 $0xFFFFC000  }
0x88: {  	[tilespmem:s6], [sflag:$0x2] =	stream.indirect.gather [hbm4b:s21+s4], $0x80, s18, s4, $0xb8;
	[tilespmem:$0x1D400] =	vst v63  }
0x89: {  	_ =	swait.ge [sflag:s7], $0x4000  }
0x8a: {  	[sflag:s7] =	ssyncset.done $0x0  }
0x8b: {  	[sflag:s7] =	ssyncadd.s32 $0xFFFFC000  }
0x8c: {  	[spmem:s1] =	stream.indirect.scatter.add.f32 [tilespmem:s6], [sflag:$0x4], $0x80, s28, s4, $0xb8;
	[tilespmem:$0x1D400] =	vst v63  }
0x8d: {  	_ =	swait.ge [sflag:s9], $0x4000  }
0x8e: {  	[sflag:s9] =	ssyncset.done $0x0  }
0x8f: {  	[sflag:s9] =	ssyncadd.s32 $0xFFFFC000  }
0x90: {  	[tilespmem:s30], [sflag:$0x1] =	stream.indirect.gather [hbm4b:s21+s4], $0x80, s8, s4, $0xb8;
	[tilespmem:$0x1D400] =	vst v63  }
0x91: {  	_ =	swait.ge [sflag:s5], $0x4000  }
0x92: {  	[sflag:s5] =	ssyncset.done $0x0  }
0x93: {  	[sflag:s5] =	ssyncadd.s32 $0xFFFFC000  }
0x94: {  	[spmem:s1] =	stream.indirect.scatter.add.f32 [tilespmem:s30], [sflag:$0x3], $0x80, s25, s4, $0xb8;
	[tilespmem:$0x1D400] =	vst v63  }
0x95: {  	_ =	swait.ge [sflag:s11], $0x4000  }
0x96: {  	[sflag:s11] =	ssyncset.done $0x0  }
0x97: {  	[sflag:s11] =	ssyncadd.s32 $0xFFFFC000  }
0x98: {  	[tilespmem:s6], [sflag:$0x2] =	stream.indirect.gather [hbm4b:s21+s4], $0x80, s26, s4, $0xb8;
	[tilespmem:$0x1D400] =	vst v63  }
0x99: {  	_ =	swait.ge [sflag:s7], $0x4000  }
0x9a: {  	[sflag:s7] =	ssyncset.done $0x0  }
0x9b: {  	[sflag:s7] =	ssyncadd.s32 $0xFFFFC000  }
0x9c: {  	[spmem:s1] =	stream.indirect.scatter.add.f32 [tilespmem:s6], [sflag:$0x4], $0x80, s2, s4, $0xb8;
	[tilespmem:$0x1D400] =	vst v63  }
0x9d: {  	_ =	swait.ge [sflag:s9], $0x4000  }
0x9e: {  	[sflag:s9] =	ssyncset.done $0x0  }
0x9f: {  	[sflag:s9] =	ssyncadd.s32 $0xFFFFC000  }
0xa0: {  	[tilespmem:s30], [sflag:$0x1] =	stream.indirect.gather [hbm4b:s21+s4], $0x80, s29, s4, $0xb8;
	[tilespmem:$0x1D400] =	vst v63  }
0xa1: {  	_ =	swait.ge [sflag:s5], $0x4000  }
0xa2: {  	[sflag:s5] =	ssyncset.done $0x0  }
0xa3: {  	s16 =	simm.s32 $0xF00;
	[sflag:s5] =	ssyncadd.s32 $0xFFFFC000  }
0xa4: {  	[spmem:s1] =	stream.indirect.scatter.add.f32 [tilespmem:s30], [sflag:$0x3], $0x80, s16, s4, $0xb8;
	[tilespmem:$0x1D400] =	vst v63  }
0xa5: {  	_ =	swait.ge [sflag:s11], $0x4000  }
0xa6: {  	[sflag:s11] =	ssyncset.done $0x0  }
0xa7: {  	s17 =	simm.s32 $0x380;
	[sflag:s11] =	ssyncadd.s32 $0xFFFFC000  }
0xa8: {  	[tilespmem:s6], [sflag:$0x2] =	stream.indirect.gather [hbm4b:s21+s4], $0x80, s17, s4, $0xb8;
	[tilespmem:$0x1D400] =	vst v63  }
0xa9: {  	_ =	swait.ge [sflag:s7], $0x4000  }
0xaa: {  	[sflag:s7] =	ssyncset.done $0x0  }
0xab: {  	s18 =	simm.s32 $0xF80;
	[sflag:s7] =	ssyncadd.s32 $0xFFFFC000  }
0xac: {  	[spmem:s1] =	stream.indirect.scatter.add.f32 [tilespmem:s6], [sflag:$0x4], $0x80, s18, s4, $0xb8;
	[tilespmem:$0x1D400] =	vst v63  }
0xad: {  	_ =	swait.ge [sflag:s9], $0x4000  }
0xae: {  	s0 =	simm.s32 $0xC00;
	[sflag:s9] =	ssyncset.done $0x0  }
0xaf: {  	s8 =	simm.s32 $0xC80;
	s2 =	stileid.u32;
	[sflag:s9] =	ssyncadd.s32 $0xFFFFC000  }
.LBB2_23:
0xb0: {  	_ =	swait.ge [sflag:s11], $0x4000  }
0xb1: {  	s16 =	sshll.u32 s2, $0x6;
	s15 =	sadd.s32 $0x1, s15;
	[sflag:s11] =	ssyncset.done $0x0  }
0xb2: {  	s17 =	sshrl.u32 s22, $0x3;
	p1 =	sne.s32 s15, s14;
	[sflag:s11] =	ssyncadd.s32 $0xFFFFC000  }
.Ltmp1:
0xb3: {  	s16 =	sor.u32 $0x1C05, s16;
	[bflag:$0x0] =	sbarrier.arrive $0xFFFF;
	(pc) =	sbr.rel @!p1 .LBB2_24-.Ltmp1, $4  }
0xb4: {  	[hbm:s13], [sflag:s16] =	dma.local [spmem:s17], $0x2780  }
0xb5: {  	_ =	swait.ge [sflag:s31], $0x2780  }
0xb6: {  	[sflag:s31] =	ssyncset.done $0x0  }
0xb7: {  	[sflag:s31] =	ssyncadd.s32 $0xFFFFD880  }
.LBB2_1:
0xb8: {  	s16 =	simm.s32 $0x0;
	s17 =	simm.s32 $0x200  }
.LBB2_2:
0xb9: {  	p1 =	sne.s32 s17, $0xFE00;
	[tilespmem:s16+$0x1870] =	vst v0  }
0xba: {  	[tilespmem:s16+$0x1800] =	vst v0  }
0xbb: {  	[tilespmem:s16+$0x1810] =	vst v0  }
.Ltmp2:
0xbc: {  	[tilespmem:s16+$0x1820] =	vst v0;
	(pc) =	sbr.rel @p1 .LBB2_2-.Ltmp2, $4  }
0xbd: {  	[tilespmem:s16+$0x1830] =	vst v0  }
0xbe: {  	[tilespmem:s16+$0x1840] =	vst v0  }
0xbf: {  	[tilespmem:s16+$0x1850] =	vst v0  }
0xc0: {  	[tilespmem:s16+$0x1860] =	vst v0;
	s16 =	sshra.s32 s17, $0x2;
	s17 =	sadd.s32 $0x200, s17  }
0xc1: {  	[tilespmem:s16+$0x1870] =	vst v0  }
0xc2: {  	[tilespmem:s16+$0x1800] =	vst v0  }
0xc3: {  	[tilespmem:s16+$0x1810] =	vst v0  }
0xc4: {  	[tilespmem:s16+$0x1820] =	vst v0  }
0xc5: {  	[tilespmem:s16+$0x1830] =	vst v0  }
0xc6: {  	[tilespmem:s16+$0x1840] =	vst v0  }
0xc7: {  	[tilespmem:s16+$0x1850] =	vst v0  }
0xc8: {  	[tilespmem:s16+$0x1860] =	vst v0  }
0xc9: {  	[spmem:s22] =	stream.linear.scatter [tilespmem:s30], [sflag:$0x5], $0x4000, $0x38;
	[tilespmem:$0x1D400] =	vst v63  }
0xca: {  	_ =	swait.ge [sflag:s31], $0x4000  }
0xcb: {  	[sflag:s31] =	ssyncset.done $0x0  }
0xcc: {  	[sflag:s31] =	ssyncadd.s32 $0xFFFFC000  }
0xcd: {  	[spmem:s12] =	stream.linear.scatter [tilespmem:s30], [sflag:$0x5], $0x4000, $0x38;
	[tilespmem:$0x1D400] =	vst v63  }
0xce: {  	_ =	swait.ge [sflag:s31], $0x4000  }
0xcf: {  	[sflag:s31] =	ssyncset.done $0x0  }
0xd0: {  	[sflag:s31] =	ssyncadd.s32 $0xFFFFC000  }
0xd1: {  	[spmem:s19] =	stream.linear.scatter [tilespmem:s30], [sflag:$0x5], $0x4000, $0x38;
	[tilespmem:$0x1D400] =	vst v63  }
0xd2: {  	_ =	swait.ge [sflag:s31], $0x4000  }
0xd3: {  	[sflag:s31] =	ssyncset.done $0x0  }
0xd4: {  	[sflag:s31] =	ssyncadd.s32 $0xFFFFC000  }
0xd5: {  	[spmem:s23] =	stream.linear.scatter [tilespmem:s30], [sflag:$0x5], $0x4000, $0x38;
	[tilespmem:$0x1D400] =	vst v63  }
0xd6: {  	_ =	swait.ge [sflag:s31], $0x4000  }
0xd7: {  	[sflag:s31] =	ssyncset.done $0x0  }
0xd8: {  	[sflag:s31] =	ssyncadd.s32 $0xFFFFC000  }
0xd9: {  	[spmem:s24] =	stream.linear.scatter [tilespmem:s30], [sflag:$0x5], $0x3C00, $0x38;
	[tilespmem:$0x1D400] =	vst v63  }
.Ltmp3:
0xda: {  	_ =	swait.ge [sflag:s31], $0x3C00;
	(pc) =	sbr.rel @p0 .LBB2_22-.Ltmp3, $3  }
0xdb: {  	[sflag:s31] =	ssyncset.done $0x0  }
0xdc: {  	[sflag:s31] =	ssyncadd.s32 $0xFFFFC400  }
0xdd: {  	[bflag:$0x0] =	sbarrier.arrive $0xFFFF;
	_ =	sdelay $0x1  }
0xde: {  	s16 =	rddreg [dreg:$0x6]  }
0xdf: {  	[tilespmem:s3], [sflag:$0x5] =	stream.linear.gather [hbm4b:s16+s3], $0xC00, $0x38;
	[tilespmem:$0x1D400] =	vst v63  }
0xe0: {  	_ =	swait.ge [sflag:s31], $0xC00  }
0xe1: {  	[sflag:s31] =	ssyncset.done $0x0  }
0xe2: {  	s18 =	rddreg [dreg:$0x7];
	[sflag:s31] =	ssyncadd.s32 $0xFFFFF400  }
0xe3: {  	[tilespmem:s0], [sflag:$0x5] =	stream.linear.gather [hbm4b:s18+s3], $0xC00, $0x38;
	[tilespmem:$0x1D400] =	vst v63  }
0xe4: {  	_ =	swait.ge [sflag:s31], $0xC00  }
0xe5: {  	[sflag:s31] =	ssyncset.done $0x0  }
0xe6: {  	[sflag:s31] =	ssyncadd.s32 $0xFFFFF400  }
0xe7: {  	[tilespmem:s30], [sflag:$0x1] =	stream.indirect.gather [hbm4b:s20+s4], $0x80, s3, s4, $0xb8;
	[tilespmem:$0x1D400] =	vst v63  }
0xe8: {  	_ =	swait.ge [sflag:s5], $0x4000  }
0xe9: {  	[sflag:s5] =	ssyncset.done $0x0  }
0xea: {  	[sflag:s5] =	ssyncadd.s32 $0xFFFFC000  }
0xeb: {  	[spmem:s1] =	stream.indirect.scatter.add.f32 [tilespmem:s30], [sflag:$0x3], $0x80, s0, s4, $0xb8;
	[tilespmem:$0x1D400] =	vst v63  }
0xec: {  	_ = 	snop  }
0xed: {  	[tilespmem:s6], [sflag:$0x2] =	stream.indirect.gather [hbm4b:s20+s4], $0x80, s4, s4, $0xb8;
	[tilespmem:$0x1D400] =	vst v63  }
0xee: {  	_ =	swait.ge [sflag:s7], $0x4000  }
0xef: {  	[sflag:s7] =	ssyncset.done $0x0  }
0xf0: {  	[sflag:s7] =	ssyncadd.s32 $0xFFFFC000  }
0xf1: {  	[spmem:s1] =	stream.indirect.scatter.add.f32 [tilespmem:s6], [sflag:$0x4], $0x80, s8, s4, $0xb8;
	[tilespmem:$0x1D400] =	vst v63  }
0xf2: {  	_ =	swait.ge [sflag:s9], $0x4000  }
0xf3: {  	[sflag:s9] =	ssyncset.done $0x0  }
0xf4: {  	s16 =	simm.s32 $0xFFFFD800;
	[sflag:s9] =	ssyncadd.s32 $0xFFFFC000  }
0xf5: {  	[tilespmem:s30], [sflag:$0x1] =	stream.indirect.gather [hbm4b:s20+s4], $0x80, s10, s4, $0xb8;
	[tilespmem:$0x1D400] =	vst v63  }
.LBB2_5:
0xf6: {  	_ =	swait.ge [sflag:s5], $0x4000  }
0xf7: {  	s17 =	sshra.s32 s16, $0x2;
	[sflag:s5] =	ssyncset.done $0x0  }
0xf8: {  	s18 =	sadd.s32 $0x1700, s17;
	[sflag:s5] =	ssyncadd.s32 $0xFFFFC000  }
0xf9: {  	[spmem:s1] =	stream.indirect.scatter.add.f32 [tilespmem:s30], [sflag:$0x3], $0x80, s18, s4, $0xb8;
	[tilespmem:$0x1D400] =	vst v63  }
0xfa: {  	_ =	swait.ge [sflag:s11], $0x4000  }
0xfb: {  	[sflag:s11] =	ssyncset.done $0x0  }
0xfc: {  	s18 =	sadd.s32 $0xB80, s17;
	[sflag:s11] =	ssyncadd.s32 $0xFFFFC000  }
0xfd: {  	[tilespmem:s6], [sflag:$0x2] =	stream.indirect.gather [hbm4b:s20+s4], $0x80, s18, s4, $0xb8;
	[tilespmem:$0x1D400] =	vst v63  }
0xfe: {  	_ =	swait.ge [sflag:s7], $0x4000  }
0xff: {  	p1 =	seq.s32 s16, $0x0;
	[sflag:s7] =	ssyncset.done $0x0  }
.Ltmp4:
0x100: {  	s18 =	sadd.s32 $0x1780, s17;
	[sflag:s7] =	ssyncadd.s32 $0xFFFFC000;
	(pc) =	sbr.rel @p1 .LBB2_7-.Ltmp4, $4  }
0x101: {  	[spmem:s1] =	stream.indirect.scatter.add.f32 [tilespmem:s6], [sflag:$0x4], $0x80, s18, s4, $0xb8;
	[tilespmem:$0x1D400] =	vst v63  }
0x102: {  	_ =	swait.ge [sflag:s9], $0x4000  }
0x103: {  	[sflag:s9] =	ssyncset.done $0x0  }
0x104: {  	[sflag:s9] =	ssyncadd.s32 $0xFFFFC000  }
.Ltmp5:
0x105: {  	(pc) =	sbr.rel .LBB2_5-.Ltmp5, $3  }
0x106: {  	_ =	sdelay $0x1  }
0x107: {  	s17 =	sadd.s32 $0xC00, s17;
	s16 =	sadd.s32 $0x400, s16  }
0x108: {  	[tilespmem:s30], [sflag:$0x1] =	stream.indirect.gather [hbm4b:s20+s4], $0x80, s17, s4, $0xb8;
	[tilespmem:$0x1D400] =	vst v63  }
.LBB2_7:
0x109: {  	_ =	swait.ge [sflag:s11], $0x4000  }
0x10a: {  	[sflag:s11] =	ssyncset.done $0x0  }
0x10b: {  	s16 =	rddreg [dreg:$0x8];
	[sflag:s11] =	ssyncadd.s32 $0xFFFFC000  }
0x10c: {  	[tilespmem:s3], [sflag:$0x5] =	stream.linear.gather [hbm4b:s16+s3], $0xC00, $0x38;
	[tilespmem:$0x1D400] =	vst v63  }
0x10d: {  	_ =	swait.ge [sflag:s31], $0xC00  }
0x10e: {  	[sflag:s31] =	ssyncset.done $0x0  }
0x10f: {  	s18 =	rddreg [dreg:$0x9];
	[sflag:s31] =	ssyncadd.s32 $0xFFFFF400  }
0x110: {  	[tilespmem:s0], [sflag:$0x5] =	stream.linear.gather [hbm4b:s18+s3], $0xC00, $0x38;
	[tilespmem:$0x1D400] =	vst v63  }
0x111: {  	_ =	swait.ge [sflag:s31], $0xC00  }
0x112: {  	[sflag:s31] =	ssyncset.done $0x0  }
0x113: {  	[sflag:s31] =	ssyncadd.s32 $0xFFFFF400  }
0x114: {  	[tilespmem:s30], [sflag:$0x1] =	stream.indirect.gather [hbm4b:s20+s4], $0x80, s3, s4, $0xb8;
	[tilespmem:$0x1D400] =	vst v63  }
0x115: {  	_ =	swait.ge [sflag:s5], $0x4000  }
0x116: {  	[sflag:s5] =	ssyncset.done $0x0  }
0x117: {  	[sflag:s5] =	ssyncadd.s32 $0xFFFFC000  }
0x118: {  	[spmem:s1] =	stream.indirect.scatter.add.f32 [tilespmem:s30], [sflag:$0x3], $0x80, s0, s4, $0xb8;
	[tilespmem:$0x1D400] =	vst v63  }
0x119: {  	_ = 	snop  }
0x11a: {  	[tilespmem:s6], [sflag:$0x2] =	stream.indirect.gather [hbm4b:s20+s4], $0x80, s4, s4, $0xb8;
	[tilespmem:$0x1D400] =	vst v63  }
0x11b: {  	_ =	swait.ge [sflag:s7], $0x4000  }
0x11c: {  	[sflag:s7] =	ssyncset.done $0x0  }
0x11d: {  	[sflag:s7] =	ssyncadd.s32 $0xFFFFC000  }
0x11e: {  	[spmem:s1] =	stream.indirect.scatter.add.f32 [tilespmem:s6], [sflag:$0x4], $0x80, s8, s4, $0xb8;
	[tilespmem:$0x1D400] =	vst v63  }
0x11f: {  	_ =	swait.ge [sflag:s9], $0x4000  }
0x120: {  	[sflag:s9] =	ssyncset.done $0x0  }
0x121: {  	s16 =	simm.s32 $0xFFFFD800;
	[sflag:s9] =	ssyncadd.s32 $0xFFFFC000  }
0x122: {  	[tilespmem:s30], [sflag:$0x1] =	stream.indirect.gather [hbm4b:s20+s4], $0x80, s10, s4, $0xb8;
	[tilespmem:$0x1D400] =	vst v63  }
.LBB2_8:
0x123: {  	_ =	swait.ge [sflag:s5], $0x4000  }
0x124: {  	s17 =	sshra.s32 s16, $0x2;
	[sflag:s5] =	ssyncset.done $0x0  }
0x125: {  	s18 =	sadd.s32 $0x1700, s17;
	[sflag:s5] =	ssyncadd.s32 $0xFFFFC000  }
0x126: {  	[spmem:s1] =	stream.indirect.scatter.add.f32 [tilespmem:s30], [sflag:$0x3], $0x80, s18, s4, $0xb8;
	[tilespmem:$0x1D400] =	vst v63  }
0x127: {  	_ =	swait.ge [sflag:s11], $0x4000  }
0x128: {  	[sflag:s11] =	ssyncset.done $0x0  }
0x129: {  	s18 =	sadd.s32 $0xB80, s17;
	[sflag:s11] =	ssyncadd.s32 $0xFFFFC000  }
0x12a: {  	[tilespmem:s6], [sflag:$0x2] =	stream.indirect.gather [hbm4b:s20+s4], $0x80, s18, s4, $0xb8;
	[tilespmem:$0x1D400] =	vst v63  }
0x12b: {  	_ =	swait.ge [sflag:s7], $0x4000  }
0x12c: {  	p1 =	seq.s32 s16, $0x0;
	[sflag:s7] =	ssyncset.done $0x0  }
.Ltmp6:
0x12d: {  	s18 =	sadd.s32 $0x1780, s17;
	[sflag:s7] =	ssyncadd.s32 $0xFFFFC000;
	(pc) =	sbr.rel @p1 .LBB2_10-.Ltmp6, $4  }
0x12e: {  	[spmem:s1] =	stream.indirect.scatter.add.f32 [tilespmem:s6], [sflag:$0x4], $0x80, s18, s4, $0xb8;
	[tilespmem:$0x1D400] =	vst v63  }
0x12f: {  	_ =	swait.ge [sflag:s9], $0x4000  }
0x130: {  	[sflag:s9] =	ssyncset.done $0x0  }
0x131: {  	[sflag:s9] =	ssyncadd.s32 $0xFFFFC000  }
.Ltmp7:
0x132: {  	(pc) =	sbr.rel .LBB2_8-.Ltmp7, $3  }
0x133: {  	_ =	sdelay $0x1  }
0x134: {  	s17 =	sadd.s32 $0xC00, s17;
	s16 =	sadd.s32 $0x400, s16  }
0x135: {  	[tilespmem:s30], [sflag:$0x1] =	stream.indirect.gather [hbm4b:s20+s4], $0x80, s17, s4, $0xb8;
	[tilespmem:$0x1D400] =	vst v63  }
.LBB2_10:
0x136: {  	_ =	swait.ge [sflag:s11], $0x4000  }
0x137: {  	[sflag:s11] =	ssyncset.done $0x0  }
0x138: {  	s16 =	rddreg [dreg:$0xa];
	[sflag:s11] =	ssyncadd.s32 $0xFFFFC000  }
0x139: {  	[tilespmem:s3], [sflag:$0x5] =	stream.linear.gather [hbm4b:s16+s3], $0xC00, $0x38;
	[tilespmem:$0x1D400] =	vst v63  }
0x13a: {  	_ =	swait.ge [sflag:s31], $0xC00  }
0x13b: {  	[sflag:s31] =	ssyncset.done $0x0  }
0x13c: {  	s18 =	rddreg [dreg:$0xb];
	[sflag:s31] =	ssyncadd.s32 $0xFFFFF400  }
0x13d: {  	[tilespmem:s0], [sflag:$0x5] =	stream.linear.gather [hbm4b:s18+s3], $0xC00, $0x38;
	[tilespmem:$0x1D400] =	vst v63  }
0x13e: {  	_ =	swait.ge [sflag:s31], $0xC00  }
0x13f: {  	[sflag:s31] =	ssyncset.done $0x0  }
0x140: {  	[sflag:s31] =	ssyncadd.s32 $0xFFFFF400  }
0x141: {  	[tilespmem:s30], [sflag:$0x1] =	stream.indirect.gather [hbm4b:s20+s4], $0x80, s3, s4, $0xb8;
	[tilespmem:$0x1D400] =	vst v63  }
0x142: {  	_ =	swait.ge [sflag:s5], $0x4000  }
0x143: {  	[sflag:s5] =	ssyncset.done $0x0  }
0x144: {  	[sflag:s5] =	ssyncadd.s32 $0xFFFFC000  }
0x145: {  	[spmem:s1] =	stream.indirect.scatter.add.f32 [tilespmem:s30], [sflag:$0x3], $0x80, s0, s4, $0xb8;
	[tilespmem:$0x1D400] =	vst v63  }
0x146: {  	_ = 	snop  }
0x147: {  	[tilespmem:s6], [sflag:$0x2] =	stream.indirect.gather [hbm4b:s20+s4], $0x80, s4, s4, $0xb8;
	[tilespmem:$0x1D400] =	vst v63  }
0x148: {  	_ =	swait.ge [sflag:s7], $0x4000  }
0x149: {  	[sflag:s7] =	ssyncset.done $0x0  }
0x14a: {  	[sflag:s7] =	ssyncadd.s32 $0xFFFFC000  }
0x14b: {  	[spmem:s1] =	stream.indirect.scatter.add.f32 [tilespmem:s6], [sflag:$0x4], $0x80, s8, s4, $0xb8;
	[tilespmem:$0x1D400] =	vst v63  }
0x14c: {  	_ =	swait.ge [sflag:s9], $0x4000  }
0x14d: {  	[sflag:s9] =	ssyncset.done $0x0  }
0x14e: {  	s16 =	simm.s32 $0xFFFFD800;
	[sflag:s9] =	ssyncadd.s32 $0xFFFFC000  }
0x14f: {  	[tilespmem:s30], [sflag:$0x1] =	stream.indirect.gather [hbm4b:s20+s4], $0x80, s10, s4, $0xb8;
	[tilespmem:$0x1D400] =	vst v63  }
.LBB2_11:
0x150: {  	_ =	swait.ge [sflag:s5], $0x4000  }
0x151: {  	s17 =	sshra.s32 s16, $0x2;
	[sflag:s5] =	ssyncset.done $0x0  }
0x152: {  	s18 =	sadd.s32 $0x1700, s17;
	[sflag:s5] =	ssyncadd.s32 $0xFFFFC000  }
0x153: {  	[spmem:s1] =	stream.indirect.scatter.add.f32 [tilespmem:s30], [sflag:$0x3], $0x80, s18, s4, $0xb8;
	[tilespmem:$0x1D400] =	vst v63  }
0x154: {  	_ =	swait.ge [sflag:s11], $0x4000  }
0x155: {  	[sflag:s11] =	ssyncset.done $0x0  }
0x156: {  	s18 =	sadd.s32 $0xB80, s17;
	[sflag:s11] =	ssyncadd.s32 $0xFFFFC000  }
0x157: {  	[tilespmem:s6], [sflag:$0x2] =	stream.indirect.gather [hbm4b:s20+s4], $0x80, s18, s4, $0xb8;
	[tilespmem:$0x1D400] =	vst v63  }
0x158: {  	_ =	swait.ge [sflag:s7], $0x4000  }
0x159: {  	p1 =	seq.s32 s16, $0x0;
	[sflag:s7] =	ssyncset.done $0x0  }
.Ltmp8:
0x15a: {  	s18 =	sadd.s32 $0x1780, s17;
	[sflag:s7] =	ssyncadd.s32 $0xFFFFC000;
	(pc) =	sbr.rel @p1 .LBB2_13-.Ltmp8, $4  }
0x15b: {  	[spmem:s1] =	stream.indirect.scatter.add.f32 [tilespmem:s6], [sflag:$0x4], $0x80, s18, s4, $0xb8;
	[tilespmem:$0x1D400] =	vst v63  }
0x15c: {  	_ =	swait.ge [sflag:s9], $0x4000  }
0x15d: {  	[sflag:s9] =	ssyncset.done $0x0  }
0x15e: {  	[sflag:s9] =	ssyncadd.s32 $0xFFFFC000  }
.Ltmp9:
0x15f: {  	(pc) =	sbr.rel .LBB2_11-.Ltmp9, $3  }
0x160: {  	_ =	sdelay $0x1  }
0x161: {  	s17 =	sadd.s32 $0xC00, s17;
	s16 =	sadd.s32 $0x400, s16  }
0x162: {  	[tilespmem:s30], [sflag:$0x1] =	stream.indirect.gather [hbm4b:s20+s4], $0x80, s17, s4, $0xb8;
	[tilespmem:$0x1D400] =	vst v63  }
.LBB2_13:
0x163: {  	_ =	swait.ge [sflag:s11], $0x4000  }
0x164: {  	[sflag:s11] =	ssyncset.done $0x0  }
0x165: {  	s16 =	rddreg [dreg:$0xc];
	[sflag:s11] =	ssyncadd.s32 $0xFFFFC000  }
0x166: {  	[tilespmem:s3], [sflag:$0x5] =	stream.linear.gather [hbm4b:s16+s3], $0xC00, $0x38;
	[tilespmem:$0x1D400] =	vst v63  }
0x167: {  	_ =	swait.ge [sflag:s31], $0xC00  }
0x168: {  	[sflag:s31] =	ssyncset.done $0x0  }
0x169: {  	s18 =	rddreg [dreg:$0xd];
	[sflag:s31] =	ssyncadd.s32 $0xFFFFF400  }
0x16a: {  	[tilespmem:s0], [sflag:$0x5] =	stream.linear.gather [hbm4b:s18+s3], $0xC00, $0x38;
	[tilespmem:$0x1D400] =	vst v63  }
0x16b: {  	_ =	swait.ge [sflag:s31], $0xC00  }
0x16c: {  	[sflag:s31] =	ssyncset.done $0x0  }
0x16d: {  	[sflag:s31] =	ssyncadd.s32 $0xFFFFF400  }
0x16e: {  	[tilespmem:s30], [sflag:$0x1] =	stream.indirect.gather [hbm4b:s21+s4], $0x80, s3, s4, $0xb8;
	[tilespmem:$0x1D400] =	vst v63  }
0x16f: {  	_ =	swait.ge [sflag:s5], $0x4000  }
0x170: {  	[sflag:s5] =	ssyncset.done $0x0  }
0x171: {  	[sflag:s5] =	ssyncadd.s32 $0xFFFFC000  }
0x172: {  	[spmem:s1] =	stream.indirect.scatter.add.f32 [tilespmem:s30], [sflag:$0x3], $0x80, s0, s4, $0xb8;
	[tilespmem:$0x1D400] =	vst v63  }
0x173: {  	_ = 	snop  }
0x174: {  	[tilespmem:s6], [sflag:$0x2] =	stream.indirect.gather [hbm4b:s21+s4], $0x80, s4, s4, $0xb8;
	[tilespmem:$0x1D400] =	vst v63  }
0x175: {  	_ =	swait.ge [sflag:s7], $0x4000  }
0x176: {  	[sflag:s7] =	ssyncset.done $0x0  }
0x177: {  	[sflag:s7] =	ssyncadd.s32 $0xFFFFC000  }
0x178: {  	[spmem:s1] =	stream.indirect.scatter.add.f32 [tilespmem:s6], [sflag:$0x4], $0x80, s8, s4, $0xb8;
	[tilespmem:$0x1D400] =	vst v63  }
0x179: {  	_ =	swait.ge [sflag:s9], $0x4000  }
0x17a: {  	[sflag:s9] =	ssyncset.done $0x0  }
0x17b: {  	s16 =	simm.s32 $0xFFFFD800;
	[sflag:s9] =	ssyncadd.s32 $0xFFFFC000  }
0x17c: {  	[tilespmem:s30], [sflag:$0x1] =	stream.indirect.gather [hbm4b:s21+s4], $0x80, s10, s4, $0xb8;
	[tilespmem:$0x1D400] =	vst v63  }
.LBB2_14:
0x17d: {  	_ =	swait.ge [sflag:s5], $0x4000  }
0x17e: {  	s17 =	sshra.s32 s16, $0x2;
	[sflag:s5] =	ssyncset.done $0x0  }
0x17f: {  	s18 =	sadd.s32 $0x1700, s17;
	[sflag:s5] =	ssyncadd.s32 $0xFFFFC000  }
0x180: {  	[spmem:s1] =	stream.indirect.scatter.add.f32 [tilespmem:s30], [sflag:$0x3], $0x80, s18, s4, $0xb8;
	[tilespmem:$0x1D400] =	vst v63  }
0x181: {  	_ =	swait.ge [sflag:s11], $0x4000  }
0x182: {  	[sflag:s11] =	ssyncset.done $0x0  }
0x183: {  	s18 =	sadd.s32 $0xB80, s17;
	[sflag:s11] =	ssyncadd.s32 $0xFFFFC000  }
0x184: {  	[tilespmem:s6], [sflag:$0x2] =	stream.indirect.gather [hbm4b:s21+s4], $0x80, s18, s4, $0xb8;
	[tilespmem:$0x1D400] =	vst v63  }
0x185: {  	_ =	swait.ge [sflag:s7], $0x4000  }
0x186: {  	p1 =	seq.s32 s16, $0x0;
	[sflag:s7] =	ssyncset.done $0x0  }
.Ltmp10:
0x187: {  	s18 =	sadd.s32 $0x1780, s17;
	[sflag:s7] =	ssyncadd.s32 $0xFFFFC000;
	(pc) =	sbr.rel @p1 .LBB2_16-.Ltmp10, $4  }
0x188: {  	[spmem:s1] =	stream.indirect.scatter.add.f32 [tilespmem:s6], [sflag:$0x4], $0x80, s18, s4, $0xb8;
	[tilespmem:$0x1D400] =	vst v63  }
0x189: {  	_ =	swait.ge [sflag:s9], $0x4000  }
0x18a: {  	[sflag:s9] =	ssyncset.done $0x0  }
0x18b: {  	[sflag:s9] =	ssyncadd.s32 $0xFFFFC000  }
.Ltmp11:
0x18c: {  	(pc) =	sbr.rel .LBB2_14-.Ltmp11, $3  }
0x18d: {  	_ =	sdelay $0x1  }
0x18e: {  	s17 =	sadd.s32 $0xC00, s17;
	s16 =	sadd.s32 $0x400, s16  }
0x18f: {  	[tilespmem:s30], [sflag:$0x1] =	stream.indirect.gather [hbm4b:s21+s4], $0x80, s17, s4, $0xb8;
	[tilespmem:$0x1D400] =	vst v63  }
.LBB2_16:
0x190: {  	_ =	swait.ge [sflag:s11], $0x4000  }
0x191: {  	[sflag:s11] =	ssyncset.done $0x0  }
0x192: {  	s16 =	rddreg [dreg:$0xe];
	[sflag:s11] =	ssyncadd.s32 $0xFFFFC000  }
0x193: {  	[tilespmem:s3], [sflag:$0x5] =	stream.linear.gather [hbm4b:s16+s3], $0xC00, $0x38;
	[tilespmem:$0x1D400] =	vst v63  }
0x194: {  	_ =	swait.ge [sflag:s31], $0xC00  }
0x195: {  	[sflag:s31] =	ssyncset.done $0x0  }
0x196: {  	s18 =	rddreg [dreg:$0xf];
	[sflag:s31] =	ssyncadd.s32 $0xFFFFF400  }
0x197: {  	[tilespmem:s0], [sflag:$0x5] =	stream.linear.gather [hbm4b:s18+s3], $0xC00, $0x38;
	[tilespmem:$0x1D400] =	vst v63  }
0x198: {  	_ =	swait.ge [sflag:s31], $0xC00  }
0x199: {  	[sflag:s31] =	ssyncset.done $0x0  }
0x19a: {  	[sflag:s31] =	ssyncadd.s32 $0xFFFFF400  }
0x19b: {  	[tilespmem:s30], [sflag:$0x1] =	stream.indirect.gather [hbm4b:s21+s4], $0x80, s3, s4, $0xb8;
	[tilespmem:$0x1D400] =	vst v63  }
0x19c: {  	_ =	swait.ge [sflag:s5], $0x4000  }
0x19d: {  	[sflag:s5] =	ssyncset.done $0x0  }
0x19e: {  	[sflag:s5] =	ssyncadd.s32 $0xFFFFC000  }
0x19f: {  	[spmem:s1] =	stream.indirect.scatter.add.f32 [tilespmem:s30], [sflag:$0x3], $0x80, s0, s4, $0xb8;
	[tilespmem:$0x1D400] =	vst v63  }
0x1a0: {  	_ = 	snop  }
0x1a1: {  	[tilespmem:s6], [sflag:$0x2] =	stream.indirect.gather [hbm4b:s21+s4], $0x80, s4, s4, $0xb8;
	[tilespmem:$0x1D400] =	vst v63  }
0x1a2: {  	_ =	swait.ge [sflag:s7], $0x4000  }
0x1a3: {  	[sflag:s7] =	ssyncset.done $0x0  }
0x1a4: {  	[sflag:s7] =	ssyncadd.s32 $0xFFFFC000  }
0x1a5: {  	[spmem:s1] =	stream.indirect.scatter.add.f32 [tilespmem:s6], [sflag:$0x4], $0x80, s8, s4, $0xb8;
	[tilespmem:$0x1D400] =	vst v63  }
0x1a6: {  	_ =	swait.ge [sflag:s9], $0x4000  }
0x1a7: {  	[sflag:s9] =	ssyncset.done $0x0  }
0x1a8: {  	s16 =	simm.s32 $0xFFFFD800;
	[sflag:s9] =	ssyncadd.s32 $0xFFFFC000  }
0x1a9: {  	[tilespmem:s30], [sflag:$0x1] =	stream.indirect.gather [hbm4b:s21+s4], $0x80, s10, s4, $0xb8;
	[tilespmem:$0x1D400] =	vst v63  }
.LBB2_17:
0x1aa: {  	_ =	swait.ge [sflag:s5], $0x4000  }
0x1ab: {  	s17 =	sshra.s32 s16, $0x2;
	[sflag:s5] =	ssyncset.done $0x0  }
0x1ac: {  	s18 =	sadd.s32 $0x1700, s17;
	[sflag:s5] =	ssyncadd.s32 $0xFFFFC000  }
0x1ad: {  	[spmem:s1] =	stream.indirect.scatter.add.f32 [tilespmem:s30], [sflag:$0x3], $0x80, s18, s4, $0xb8;
	[tilespmem:$0x1D400] =	vst v63  }
0x1ae: {  	_ =	swait.ge [sflag:s11], $0x4000  }
0x1af: {  	[sflag:s11] =	ssyncset.done $0x0  }
0x1b0: {  	s18 =	sadd.s32 $0xB80, s17;
	[sflag:s11] =	ssyncadd.s32 $0xFFFFC000  }
0x1b1: {  	[tilespmem:s6], [sflag:$0x2] =	stream.indirect.gather [hbm4b:s21+s4], $0x80, s18, s4, $0xb8;
	[tilespmem:$0x1D400] =	vst v63  }
0x1b2: {  	_ =	swait.ge [sflag:s7], $0x4000  }
0x1b3: {  	p1 =	seq.s32 s16, $0x0;
	[sflag:s7] =	ssyncset.done $0x0  }
.Ltmp12:
0x1b4: {  	s18 =	sadd.s32 $0x1780, s17;
	[sflag:s7] =	ssyncadd.s32 $0xFFFFC000;
	(pc) =	sbr.rel @p1 .LBB2_19-.Ltmp12, $4  }
0x1b5: {  	[spmem:s1] =	stream.indirect.scatter.add.f32 [tilespmem:s6], [sflag:$0x4], $0x80, s18, s4, $0xb8;
	[tilespmem:$0x1D400] =	vst v63  }
0x1b6: {  	_ =	swait.ge [sflag:s9], $0x4000  }
0x1b7: {  	[sflag:s9] =	ssyncset.done $0x0  }
0x1b8: {  	[sflag:s9] =	ssyncadd.s32 $0xFFFFC000  }
.Ltmp13:
0x1b9: {  	(pc) =	sbr.rel .LBB2_17-.Ltmp13, $3  }
0x1ba: {  	_ =	sdelay $0x1  }
0x1bb: {  	s17 =	sadd.s32 $0xC00, s17;
	s16 =	sadd.s32 $0x400, s16  }
0x1bc: {  	[tilespmem:s30], [sflag:$0x1] =	stream.indirect.gather [hbm4b:s21+s4], $0x80, s17, s4, $0xb8;
	[tilespmem:$0x1D400] =	vst v63  }
.LBB2_19:
0x1bd: {  	_ =	swait.ge [sflag:s11], $0x4000  }
0x1be: {  	[sflag:s11] =	ssyncset.done $0x0  }
0x1bf: {  	s16 =	rddreg [dreg:$0x10];
	[sflag:s11] =	ssyncadd.s32 $0xFFFFC000  }
0x1c0: {  	[tilespmem:s3], [sflag:$0x5] =	stream.linear.gather [hbm4b:s16+s3], $0xC00, $0x38;
	[tilespmem:$0x1D400] =	vst v63  }
0x1c1: {  	_ =	swait.ge [sflag:s31], $0xC00  }
0x1c2: {  	[sflag:s31] =	ssyncset.done $0x0  }
0x1c3: {  	s18 =	rddreg [dreg:$0x11];
	[sflag:s31] =	ssyncadd.s32 $0xFFFFF400  }
0x1c4: {  	[tilespmem:s0], [sflag:$0x5] =	stream.linear.gather [hbm4b:s18+s3], $0xC00, $0x38;
	[tilespmem:$0x1D400] =	vst v63  }
0x1c5: {  	_ =	swait.ge [sflag:s31], $0xC00  }
0x1c6: {  	[sflag:s31] =	ssyncset.done $0x0  }
0x1c7: {  	[sflag:s31] =	ssyncadd.s32 $0xFFFFF400  }
0x1c8: {  	[tilespmem:s30], [sflag:$0x1] =	stream.indirect.gather [hbm4b:s21+s4], $0x80, s3, s4, $0xb8;
	[tilespmem:$0x1D400] =	vst v63  }
0x1c9: {  	_ =	swait.ge [sflag:s5], $0x4000  }
0x1ca: {  	[sflag:s5] =	ssyncset.done $0x0  }
0x1cb: {  	[sflag:s5] =	ssyncadd.s32 $0xFFFFC000  }
0x1cc: {  	[spmem:s1] =	stream.indirect.scatter.add.f32 [tilespmem:s30], [sflag:$0x3], $0x80, s0, s4, $0xb8;
	[tilespmem:$0x1D400] =	vst v63  }
0x1cd: {  	_ = 	snop  }
0x1ce: {  	[tilespmem:s6], [sflag:$0x2] =	stream.indirect.gather [hbm4b:s21+s4], $0x80, s4, s4, $0xb8;
	[tilespmem:$0x1D400] =	vst v63  }
0x1cf: {  	_ =	swait.ge [sflag:s7], $0x4000  }
0x1d0: {  	[sflag:s7] =	ssyncset.done $0x0  }
0x1d1: {  	[sflag:s7] =	ssyncadd.s32 $0xFFFFC000  }
0x1d2: {  	[spmem:s1] =	stream.indirect.scatter.add.f32 [tilespmem:s6], [sflag:$0x4], $0x80, s8, s4, $0xb8;
	[tilespmem:$0x1D400] =	vst v63  }
0x1d3: {  	_ =	swait.ge [sflag:s9], $0x4000  }
0x1d4: {  	[sflag:s9] =	ssyncset.done $0x0  }
0x1d5: {  	s16 =	simm.s32 $0xFFFFD800;
	[sflag:s9] =	ssyncadd.s32 $0xFFFFC000  }
0x1d6: {  	[tilespmem:s30], [sflag:$0x1] =	stream.indirect.gather [hbm4b:s21+s4], $0x80, s10, s4, $0xb8;
	[tilespmem:$0x1D400] =	vst v63  }
.LBB2_20:
0x1d7: {  	_ =	swait.ge [sflag:s5], $0x4000  }
0x1d8: {  	s17 =	sshra.s32 s16, $0x2;
	[sflag:s5] =	ssyncset.done $0x0  }
0x1d9: {  	s18 =	sadd.s32 $0x1700, s17;
	[sflag:s5] =	ssyncadd.s32 $0xFFFFC000  }
0x1da: {  	[spmem:s1] =	stream.indirect.scatter.add.f32 [tilespmem:s30], [sflag:$0x3], $0x80, s18, s4, $0xb8;
	[tilespmem:$0x1D400] =	vst v63  }
0x1db: {  	_ =	swait.ge [sflag:s11], $0x4000  }
0x1dc: {  	[sflag:s11] =	ssyncset.done $0x0  }
0x1dd: {  	s18 =	sadd.s32 $0xB80, s17;
	[sflag:s11] =	ssyncadd.s32 $0xFFFFC000  }
0x1de: {  	[tilespmem:s6], [sflag:$0x2] =	stream.indirect.gather [hbm4b:s21+s4], $0x80, s18, s4, $0xb8;
	[tilespmem:$0x1D400] =	vst v63  }
0x1df: {  	_ =	swait.ge [sflag:s7], $0x4000  }
0x1e0: {  	p1 =	seq.s32 s16, $0x0;
	[sflag:s7] =	ssyncset.done $0x0  }
.Ltmp14:
0x1e1: {  	s18 =	sadd.s32 $0x1780, s17;
	[sflag:s7] =	ssyncadd.s32 $0xFFFFC000;
	(pc) =	sbr.rel @p1 .LBB2_23-.Ltmp14, $4  }
0x1e2: {  	[spmem:s1] =	stream.indirect.scatter.add.f32 [tilespmem:s6], [sflag:$0x4], $0x80, s18, s4, $0xb8;
	[tilespmem:$0x1D400] =	vst v63  }
0x1e3: {  	_ =	swait.ge [sflag:s9], $0x4000  }
0x1e4: {  	[sflag:s9] =	ssyncset.done $0x0  }
0x1e5: {  	[sflag:s9] =	ssyncadd.s32 $0xFFFFC000  }
.Ltmp15:
0x1e6: {  	(pc) =	sbr.rel .LBB2_20-.Ltmp15, $3  }
0x1e7: {  	_ =	sdelay $0x1  }
0x1e8: {  	s17 =	sadd.s32 $0xC00, s17;
	s16 =	sadd.s32 $0x400, s16  }
0x1e9: {  	[tilespmem:s30], [sflag:$0x1] =	stream.indirect.gather [hbm4b:s21+s4], $0x80, s17, s4, $0xb8;
	[tilespmem:$0x1D400] =	vst v63  }
.LBB2_24:
0x1ea: {  	_ =	sfence.sel $0x180000  }
0x1eb: {  	[bflag:$0x0] =	sbarrier.arrive $0xFFFF  }
0x1ec: {  	_ =	strace $0x9000004A  }
0x1ed: {  	[bflag:$0x2] =	sbarrier.arrive $0xFFFF  }
0x1ee: {  	p0 =	sne.s32 s2, $0x0;
	s0 =	rddreg [dreg:$0x3]  }
0x1ef: {  	s0 =	sadd.s32 @!p0 $0x100000, s0  }
0x1f0: {  	[sflag:s0] =	ssyncadd.tile.s32 @!p0 $0x1;
	_ =	shalt  }
.Lfunc_end2:
_tile_overlayer_lowered:
.L_overlay_start_2:
0x1f1: {  	(tag) =	ssettag $0x2  }
0x1f2: {  	s0 =	rddreg [dreg:$0x0];
	s2 =	stileid.u32  }
0x1f3: {  	s1 =	rddreg [dreg:$0x1];
	p0 =	sne.s32 s2, $0x0  }
0x1f4: {  	s3 =	rddreg [dreg:$0x2];
	[bflag:$0x3] =	sbarrier.arrive $0xFFFF;
	s2 =	simm.s32 @!p0 $0x1C05  }
0x1f5: {  	[timem:s3], [sflag:s2] =	dma.local @!p0 [hbm:s0], s1  }
0x1f6: {  	s0 =	simm.s32 @!p0 $0x5  }
0x1f7: {  	_ =	swait.ge @!p0 [sflag:s0], s1  }
0x1f8: {  	s1 =	ssub.s32 @!p0 $0x0, s1;
	[sflag:s0] =	ssyncset.done @!p0 $0x0  }
0x1f9: {  	[sflag:s0] =	ssyncadd.s32 @!p0 s1  }
0x1fa: {  	[bflag:$0x3] =	sbarrier.arrive $0xFFFF  }
0x1fb: {  	_ =	shalt  }

// kernel: kernel.7.cloned.1.call-start
scs
__scs_entry_jumppad:
0x0: {  	(pc) =	sbr.rel $0x88, $3  }
0x1: {  	(tag) =	ssettag $0x0;
	lr =	simm.s32 $0x1  }
0x2: {  	[smem:$0x3F85] =	sst lr;
	_ =	strace $0xD0000000  }
0x3: {  	_ = 	snop  }
0x4: {  	_ = 	snop  }
0x5: {  	_ = 	snop  }
0x6: {  	_ = 	snop  }
0x7: {  	_ = 	snop  }
__scs_overlays_trampoline_lowered:
0x8: {  	[smem:$0x3F94] =	sst s0  }
0x9: {  	[smem:$0x3F95] =	sst s1  }
0xa: {  	[smem:$0x3F96] =	sst s2  }
0xb: {  	[smem:$0x3F97] =	sst s3  }
0xc: {  	[smem:$0x3F98] =	sst s4  }
0xd: {  	[smem:$0x3F99] =	sst s5  }
0xe: {  	[smem:$0x3F9A] =	sst s6  }
0xf: {  	[smem:$0x3F9B] =	sst s7  }
0x10: {  	[smem:$0x3F9C] =	sst s8  }
0x11: {  	[smem:$0x3F9D] =	sst s9;
	s0 =	simm.s32 @!p0 $0x0  }
0x12: {  	s1 =	sld [smem:$0x3F83];
	s0 =	simm.s32 @p0 $0x1  }
0x13: {  	[smem:$0x3F9E] =	sst s0;
	s0 =	simm.s32 @!p1 $0x0  }
0x14: {  	s2 =	sld [smem:$0x3F82];
	s0 =	simm.s32 @p1 $0x1  }
0x15: {  	[smem:$0x3F9F] =	sst s0;
	s0 =	simm.s32 @!p2 $0x0  }
0x16: {  	s3 =	sld [smem:$0x3FDB];
	s0 =	simm.s32 @p2 $0x1  }
0x17: {  	s4 =	simm.s32 $0x1BF5;
	[smem:$0x3FA1] =	sst s0  }
0x18: {  	s0 =	sld [smem:$0x3F84];
	_ =	swait.ge [sflag:s4], $0x0  }
0x19: {  	s7 =	sld [smem:$0x3F85]  }
0x1a: {  	s8 =	sadd.s32 $0xFFFFE003, lr  }
0x1b: {  	s9 =	sadd.s32 $0xFFFFFEF7, lr;
	s5 =	simm.s32 $0xFFFFFFFF;
	p2 =	slt.u32 s8, $0xFFFFF086  }
0x1c: {  	p1 =	slt.u32 s9, $0xF7A;
	s5 =	simm.s32 @!p2 $0x0  }
0x1d: {  	s5 =	simm.s32 @p1 $0x1;
	p0 =	seq.s32 s7, s2  }
0x1e: {  	s7 =	smul.u32 @!p0 $0xF7A, s2;
	p2 =	seq.s32 @!p0 s5, $0x0  }
0x1f: {  	s9 =	smul.u32 $0xF7A, s1;
	s8 =	simm.s32 @!p0 $0x1BF5;
	p2 =	por !p2, p0  }
0x20: {  	[sflag:s8] =	ssyncset.s32 @!p0 $0xFFFFF086;
	s6 =	sadd.s32 @!p0 s3, s7;
	s7 =	simm.s32 @!p0 $0x108  }
0x21: {  	s3 =	sadd.s32 s3, s9;
	s6 =	sadd.s32 @!p0 $0x88, s6;
	s7 =	simm.s32 @p2 $0x1082  }
0x22: {  	[simem:s7], [sflag:s8] =	dma.local @!p0 [hbm:s6], $0xF7A  }
0x23: {  	s9 =	sor.u32 $0xD0000000, s2;
	s6 =	simm.s32 $0x108;
	_ =	swait.ge @!p0 [sflag:s8], $0x0  }
0x24: {  	s3 =	sadd.s32 $0x88, s3;
	s6 =	simm.s32 @!p1 $0x1082;
	[sflag:s4] =	ssyncset.s32 $0xFFFFF086  }
0x25: {  	[simem:s6], [sflag:s4] =	dma.local [hbm:s3], $0xF7A  }
0x26: {  	[smem:$0x3F85] =	sst s1;
	(tag) =	ssettag s2;
	_ =	strace s9  }
0x27: {  	s1 =	sld [smem:$0x3F95]  }
0x28: {  	s2 =	sld [smem:$0x3F96]  }
0x29: {  	s4 =	sld [smem:$0x3F98]  }
0x2a: {  	p0 =	seq.s32 s5, $0x0;
	s5 =	sld [smem:$0x3F99]  }
0x2b: {  	s6 =	sld [smem:$0x3F9A]  }
0x2c: {  	s7 =	sld [smem:$0x3F9B]  }
0x2d: {  	s3 =	simm.s32 $0x108;
	s8 =	sld [smem:$0x3F9C]  }
0x2e: {  	s3 =	simm.s32 @!p0 $0x1082;
	s9 =	sld [smem:$0x3F9D]  }
0x2f: {  	lr =	sadd.s32 s0, s3;
	s0 =	sld [smem:$0x3F94]  }
0x30: {  	s3 =	sld [smem:$0x3F97]  }
0x31: {  	[smem:$0x3FA0] =	sst s10  }
0x32: {  	s10 =	sld [smem:$0x3F9E];
	_ =	sdelay $0x3  }
0x33: {  	p0 =	seq.s32 s10, $0x1;
	s10 =	sld [smem:$0x3FA0];
	_ =	sdelay $0x3  }
0x34: {  	[smem:$0x3FA0] =	sst s10  }
0x35: {  	s10 =	sld [smem:$0x3F9F];
	_ =	sdelay $0x3  }
0x36: {  	p1 =	seq.s32 s10, $0x1;
	s10 =	sld [smem:$0x3FA0];
	_ =	sdelay $0x3  }
0x37: {  	[smem:$0x3FA0] =	sst s10  }
0x38: {  	s10 =	sld [smem:$0x3FA1]  }
0x39: {  	_ = 	snop;
	(pc) =	sbr.ind lr, $3  }
0x3a: {  	_ = 	snop  }
0x3b: {  	_ = 	snop  }
0x3c: {  	p2 =	seq.s32 s10, $0x1;
	s10 =	sld [smem:$0x3FA0]  }
0x3d: {  	_ =	shalt  }
0x3e: {  	_ =	shalt  }
0x3f: {  	_ =	shalt  }
0x40: {  	_ =	shalt  }
0x41: {  	_ =	shalt  }
0x42: {  	_ =	shalt  }
0x43: {  	_ =	shalt  }
0x44: {  	_ =	shalt  }
0x45: {  	_ =	shalt  }
0x46: {  	_ =	shalt  }
0x47: {  	_ =	shalt  }
0x48: {  	_ =	shalt  }
0x49: {  	_ =	shalt  }
0x4a: {  	_ =	shalt  }
0x4b: {  	_ =	shalt  }
0x4c: {  	_ =	shalt  }
0x4d: {  	_ =	shalt  }
0x4e: {  	_ =	shalt  }
0x4f: {  	_ =	shalt  }
0x50: {  	_ =	shalt  }
0x51: {  	_ =	shalt  }
0x52: {  	_ =	shalt  }
0x53: {  	_ =	shalt  }
0x54: {  	_ =	shalt  }
0x55: {  	_ =	shalt  }
0x56: {  	_ =	shalt  }
0x57: {  	_ =	shalt  }
0x58: {  	_ =	shalt  }
0x59: {  	_ =	shalt  }
0x5a: {  	_ =	shalt  }
0x5b: {  	_ =	shalt  }
0x5c: {  	_ =	shalt  }
0x5d: {  	_ =	shalt  }
0x5e: {  	_ =	shalt  }
0x5f: {  	_ =	shalt  }
0x60: {  	_ =	shalt  }
0x61: {  	_ =	shalt  }
0x62: {  	_ =	shalt  }
0x63: {  	_ =	shalt  }
0x64: {  	_ =	shalt  }
0x65: {  	_ =	shalt  }
0x66: {  	_ =	shalt  }
0x67: {  	_ =	shalt  }
0x68: {  	_ =	shalt  }
0x69: {  	_ =	shalt  }
0x6a: {  	_ =	shalt  }
0x6b: {  	_ =	shalt  }
0x6c: {  	_ =	shalt  }
0x6d: {  	_ =	shalt  }
0x6e: {  	_ =	shalt  }
0x6f: {  	_ =	shalt  }
0x70: {  	_ =	shalt  }
0x71: {  	_ =	shalt  }
0x72: {  	_ =	shalt  }
0x73: {  	_ =	shalt  }
0x74: {  	_ =	shalt  }
0x75: {  	_ =	shalt  }
0x76: {  	_ =	shalt  }
0x77: {  	_ =	shalt  }
0x78: {  	_ =	shalt  }
0x79: {  	_ =	shalt  }
0x7a: {  	_ =	shalt  }
0x7b: {  	_ =	shalt  }
0x7c: {  	_ =	shalt  }
0x7d: {  	_ =	shalt  }
0x7e: {  	_ =	shalt  }
0x7f: {  	_ =	shalt  }
0x80: {  	_ =	shalt  }
0x81: {  	_ =	shalt  }
0x82: {  	_ =	shalt  }
0x83: {  	_ =	shalt  }
0x84: {  	_ =	shalt  }
0x85: {  	_ =	shalt  }
0x86: {  	_ =	shalt  }
0x87: {  	_ =	shalt  }
.Lfunc_end0:
.L_simem_size_0:
called_computation_lowered:
.L_overlay_start_0:
0x88: {  	s2 =	sld [smem:$0x3FD9]  }
0x89: {  	s3 =	sld [smem:$0x3FFE];
	_ =	sdelay $0x1  }
0x8a: {  	s1 =	srdreg.scid  }
0x8b: {  	s0 =	sand.u32 $0x1, s1  }
0x8c: {  	s17 =	sshll.u32 s0, $0xA;
	s2 =	sadd.s32 s3, s2  }
0x8d: {  	s2 =	sadd.s32 s2, s17  }
0x8e: {  	[smem:$0x3FAC] =	sst s2  }
0x8f: {  	_ = 	snop  }
0x90: {  	s2 =	sld [smem:$0x3FD0];
	(tm) =	ssettm $0x1  }
0x91: {  	s18 =	sld [smem:$0x3FFB];
	_ =	sdelay $0x3  }
0x92: {  	_ =	strace s18  }
0x93: {  	s3 =	sld [smem:$0x3FFC];
	_ =	sdelay $0x3  }
0x94: {  	_ =	strace s3  }
0x95: {  	s3 =	sld [smem:$0x3FFD];
	_ =	sdelay $0x3  }
0x96: {  	_ =	strace s3  }
0x97: {  	_ =	strace $0x8FFFFFFF  }
0x98: {  	s19 =	sld [smem:$0x3FDB];
	_ =	sdelay $0x1  }
0x99: {  	s4 =	simm.s32 $_scs_section_size  }
0x9a: {  	s5 =	simm.s32 $_size__tile_overlayer_lowered;
	s6 =	simm.s32 $_tile_overlayer_lowered  }
0x9b: {  	s22 =	simm.s32 $0x1BFF;
	s21 =	sshll.u32 s6, $0x1;
	s3 =	sadd.s32 s4, s19  }
0x9c: {  	s7 =	simm.s32 $0x0;
	s20 =	sshll.u32 s5, $0x1;
	s5 =	sadd.s32 s21, s3  }
0x9d: {  	[timem:s7], [sflag:s22] =	dma.local [hbm:s5], s20  }
0x9e: {  	_ =	swait.ge [sflag:s22], s20  }
0x9f: {  	s4 =	ssub.s32 $0x0, s20;
	[sflag:s22] =	ssyncset.done $0x0  }
0xa0: {  	[sflag:s22] =	ssyncadd.s32 s4;
	_ =	sdelay $0x1  }
0xa1: {  	s23 =	simm.s32 $0x1B8B  }
0xa2: {  	_ =	swait.ge [sflag:s23], $0x1  }
0xa3: {  	[sflag:s23] =	ssyncset.done $0x0  }
0xa4: {  	s25 =	simm.s32 $0x1B8E;
	s24 =	sld [smem:$0x3FFE];
	[sflag:s23] =	ssyncadd.s32 $0xFFFFFFFF  }
0xa5: {  	s26 =	simm.s32 $execute0_lowered;
	[smem:$0x3FD2] =	sst s25  }
0xa6: {  	s5 =	sshll.u32 s26, $0x1;
	_ =	strace $0x80000046;
	[dreg:$0x1] =	wrdreg $0xFFFFFFFF  }
0xa7: {  	s28 =	simm.s32 $_size_execute0_lowered;
	s3 =	sadd.s32 s3, s5;
	[dreg:$0x0] =	wrdreg $0x0  }
0xa8: {  	s5 =	sshll.u32 s28, $0x1;
	[dreg:$0x2] =	wrdreg s3  }
0xa9: {  	[dreg:$0x3] =	wrdreg s5  }
0xaa: {  	[dreg:$0x4] =	wrdreg $0xC0  }
0xab: {  	_ =	task [dreg:s7], $0x5FFFF  }
0xac: {  	[dreg:$0x1] =	wrdreg $0xFFFFFFFF  }
0xad: {  	[dreg:$0x0] =	wrdreg $0x60  }
0xae: {  	[dreg:$0x2] =	wrdreg s24  }
0xaf: {  	[dreg:$0x3] =	wrdreg s2  }
0xb0: {  	[dreg:$0x4] =	wrdreg $0x98000  }
0xb1: {  	[dreg:$0x5] =	wrdreg $0x9  }
0xb2: {  	_ =	task.clear_ibuf [dreg:s7], $0x6FFFF;
	_ =	strace $0x90000046  }
0xb3: {  	s29 =	simm.s32 $0x9;
	_ =	strace $0x80000048  }
0xb4: {  	_ =	swait.ge [sflag:s29], $0x1  }
0xb5: {  	[sflag:s29] =	ssyncadd.s32 $0xFFFFFFFF  }
0xb6: {  	_ =	strace $0x90000048  }
0xb7: {  	_ =	sfence  }
0xb8: {  	s30 =	sld [smem:$0x0];
	_ =	sdelay $0x2  }
0xb9: {  	s31 =	sshll.u32 s1, $0xD;
	s1 =	sshrl.u32 s1, $0x2  }
0xba: {  	s3 =	sand.u32 $0x4000, s31;
	s1 =	sadd.s32 s1, s30  }
0xbb: {  	s0 =	sor.u32 s3, s0;
	s1 =	sshll.u32 s1, $0x11  }
0xbc: {  	s0 =	sor.u32 s1, s0  }
0xbd: {  	s0 =	sadd.s32 $0x8F2B, s0  }
0xbe: {  	[sflag:s0] =	ssyncadd.remote.s32 $0x1  }
0xbf: {  	_ =	sfence.sel $0xFFFF  }
0xc0: {  	[dreg:$0x0] =	wrdreg $0xFFFFFFFF;
	(pc) =	sbr.abs _section_cstart, $3  }
0xc1: {  	[dreg:$0x1] =	wrdreg $0xFFFFFFFF  }
0xc2: {  	_ =	task.clear_ibuf [dreg:s7], $0x2FFFF;
	_ =	strace $0x9FFFFFFF  }
0xc3: {  	(tm) =	ssettm $0x7FFFFFFF  }
tec
execute0_lowered:
.L_overlay_start_1:
0x0: {  	(tag) =	ssettag $0x1  }
0x1: {  	s0 =	rddreg [dreg:$0x0]  }
0x2: {  	s4 =	rddreg [dreg:$0x1]  }
0x3: {  	s1 =	rddreg [dreg:$0x2];
	s2 =	srdreg.scid  }
0x4: {  	s3 =	simm.s32 $0x0;
	s30 =	simm.s32 $0x1800;
	s31 =	simm.s32 $0x5  }
0x5: {  	s28 =	simm.s32 $0xD80;
	s29 =	simm.s32 $0x300;
	s5 =	sand.u32 $0x1, s2  }
0x6: {  	s2 =	stileid.u32;
	[smem:$0x7FF] =	sst s3;
	s8 =	sadd.s32 $0x4200, s0  }
0x7: {  	s9 =	sadd.s32 $0xE200, s0;
	s10 =	sadd.s32 $0x9200, s0;
	s6 =	smul.u32 $0x13C000, s5  }
0x8: {  	s7 =	smul.u32 $0x13C00, s2;
	_ =	strace $0x80000047;
	s11 =	sshll.u32 s2, $0x7  }
0x9: {  	s21 =	ssub.s32 $0x2, s5;
	s12 =	smul.u32 $0x480, s2;
	s11 =	sor.u32 $0x4800, s11  }
0xa: {  	s14 =	smul.u32 $0x2400, s2;
	p0 =	sne.s32 s5, $0x0;
	s15 =	sadd.s32 s8, s11  }
0xb: {  	s5 =	simm.s32 $0x1;
	s22 =	sadd.s32 s4, s11;
	[dreg:$0x4] =	wrdreg s15  }
0xc: {  	s13 =	sshrl.u32 s21, $0x1;
	s23 =	sadd.s32 s8, s12;
	[dreg:$0x5] =	wrdreg s22  }
0xd: {  	s6 =	sadd.s32 s7, s6;
	s24 =	sadd.s32 s4, s12;
	[dreg:$0x6] =	wrdreg s23  }
0xe: {  	s7 =	ssub.s32 s21, s13;
	s17 =	sadd.s32 s9, s12;
	[dreg:$0x7] =	wrdreg s24  }
0xf: {  	s13 =	smul.u32 $0x4F000, s2;
	s18 =	sadd.s32 s10, s12;
	[dreg:$0xc] =	wrdreg s17  }
0x10: {  	s14 =	sshrl.u32 s14, $0x3;
	[dreg:$0xd] =	wrdreg s18;
	s23 =	sadd.s32 s9, s11  }
0x11: {  	s25 =	sadd.s32 $0x180, s14;
	s24 =	sadd.s32 s10, s11;
	[dreg:$0x12] =	wrdreg s23  }
0x12: {  	s14 =	sadd.s32 $0x300, s14;
	s16 =	sadd.s32 s8, s25;
	[dreg:$0x13] =	wrdreg s24  }
0x13: {  	s11 =	simm.s32 $0x4;
	s26 =	sadd.s32 s4, s25;
	[dreg:$0x8] =	wrdreg s16  }
0x14: {  	s15 =	simm.s32 $0x0;
	s8 =	sadd.s32 s8, s14;
	[dreg:$0x9] =	wrdreg s26  }
0x15: {  	s4 =	sadd.s32 s4, s14;
	s19 =	sadd.s32 s9, s25;
	[dreg:$0xa] =	wrdreg s8  }
0x16: {  	s20 =	sadd.s32 s10, s25;
	s21 =	sadd.s32 s9, s14;
	[dreg:$0xb] =	wrdreg s4  }
0x17: {  	s22 =	sadd.s32 s10, s14;
	s25 =	sshrl.u32 s6, $0x3;
	[dreg:$0xe] =	wrdreg s19  }
0x18: {  	s14 =	smax.u32 s7, $0x1;
	s6 =	simm.s32 $0x5800;
	[dreg:$0xf] =	wrdreg s20  }
0x19: {  	s7 =	simm.s32 $0x2;
	s9 =	simm.s32 $0x3;
	[dreg:$0x10] =	wrdreg s21  }
0x1a: {  	s10 =	simm.s32 $0x100;
	[dreg:$0x11] =	wrdreg s22;
	s20 =	sadd.s32 $0x13200, s0  }
.Ltmp0:
0x1b: {  	s26 =	sshrl.u32 s13, $0x2;
	s4 =	sadd.s32 s25, s0;
	(pc) =	sbr.rel .LBB2_1-.Ltmp0, $4  }
0x1c: {  	s21 =	sadd.s32 $0x3A400, s0;
	s0 =	simm.s32 $0xC00;
	s8 =	simm.s32 $0xC80  }
0x1d: {  	s25 =	simm.s32 $0xE00;
	s22 =	sadd.s32 s26, s1;
	s13 =	sadd.s32 $0x61600, s4  }
0x1e: {  	s4 =	simm.s32 $0x80;
	s26 =	simm.s32 $0x280;
	s12 =	sadd.s32 $0x4000, s22  }
0x1f: {  	v0 =	vimm.f32 $0.0e+00;
	s19 =	sadd.s32 $0x8000, s22;
	s23 =	sadd.s32 $0xC000, s22;
	s24 =	sadd.s32 $0x10000, s22  }
.LBB2_22:
0x20: {  	s16 =	rddreg [dreg:$0x4]  }
0x21: {  	[tilespmem:s3], [sflag:$0x5] =	stream.linear.gather [hbm4b:s16+s3], $0x400, $0x38;
	[tilespmem:$0x1D400] =	vst v63  }
0x22: {  	_ =	swait.ge [sflag:s31], $0x400  }
0x23: {  	[sflag:s31] =	ssyncset.done $0x0  }
0x24: {  	s2 =	rddreg [dreg:$0x5];
	[sflag:s31] =	ssyncadd.s32 $0xFFFFFC00  }
0x25: {  	[tilespmem:s0], [sflag:$0x5] =	stream.linear.gather [hbm4b:s2+s3], $0x400, $0x38;
	[tilespmem:$0x1D400] =	vst v63  }
0x26: {  	_ =	swait.ge [sflag:s31], $0x400  }
0x27: {  	[sflag:s31] =	ssyncset.done $0x0  }
0x28: {  	[sflag:s31] =	ssyncadd.s32 $0xFFFFFC00  }
0x29: {  	[tilespmem:s30], [sflag:$0x1] =	stream.indirect.gather [hbm4b:s20+s4], $0x80, s3, s4, $0xb8;
	[tilespmem:$0x1D400] =	vst v63  }
0x2a: {  	_ =	swait.ge [sflag:s5], $0x4000  }
0x2b: {  	[sflag:s5] =	ssyncset.done $0x0  }
0x2c: {  	[sflag:s5] =	ssyncadd.s32 $0xFFFFC000  }
0x2d: {  	[spmem:s1] =	stream.indirect.scatter.add.f32 [tilespmem:s30], [sflag:$0x3], $0x80, s0, s4, $0xb8;
	[tilespmem:$0x1D400] =	vst v63  }
0x2e: {  	_ = 	snop  }
0x2f: {  	[tilespmem:s6], [sflag:$0x2] =	stream.indirect.gather [hbm4b:s20+s4], $0x80, s4, s4, $0xb8;
	[tilespmem:$0x1D400] =	vst v63  }
0x30: {  	_ =	swait.ge [sflag:s7], $0x4000  }
0x31: {  	[sflag:s7] =	ssyncset.done $0x0  }
0x32: {  	[sflag:s7] =	ssyncadd.s32 $0xFFFFC000  }
0x33: {  	[spmem:s1] =	stream.indirect.scatter.add.f32 [tilespmem:s6], [sflag:$0x4], $0x80, s8, s4, $0xb8;
	[tilespmem:$0x1D400] =	vst v63  }
0x34: {  	_ =	swait.ge [sflag:s9], $0x4000  }
0x35: {  	[sflag:s9] =	ssyncset.done $0x0  }
0x36: {  	[sflag:s9] =	ssyncadd.s32 $0xFFFFC000  }
0x37: {  	[tilespmem:s30], [sflag:$0x1] =	stream.indirect.gather [hbm4b:s20+s4], $0x80, s10, s4, $0xb8;
	[tilespmem:$0x1D400] =	vst v63  }
0x38: {  	_ =	swait.ge [sflag:s5], $0x4000  }
0x39: {  	[sflag:s5] =	ssyncset.done $0x0  }
0x3a: {  	s17 =	simm.s32 $0xD00;
	[sflag:s5] =	ssyncadd.s32 $0xFFFFC000  }
0x3b: {  	[spmem:s1] =	stream.indirect.scatter.add.f32 [tilespmem:s30], [sflag:$0x3], $0x80, s17, s4, $0xb8;
	[tilespmem:$0x1D400] =	vst v63  }
0x3c: {  	_ =	swait.ge [sflag:s11], $0x4000  }
0x3d: {  	[sflag:s11] =	ssyncset.done $0x0  }
0x3e: {  	s18 =	simm.s32 $0x180;
	[sflag:s11] =	ssyncadd.s32 $0xFFFFC000  }
0x3f: {  	[tilespmem:s6], [sflag:$0x2] =	stream.indirect.gather [hbm4b:s20+s4], $0x80, s18, s4, $0xb8;
	[tilespmem:$0x1D400] =	vst v63  }
0x40: {  	_ =	swait.ge [sflag:s7], $0x4000  }
0x41: {  	[sflag:s7] =	ssyncset.done $0x0  }
0x42: {  	[sflag:s7] =	ssyncadd.s32 $0xFFFFC000  }
0x43: {  	[spmem:s1] =	stream.indirect.scatter.add.f32 [tilespmem:s6], [sflag:$0x4], $0x80, s28, s4, $0xb8;
	[tilespmem:$0x1D400] =	vst v63  }
0x44: {  	_ =	swait.ge [sflag:s9], $0x4000  }
0x45: {  	[sflag:s9] =	ssyncset.done $0x0  }
0x46: {  	s8 =	simm.s32 $0x200;
	[sflag:s9] =	ssyncadd.s32 $0xFFFFC000  }
0x47: {  	[tilespmem:s30], [sflag:$0x1] =	stream.indirect.gather [hbm4b:s20+s4], $0x80, s8, s4, $0xb8;
	[tilespmem:$0x1D400] =	vst v63  }
0x48: {  	_ =	swait.ge [sflag:s5], $0x4000  }
0x49: {  	[sflag:s5] =	ssyncset.done $0x0  }
0x4a: {  	[sflag:s5] =	ssyncadd.s32 $0xFFFFC000  }
0x4b: {  	[spmem:s1] =	stream.indirect.scatter.add.f32 [tilespmem:s30], [sflag:$0x3], $0x80, s25, s4, $0xb8;
	[tilespmem:$0x1D400] =	vst v63  }
0x4c: {  	_ =	swait.ge [sflag:s11], $0x4000  }
0x4d: {  	[sflag:s11] =	ssyncset.done $0x0  }
0x4e: {  	[sflag:s11] =	ssyncadd.s32 $0xFFFFC000  }
0x4f: {  	[tilespmem:s6], [sflag:$0x2] =	stream.indirect.gather [hbm4b:s20+s4], $0x80, s26, s4, $0xb8;
	[tilespmem:$0x1D400] =	vst v63  }
0x50: {  	_ =	swait.ge [sflag:s7], $0x4000  }
0x51: {  	[sflag:s7] =	ssyncset.done $0x0  }
0x52: {  	s2 =	simm.s32 $0xE80;
	[sflag:s7] =	ssyncadd.s32 $0xFFFFC000  }
0x53: {  	[spmem:s1] =	stream.indirect.scatter.add.f32 [tilespmem:s6], [sflag:$0x4], $0x80, s2, s4, $0xb8;
	[tilespmem:$0x1D400] =	vst v63  }
0x54: {  	_ =	swait.ge [sflag:s9], $0x4000  }
0x55: {  	[sflag:s9] =	ssyncset.done $0x0  }
0x56: {  	[sflag:s9] =	ssyncadd.s32 $0xFFFFC000  }
0x57: {  	[tilespmem:s30], [sflag:$0x1] =	stream.indirect.gather [hbm4b:s20+s4], $0x80, s29, s4, $0xb8;
	[tilespmem:$0x1D400] =	vst v63  }
0x58: {  	_ =	swait.ge [sflag:s5], $0x4000  }
0x59: {  	[sflag:s5] =	ssyncset.done $0x0  }
0x5a: {  	s16 =	simm.s32 $0xF00;
	[sflag:s5] =	ssyncadd.s32 $0xFFFFC000  }
0x5b: {  	[spmem:s1] =	stream.indirect.scatter.add.f32 [tilespmem:s30], [sflag:$0x3], $0x80, s16, s4, $0xb8;
	[tilespmem:$0x1D400] =	vst v63  }
0x5c: {  	_ =	swait.ge [sflag:s11], $0x4000  }
0x5d: {  	[sflag:s11] =	ssyncset.done $0x0  }
0x5e: {  	s16 =	simm.s32 $0x380;
	[sflag:s11] =	ssyncadd.s32 $0xFFFFC000  }
0x5f: {  	[tilespmem:s6], [sflag:$0x2] =	stream.indirect.gather [hbm4b:s20+s4], $0x80, s16, s4, $0xb8;
	[tilespmem:$0x1D400] =	vst v63  }
0x60: {  	_ =	swait.ge [sflag:s7], $0x4000  }
0x61: {  	[sflag:s7] =	ssyncset.done $0x0  }
0x62: {  	s16 =	simm.s32 $0xF80;
	[sflag:s7] =	ssyncadd.s32 $0xFFFFC000  }
0x63: {  	[spmem:s1] =	stream.indirect.scatter.add.f32 [tilespmem:s6], [sflag:$0x4], $0x80, s16, s4, $0xb8;
	[tilespmem:$0x1D400] =	vst v63  }
0x64: {  	_ =	swait.ge [sflag:s9], $0x4000  }
0x65: {  	[sflag:s9] =	ssyncset.done $0x0  }
0x66: {  	[sflag:s9] =	ssyncadd.s32 $0xFFFFC000  }
0x67: {  	_ =	swait.ge [sflag:s11], $0x4000  }
0x68: {  	[sflag:s11] =	ssyncset.done $0x0  }
0x69: {  	s16 =	rddreg [dreg:$0x12];
	[sflag:s11] =	ssyncadd.s32 $0xFFFFC000  }
0x6a: {  	[tilespmem:s3], [sflag:$0x5] =	stream.linear.gather [hbm4b:s16+s3], $0x400, $0x38;
	[tilespmem:$0x1D400] =	vst v63  }
0x6b: {  	_ =	swait.ge [sflag:s31], $0x400  }
0x6c: {  	[sflag:s31] =	ssyncset.done $0x0  }
0x6d: {  	s0 =	simm.s32 $0xC00;
	s16 =	rddreg [dreg:$0x13];
	[sflag:s31] =	ssyncadd.s32 $0xFFFFFC00  }
0x6e: {  	[tilespmem:s0], [sflag:$0x5] =	stream.linear.gather [hbm4b:s16+s3], $0x400, $0x38;
	[tilespmem:$0x1D400] =	vst v63  }
0x6f: {  	_ =	swait.ge [sflag:s31], $0x400  }
0x70: {  	[sflag:s31] =	ssyncset.done $0x0  }
0x71: {  	[sflag:s31] =	ssyncadd.s32 $0xFFFFFC00  }
0x72: {  	[tilespmem:s30], [sflag:$0x1] =	stream.indirect.gather [hbm4b:s21+s4], $0x80, s3, s4, $0xb8;
	[tilespmem:$0x1D400] =	vst v63  }
0x73: {  	_ =	swait.ge [sflag:s5], $0x4000  }
0x74: {  	[sflag:s5] =	ssyncset.done $0x0  }
0x75: {  	[sflag:s5] =	ssyncadd.s32 $0xFFFFC000  }
0x76: {  	[spmem:s1] =	stream.indirect.scatter.add.f32 [tilespmem:s30], [sflag:$0x3], $0x80, s0, s4, $0xb8;
	[tilespmem:$0x1D400] =	vst v63  }
0x77: {  	_ = 	snop  }
0x78: {  	[tilespmem:s6], [sflag:$0x2] =	stream.indirect.gather [hbm4b:s21+s4], $0x80, s4, s4, $0xb8;
	[tilespmem:$0x1D400] =	vst v63  }
0x79: {  	_ =	swait.ge [sflag:s7], $0x4000  }
0x7a: {  	[sflag:s7] =	ssyncset.done $0x0  }
0x7b: {  	s10 =	simm.s32 $0xC80;
	[sflag:s7] =	ssyncadd.s32 $0xFFFFC000  }
0x7c: {  	[spmem:s1] =	stream.indirect.scatter.add.f32 [tilespmem:s6], [sflag:$0x4], $0x80, s10, s4, $0xb8;
	[tilespmem:$0x1D400] =	vst v63  }
0x7d: {  	_ =	swait.ge [sflag:s9], $0x4000  }
0x7e: {  	[sflag:s9] =	ssyncset.done $0x0  }
0x7f: {  	s10 =	simm.s32 $0x100;
	[sflag:s9] =	ssyncadd.s32 $0xFFFFC000  }
0x80: {  	[tilespmem:s30], [sflag:$0x1] =	stream.indirect.gather [hbm4b:s21+s4], $0x80, s10, s4, $0xb8;
	[tilespmem:$0x1D400] =	vst v63  }
0x81: {  	_ =	swait.ge [sflag:s5], $0x4000  }
0x82: {  	[sflag:s5] =	ssyncset.done $0x0  }
0x83: {  	[sflag:s5] =	ssyncadd.s32 $0xFFFFC000  }
0x84: {  	[spmem:s1] =	stream.indirect.scatter.add.f32 [tilespmem:s30], [sflag:$0x3], $0x80, s17, s4, $0xb8;
	[tilespmem:$0x1D400] =	vst v63  }
0x85: {  	_ =	swait.ge [sflag:s11], $0x4000  }
0x86: {  	[sflag:s11] =	ssyncset.done $0x0  }
0x87: {  	[sflag:s11] =	ssyncadd.s32 $0xFFFFC000  }
0x88: {  	[tilespmem:s6], [sflag:$0x2] =	stream.indirect.gather [hbm4b:s21+s4], $0x80, s18, s4, $0xb8;
	[tilespmem:$0x1D400] =	vst v63  }
0x89: {  	_ =	swait.ge [sflag:s7], $0x4000  }
0x8a: {  	[sflag:s7] =	ssyncset.done $0x0  }
0x8b: {  	[sflag:s7] =	ssyncadd.s32 $0xFFFFC000  }
0x8c: {  	[spmem:s1] =	stream.indirect.scatter.add.f32 [tilespmem:s6], [sflag:$0x4], $0x80, s28, s4, $0xb8;
	[tilespmem:$0x1D400] =	vst v63  }
0x8d: {  	_ =	swait.ge [sflag:s9], $0x4000  }
0x8e: {  	[sflag:s9] =	ssyncset.done $0x0  }
0x8f: {  	[sflag:s9] =	ssyncadd.s32 $0xFFFFC000  }
0x90: {  	[tilespmem:s30], [sflag:$0x1] =	stream.indirect.gather [hbm4b:s21+s4], $0x80, s8, s4, $0xb8;
	[tilespmem:$0x1D400] =	vst v63  }
0x91: {  	_ =	swait.ge [sflag:s5], $0x4000  }
0x92: {  	[sflag:s5] =	ssyncset.done $0x0  }
0x93: {  	[sflag:s5] =	ssyncadd.s32 $0xFFFFC000  }
0x94: {  	[spmem:s1] =	stream.indirect.scatter.add.f32 [tilespmem:s30], [sflag:$0x3], $0x80, s25, s4, $0xb8;
	[tilespmem:$0x1D400] =	vst v63  }
0x95: {  	_ =	swait.ge [sflag:s11], $0x4000  }
0x96: {  	[sflag:s11] =	ssyncset.done $0x0  }
0x97: {  	[sflag:s11] =	ssyncadd.s32 $0xFFFFC000  }
0x98: {  	[tilespmem:s6], [sflag:$0x2] =	stream.indirect.gather [hbm4b:s21+s4], $0x80, s26, s4, $0xb8;
	[tilespmem:$0x1D400] =	vst v63  }
0x99: {  	_ =	swait.ge [sflag:s7], $0x4000  }
0x9a: {  	[sflag:s7] =	ssyncset.done $0x0  }
0x9b: {  	[sflag:s7] =	ssyncadd.s32 $0xFFFFC000  }
0x9c: {  	[spmem:s1] =	stream.indirect.scatter.add.f32 [tilespmem:s6], [sflag:$0x4], $0x80, s2, s4, $0xb8;
	[tilespmem:$0x1D400] =	vst v63  }
0x9d: {  	_ =	swait.ge [sflag:s9], $0x4000  }
0x9e: {  	[sflag:s9] =	ssyncset.done $0x0  }
0x9f: {  	[sflag:s9] =	ssyncadd.s32 $0xFFFFC000  }
0xa0: {  	[tilespmem:s30], [sflag:$0x1] =	stream.indirect.gather [hbm4b:s21+s4], $0x80, s29, s4, $0xb8;
	[tilespmem:$0x1D400] =	vst v63  }
0xa1: {  	_ =	swait.ge [sflag:s5], $0x4000  }
0xa2: {  	[sflag:s5] =	ssyncset.done $0x0  }
0xa3: {  	s16 =	simm.s32 $0xF00;
	[sflag:s5] =	ssyncadd.s32 $0xFFFFC000  }
0xa4: {  	[spmem:s1] =	stream.indirect.scatter.add.f32 [tilespmem:s30], [sflag:$0x3], $0x80, s16, s4, $0xb8;
	[tilespmem:$0x1D400] =	vst v63  }
0xa5: {  	_ =	swait.ge [sflag:s11], $0x4000  }
0xa6: {  	[sflag:s11] =	ssyncset.done $0x0  }
0xa7: {  	s17 =	simm.s32 $0x380;
	[sflag:s11] =	ssyncadd.s32 $0xFFFFC000  }
0xa8: {  	[tilespmem:s6], [sflag:$0x2] =	stream.indirect.gather [hbm4b:s21+s4], $0x80, s17, s4, $0xb8;
	[tilespmem:$0x1D400] =	vst v63  }
0xa9: {  	_ =	swait.ge [sflag:s7], $0x4000  }
0xaa: {  	[sflag:s7] =	ssyncset.done $0x0  }
0xab: {  	s18 =	simm.s32 $0xF80;
	[sflag:s7] =	ssyncadd.s32 $0xFFFFC000  }
0xac: {  	[spmem:s1] =	stream.indirect.scatter.add.f32 [tilespmem:s6], [sflag:$0x4], $0x80, s18, s4, $0xb8;
	[tilespmem:$0x1D400] =	vst v63  }
0xad: {  	_ =	swait.ge [sflag:s9], $0x4000  }
0xae: {  	s0 =	simm.s32 $0xC00;
	[sflag:s9] =	ssyncset.done $0x0  }
0xaf: {  	s8 =	simm.s32 $0xC80;
	s2 =	stileid.u32;
	[sflag:s9] =	ssyncadd.s32 $0xFFFFC000  }
.LBB2_23:
0xb0: {  	_ =	swait.ge [sflag:s11], $0x4000  }
0xb1: {  	s16 =	sshll.u32 s2, $0x6;
	s15 =	sadd.s32 $0x1, s15;
	[sflag:s11] =	ssyncset.done $0x0  }
0xb2: {  	s17 =	sshrl.u32 s22, $0x3;
	p1 =	sne.s32 s15, s14;
	[sflag:s11] =	ssyncadd.s32 $0xFFFFC000  }
.Ltmp1:
0xb3: {  	s16 =	sor.u32 $0x1C05, s16;
	[bflag:$0x0] =	sbarrier.arrive $0xFFFF;
	(pc) =	sbr.rel @!p1 .LBB2_24-.Ltmp1, $4  }
0xb4: {  	[hbm:s13], [sflag:s16] =	dma.local [spmem:s17], $0x2780  }
0xb5: {  	_ =	swait.ge [sflag:s31], $0x2780  }
0xb6: {  	[sflag:s31] =	ssyncset.done $0x0  }
0xb7: {  	[sflag:s31] =	ssyncadd.s32 $0xFFFFD880  }
.LBB2_1:
0xb8: {  	s16 =	simm.s32 $0x0;
	s17 =	simm.s32 $0x200  }
.LBB2_2:
0xb9: {  	p1 =	sne.s32 s17, $0xFE00;
	[tilespmem:s16+$0x1870] =	vst v0  }
0xba: {  	[tilespmem:s16+$0x1800] =	vst v0  }
0xbb: {  	[tilespmem:s16+$0x1810] =	vst v0  }
.Ltmp2:
0xbc: {  	[tilespmem:s16+$0x1820] =	vst v0;
	(pc) =	sbr.rel @p1 .LBB2_2-.Ltmp2, $4  }
0xbd: {  	[tilespmem:s16+$0x1830] =	vst v0  }
0xbe: {  	[tilespmem:s16+$0x1840] =	vst v0  }
0xbf: {  	[tilespmem:s16+$0x1850] =	vst v0  }
0xc0: {  	[tilespmem:s16+$0x1860] =	vst v0;
	s16 =	sshra.s32 s17, $0x2;
	s17 =	sadd.s32 $0x200, s17  }
0xc1: {  	[tilespmem:s16+$0x1870] =	vst v0  }
0xc2: {  	[tilespmem:s16+$0x1800] =	vst v0  }
0xc3: {  	[tilespmem:s16+$0x1810] =	vst v0  }
0xc4: {  	[tilespmem:s16+$0x1820] =	vst v0  }
0xc5: {  	[tilespmem:s16+$0x1830] =	vst v0  }
0xc6: {  	[tilespmem:s16+$0x1840] =	vst v0  }
0xc7: {  	[tilespmem:s16+$0x1850] =	vst v0  }
0xc8: {  	[tilespmem:s16+$0x1860] =	vst v0  }
0xc9: {  	[spmem:s22] =	stream.linear.scatter [tilespmem:s30], [sflag:$0x5], $0x4000, $0x38;
	[tilespmem:$0x1D400] =	vst v63  }
0xca: {  	_ =	swait.ge [sflag:s31], $0x4000  }
0xcb: {  	[sflag:s31] =	ssyncset.done $0x0  }
0xcc: {  	[sflag:s31] =	ssyncadd.s32 $0xFFFFC000  }
0xcd: {  	[spmem:s12] =	stream.linear.scatter [tilespmem:s30], [sflag:$0x5], $0x4000, $0x38;
	[tilespmem:$0x1D400] =	vst v63  }
0xce: {  	_ =	swait.ge [sflag:s31], $0x4000  }
0xcf: {  	[sflag:s31] =	ssyncset.done $0x0  }
0xd0: {  	[sflag:s31] =	ssyncadd.s32 $0xFFFFC000  }
0xd1: {  	[spmem:s19] =	stream.linear.scatter [tilespmem:s30], [sflag:$0x5], $0x4000, $0x38;
	[tilespmem:$0x1D400] =	vst v63  }
0xd2: {  	_ =	swait.ge [sflag:s31], $0x4000  }
0xd3: {  	[sflag:s31] =	ssyncset.done $0x0  }
0xd4: {  	[sflag:s31] =	ssyncadd.s32 $0xFFFFC000  }
0xd5: {  	[spmem:s23] =	stream.linear.scatter [tilespmem:s30], [sflag:$0x5], $0x4000, $0x38;
	[tilespmem:$0x1D400] =	vst v63  }
0xd6: {  	_ =	swait.ge [sflag:s31], $0x4000  }
0xd7: {  	[sflag:s31] =	ssyncset.done $0x0  }
0xd8: {  	[sflag:s31] =	ssyncadd.s32 $0xFFFFC000  }
0xd9: {  	[spmem:s24] =	stream.linear.scatter [tilespmem:s30], [sflag:$0x5], $0x3C00, $0x38;
	[tilespmem:$0x1D400] =	vst v63  }
.Ltmp3:
0xda: {  	_ =	swait.ge [sflag:s31], $0x3C00;
	(pc) =	sbr.rel @p0 .LBB2_22-.Ltmp3, $3  }
0xdb: {  	[sflag:s31] =	ssyncset.done $0x0  }
0xdc: {  	[sflag:s31] =	ssyncadd.s32 $0xFFFFC400  }
0xdd: {  	[bflag:$0x0] =	sbarrier.arrive $0xFFFF;
	_ =	sdelay $0x1  }
0xde: {  	s16 =	rddreg [dreg:$0x6]  }
0xdf: {  	[tilespmem:s3], [sflag:$0x5] =	stream.linear.gather [hbm4b:s16+s3], $0xC00, $0x38;
	[tilespmem:$0x1D400] =	vst v63  }
0xe0: {  	_ =	swait.ge [sflag:s31], $0xC00  }
0xe1: {  	[sflag:s31] =	ssyncset.done $0x0  }
0xe2: {  	s18 =	rddreg [dreg:$0x7];
	[sflag:s31] =	ssyncadd.s32 $0xFFFFF400  }
0xe3: {  	[tilespmem:s0], [sflag:$0x5] =	stream.linear.gather [hbm4b:s18+s3], $0xC00, $0x38;
	[tilespmem:$0x1D400] =	vst v63  }
0xe4: {  	_ =	swait.ge [sflag:s31], $0xC00  }
0xe5: {  	[sflag:s31] =	ssyncset.done $0x0  }
0xe6: {  	[sflag:s31] =	ssyncadd.s32 $0xFFFFF400  }
0xe7: {  	[tilespmem:s30], [sflag:$0x1] =	stream.indirect.gather [hbm4b:s20+s4], $0x80, s3, s4, $0xb8;
	[tilespmem:$0x1D400] =	vst v63  }
0xe8: {  	_ =	swait.ge [sflag:s5], $0x4000  }
0xe9: {  	[sflag:s5] =	ssyncset.done $0x0  }
0xea: {  	[sflag:s5] =	ssyncadd.s32 $0xFFFFC000  }
0xeb: {  	[spmem:s1] =	stream.indirect.scatter.add.f32 [tilespmem:s30], [sflag:$0x3], $0x80, s0, s4, $0xb8;
	[tilespmem:$0x1D400] =	vst v63  }
0xec: {  	_ = 	snop  }
0xed: {  	[tilespmem:s6], [sflag:$0x2] =	stream.indirect.gather [hbm4b:s20+s4], $0x80, s4, s4, $0xb8;
	[tilespmem:$0x1D400] =	vst v63  }
0xee: {  	_ =	swait.ge [sflag:s7], $0x4000  }
0xef: {  	[sflag:s7] =	ssyncset.done $0x0  }
0xf0: {  	[sflag:s7] =	ssyncadd.s32 $0xFFFFC000  }
0xf1: {  	[spmem:s1] =	stream.indirect.scatter.add.f32 [tilespmem:s6], [sflag:$0x4], $0x80, s8, s4, $0xb8;
	[tilespmem:$0x1D400] =	vst v63  }
0xf2: {  	_ =	swait.ge [sflag:s9], $0x4000  }
0xf3: {  	[sflag:s9] =	ssyncset.done $0x0  }
0xf4: {  	s16 =	simm.s32 $0xFFFFD800;
	[sflag:s9] =	ssyncadd.s32 $0xFFFFC000  }
0xf5: {  	[tilespmem:s30], [sflag:$0x1] =	stream.indirect.gather [hbm4b:s20+s4], $0x80, s10, s4, $0xb8;
	[tilespmem:$0x1D400] =	vst v63  }
.LBB2_5:
0xf6: {  	_ =	swait.ge [sflag:s5], $0x4000  }
0xf7: {  	s17 =	sshra.s32 s16, $0x2;
	[sflag:s5] =	ssyncset.done $0x0  }
0xf8: {  	s18 =	sadd.s32 $0x1700, s17;
	[sflag:s5] =	ssyncadd.s32 $0xFFFFC000  }
0xf9: {  	[spmem:s1] =	stream.indirect.scatter.add.f32 [tilespmem:s30], [sflag:$0x3], $0x80, s18, s4, $0xb8;
	[tilespmem:$0x1D400] =	vst v63  }
0xfa: {  	_ =	swait.ge [sflag:s11], $0x4000  }
0xfb: {  	[sflag:s11] =	ssyncset.done $0x0  }
0xfc: {  	s18 =	sadd.s32 $0xB80, s17;
	[sflag:s11] =	ssyncadd.s32 $0xFFFFC000  }
0xfd: {  	[tilespmem:s6], [sflag:$0x2] =	stream.indirect.gather [hbm4b:s20+s4], $0x80, s18, s4, $0xb8;
	[tilespmem:$0x1D400] =	vst v63  }
0xfe: {  	_ =	swait.ge [sflag:s7], $0x4000  }
0xff: {  	p1 =	seq.s32 s16, $0x0;
	[sflag:s7] =	ssyncset.done $0x0  }
.Ltmp4:
0x100: {  	s18 =	sadd.s32 $0x1780, s17;
	[sflag:s7] =	ssyncadd.s32 $0xFFFFC000;
	(pc) =	sbr.rel @p1 .LBB2_7-.Ltmp4, $4  }
0x101: {  	[spmem:s1] =	stream.indirect.scatter.add.f32 [tilespmem:s6], [sflag:$0x4], $0x80, s18, s4, $0xb8;
	[tilespmem:$0x1D400] =	vst v63  }
0x102: {  	_ =	swait.ge [sflag:s9], $0x4000  }
0x103: {  	[sflag:s9] =	ssyncset.done $0x0  }
0x104: {  	[sflag:s9] =	ssyncadd.s32 $0xFFFFC000  }
.Ltmp5:
0x105: {  	(pc) =	sbr.rel .LBB2_5-.Ltmp5, $3  }
0x106: {  	_ =	sdelay $0x1  }
0x107: {  	s17 =	sadd.s32 $0xC00, s17;
	s16 =	sadd.s32 $0x400, s16  }
0x108: {  	[tilespmem:s30], [sflag:$0x1] =	stream.indirect.gather [hbm4b:s20+s4], $0x80, s17, s4, $0xb8;
	[tilespmem:$0x1D400] =	vst v63  }
.LBB2_7:
0x109: {  	_ =	swait.ge [sflag:s11], $0x4000  }
0x10a: {  	[sflag:s11] =	ssyncset.done $0x0  }
0x10b: {  	s16 =	rddreg [dreg:$0x8];
	[sflag:s11] =	ssyncadd.s32 $0xFFFFC000  }
0x10c: {  	[tilespmem:s3], [sflag:$0x5] =	stream.linear.gather [hbm4b:s16+s3], $0xC00, $0x38;
	[tilespmem:$0x1D400] =	vst v63  }
0x10d: {  	_ =	swait.ge [sflag:s31], $0xC00  }
0x10e: {  	[sflag:s31] =	ssyncset.done $0x0  }
0x10f: {  	s18 =	rddreg [dreg:$0x9];
	[sflag:s31] =	ssyncadd.s32 $0xFFFFF400  }
0x110: {  	[tilespmem:s0], [sflag:$0x5] =	stream.linear.gather [hbm4b:s18+s3], $0xC00, $0x38;
	[tilespmem:$0x1D400] =	vst v63  }
0x111: {  	_ =	swait.ge [sflag:s31], $0xC00  }
0x112: {  	[sflag:s31] =	ssyncset.done $0x0  }
0x113: {  	[sflag:s31] =	ssyncadd.s32 $0xFFFFF400  }
0x114: {  	[tilespmem:s30], [sflag:$0x1] =	stream.indirect.gather [hbm4b:s20+s4], $0x80, s3, s4, $0xb8;
	[tilespmem:$0x1D400] =	vst v63  }
0x115: {  	_ =	swait.ge [sflag:s5], $0x4000  }
0x116: {  	[sflag:s5] =	ssyncset.done $0x0  }
0x117: {  	[sflag:s5] =	ssyncadd.s32 $0xFFFFC000  }
0x118: {  	[spmem:s1] =	stream.indirect.scatter.add.f32 [tilespmem:s30], [sflag:$0x3], $0x80, s0, s4, $0xb8;
	[tilespmem:$0x1D400] =	vst v63  }
0x119: {  	_ = 	snop  }
0x11a: {  	[tilespmem:s6], [sflag:$0x2] =	stream.indirect.gather [hbm4b:s20+s4], $0x80, s4, s4, $0xb8;
	[tilespmem:$0x1D400] =	vst v63  }
0x11b: {  	_ =	swait.ge [sflag:s7], $0x4000  }
0x11c: {  	[sflag:s7] =	ssyncset.done $0x0  }
0x11d: {  	[sflag:s7] =	ssyncadd.s32 $0xFFFFC000  }
0x11e: {  	[spmem:s1] =	stream.indirect.scatter.add.f32 [tilespmem:s6], [sflag:$0x4], $0x80, s8, s4, $0xb8;
	[tilespmem:$0x1D400] =	vst v63  }
0x11f: {  	_ =	swait.ge [sflag:s9], $0x4000  }
0x120: {  	[sflag:s9] =	ssyncset.done $0x0  }
0x121: {  	s16 =	simm.s32 $0xFFFFD800;
	[sflag:s9] =	ssyncadd.s32 $0xFFFFC000  }
0x122: {  	[tilespmem:s30], [sflag:$0x1] =	stream.indirect.gather [hbm4b:s20+s4], $0x80, s10, s4, $0xb8;
	[tilespmem:$0x1D400] =	vst v63  }
.LBB2_8:
0x123: {  	_ =	swait.ge [sflag:s5], $0x4000  }
0x124: {  	s17 =	sshra.s32 s16, $0x2;
	[sflag:s5] =	ssyncset.done $0x0  }
0x125: {  	s18 =	sadd.s32 $0x1700, s17;
	[sflag:s5] =	ssyncadd.s32 $0xFFFFC000  }
0x126: {  	[spmem:s1] =	stream.indirect.scatter.add.f32 [tilespmem:s30], [sflag:$0x3], $0x80, s18, s4, $0xb8;
	[tilespmem:$0x1D400] =	vst v63  }
0x127: {  	_ =	swait.ge [sflag:s11], $0x4000  }
0x128: {  	[sflag:s11] =	ssyncset.done $0x0  }
0x129: {  	s18 =	sadd.s32 $0xB80, s17;
	[sflag:s11] =	ssyncadd.s32 $0xFFFFC000  }
0x12a: {  	[tilespmem:s6], [sflag:$0x2] =	stream.indirect.gather [hbm4b:s20+s4], $0x80, s18, s4, $0xb8;
	[tilespmem:$0x1D400] =	vst v63  }
0x12b: {  	_ =	swait.ge [sflag:s7], $0x4000  }
0x12c: {  	p1 =	seq.s32 s16, $0x0;
	[sflag:s7] =	ssyncset.done $0x0  }
.Ltmp6:
0x12d: {  	s18 =	sadd.s32 $0x1780, s17;
	[sflag:s7] =	ssyncadd.s32 $0xFFFFC000;
	(pc) =	sbr.rel @p1 .LBB2_10-.Ltmp6, $4  }
0x12e: {  	[spmem:s1] =	stream.indirect.scatter.add.f32 [tilespmem:s6], [sflag:$0x4], $0x80, s18, s4, $0xb8;
	[tilespmem:$0x1D400] =	vst v63  }
0x12f: {  	_ =	swait.ge [sflag:s9], $0x4000  }
0x130: {  	[sflag:s9] =	ssyncset.done $0x0  }
0x131: {  	[sflag:s9] =	ssyncadd.s32 $0xFFFFC000  }
.Ltmp7:
0x132: {  	(pc) =	sbr.rel .LBB2_8-.Ltmp7, $3  }
0x133: {  	_ =	sdelay $0x1  }
0x134: {  	s17 =	sadd.s32 $0xC00, s17;
	s16 =	sadd.s32 $0x400, s16  }
0x135: {  	[tilespmem:s30], [sflag:$0x1] =	stream.indirect.gather [hbm4b:s20+s4], $0x80, s17, s4, $0xb8;
	[tilespmem:$0x1D400] =	vst v63  }
.LBB2_10:
0x136: {  	_ =	swait.ge [sflag:s11], $0x4000  }
0x137: {  	[sflag:s11] =	ssyncset.done $0x0  }
0x138: {  	s16 =	rddreg [dreg:$0xa];
	[sflag:s11] =	ssyncadd.s32 $0xFFFFC000  }
0x139: {  	[tilespmem:s3], [sflag:$0x5] =	stream.linear.gather [hbm4b:s16+s3], $0xC00, $0x38;
	[tilespmem:$0x1D400] =	vst v63  }
0x13a: {  	_ =	swait.ge [sflag:s31], $0xC00  }
0x13b: {  	[sflag:s31] =	ssyncset.done $0x0  }
0x13c: {  	s18 =	rddreg [dreg:$0xb];
	[sflag:s31] =	ssyncadd.s32 $0xFFFFF400  }
0x13d: {  	[tilespmem:s0], [sflag:$0x5] =	stream.linear.gather [hbm4b:s18+s3], $0xC00, $0x38;
	[tilespmem:$0x1D400] =	vst v63  }
0x13e: {  	_ =	swait.ge [sflag:s31], $0xC00  }
0x13f: {  	[sflag:s31] =	ssyncset.done $0x0  }
0x140: {  	[sflag:s31] =	ssyncadd.s32 $0xFFFFF400  }
0x141: {  	[tilespmem:s30], [sflag:$0x1] =	stream.indirect.gather [hbm4b:s20+s4], $0x80, s3, s4, $0xb8;
	[tilespmem:$0x1D400] =	vst v63  }
0x142: {  	_ =	swait.ge [sflag:s5], $0x4000  }
0x143: {  	[sflag:s5] =	ssyncset.done $0x0  }
0x144: {  	[sflag:s5] =	ssyncadd.s32 $0xFFFFC000  }
0x145: {  	[spmem:s1] =	stream.indirect.scatter.add.f32 [tilespmem:s30], [sflag:$0x3], $0x80, s0, s4, $0xb8;
	[tilespmem:$0x1D400] =	vst v63  }
0x146: {  	_ = 	snop  }
0x147: {  	[tilespmem:s6], [sflag:$0x2] =	stream.indirect.gather [hbm4b:s20+s4], $0x80, s4, s4, $0xb8;
	[tilespmem:$0x1D400] =	vst v63  }
0x148: {  	_ =	swait.ge [sflag:s7], $0x4000  }
0x149: {  	[sflag:s7] =	ssyncset.done $0x0  }
0x14a: {  	[sflag:s7] =	ssyncadd.s32 $0xFFFFC000  }
0x14b: {  	[spmem:s1] =	stream.indirect.scatter.add.f32 [tilespmem:s6], [sflag:$0x4], $0x80, s8, s4, $0xb8;
	[tilespmem:$0x1D400] =	vst v63  }
0x14c: {  	_ =	swait.ge [sflag:s9], $0x4000  }
0x14d: {  	[sflag:s9] =	ssyncset.done $0x0  }
0x14e: {  	s16 =	simm.s32 $0xFFFFD800;
	[sflag:s9] =	ssyncadd.s32 $0xFFFFC000  }
0x14f: {  	[tilespmem:s30], [sflag:$0x1] =	stream.indirect.gather [hbm4b:s20+s4], $0x80, s10, s4, $0xb8;
	[tilespmem:$0x1D400] =	vst v63  }
.LBB2_11:
0x150: {  	_ =	swait.ge [sflag:s5], $0x4000  }
0x151: {  	s17 =	sshra.s32 s16, $0x2;
	[sflag:s5] =	ssyncset.done $0x0  }
0x152: {  	s18 =	sadd.s32 $0x1700, s17;
	[sflag:s5] =	ssyncadd.s32 $0xFFFFC000  }
0x153: {  	[spmem:s1] =	stream.indirect.scatter.add.f32 [tilespmem:s30], [sflag:$0x3], $0x80, s18, s4, $0xb8;
	[tilespmem:$0x1D400] =	vst v63  }
0x154: {  	_ =	swait.ge [sflag:s11], $0x4000  }
0x155: {  	[sflag:s11] =	ssyncset.done $0x0  }
0x156: {  	s18 =	sadd.s32 $0xB80, s17;
	[sflag:s11] =	ssyncadd.s32 $0xFFFFC000  }
0x157: {  	[tilespmem:s6], [sflag:$0x2] =	stream.indirect.gather [hbm4b:s20+s4], $0x80, s18, s4, $0xb8;
	[tilespmem:$0x1D400] =	vst v63  }
0x158: {  	_ =	swait.ge [sflag:s7], $0x4000  }
0x159: {  	p1 =	seq.s32 s16, $0x0;
	[sflag:s7] =	ssyncset.done $0x0  }
.Ltmp8:
0x15a: {  	s18 =	sadd.s32 $0x1780, s17;
	[sflag:s7] =	ssyncadd.s32 $0xFFFFC000;
	(pc) =	sbr.rel @p1 .LBB2_13-.Ltmp8, $4  }
0x15b: {  	[spmem:s1] =	stream.indirect.scatter.add.f32 [tilespmem:s6], [sflag:$0x4], $0x80, s18, s4, $0xb8;
	[tilespmem:$0x1D400] =	vst v63  }
0x15c: {  	_ =	swait.ge [sflag:s9], $0x4000  }
0x15d: {  	[sflag:s9] =	ssyncset.done $0x0  }
0x15e: {  	[sflag:s9] =	ssyncadd.s32 $0xFFFFC000  }
.Ltmp9:
0x15f: {  	(pc) =	sbr.rel .LBB2_11-.Ltmp9, $3  }
0x160: {  	_ =	sdelay $0x1  }
0x161: {  	s17 =	sadd.s32 $0xC00, s17;
	s16 =	sadd.s32 $0x400, s16  }
0x162: {  	[tilespmem:s30], [sflag:$0x1] =	stream.indirect.gather [hbm4b:s20+s4], $0x80, s17, s4, $0xb8;
	[tilespmem:$0x1D400] =	vst v63  }
.LBB2_13:
0x163: {  	_ =	swait.ge [sflag:s11], $0x4000  }
0x164: {  	[sflag:s11] =	ssyncset.done $0x0  }
0x165: {  	s16 =	rddreg [dreg:$0xc];
	[sflag:s11] =	ssyncadd.s32 $0xFFFFC000  }
0x166: {  	[tilespmem:s3], [sflag:$0x5] =	stream.linear.gather [hbm4b:s16+s3], $0xC00, $0x38;
	[tilespmem:$0x1D400] =	vst v63  }
0x167: {  	_ =	swait.ge [sflag:s31], $0xC00  }
0x168: {  	[sflag:s31] =	ssyncset.done $0x0  }
0x169: {  	s18 =	rddreg [dreg:$0xd];
	[sflag:s31] =	ssyncadd.s32 $0xFFFFF400  }
0x16a: {  	[tilespmem:s0], [sflag:$0x5] =	stream.linear.gather [hbm4b:s18+s3], $0xC00, $0x38;
	[tilespmem:$0x1D400] =	vst v63  }
0x16b: {  	_ =	swait.ge [sflag:s31], $0xC00  }
0x16c: {  	[sflag:s31] =	ssyncset.done $0x0  }
0x16d: {  	[sflag:s31] =	ssyncadd.s32 $0xFFFFF400  }
0x16e: {  	[tilespmem:s30], [sflag:$0x1] =	stream.indirect.gather [hbm4b:s21+s4], $0x80, s3, s4, $0xb8;
	[tilespmem:$0x1D400] =	vst v63  }
0x16f: {  	_ =	swait.ge [sflag:s5], $0x4000  }
0x170: {  	[sflag:s5] =	ssyncset.done $0x0  }
0x171: {  	[sflag:s5] =	ssyncadd.s32 $0xFFFFC000  }
0x172: {  	[spmem:s1] =	stream.indirect.scatter.add.f32 [tilespmem:s30], [sflag:$0x3], $0x80, s0, s4, $0xb8;
	[tilespmem:$0x1D400] =	vst v63  }
0x173: {  	_ = 	snop  }
0x174: {  	[tilespmem:s6], [sflag:$0x2] =	stream.indirect.gather [hbm4b:s21+s4], $0x80, s4, s4, $0xb8;
	[tilespmem:$0x1D400] =	vst v63  }
0x175: {  	_ =	swait.ge [sflag:s7], $0x4000  }
0x176: {  	[sflag:s7] =	ssyncset.done $0x0  }
0x177: {  	[sflag:s7] =	ssyncadd.s32 $0xFFFFC000  }
0x178: {  	[spmem:s1] =	stream.indirect.scatter.add.f32 [tilespmem:s6], [sflag:$0x4], $0x80, s8, s4, $0xb8;
	[tilespmem:$0x1D400] =	vst v63  }
0x179: {  	_ =	swait.ge [sflag:s9], $0x4000  }
0x17a: {  	[sflag:s9] =	ssyncset.done $0x0  }
0x17b: {  	s16 =	simm.s32 $0xFFFFD800;
	[sflag:s9] =	ssyncadd.s32 $0xFFFFC000  }
0x17c: {  	[tilespmem:s30], [sflag:$0x1] =	stream.indirect.gather [hbm4b:s21+s4], $0x80, s10, s4, $0xb8;
	[tilespmem:$0x1D400] =	vst v63  }
.LBB2_14:
0x17d: {  	_ =	swait.ge [sflag:s5], $0x4000  }
0x17e: {  	s17 =	sshra.s32 s16, $0x2;
	[sflag:s5] =	ssyncset.done $0x0  }
0x17f: {  	s18 =	sadd.s32 $0x1700, s17;
	[sflag:s5] =	ssyncadd.s32 $0xFFFFC000  }
0x180: {  	[spmem:s1] =	stream.indirect.scatter.add.f32 [tilespmem:s30], [sflag:$0x3], $0x80, s18, s4, $0xb8;
	[tilespmem:$0x1D400] =	vst v63  }
0x181: {  	_ =	swait.ge [sflag:s11], $0x4000  }
0x182: {  	[sflag:s11] =	ssyncset.done $0x0  }
0x183: {  	s18 =	sadd.s32 $0xB80, s17;
	[sflag:s11] =	ssyncadd.s32 $0xFFFFC000  }
0x184: {  	[tilespmem:s6], [sflag:$0x2] =	stream.indirect.gather [hbm4b:s21+s4], $0x80, s18, s4, $0xb8;
	[tilespmem:$0x1D400] =	vst v63  }
0x185: {  	_ =	swait.ge [sflag:s7], $0x4000  }
0x186: {  	p1 =	seq.s32 s16, $0x0;
	[sflag:s7] =	ssyncset.done $0x0  }
.Ltmp10:
0x187: {  	s18 =	sadd.s32 $0x1780, s17;
	[sflag:s7] =	ssyncadd.s32 $0xFFFFC000;
	(pc) =	sbr.rel @p1 .LBB2_16-.Ltmp10, $4  }
0x188: {  	[spmem:s1] =	stream.indirect.scatter.add.f32 [tilespmem:s6], [sflag:$0x4], $0x80, s18, s4, $0xb8;
	[tilespmem:$0x1D400] =	vst v63  }
0x189: {  	_ =	swait.ge [sflag:s9], $0x4000  }
0x18a: {  	[sflag:s9] =	ssyncset.done $0x0  }
0x18b: {  	[sflag:s9] =	ssyncadd.s32 $0xFFFFC000  }
.Ltmp11:
0x18c: {  	(pc) =	sbr.rel .LBB2_14-.Ltmp11, $3  }
0x18d: {  	_ =	sdelay $0x1  }
0x18e: {  	s17 =	sadd.s32 $0xC00, s17;
	s16 =	sadd.s32 $0x400, s16  }
0x18f: {  	[tilespmem:s30], [sflag:$0x1] =	stream.indirect.gather [hbm4b:s21+s4], $0x80, s17, s4, $0xb8;
	[tilespmem:$0x1D400] =	vst v63  }
.LBB2_16:
0x190: {  	_ =	swait.ge [sflag:s11], $0x4000  }
0x191: {  	[sflag:s11] =	ssyncset.done $0x0  }
0x192: {  	s16 =	rddreg [dreg:$0xe];
	[sflag:s11] =	ssyncadd.s32 $0xFFFFC000  }
0x193: {  	[tilespmem:s3], [sflag:$0x5] =	stream.linear.gather [hbm4b:s16+s3], $0xC00, $0x38;
	[tilespmem:$0x1D400] =	vst v63  }
0x194: {  	_ =	swait.ge [sflag:s31], $0xC00  }
0x195: {  	[sflag:s31] =	ssyncset.done $0x0  }
0x196: {  	s18 =	rddreg [dreg:$0xf];
	[sflag:s31] =	ssyncadd.s32 $0xFFFFF400  }
0x197: {  	[tilespmem:s0], [sflag:$0x5] =	stream.linear.gather [hbm4b:s18+s3], $0xC00, $0x38;
	[tilespmem:$0x1D400] =	vst v63  }
0x198: {  	_ =	swait.ge [sflag:s31], $0xC00  }
0x199: {  	[sflag:s31] =	ssyncset.done $0x0  }
0x19a: {  	[sflag:s31] =	ssyncadd.s32 $0xFFFFF400  }
0x19b: {  	[tilespmem:s30], [sflag:$0x1] =	stream.indirect.gather [hbm4b:s21+s4], $0x80, s3, s4, $0xb8;
	[tilespmem:$0x1D400] =	vst v63  }
0x19c: {  	_ =	swait.ge [sflag:s5], $0x4000  }
0x19d: {  	[sflag:s5] =	ssyncset.done $0x0  }
0x19e: {  	[sflag:s5] =	ssyncadd.s32 $0xFFFFC000  }
0x19f: {  	[spmem:s1] =	stream.indirect.scatter.add.f32 [tilespmem:s30], [sflag:$0x3], $0x80, s0, s4, $0xb8;
	[tilespmem:$0x1D400] =	vst v63  }
0x1a0: {  	_ = 	snop  }
0x1a1: {  	[tilespmem:s6], [sflag:$0x2] =	stream.indirect.gather [hbm4b:s21+s4], $0x80, s4, s4, $0xb8;
	[tilespmem:$0x1D400] =	vst v63  }
0x1a2: {  	_ =	swait.ge [sflag:s7], $0x4000  }
0x1a3: {  	[sflag:s7] =	ssyncset.done $0x0  }
0x1a4: {  	[sflag:s7] =	ssyncadd.s32 $0xFFFFC000  }
0x1a5: {  	[spmem:s1] =	stream.indirect.scatter.add.f32 [tilespmem:s6], [sflag:$0x4], $0x80, s8, s4, $0xb8;
	[tilespmem:$0x1D400] =	vst v63  }
0x1a6: {  	_ =	swait.ge [sflag:s9], $0x4000  }
0x1a7: {  	[sflag:s9] =	ssyncset.done $0x0  }
0x1a8: {  	s16 =	simm.s32 $0xFFFFD800;
	[sflag:s9] =	ssyncadd.s32 $0xFFFFC000  }
0x1a9: {  	[tilespmem:s30], [sflag:$0x1] =	stream.indirect.gather [hbm4b:s21+s4], $0x80, s10, s4, $0xb8;
	[tilespmem:$0x1D400] =	vst v63  }
.LBB2_17:
0x1aa: {  	_ =	swait.ge [sflag:s5], $0x4000  }
0x1ab: {  	s17 =	sshra.s32 s16, $0x2;
	[sflag:s5] =	ssyncset.done $0x0  }
0x1ac: {  	s18 =	sadd.s32 $0x1700, s17;
	[sflag:s5] =	ssyncadd.s32 $0xFFFFC000  }
0x1ad: {  	[spmem:s1] =	stream.indirect.scatter.add.f32 [tilespmem:s30], [sflag:$0x3], $0x80, s18, s4, $0xb8;
	[tilespmem:$0x1D400] =	vst v63  }
0x1ae: {  	_ =	swait.ge [sflag:s11], $0x4000  }
0x1af: {  	[sflag:s11] =	ssyncset.done $0x0  }
0x1b0: {  	s18 =	sadd.s32 $0xB80, s17;
	[sflag:s11] =	ssyncadd.s32 $0xFFFFC000  }
0x1b1: {  	[tilespmem:s6], [sflag:$0x2] =	stream.indirect.gather [hbm4b:s21+s4], $0x80, s18, s4, $0xb8;
	[tilespmem:$0x1D400] =	vst v63  }
0x1b2: {  	_ =	swait.ge [sflag:s7], $0x4000  }
0x1b3: {  	p1 =	seq.s32 s16, $0x0;
	[sflag:s7] =	ssyncset.done $0x0  }
.Ltmp12:
0x1b4: {  	s18 =	sadd.s32 $0x1780, s17;
	[sflag:s7] =	ssyncadd.s32 $0xFFFFC000;
	(pc) =	sbr.rel @p1 .LBB2_19-.Ltmp12, $4  }
0x1b5: {  	[spmem:s1] =	stream.indirect.scatter.add.f32 [tilespmem:s6], [sflag:$0x4], $0x80, s18, s4, $0xb8;
	[tilespmem:$0x1D400] =	vst v63  }
0x1b6: {  	_ =	swait.ge [sflag:s9], $0x4000  }
0x1b7: {  	[sflag:s9] =	ssyncset.done $0x0  }
0x1b8: {  	[sflag:s9] =	ssyncadd.s32 $0xFFFFC000  }
.Ltmp13:
0x1b9: {  	(pc) =	sbr.rel .LBB2_17-.Ltmp13, $3  }
0x1ba: {  	_ =	sdelay $0x1  }
0x1bb: {  	s17 =	sadd.s32 $0xC00, s17;
	s16 =	sadd.s32 $0x400, s16  }
0x1bc: {  	[tilespmem:s30], [sflag:$0x1] =	stream.indirect.gather [hbm4b:s21+s4], $0x80, s17, s4, $0xb8;
	[tilespmem:$0x1D400] =	vst v63  }
.LBB2_19:
0x1bd: {  	_ =	swait.ge [sflag:s11], $0x4000  }
0x1be: {  	[sflag:s11] =	ssyncset.done $0x0  }
0x1bf: {  	s16 =	rddreg [dreg:$0x10];
	[sflag:s11] =	ssyncadd.s32 $0xFFFFC000  }
0x1c0: {  	[tilespmem:s3], [sflag:$0x5] =	stream.linear.gather [hbm4b:s16+s3], $0xC00, $0x38;
	[tilespmem:$0x1D400] =	vst v63  }
0x1c1: {  	_ =	swait.ge [sflag:s31], $0xC00  }
0x1c2: {  	[sflag:s31] =	ssyncset.done $0x0  }
0x1c3: {  	s18 =	rddreg [dreg:$0x11];
	[sflag:s31] =	ssyncadd.s32 $0xFFFFF400  }
0x1c4: {  	[tilespmem:s0], [sflag:$0x5] =	stream.linear.gather [hbm4b:s18+s3], $0xC00, $0x38;
	[tilespmem:$0x1D400] =	vst v63  }
0x1c5: {  	_ =	swait.ge [sflag:s31], $0xC00  }
0x1c6: {  	[sflag:s31] =	ssyncset.done $0x0  }
0x1c7: {  	[sflag:s31] =	ssyncadd.s32 $0xFFFFF400  }
0x1c8: {  	[tilespmem:s30], [sflag:$0x1] =	stream.indirect.gather [hbm4b:s21+s4], $0x80, s3, s4, $0xb8;
	[tilespmem:$0x1D400] =	vst v63  }
0x1c9: {  	_ =	swait.ge [sflag:s5], $0x4000  }
0x1ca: {  	[sflag:s5] =	ssyncset.done $0x0  }
0x1cb: {  	[sflag:s5] =	ssyncadd.s32 $0xFFFFC000  }
0x1cc: {  	[spmem:s1] =	stream.indirect.scatter.add.f32 [tilespmem:s30], [sflag:$0x3], $0x80, s0, s4, $0xb8;
	[tilespmem:$0x1D400] =	vst v63  }
0x1cd: {  	_ = 	snop  }
0x1ce: {  	[tilespmem:s6], [sflag:$0x2] =	stream.indirect.gather [hbm4b:s21+s4], $0x80, s4, s4, $0xb8;
	[tilespmem:$0x1D400] =	vst v63  }
0x1cf: {  	_ =	swait.ge [sflag:s7], $0x4000  }
0x1d0: {  	[sflag:s7] =	ssyncset.done $0x0  }
0x1d1: {  	[sflag:s7] =	ssyncadd.s32 $0xFFFFC000  }
0x1d2: {  	[spmem:s1] =	stream.indirect.scatter.add.f32 [tilespmem:s6], [sflag:$0x4], $0x80, s8, s4, $0xb8;
	[tilespmem:$0x1D400] =	vst v63  }
0x1d3: {  	_ =	swait.ge [sflag:s9], $0x4000  }
0x1d4: {  	[sflag:s9] =	ssyncset.done $0x0  }
0x1d5: {  	s16 =	simm.s32 $0xFFFFD800;
	[sflag:s9] =	ssyncadd.s32 $0xFFFFC000  }
0x1d6: {  	[tilespmem:s30], [sflag:$0x1] =	stream.indirect.gather [hbm4b:s21+s4], $0x80, s10, s4, $0xb8;
	[tilespmem:$0x1D400] =	vst v63  }
.LBB2_20:
0x1d7: {  	_ =	swait.ge [sflag:s5], $0x4000  }
0x1d8: {  	s17 =	sshra.s32 s16, $0x2;
	[sflag:s5] =	ssyncset.done $0x0  }
0x1d9: {  	s18 =	sadd.s32 $0x1700, s17;
	[sflag:s5] =	ssyncadd.s32 $0xFFFFC000  }
0x1da: {  	[spmem:s1] =	stream.indirect.scatter.add.f32 [tilespmem:s30], [sflag:$0x3], $0x80, s18, s4, $0xb8;
	[tilespmem:$0x1D400] =	vst v63  }
0x1db: {  	_ =	swait.ge [sflag:s11], $0x4000  }
0x1dc: {  	[sflag:s11] =	ssyncset.done $0x0  }
0x1dd: {  	s18 =	sadd.s32 $0xB80, s17;
	[sflag:s11] =	ssyncadd.s32 $0xFFFFC000  }
0x1de: {  	[tilespmem:s6], [sflag:$0x2] =	stream.indirect.gather [hbm4b:s21+s4], $0x80, s18, s4, $0xb8;
	[tilespmem:$0x1D400] =	vst v63  }
0x1df: {  	_ =	swait.ge [sflag:s7], $0x4000  }
0x1e0: {  	p1 =	seq.s32 s16, $0x0;
	[sflag:s7] =	ssyncset.done $0x0  }
.Ltmp14:
0x1e1: {  	s18 =	sadd.s32 $0x1780, s17;
	[sflag:s7] =	ssyncadd.s32 $0xFFFFC000;
	(pc) =	sbr.rel @p1 .LBB2_23-.Ltmp14, $4  }
0x1e2: {  	[spmem:s1] =	stream.indirect.scatter.add.f32 [tilespmem:s6], [sflag:$0x4], $0x80, s18, s4, $0xb8;
	[tilespmem:$0x1D400] =	vst v63  }
0x1e3: {  	_ =	swait.ge [sflag:s9], $0x4000  }
0x1e4: {  	[sflag:s9] =	ssyncset.done $0x0  }
0x1e5: {  	[sflag:s9] =	ssyncadd.s32 $0xFFFFC000  }
.Ltmp15:
0x1e6: {  	(pc) =	sbr.rel .LBB2_20-.Ltmp15, $3  }
0x1e7: {  	_ =	sdelay $0x1  }
0x1e8: {  	s17 =	sadd.s32 $0xC00, s17;
	s16 =	sadd.s32 $0x400, s16  }
0x1e9: {  	[tilespmem:s30], [sflag:$0x1] =	stream.indirect.gather [hbm4b:s21+s4], $0x80, s17, s4, $0xb8;
	[tilespmem:$0x1D400] =	vst v63  }
.LBB2_24:
0x1ea: {  	_ =	sfence.sel $0x180000  }
0x1eb: {  	[bflag:$0x0] =	sbarrier.arrive $0xFFFF  }
0x1ec: {  	_ =	strace $0x90000047  }
0x1ed: {  	[bflag:$0x2] =	sbarrier.arrive $0xFFFF  }
0x1ee: {  	p0 =	sne.s32 s2, $0x0;
	s0 =	rddreg [dreg:$0x3]  }
0x1ef: {  	s0 =	sadd.s32 @!p0 $0x100000, s0  }
0x1f0: {  	[sflag:s0] =	ssyncadd.tile.s32 @!p0 $0x1;
	_ =	shalt  }
.Lfunc_end2:
_tile_overlayer_lowered:
.L_overlay_start_2:
0x1f1: {  	(tag) =	ssettag $0x2  }
0x1f2: {  	s0 =	rddreg [dreg:$0x0];
	s2 =	stileid.u32  }
0x1f3: {  	s1 =	rddreg [dreg:$0x1];
	p0 =	sne.s32 s2, $0x0  }
0x1f4: {  	s3 =	rddreg [dreg:$0x2];
	[bflag:$0x3] =	sbarrier.arrive $0xFFFF;
	s2 =	simm.s32 @!p0 $0x1C05  }
0x1f5: {  	[timem:s3], [sflag:s2] =	dma.local @!p0 [hbm:s0], s1  }
0x1f6: {  	s0 =	simm.s32 @!p0 $0x5  }
0x1f7: {  	_ =	swait.ge @!p0 [sflag:s0], s1  }
0x1f8: {  	s1 =	ssub.s32 @!p0 $0x0, s1;
	[sflag:s0] =	ssyncset.done @!p0 $0x0  }
0x1f9: {  	[sflag:s0] =	ssyncadd.s32 @!p0 s1  }
0x1fa: {  	[bflag:$0x3] =	sbarrier.arrive $0xFFFF  }
0x1fb: {  	_ =	shalt  }

</sc_bundles>
